<compile_context>
chip_gen: v7x
topology: tpu7x:2x2x1
jax: 0.10.2.dev20260603
libtpu: 0.0.44.dev20260713+nightly
codegen_flags: <defaults>
</compile_context>

<pallas_src>
import functools

import jax
import jax.numpy as jnp
from jax import lax
from jax.experimental import pallas as pl
from jax.experimental.pallas import tpu as pltpu
from jax.experimental.pallas import tpu_sc as plsc

N = 10000
NP = 10240
E = 320000
ED = 16
ESEL = 160000

NC = 2
NS = 16
NW = NC * NS

F32 = jnp.float32
BF16 = jnp.bfloat16


_EB = 2000


def _edge_mlp_kernel(r_ref, s_ref, e_ref, w256_ref, we_ref, b1_ref,
                     w2_ref, b2_ref, o0_ref, o1_ref):
    cat = jnp.concatenate([r_ref[...], s_ref[...]], axis=-1).astype(BF16)
    pre = ((jnp.dot(cat, w256_ref[...], preferred_element_type=F32)
            + jnp.dot(e_ref[...].astype(BF16), we_ref[...],
                      preferred_element_type=F32))
           + b1_ref[...])
    m = jnp.maximum(pre, 0.0).astype(BF16)
    msg = jnp.dot(m, w2_ref[...], preferred_element_type=F32) + b2_ref[...]
    o0_ref[...] = msg[:, :64]
    o1_ref[...] = msg[:, 64:]


def _edge_mlp(r, s, e, w1, b1, w2, b2):
    return pl.pallas_call(
        _edge_mlp_kernel,
        grid=(E // _EB,),
        in_specs=[
            pl.BlockSpec((_EB, 128), lambda i: (i, 0)),
            pl.BlockSpec((_EB, 128), lambda i: (i, 0)),
            pl.BlockSpec((_EB, ED), lambda i: (i, 0)),
            pl.BlockSpec((256, 128), lambda i: (0, 0)),
            pl.BlockSpec((ED, 128), lambda i: (0, 0)),
            pl.BlockSpec((1, 128), lambda i: (0, 0)),
            pl.BlockSpec((128, 128), lambda i: (0, 0)),
            pl.BlockSpec((1, 128), lambda i: (0, 0)),
        ],
        out_specs=[
            pl.BlockSpec((_EB, 64), lambda i: (i, 0)),
            pl.BlockSpec((_EB, 64), lambda i: (i, 0)),
        ],
        out_shape=[
            jax.ShapeDtypeStruct((E, 64), F32),
            jax.ShapeDtypeStruct((E, 64), F32),
        ],
    )(r, s, e, w1[:256], w1[256:], b1.reshape(1, 128), w2,
      b2.reshape(1, 128))


def _nodeupd_kernel(x_ref, s0_ref, s1_ref, wu_ref, bu_ref, h_ref):
    cat = jnp.concatenate([x_ref[...], s0_ref[...], s1_ref[...]],
                          axis=-1).astype(BF16)
    h_ref[...] = jnp.maximum(
        jnp.dot(cat, wu_ref[...], preferred_element_type=F32) + bu_ref[...],
        0.0)


def _nodeupd(x, s_tab, wu, bu, nb=1280):
    nblk = NP // nb
    return pl.pallas_call(
        _nodeupd_kernel,
        grid=(nblk,),
        in_specs=[
            pl.BlockSpec((nb, 128), lambda i: (i, 0)),
            pl.BlockSpec((nb, 64), lambda i: (i, 0)),
            pl.BlockSpec((nb, 64), lambda i, _n=nblk: (_n + i, 0)),
            pl.BlockSpec((256, 128), lambda i: (0, 0)),
            pl.BlockSpec((1, 128), lambda i: (0, 0)),
        ],
        out_specs=pl.BlockSpec((nb, 128), lambda i: (i, 0)),
        out_shape=jax.ShapeDtypeStruct((NP, 128), F32),
    )(x, s_tab, s_tab, wu, bu.reshape(1, 128))


def _actor_mlp_kernel(r_ref, s_ref, e_ref, w256_ref, we_ref, b1_ref,
                      w2_ref, b2_ref, pm_ref, o_ref):
    cat = jnp.concatenate([r_ref[...], s_ref[...]], axis=-1).astype(BF16)
    pre = ((jnp.dot(cat, w256_ref[...], preferred_element_type=F32)
            + jnp.dot(e_ref[...].astype(BF16), we_ref[...],
                      preferred_element_type=F32))
           + b1_ref[...])
    m = jnp.maximum(pre, 0.0).astype(BF16)
    o2 = jnp.dot(m, w2_ref[...], preferred_element_type=F32) + b2_ref[...]
    op = 0.5 * lax.dot_general(
        pm_ref[...], o2, dimension_numbers=(((1,), (0,)), ((), ())),
        preferred_element_type=F32, precision=lax.Precision.HIGHEST)
    mean = op[:, 0:1]
    std = jnp.exp(jnp.clip(op[:, 1:2], -20.0, 2.0))
    o_ref[...] = jnp.concatenate([mean, std, op[:, 2:]], axis=-1)


def _actor_mlp(r, s, e, w1, b1, w2, b2):
    w2p = jnp.zeros((128, 8), F32).at[:, 0:2].set(w2)
    b2p = jnp.zeros((1, 8), F32).at[0, 0:2].set(b2)
    pm = jnp.zeros((_EB // 2, _EB), F32)
    pm = pm.at[jnp.arange(_EB // 2), 2 * jnp.arange(_EB // 2)].set(1.0)
    pm = pm.at[jnp.arange(_EB // 2), 2 * jnp.arange(_EB // 2) + 1].set(1.0)
    return pl.pallas_call(
        _actor_mlp_kernel,
        grid=(ESEL // _EB,),
        in_specs=[
            pl.BlockSpec((_EB, 128), lambda i: (i, 0)),
            pl.BlockSpec((_EB, 128), lambda i: (i, 0)),
            pl.BlockSpec((_EB, ED), lambda i: (i, 0)),
            pl.BlockSpec((256, 128), lambda i: (0, 0)),
            pl.BlockSpec((ED, 128), lambda i: (0, 0)),
            pl.BlockSpec((1, 128), lambda i: (0, 0)),
            pl.BlockSpec((128, 8), lambda i: (0, 0)),
            pl.BlockSpec((1, 8), lambda i: (0, 0)),
            pl.BlockSpec((_EB // 2, _EB), lambda i: (0, 0)),
        ],
        out_specs=pl.BlockSpec((_EB // 2, 8), lambda i: (i, 0)),
        out_shape=jax.ShapeDtypeStruct((ESEL // 2, 8), F32),
    )(r, s, e, w1[:256], w1[256:], b1.reshape(1, 128), w2p, b2p, pm)



_MESH = plsc.VectorSubcoreMesh(
    core_axis_name="c", subcore_axis_name="s", num_cores=NC, num_subcores=NS)

_IW = 80
_NSUB = 5
_EK = _IW * _NSUB
_EPW = E // NW
_EPT = E // NS
_ROWS_PT = NP // NS
_RREM = _ROWS_PT - _EK
_UNTILED = pltpu.CompilerParams(use_tc_tiling_on_sc=False)

_GATHER_SCRATCH = [
    pltpu.VMEM((_NSUB, _IW), jnp.int32),
    pltpu.VMEM((_NSUB, _IW), jnp.int32),
    pltpu.VMEM((_EK, 128), F32),
    pltpu.VMEM((_EK, 128), F32),
    pltpu.SemaphoreType.DMA,
    pltpu.SemaphoreType.DMA,
]


def _gather2_kernel(x_hbm, ir_hbm, is_hbm, r_out, s_out,
                    idxr_v, idxs_v, r_v, s_v, sem_r, sem_s):
    c = lax.axis_index("c")
    tid = lax.axis_index("s")
    wid = tid * NC + c

    def chunk(i, _):
        base = wid * _EPW + i * _EK
        rb = base // _IW
        pltpu.sync_copy(ir_hbm.at[pl.ds(rb, _NSUB)], idxr_v)
        pltpu.sync_copy(is_hbm.at[pl.ds(rb, _NSUB)], idxs_v)
        cps = []
        for j in range(_NSUB):
            dst = pl.ds(j * _IW, _IW)
            cps.append(pltpu.async_copy(
                x_hbm.at[idxr_v.at[j]], r_v.at[dst], sem_r))
            cps.append(pltpu.async_copy(
                x_hbm.at[idxs_v.at[j]], s_v.at[dst], sem_s))
        for cp in cps:
            cp.wait()
        pltpu.sync_copy(r_v, r_out.at[pl.ds(base, _EK)])
        pltpu.sync_copy(s_v, s_out.at[pl.ds(base, _EK)])
        return 0
    lax.fori_loop(0, _EPW // _EK, chunk, 0)


_gather2 = functools.partial(
    pl.kernel,
    out_type=[
        jax.ShapeDtypeStruct((E, 128), F32),
        jax.ShapeDtypeStruct((E, 128), F32),
    ],
    mesh=_MESH,
    scratch_types=_GATHER_SCRATCH,
    compiler_params=_UNTILED,
)(_gather2_kernel)


_SCAT_SCRATCH = [
    pltpu.VMEM((_NSUB, _IW), jnp.int32),
    pltpu.VMEM((_EK, 64), F32),
    pltpu.VMEM_SHARED((NP, 64), F32),
    pltpu.SemaphoreType.DMA,
]


def _scatter64_kernel(m0_hbm, m1_hbm, ir_hbm, zn_hbm,
                      s_out,
                      idxr_v, m_v, s_sh, sem_m):
    c = lax.axis_index("c")
    tid = lax.axis_index("s")

    row0 = tid * _ROWS_PT
    pltpu.sync_copy(zn_hbm, m_v)
    pltpu.sync_copy(m_v, s_sh.at[pl.ds(row0, _EK)])
    pltpu.sync_copy(m_v.at[pl.ds(0, _RREM)],
                    s_sh.at[pl.ds(row0 + _EK, _RREM)])
    plsc.subcore_barrier()

    def chunk(i, _):
        base = tid * _EPT + i * _EK
        rb = base // _IW
        pltpu.sync_copy(ir_hbm.at[pl.ds(rb, _NSUB)], idxr_v)

        @pl.when(c == 0)
        def _():
            pltpu.sync_copy(m0_hbm.at[pl.ds(base, _EK)], m_v)

        @pl.when(c == 1)
        def _():
            pltpu.sync_copy(m1_hbm.at[pl.ds(base, _EK)], m_v)

        for j in range(_NSUB):
            pltpu.sync_copy(m_v.at[pl.ds(j * _IW, _IW)],
                            s_sh.at[idxr_v.at[j]], add=True)
        return 0
    lax.fori_loop(0, _EPT // _EK, chunk, 0)
    plsc.subcore_barrier()

    pltpu.sync_copy(s_sh.at[pl.ds(row0, _EK)], m_v)
    pltpu.sync_copy(m_v, s_out.at[pl.ds(c * NP + row0, _EK)])
    pltpu.sync_copy(s_sh.at[pl.ds(row0 + _EK, _RREM)],
                    m_v.at[pl.ds(0, _RREM)])
    pltpu.sync_copy(m_v.at[pl.ds(0, _RREM)],
                    s_out.at[pl.ds(c * NP + row0 + _EK, _RREM)])


_scatter64 = functools.partial(
    pl.kernel,
    out_type=jax.ShapeDtypeStruct((2 * NP, 64), F32),
    mesh=_MESH,
    scratch_types=_SCAT_SCRATCH,
    compiler_params=_UNTILED,
)(_scatter64_kernel)


_NCHUNKS = ESEL // _EK

_ACTOR_SCRATCH = [
    pltpu.VMEM((_NSUB, _IW), jnp.int32),
    pltpu.VMEM((_NSUB, _IW), jnp.int32),
    pltpu.VMEM((_NSUB, _IW), jnp.int32),
    pltpu.VMEM((_EK, 128), F32),
    pltpu.VMEM((_EK, 128), F32),
    pltpu.VMEM((_EK, ED), F32),
    pltpu.SemaphoreType.DMA,
    pltpu.SemaphoreType.DMA,
    pltpu.SemaphoreType.DMA,
    pltpu.SemaphoreType.DMA,
    pltpu.SemaphoreType.DMA,
]


def _actor_gather_kernel(h_hbm, ea_hbm, ir_hbm, is_hbm, mask_hbm,
                         r_out, s_out, e_out,
                         mask_v, ir_v, is_v, r_v, s_v, e_v,
                         sem_a, sem_b, sem_c, sem_d, sem_e):
    c = lax.axis_index("c")
    s = lax.axis_index("s")
    wid = s * NC + c
    nch = (_NCHUNKS - 1 - wid) // NW + 1

    def chunk(jj, _):
        ci = wid + jj * NW
        pltpu.sync_copy(mask_hbm.at[pl.ds(ci * _NSUB, _NSUB)], mask_v)
        gps = [pltpu.async_copy(ir_hbm.at[mask_v.at[j]], ir_v.at[j],
                                sem_d if (j % 2 == 0) else sem_e)
               for j in range(_NSUB)]
        for gp in gps:
            gp.wait()
        gps = [pltpu.async_copy(is_hbm.at[mask_v.at[j]], is_v.at[j],
                                sem_d if (j % 2 == 0) else sem_e)
               for j in range(_NSUB)]
        for gp in gps:
            gp.wait()

        cps = []
        for j in range(_NSUB):
            dst = pl.ds(j * _IW, _IW)
            cps.append(pltpu.async_copy(
                h_hbm.at[ir_v.at[j]], r_v.at[dst], sem_a))
            cps.append(pltpu.async_copy(
                h_hbm.at[is_v.at[j]], s_v.at[dst], sem_b))
            cps.append(pltpu.async_copy(
                ea_hbm.at[mask_v.at[j]], e_v.at[dst], sem_c))
        for cp in cps:
            cp.wait()

        base = ci * _EK
        pltpu.sync_copy(r_v, r_out.at[pl.ds(base, _EK)])
        pltpu.sync_copy(s_v, s_out.at[pl.ds(base, _EK)])
        pltpu.sync_copy(e_v, e_out.at[pl.ds(base, _EK)])
        return 0
    lax.fori_loop(0, nch, chunk, 0)


_actor_gather = functools.partial(
    pl.kernel,
    out_type=[
        jax.ShapeDtypeStruct((ESEL, 128), F32),
        jax.ShapeDtypeStruct((ESEL, 128), F32),
        jax.ShapeDtypeStruct((ESEL, ED), F32),
    ],
    mesh=_MESH,
    scratch_types=_ACTOR_SCRATCH,
    compiler_params=_UNTILED,
)(_actor_gather_kernel)




def kernel(nodes, edge_index, edge_attr, edge_type_mask,
           g1_Wm1, g1_bm1, g1_Wm2, g1_bm2, g1_Wu, g1_bu,
           g2_Wm1, g2_bm1, g2_Wm2, g2_bm2, g2_Wu, g2_bu,
           a_W1, a_b1, a_W2, a_b2):
    x = jnp.pad(nodes[0], ((0, NP - N), (0, 0)))
    ea = edge_attr[0]
    idx_r = edge_index[0].astype(jnp.int32)
    idx_s = edge_index[1].astype(jnp.int32)
    mask = edge_type_mask.astype(jnp.int32)
    zn = jnp.zeros((_EK, 64), F32)

    ir2 = idx_r.reshape(E // _IW, _IW)
    is2 = idx_s.reshape(E // _IW, _IW)
    mask2 = mask.reshape(ESEL // _IW, _IW)

    def layer(xl, Wm1, bm1, Wm2, bm2, Wu, bu):
        r, s = _gather2(xl, ir2, is2)
        m0, m1 = _edge_mlp(r, s, ea, Wm1, bm1, Wm2, bm2)
        s_tab = _scatter64(m0, m1, ir2, zn)
        return _nodeupd(xl, s_tab, Wu, bu)

    h = layer(x, g1_Wm1, g1_bm1, g1_Wm2, g1_bm2, g1_Wu, g1_bu)
    h = layer(h, g2_Wm1, g2_bm1, g2_Wm2, g2_bm2, g2_Wu, g2_bu)

    hr, hs, easel = _actor_gather(h, ea, idx_r, idx_s, mask2)
    o = _actor_mlp(hr, hs, easel, a_W1, a_b1, a_W2, a_b2)
    return (o[:, 0].reshape(1, -1), o[:, 1].reshape(1, -1))

# --- scband reference (transcript-rebuilt; emitter-appended) ---
"""Pipeline reference for scband-gnnpolicy-network-16355235463220 (READ-ONLY COPY).

The authoritative reference and input builder live on the scoring server;
editing this copy changes nothing except your own understanding.
"""

import jax, jax.numpy as jnp
import numpy as np

B, N, D = 1, 10000, 128
E = 320000
ED = 16
H = 128
ESEL = 160000


def _mlp2(x, W1, b1, W2, b2):
    return jnp.maximum(x @ W1 + b1, 0.0) @ W2 + b2


def _encoder(node_attr, idx_r, idx_s, edge_attr, Wm1, bm1, Wm2, bm2, Wu, bu):
    node_r = node_attr[:, idx_r, :]
    node_s = node_attr[:, idx_s, :]
    msg_in = jnp.concatenate([node_r, node_s, edge_attr], axis=-1)
    msg = _mlp2(msg_in, Wm1, bm1, Wm2, bm2)
    b, n, _ = node_attr.shape
    agg = jnp.zeros((b, n, msg.shape[-1]), dtype=msg.dtype).at[:, idx_r, :].add(msg)
    upd_in = jnp.concatenate([node_attr, agg], axis=-1)
    return jnp.maximum(upd_in @ Wu + bu, 0.0)


def setup_inputs(seed: int = 0) -> dict:
    key = jax.random.key(seed)
    ks = jax.random.split(key, 20)
    inp = {}
    inp['nodes'] = jax.random.normal(ks[0], (B, N, D), dtype=jnp.float32)
    inp['edge_index'] = jax.random.randint(ks[1], (2, E), 0, N, dtype=jnp.int64 if jax.config.jax_enable_x64 else jnp.int32)
    inp['edge_attr'] = jax.random.normal(ks[2], (B, E, ED), dtype=jnp.float32)
    inp['edge_type_mask'] = jnp.sort(jax.random.randint(ks[3], (ESEL,), 0, E, dtype=jnp.int64 if jax.config.jax_enable_x64 else jnp.int32))
    def xav(k, shape):
        fan_in, fan_out = shape
        lim = float(np.sqrt(6.0 / (fan_in + fan_out)))
        return jax.random.uniform(k, shape, dtype=jnp.float32, minval=-lim, maxval=lim)
    # gnn1
    inp['g1_Wm1'] = xav(ks[4], (2 * D + ED, H)); inp['g1_bm1'] = jnp.zeros((H,), jnp.float32)
    inp['g1_Wm2'] = xav(ks[5], (H, H)); inp['g1_bm2'] = jnp.zeros((H,), jnp.float32)
    inp['g1_Wu'] = xav(ks[6], (D + H, H)); inp['g1_bu'] = jnp.zeros((H,), jnp.float32)
    # gnn2
    inp['g2_Wm1'] = xav(ks[7], (2 * H + ED, H)); inp['g2_bm1'] = jnp.zeros((H,), jnp.float32)
    inp['g2_Wm2'] = xav(ks[8], (H, H)); inp['g2_bm2'] = jnp.zeros((H,), jnp.float32)
    inp['g2_Wu'] = xav(ks[9], (H + H, H)); inp['g2_bu'] = jnp.zeros((H,), jnp.float32)
    # actor head
    inp['a_W1'] = xav(ks[10], (2 * H + ED, H)); inp['a_b1'] = jnp.zeros((H,), jnp.float32)
    inp['a_W2'] = xav(ks[11], (H, 2)); inp['a_b2'] = jnp.zeros((2,), jnp.float32)
    return inp


def reference(nodes, edge_index, edge_attr, edge_type_mask,
              g1_Wm1, g1_bm1, g1_Wm2, g1_bm2, g1_Wu, g1_bu,
              g2_Wm1, g2_bm1, g2_Wm2, g2_bm2, g2_Wu, g2_bu,
              a_W1, a_b1, a_W2, a_b2):
    idx_r = edge_index[0]
    idx_s = edge_index[1]
    h = _encoder(nodes, idx_r, idx_s, edge_attr, g1_Wm1, g1_bm1, g1_Wm2, g1_bm2, g1_Wu, g1_bu)
    h = _encoder(h, idx_r, idx_s, edge_attr, g2_Wm1, g2_bm1, g2_Wm2, g2_bm2, g2_Wu, g2_bu)
    idx_r_a = idx_r[edge_type_mask]
    idx_s_a = idx_s[edge_type_mask]
    edge_attr_a = edge_attr[:, edge_type_mask, :]
    h_r_a = h[:, idx_r_a, :]
    h_s_a = h[:, idx_s_a, :]
    actor_in = jnp.concatenate([h_r_a, h_s_a, edge_attr_a], axis=-1)
    actor_out = _mlp2(actor_in, a_W1, a_b1, a_W2, a_b2)
    actor_out = actor_out.reshape(actor_out.shape[0], -1, 2, actor_out.shape[2]).mean(axis=2)
    mean = actor_out[:, :, 0]
    log_std = jnp.clip(actor_out[:, :, 1], -20.0, 2.0)
    std = jnp.exp(log_std)
    return (mean, std)

if __name__ == "__main__":
    import jax
    _d = setup_inputs()
    print(jax.jit(kernel)(*tuple(_d.values())))

</pallas_src>

<mosaic_0001>
#map = affine_map<(d0, d1) -> (0, 0)>
module attributes {stable_mosaic.version = 14 : i64} {
  func.func @_scatter64_kernel(%arg0: i32, %arg1: i32, %arg2: memref<320000x64xf32, #tpu.memory_space<hbm>>, %arg3: memref<320000x64xf32, #tpu.memory_space<hbm>>, %arg4: memref<4000x80xi32, #tpu.memory_space<hbm>>, %arg5: memref<400x64xf32, #tpu.memory_space<hbm>>, %arg6: memref<20480x64xf32, #tpu.memory_space<hbm>>, %arg7: memref<5x80xi32, #tpu.memory_space<vmem>>, %arg8: memref<400x64xf32, #tpu.memory_space<vmem>>, %arg9: memref<10240x64xf32, #tpu.memory_space<vmem_shared>>, %arg10: memref<!tpu.dma_semaphore, #tpu.memory_space<semaphore_mem>>) attributes {dimension_semantics = [#tpu.dimension_semantics<core_parallel>, #tpu.dimension_semantics<subcore_parallel>], iteration_bounds = array<i64: 2, 16>, scalar_prefetch = 0 : i64, scratch_operands = 4 : i64, tpu.core_type = #tpu.core_type<sc_vector_subcore>, window_params = [{transform_indices = #map}, {transform_indices = #map}, {transform_indices = #map}, {transform_indices = #map}, {transform_indices = #map}]} {
    %mul3A = arith.constant 640 : i32
    %mul3A_0 = arith.muli %arg1, %mul3A : i32
    "tpu.region"() ({
      %run_scoped3A = tpu.sem_alloc : memref<!tpu.dma_semaphore, #tpu.memory_space<semaphore_mem>>
      tpu.enqueue_dma source(%arg5 : memref<400x64xf32, #tpu.memory_space<hbm>>) target(%arg8 : memref<400x64xf32, #tpu.memory_space<vmem>>) target_semaphore(%run_scoped3A : memref<!tpu.dma_semaphore, #tpu.memory_space<semaphore_mem>>)
      tpu.wait_dma2 semaphore(%run_scoped3A : memref<!tpu.dma_semaphore, #tpu.memory_space<semaphore_mem>>) src(%arg5 : memref<400x64xf32, #tpu.memory_space<hbm>>) dst(%arg8 : memref<400x64xf32, #tpu.memory_space<vmem>>)
      tpu.yield
    }) : () -> ()
    "tpu.region"() ({
      %run_scoped3A = tpu.sem_alloc : memref<!tpu.dma_semaphore, #tpu.memory_space<semaphore_mem>>
      %dma_start3A = arith.constant 0 : i32
      %dma_start3A_19 = tpu.memref_slice %arg9[%mul3A_0, %dma_start3A] : memref<10240x64xf32, #tpu.memory_space<vmem_shared>> -> memref<400x64xf32, #tpu.memory_space<vmem_shared>>
      %dma_start3A_20 = arith.constant 0 : i32
      %dma_start3A_21 = tpu.memref_slice %arg9[%mul3A_0, %dma_start3A_20] : memref<10240x64xf32, #tpu.memory_space<vmem_shared>> -> memref<400x64xf32, #tpu.memory_space<vmem_shared>>
      tpu.enqueue_dma source(%arg8 : memref<400x64xf32, #tpu.memory_space<vmem>>) target(%dma_start3A_21 : memref<400x64xf32, #tpu.memory_space<vmem_shared>>) target_semaphore(%run_scoped3A : memref<!tpu.dma_semaphore, #tpu.memory_space<semaphore_mem>>)
      %dma_wait3A = arith.constant 0 : i32
      %dma_wait3A_22 = tpu.memref_slice %arg9[%mul3A_0, %dma_wait3A] : memref<10240x64xf32, #tpu.memory_space<vmem_shared>> -> memref<400x64xf32, #tpu.memory_space<vmem_shared>>
      %dma_wait3A_23 = arith.constant 0 : i32
      %dma_wait3A_24 = tpu.memref_slice %arg9[%mul3A_0, %dma_wait3A_23] : memref<10240x64xf32, #tpu.memory_space<vmem_shared>> -> memref<400x64xf32, #tpu.memory_space<vmem_shared>>
      tpu.wait_dma2 semaphore(%run_scoped3A : memref<!tpu.dma_semaphore, #tpu.memory_space<semaphore_mem>>) src(%arg8 : memref<400x64xf32, #tpu.memory_space<vmem>>) dst(%dma_wait3A_24 : memref<400x64xf32, #tpu.memory_space<vmem_shared>>)
      tpu.yield
    }) : () -> ()
    %add3A = arith.constant 400 : i32
    %add3A_1 = arith.addi %mul3A_0, %add3A : i32
    "tpu.region"() ({
      %run_scoped3A = tpu.sem_alloc : memref<!tpu.dma_semaphore, #tpu.memory_space<semaphore_mem>>
      %dma_start3A = arith.constant 0 : i32
      %dma_start3A_19 = arith.constant 0 : i32
      %dma_start3A_20 = tpu.memref_slice %arg8[%dma_start3A, %dma_start3A_19] : memref<400x64xf32, #tpu.memory_space<vmem>> -> memref<240x64xf32, #tpu.memory_space<vmem>>
      %dma_start3A_21 = arith.constant 0 : i32
      %dma_start3A_22 = tpu.memref_slice %arg9[%add3A_1, %dma_start3A_21] : memref<10240x64xf32, #tpu.memory_space<vmem_shared>> -> memref<240x64xf32, #tpu.memory_space<vmem_shared>>
      %dma_start3A_23 = arith.constant 0 : i32
      %dma_start3A_24 = tpu.memref_slice %arg9[%add3A_1, %dma_start3A_23] : memref<10240x64xf32, #tpu.memory_space<vmem_shared>> -> memref<240x64xf32, #tpu.memory_space<vmem_shared>>
      %dma_start3A_25 = arith.constant 0 : i32
      %dma_start3A_26 = arith.constant 0 : i32
      %dma_start3A_27 = tpu.memref_slice %arg8[%dma_start3A_25, %dma_start3A_26] : memref<400x64xf32, #tpu.memory_space<vmem>> -> memref<240x64xf32, #tpu.memory_space<vmem>>
      tpu.enqueue_dma source(%dma_start3A_27 : memref<240x64xf32, #tpu.memory_space<vmem>>) target(%dma_start3A_24 : memref<240x64xf32, #tpu.memory_space<vmem_shared>>) target_semaphore(%run_scoped3A : memref<!tpu.dma_semaphore, #tpu.memory_space<semaphore_mem>>)
      %dma_wait3A = arith.constant 0 : i32
      %dma_wait3A_28 = arith.constant 0 : i32
      %dma_wait3A_29 = tpu.memref_slice %arg8[%dma_wait3A, %dma_wait3A_28] : memref<400x64xf32, #tpu.memory_space<vmem>> -> memref<240x64xf32, #tpu.memory_space<vmem>>
      %dma_wait3A_30 = arith.constant 0 : i32
      %dma_wait3A_31 = tpu.memref_slice %arg9[%add3A_1, %dma_wait3A_30] : memref<10240x64xf32, #tpu.memory_space<vmem_shared>> -> memref<240x64xf32, #tpu.memory_space<vmem_shared>>
      %dma_wait3A_32 = arith.constant 0 : i32
      %dma_wait3A_33 = tpu.memref_slice %arg9[%add3A_1, %dma_wait3A_32] : memref<10240x64xf32, #tpu.memory_space<vmem_shared>> -> memref<240x64xf32, #tpu.memory_space<vmem_shared>>
      %dma_wait3A_34 = arith.constant 0 : i32
      %dma_wait3A_35 = arith.constant 0 : i32
      %dma_wait3A_36 = tpu.memref_slice %arg8[%dma_wait3A_34, %dma_wait3A_35] : memref<400x64xf32, #tpu.memory_space<vmem>> -> memref<240x64xf32, #tpu.memory_space<vmem>>
      tpu.wait_dma2 semaphore(%run_scoped3A : memref<!tpu.dma_semaphore, #tpu.memory_space<semaphore_mem>>) src(%dma_wait3A_36 : memref<240x64xf32, #tpu.memory_space<vmem>>) dst(%dma_wait3A_33 : memref<240x64xf32, #tpu.memory_space<vmem_shared>>)
      tpu.yield
    }) : () -> ()
    %barrier3A = arith.constant 0 : index
    tpu.barrier barrier_id(%barrier3A)
    %scan3A = arith.constant 0 : i32
    %scan3A_2 = arith.constant 0 : i32
    %scan3A_3 = arith.constant 50 : i32
    %scan3A_4 = arith.addi %scan3A_2, %scan3A_3 : i32
    %scan3A_5 = arith.constant 1 : i32
    %scan3A_6 = scf.for %scan3A_19 = %scan3A_2 to %scan3A_4 step %scan3A_5 iter_args(%scan3A_20 = %scan3A) -> (i32)  : i32 {
      %mul3A_21 = arith.constant 20000 : i32
      %mul3A_22 = arith.muli %arg1, %mul3A_21 : i32
      %mul3A_23 = arith.constant 400 : i32
      %mul3A_24 = arith.muli %scan3A_19, %mul3A_23 : i32
      %add3A_25 = arith.addi %mul3A_22, %mul3A_24 : i32
      %jit3A = arith.constant 80 : i32
      %div3A = arith.divsi %add3A_25, %jit3A : i32
      %sign3A = arith.constant 0 : i32
      %sign3A_26 = arith.cmpi sgt, %add3A_25, %sign3A : i32
      %sign3A_27 = arith.extui %sign3A_26 : i1 to i32
      %sign3A_28 = arith.constant 0 : i32
      %sign3A_29 = arith.cmpi slt, %add3A_25, %sign3A_28 : i32
      %sign3A_30 = arith.extui %sign3A_29 : i1 to i32
      %sign3A_31 = arith.subi %sign3A_27, %sign3A_30 : i32
      %sign3A_32 = arith.constant 0 : i32
      %sign3A_33 = arith.cmpi sgt, %jit3A, %sign3A_32 : i32
      %sign3A_34 = arith.extui %sign3A_33 : i1 to i32
      %sign3A_35 = arith.constant 0 : i32
      %sign3A_36 = arith.cmpi slt, %jit3A, %sign3A_35 : i32
      %sign3A_37 = arith.extui %sign3A_36 : i1 to i32
      %sign3A_38 = arith.subi %sign3A_34, %sign3A_37 : i32
      %ne3A = arith.cmpi ne, %sign3A_31, %sign3A_38 : i32
      %rem3A = arith.remsi %add3A_25, %jit3A : i32
      %ne3A_39 = arith.constant 0 : i32
      %ne3A_40 = arith.cmpi ne, %rem3A, %ne3A_39 : i32
      %and3A = arith.andi %ne3A, %ne3A_40 : i1
      %sub3A = arith.constant 1 : i32
      %sub3A_41 = arith.subi %div3A, %sub3A : i32
      %select_n3A = arith.select %and3A, %sub3A_41, %div3A : i32
      "tpu.region"() ({
        %run_scoped3A_54 = tpu.sem_alloc : memref<!tpu.dma_semaphore, #tpu.memory_space<semaphore_mem>>
        %dma_start3A = arith.constant 0 : i32
        %dma_start3A_55 = tpu.memref_slice %arg4[%select_n3A, %dma_start3A] : memref<4000x80xi32, #tpu.memory_space<hbm>> -> memref<5x80xi32, #tpu.memory_space<hbm>>
        %dma_start3A_56 = arith.constant 0 : i32
        %dma_start3A_57 = tpu.memref_slice %arg4[%select_n3A, %dma_start3A_56] : memref<4000x80xi32, #tpu.memory_space<hbm>> -> memref<5x80xi32, #tpu.memory_space<hbm>>
        tpu.enqueue_dma source(%dma_start3A_57 : memref<5x80xi32, #tpu.memory_space<hbm>>) target(%arg7 : memref<5x80xi32, #tpu.memory_space<vmem>>) target_semaphore(%run_scoped3A_54 : memref<!tpu.dma_semaphore, #tpu.memory_space<semaphore_mem>>)
        %dma_wait3A = arith.constant 0 : i32
        %dma_wait3A_58 = tpu.memref_slice %arg4[%select_n3A, %dma_wait3A] : memref<4000x80xi32, #tpu.memory_space<hbm>> -> memref<5x80xi32, #tpu.memory_space<hbm>>
        %dma_wait3A_59 = arith.constant 0 : i32
        %dma_wait3A_60 = tpu.memref_slice %arg4[%select_n3A, %dma_wait3A_59] : memref<4000x80xi32, #tpu.memory_space<hbm>> -> memref<5x80xi32, #tpu.memory_space<hbm>>
        tpu.wait_dma2 semaphore(%run_scoped3A_54 : memref<!tpu.dma_semaphore, #tpu.memory_space<semaphore_mem>>) src(%dma_wait3A_60 : memref<5x80xi32, #tpu.memory_space<hbm>>) dst(%arg7 : memref<5x80xi32, #tpu.memory_space<vmem>>)
        tpu.yield
      }) : () -> ()
      %eq3A = arith.constant 0 : i32
      %eq3A_42 = arith.cmpi eq, %arg0, %eq3A : i32
      %convert_element_type3A = arith.extui %eq3A_42 : i1 to i32
      %cond3A = arith.constant 0 : i32
      %cond3A_43 = arith.cmpi ne, %convert_element_type3A, %cond3A : i32
      scf.if %cond3A_43 {
        "tpu.region"() ({
          %run_scoped3A_54 = tpu.sem_alloc : memref<!tpu.dma_semaphore, #tpu.memory_space<semaphore_mem>>
          %dma_start3A = arith.constant 0 : i32
          %dma_start3A_55 = tpu.memref_slice %arg2[%add3A_25, %dma_start3A] : memref<320000x64xf32, #tpu.memory_space<hbm>> -> memref<400x64xf32, #tpu.memory_space<hbm>>
          %dma_start3A_56 = arith.constant 0 : i32
          %dma_start3A_57 = tpu.memref_slice %arg2[%add3A_25, %dma_start3A_56] : memref<320000x64xf32, #tpu.memory_space<hbm>> -> memref<400x64xf32, #tpu.memory_space<hbm>>
          tpu.enqueue_dma source(%dma_start3A_57 : memref<400x64xf32, #tpu.memory_space<hbm>>) target(%arg8 : memref<400x64xf32, #tpu.memory_space<vmem>>) target_semaphore(%run_scoped3A_54 : memref<!tpu.dma_semaphore, #tpu.memory_space<semaphore_mem>>)
          %dma_wait3A = arith.constant 0 : i32
          %dma_wait3A_58 = tpu.memref_slice %arg2[%add3A_25, %dma_wait3A] : memref<320000x64xf32, #tpu.memory_space<hbm>> -> memref<400x64xf32, #tpu.memory_space<hbm>>
          %dma_wait3A_59 = arith.constant 0 : i32
          %dma_wait3A_60 = tpu.memref_slice %arg2[%add3A_25, %dma_wait3A_59] : memref<320000x64xf32, #tpu.memory_space<hbm>> -> memref<400x64xf32, #tpu.memory_space<hbm>>
          tpu.wait_dma2 semaphore(%run_scoped3A_54 : memref<!tpu.dma_semaphore, #tpu.memory_space<semaphore_mem>>) src(%dma_wait3A_60 : memref<400x64xf32, #tpu.memory_space<hbm>>) dst(%arg8 : memref<400x64xf32, #tpu.memory_space<vmem>>)
          tpu.yield
        }) : () -> ()
      } else {
      }
      %eq3A_44 = arith.constant 1 : i32
      %eq3A_45 = arith.cmpi eq, %arg0, %eq3A_44 : i32
      %convert_element_type3A_46 = arith.extui %eq3A_45 : i1 to i32
      %cond3A_47 = arith.constant 0 : i32
      %cond3A_48 = arith.cmpi ne, %convert_element_type3A_46, %cond3A_47 : i32
      scf.if %cond3A_48 {
        "tpu.region"() ({
          %run_scoped3A_54 = tpu.sem_alloc : memref<!tpu.dma_semaphore, #tpu.memory_space<semaphore_mem>>
          %dma_start3A = arith.constant 0 : i32
          %dma_start3A_55 = tpu.memref_slice %arg3[%add3A_25, %dma_start3A] : memref<320000x64xf32, #tpu.memory_space<hbm>> -> memref<400x64xf32, #tpu.memory_space<hbm>>
          %dma_start3A_56 = arith.constant 0 : i32
          %dma_start3A_57 = tpu.memref_slice %arg3[%add3A_25, %dma_start3A_56] : memref<320000x64xf32, #tpu.memory_space<hbm>> -> memref<400x64xf32, #tpu.memory_space<hbm>>
          tpu.enqueue_dma source(%dma_start3A_57 : memref<400x64xf32, #tpu.memory_space<hbm>>) target(%arg8 : memref<400x64xf32, #tpu.memory_space<vmem>>) target_semaphore(%run_scoped3A_54 : memref<!tpu.dma_semaphore, #tpu.memory_space<semaphore_mem>>)
          %dma_wait3A = arith.constant 0 : i32
          %dma_wait3A_58 = tpu.memref_slice %arg3[%add3A_25, %dma_wait3A] : memref<320000x64xf32, #tpu.memory_space<hbm>> -> memref<400x64xf32, #tpu.memory_space<hbm>>
          %dma_wait3A_59 = arith.constant 0 : i32
          %dma_wait3A_60 = tpu.memref_slice %arg3[%add3A_25, %dma_wait3A_59] : memref<320000x64xf32, #tpu.memory_space<hbm>> -> memref<400x64xf32, #tpu.memory_space<hbm>>
          tpu.wait_dma2 semaphore(%run_scoped3A_54 : memref<!tpu.dma_semaphore, #tpu.memory_space<semaphore_mem>>) src(%dma_wait3A_60 : memref<400x64xf32, #tpu.memory_space<hbm>>) dst(%arg8 : memref<400x64xf32, #tpu.memory_space<vmem>>)
          tpu.yield
        }) : () -> ()
      } else {
      }
      %run_scoped3A = arith.constant 0 : i32
      "tpu.region"() ({
        %run_scoped3A_54 = tpu.sem_alloc : memref<!tpu.dma_semaphore, #tpu.memory_space<semaphore_mem>>
        %dma_start3A = arith.constant 0 : i32
        %dma_start3A_55 = arith.constant 0 : i32
        %dma_start3A_56 = tpu.memref_slice %arg8[%dma_start3A, %dma_start3A_55] : memref<400x64xf32, #tpu.memory_space<vmem>> -> memref<80x64xf32, #tpu.memory_space<vmem>>
        %dma_start3A_57 = arith.constant 0 : i32
        %dma_start3A_58 = tpu.memref_slice %arg7[%run_scoped3A, %dma_start3A_57] : memref<5x80xi32, #tpu.memory_space<vmem>> -> memref<1x80xi32, #tpu.memory_space<vmem>>
        %dma_start3A_59 = tpu.memref_squeeze %dma_start3A_58 : memref<1x80xi32, #tpu.memory_space<vmem>> -> memref<80xi32, #tpu.memory_space<vmem>>
        %dma_start3A_60 = arith.constant 0 : i32
        %dma_start3A_61 = arith.constant 0 : i32
        %dma_start3A_62 = tpu.memref_slice %arg9[%dma_start3A_60, %dma_start3A_61] : memref<10240x64xf32, #tpu.memory_space<vmem_shared>> -> memref<10240x64xf32, #tpu.memory_space<vmem_shared>>
        tpu.enqueue_indirect_dma source(%dma_start3A_56 : memref<80x64xf32, #tpu.memory_space<vmem>>) target(%dma_start3A_62 : memref<10240x64xf32, #tpu.memory_space<vmem_shared>>) offsets(%dma_start3A_59 : memref<80xi32, #tpu.memory_space<vmem>>) semaphore(%run_scoped3A_54 : memref<!tpu.dma_semaphore, #tpu.memory_space<semaphore_mem>>) {add = true}
        %dma_wait3A = arith.constant 0 : i32
        %dma_wait3A_63 = arith.constant 0 : i32
        %dma_wait3A_64 = tpu.memref_slice %arg8[%dma_wait3A, %dma_wait3A_63] : memref<400x64xf32, #tpu.memory_space<vmem>> -> memref<80x64xf32, #tpu.memory_space<vmem>>
        %dma_wait3A_65 = arith.constant 0 : i32
        %dma_wait3A_66 = tpu.memref_slice %arg7[%run_scoped3A, %dma_wait3A_65] : memref<5x80xi32, #tpu.memory_space<vmem>> -> memref<1x80xi32, #tpu.memory_space<vmem>>
        %dma_wait3A_67 = tpu.memref_squeeze %dma_wait3A_66 : memref<1x80xi32, #tpu.memory_space<vmem>> -> memref<80xi32, #tpu.memory_space<vmem>>
        %dma_wait3A_68 = arith.constant 0 : i32
        %dma_wait3A_69 = arith.constant 0 : i32
        %dma_wait3A_70 = tpu.memref_slice %arg9[%dma_wait3A_68, %dma_wait3A_69] : memref<10240x64xf32, #tpu.memory_space<vmem_shared>> -> memref<10240x64xf32, #tpu.memory_space<vmem_shared>>
        tpu.wait_indirect_dma semaphore(%run_scoped3A_54 : memref<!tpu.dma_semaphore, #tpu.memory_space<semaphore_mem>>) src(%dma_wait3A_64 : memref<80x64xf32, #tpu.memory_space<vmem>>) dst(%dma_wait3A_70 : memref<10240x64xf32, #tpu.memory_space<vmem_shared>>)
        tpu.yield
      }) : () -> ()
      %run_scoped3A_49 = arith.constant 1 : i32
      "tpu.region"() ({
        %run_scoped3A_54 = tpu.sem_alloc : memref<!tpu.dma_semaphore, #tpu.memory_space<semaphore_mem>>
        %dma_start3A = arith.constant 80 : i32
        %dma_start3A_55 = arith.constant 0 : i32
        %dma_start3A_56 = tpu.memref_slice %arg8[%dma_start3A, %dma_start3A_55] : memref<400x64xf32, #tpu.memory_space<vmem>> -> memref<80x64xf32, #tpu.memory_space<vmem>>
        %dma_start3A_57 = arith.constant 0 : i32
        %dma_start3A_58 = tpu.memref_slice %arg7[%run_scoped3A_49, %dma_start3A_57] : memref<5x80xi32, #tpu.memory_space<vmem>> -> memref<1x80xi32, #tpu.memory_space<vmem>>
        %dma_start3A_59 = tpu.memref_squeeze %dma_start3A_58 : memref<1x80xi32, #tpu.memory_space<vmem>> -> memref<80xi32, #tpu.memory_space<vmem>>
        %dma_start3A_60 = arith.constant 0 : i32
        %dma_start3A_61 = arith.constant 0 : i32
        %dma_start3A_62 = tpu.memref_slice %arg9[%dma_start3A_60, %dma_start3A_61] : memref<10240x64xf32, #tpu.memory_space<vmem_shared>> -> memref<10240x64xf32, #tpu.memory_space<vmem_shared>>
        tpu.enqueue_indirect_dma source(%dma_start3A_56 : memref<80x64xf32, #tpu.memory_space<vmem>>) target(%dma_start3A_62 : memref<10240x64xf32, #tpu.memory_space<vmem_shared>>) offsets(%dma_start3A_59 : memref<80xi32, #tpu.memory_space<vmem>>) semaphore(%run_scoped3A_54 : memref<!tpu.dma_semaphore, #tpu.memory_space<semaphore_mem>>) {add = true}
        %dma_wait3A = arith.constant 80 : i32
        %dma_wait3A_63 = arith.constant 0 : i32
        %dma_wait3A_64 = tpu.memref_slice %arg8[%dma_wait3A, %dma_wait3A_63] : memref<400x64xf32, #tpu.memory_space<vmem>> -> memref<80x64xf32, #tpu.memory_space<vmem>>
        %dma_wait3A_65 = arith.constant 0 : i32
        %dma_wait3A_66 = tpu.memref_slice %arg7[%run_scoped3A_49, %dma_wait3A_65] : memref<5x80xi32, #tpu.memory_space<vmem>> -> memref<1x80xi32, #tpu.memory_space<vmem>>
        %dma_wait3A_67 = tpu.memref_squeeze %dma_wait3A_66 : memref<1x80xi32, #tpu.memory_space<vmem>> -> memref<80xi32, #tpu.memory_space<vmem>>
        %dma_wait3A_68 = arith.constant 0 : i32
        %dma_wait3A_69 = arith.constant 0 : i32
        %dma_wait3A_70 = tpu.memref_slice %arg9[%dma_wait3A_68, %dma_wait3A_69] : memref<10240x64xf32, #tpu.memory_space<vmem_shared>> -> memref<10240x64xf32, #tpu.memory_space<vmem_shared>>
        tpu.wait_indirect_dma semaphore(%run_scoped3A_54 : memref<!tpu.dma_semaphore, #tpu.memory_space<semaphore_mem>>) src(%dma_wait3A_64 : memref<80x64xf32, #tpu.memory_space<vmem>>) dst(%dma_wait3A_70 : memref<10240x64xf32, #tpu.memory_space<vmem_shared>>)
        tpu.yield
      }) : () -> ()
      %run_scoped3A_50 = arith.constant 2 : i32
      "tpu.region"() ({
        %run_scoped3A_54 = tpu.sem_alloc : memref<!tpu.dma_semaphore, #tpu.memory_space<semaphore_mem>>
        %dma_start3A = arith.constant 160 : i32
        %dma_start3A_55 = arith.constant 0 : i32
        %dma_start3A_56 = tpu.memref_slice %arg8[%dma_start3A, %dma_start3A_55] : memref<400x64xf32, #tpu.memory_space<vmem>> -> memref<80x64xf32, #tpu.memory_space<vmem>>
        %dma_start3A_57 = arith.constant 0 : i32
        %dma_start3A_58 = tpu.memref_slice %arg7[%run_scoped3A_50, %dma_start3A_57] : memref<5x80xi32, #tpu.memory_space<vmem>> -> memref<1x80xi32, #tpu.memory_space<vmem>>
        %dma_start3A_59 = tpu.memref_squeeze %dma_start3A_58 : memref<1x80xi32, #tpu.memory_space<vmem>> -> memref<80xi32, #tpu.memory_space<vmem>>
        %dma_start3A_60 = arith.constant 0 : i32
        %dma_start3A_61 = arith.constant 0 : i32
        %dma_start3A_62 = tpu.memref_slice %arg9[%dma_start3A_60, %dma_start3A_61] : memref<10240x64xf32, #tpu.memory_space<vmem_shared>> -> memref<10240x64xf32, #tpu.memory_space<vmem_shared>>
        tpu.enqueue_indirect_dma source(%dma_start3A_56 : memref<80x64xf32, #tpu.memory_space<vmem>>) target(%dma_start3A_62 : memref<10240x64xf32, #tpu.memory_space<vmem_shared>>) offsets(%dma_start3A_59 : memref<80xi32, #tpu.memory_space<vmem>>) semaphore(%run_scoped3A_54 : memref<!tpu.dma_semaphore, #tpu.memory_space<semaphore_mem>>) {add = true}
        %dma_wait3A = arith.constant 160 : i32
        %dma_wait3A_63 = arith.constant 0 : i32
        %dma_wait3A_64 = tpu.memref_slice %arg8[%dma_wait3A, %dma_wait3A_63] : memref<400x64xf32, #tpu.memory_space<vmem>> -> memref<80x64xf32, #tpu.memory_space<vmem>>
        %dma_wait3A_65 = arith.constant 0 : i32
        %dma_wait3A_66 = tpu.memref_slice %arg7[%run_scoped3A_50, %dma_wait3A_65] : memref<5x80xi32, #tpu.memory_space<vmem>> -> memref<1x80xi32, #tpu.memory_space<vmem>>
        %dma_wait3A_67 = tpu.memref_squeeze %dma_wait3A_66 : memref<1x80xi32, #tpu.memory_space<vmem>> -> memref<80xi32, #tpu.memory_space<vmem>>
        %dma_wait3A_68 = arith.constant 0 : i32
        %dma_wait3A_69 = arith.constant 0 : i32
        %dma_wait3A_70 = tpu.memref_slice %arg9[%dma_wait3A_68, %dma_wait3A_69] : memref<10240x64xf32, #tpu.memory_space<vmem_shared>> -> memref<10240x64xf32, #tpu.memory_space<vmem_shared>>
        tpu.wait_indirect_dma semaphore(%run_scoped3A_54 : memref<!tpu.dma_semaphore, #tpu.memory_space<semaphore_mem>>) src(%dma_wait3A_64 : memref<80x64xf32, #tpu.memory_space<vmem>>) dst(%dma_wait3A_70 : memref<10240x64xf32, #tpu.memory_space<vmem_shared>>)
        tpu.yield
      }) : () -> ()
      %run_scoped3A_51 = arith.constant 3 : i32
      "tpu.region"() ({
        %run_scoped3A_54 = tpu.sem_alloc : memref<!tpu.dma_semaphore, #tpu.memory_space<semaphore_mem>>
        %dma_start3A = arith.constant 240 : i32
        %dma_start3A_55 = arith.constant 0 : i32
        %dma_start3A_56 = tpu.memref_slice %arg8[%dma_start3A, %dma_start3A_55] : memref<400x64xf32, #tpu.memory_space<vmem>> -> memref<80x64xf32, #tpu.memory_space<vmem>>
        %dma_start3A_57 = arith.constant 0 : i32
        %dma_start3A_58 = tpu.memref_slice %arg7[%run_scoped3A_51, %dma_start3A_57] : memref<5x80xi32, #tpu.memory_space<vmem>> -> memref<1x80xi32, #tpu.memory_space<vmem>>
        %dma_start3A_59 = tpu.memref_squeeze %dma_start3A_58 : memref<1x80xi32, #tpu.memory_space<vmem>> -> memref<80xi32, #tpu.memory_space<vmem>>
        %dma_start3A_60 = arith.constant 0 : i32
        %dma_start3A_61 = arith.constant 0 : i32
        %dma_start3A_62 = tpu.memref_slice %arg9[%dma_start3A_60, %dma_start3A_61] : memref<10240x64xf32, #tpu.memory_space<vmem_shared>> -> memref<10240x64xf32, #tpu.memory_space<vmem_shared>>
        tpu.enqueue_indirect_dma source(%dma_start3A_56 : memref<80x64xf32, #tpu.memory_space<vmem>>) target(%dma_start3A_62 : memref<10240x64xf32, #tpu.memory_space<vmem_shared>>) offsets(%dma_start3A_59 : memref<80xi32, #tpu.memory_space<vmem>>) semaphore(%run_scoped3A_54 : memref<!tpu.dma_semaphore, #tpu.memory_space<semaphore_mem>>) {add = true}
        %dma_wait3A = arith.constant 240 : i32
        %dma_wait3A_63 = arith.constant 0 : i32
        %dma_wait3A_64 = tpu.memref_slice %arg8[%dma_wait3A, %dma_wait3A_63] : memref<400x64xf32, #tpu.memory_space<vmem>> -> memref<80x64xf32, #tpu.memory_space<vmem>>
        %dma_wait3A_65 = arith.constant 0 : i32
        %dma_wait3A_66 = tpu.memref_slice %arg7[%run_scoped3A_51, %dma_wait3A_65] : memref<5x80xi32, #tpu.memory_space<vmem>> -> memref<1x80xi32, #tpu.memory_space<vmem>>
        %dma_wait3A_67 = tpu.memref_squeeze %dma_wait3A_66 : memref<1x80xi32, #tpu.memory_space<vmem>> -> memref<80xi32, #tpu.memory_space<vmem>>
        %dma_wait3A_68 = arith.constant 0 : i32
        %dma_wait3A_69 = arith.constant 0 : i32
        %dma_wait3A_70 = tpu.memref_slice %arg9[%dma_wait3A_68, %dma_wait3A_69] : memref<10240x64xf32, #tpu.memory_space<vmem_shared>> -> memref<10240x64xf32, #tpu.memory_space<vmem_shared>>
        tpu.wait_indirect_dma semaphore(%run_scoped3A_54 : memref<!tpu.dma_semaphore, #tpu.memory_space<semaphore_mem>>) src(%dma_wait3A_64 : memref<80x64xf32, #tpu.memory_space<vmem>>) dst(%dma_wait3A_70 : memref<10240x64xf32, #tpu.memory_space<vmem_shared>>)
        tpu.yield
      }) : () -> ()
      %run_scoped3A_52 = arith.constant 4 : i32
      "tpu.region"() ({
        %run_scoped3A_54 = tpu.sem_alloc : memref<!tpu.dma_semaphore, #tpu.memory_space<semaphore_mem>>
        %dma_start3A = arith.constant 320 : i32
        %dma_start3A_55 = arith.constant 0 : i32
        %dma_start3A_56 = tpu.memref_slice %arg8[%dma_start3A, %dma_start3A_55] : memref<400x64xf32, #tpu.memory_space<vmem>> -> memref<80x64xf32, #tpu.memory_space<vmem>>
        %dma_start3A_57 = arith.constant 0 : i32
        %dma_start3A_58 = tpu.memref_slice %arg7[%run_scoped3A_52, %dma_start3A_57] : memref<5x80xi32, #tpu.memory_space<vmem>> -> memref<1x80xi32, #tpu.memory_space<vmem>>
        %dma_start3A_59 = tpu.memref_squeeze %dma_start3A_58 : memref<1x80xi32, #tpu.memory_space<vmem>> -> memref<80xi32, #tpu.memory_space<vmem>>
        %dma_start3A_60 = arith.constant 0 : i32
        %dma_start3A_61 = arith.constant 0 : i32
        %dma_start3A_62 = tpu.memref_slice %arg9[%dma_start3A_60, %dma_start3A_61] : memref<10240x64xf32, #tpu.memory_space<vmem_shared>> -> memref<10240x64xf32, #tpu.memory_space<vmem_shared>>
        tpu.enqueue_indirect_dma source(%dma_start3A_56 : memref<80x64xf32, #tpu.memory_space<vmem>>) target(%dma_start3A_62 : memref<10240x64xf32, #tpu.memory_space<vmem_shared>>) offsets(%dma_start3A_59 : memref<80xi32, #tpu.memory_space<vmem>>) semaphore(%run_scoped3A_54 : memref<!tpu.dma_semaphore, #tpu.memory_space<semaphore_mem>>) {add = true}
        %dma_wait3A = arith.constant 320 : i32
        %dma_wait3A_63 = arith.constant 0 : i32
        %dma_wait3A_64 = tpu.memref_slice %arg8[%dma_wait3A, %dma_wait3A_63] : memref<400x64xf32, #tpu.memory_space<vmem>> -> memref<80x64xf32, #tpu.memory_space<vmem>>
        %dma_wait3A_65 = arith.constant 0 : i32
        %dma_wait3A_66 = tpu.memref_slice %arg7[%run_scoped3A_52, %dma_wait3A_65] : memref<5x80xi32, #tpu.memory_space<vmem>> -> memref<1x80xi32, #tpu.memory_space<vmem>>
        %dma_wait3A_67 = tpu.memref_squeeze %dma_wait3A_66 : memref<1x80xi32, #tpu.memory_space<vmem>> -> memref<80xi32, #tpu.memory_space<vmem>>
        %dma_wait3A_68 = arith.constant 0 : i32
        %dma_wait3A_69 = arith.constant 0 : i32
        %dma_wait3A_70 = tpu.memref_slice %arg9[%dma_wait3A_68, %dma_wait3A_69] : memref<10240x64xf32, #tpu.memory_space<vmem_shared>> -> memref<10240x64xf32, #tpu.memory_space<vmem_shared>>
        tpu.wait_indirect_dma semaphore(%run_scoped3A_54 : memref<!tpu.dma_semaphore, #tpu.memory_space<semaphore_mem>>) src(%dma_wait3A_64 : memref<80x64xf32, #tpu.memory_space<vmem>>) dst(%dma_wait3A_70 : memref<10240x64xf32, #tpu.memory_space<vmem_shared>>)
        tpu.yield
      }) : () -> ()
      %scan3A_53 = arith.constant 0 : i32
      scf.yield %scan3A_53 : i32
    }
    %scan3A_7 = arith.constant 50 : i32
    %barrier3A_8 = arith.constant 0 : index
    tpu.barrier barrier_id(%barrier3A_8)
    "tpu.region"() ({
      %run_scoped3A = tpu.sem_alloc : memref<!tpu.dma_semaphore, #tpu.memory_space<semaphore_mem>>
      %dma_start3A = arith.constant 0 : i32
      %dma_start3A_19 = tpu.memref_slice %arg9[%mul3A_0, %dma_start3A] : memref<10240x64xf32, #tpu.memory_space<vmem_shared>> -> memref<400x64xf32, #tpu.memory_space<vmem_shared>>
      %dma_start3A_20 = arith.constant 0 : i32
      %dma_start3A_21 = tpu.memref_slice %arg9[%mul3A_0, %dma_start3A_20] : memref<10240x64xf32, #tpu.memory_space<vmem_shared>> -> memref<400x64xf32, #tpu.memory_space<vmem_shared>>
      tpu.enqueue_dma source(%dma_start3A_21 : memref<400x64xf32, #tpu.memory_space<vmem_shared>>) target(%arg8 : memref<400x64xf32, #tpu.memory_space<vmem>>) target_semaphore(%run_scoped3A : memref<!tpu.dma_semaphore, #tpu.memory_space<semaphore_mem>>)
      %dma_wait3A = arith.constant 0 : i32
      %dma_wait3A_22 = tpu.memref_slice %arg9[%mul3A_0, %dma_wait3A] : memref<10240x64xf32, #tpu.memory_space<vmem_shared>> -> memref<400x64xf32, #tpu.memory_space<vmem_shared>>
      %dma_wait3A_23 = arith.constant 0 : i32
      %dma_wait3A_24 = tpu.memref_slice %arg9[%mul3A_0, %dma_wait3A_23] : memref<10240x64xf32, #tpu.memory_space<vmem_shared>> -> memref<400x64xf32, #tpu.memory_space<vmem_shared>>
      tpu.wait_dma2 semaphore(%run_scoped3A : memref<!tpu.dma_semaphore, #tpu.memory_space<semaphore_mem>>) src(%dma_wait3A_24 : memref<400x64xf32, #tpu.memory_space<vmem_shared>>) dst(%arg8 : memref<400x64xf32, #tpu.memory_space<vmem>>)
      tpu.yield
    }) : () -> ()
    %mul3A_9 = arith.constant 10240 : i32
    %mul3A_10 = arith.muli %arg0, %mul3A_9 : i32
    %add3A_11 = arith.addi %mul3A_10, %mul3A_0 : i32
    "tpu.region"() ({
      %run_scoped3A = tpu.sem_alloc : memref<!tpu.dma_semaphore, #tpu.memory_space<semaphore_mem>>
      %dma_start3A = arith.constant 0 : i32
      %dma_start3A_19 = tpu.memref_slice %arg6[%add3A_11, %dma_start3A] : memref<20480x64xf32, #tpu.memory_space<hbm>> -> memref<400x64xf32, #tpu.memory_space<hbm>>
      %dma_start3A_20 = arith.constant 0 : i32
      %dma_start3A_21 = tpu.memref_slice %arg6[%add3A_11, %dma_start3A_20] : memref<20480x64xf32, #tpu.memory_space<hbm>> -> memref<400x64xf32, #tpu.memory_space<hbm>>
      tpu.enqueue_dma source(%arg8 : memref<400x64xf32, #tpu.memory_space<vmem>>) target(%dma_start3A_21 : memref<400x64xf32, #tpu.memory_space<hbm>>) target_semaphore(%run_scoped3A : memref<!tpu.dma_semaphore, #tpu.memory_space<semaphore_mem>>)
      %dma_wait3A = arith.constant 0 : i32
      %dma_wait3A_22 = tpu.memref_slice %arg6[%add3A_11, %dma_wait3A] : memref<20480x64xf32, #tpu.memory_space<hbm>> -> memref<400x64xf32, #tpu.memory_space<hbm>>
      %dma_wait3A_23 = arith.constant 0 : i32
      %dma_wait3A_24 = tpu.memref_slice %arg6[%add3A_11, %dma_wait3A_23] : memref<20480x64xf32, #tpu.memory_space<hbm>> -> memref<400x64xf32, #tpu.memory_space<hbm>>
      tpu.wait_dma2 semaphore(%run_scoped3A : memref<!tpu.dma_semaphore, #tpu.memory_space<semaphore_mem>>) src(%arg8 : memref<400x64xf32, #tpu.memory_space<vmem>>) dst(%dma_wait3A_24 : memref<400x64xf32, #tpu.memory_space<hbm>>)
      tpu.yield
    }) : () -> ()
    %add3A_12 = arith.constant 400 : i32
    %add3A_13 = arith.addi %mul3A_0, %add3A_12 : i32
    "tpu.region"() ({
      %run_scoped3A = tpu.sem_alloc : memref<!tpu.dma_semaphore, #tpu.memory_space<semaphore_mem>>
      %dma_start3A = arith.constant 0 : i32
      %dma_start3A_19 = arith.constant 0 : i32
      %dma_start3A_20 = tpu.memref_slice %arg8[%dma_start3A, %dma_start3A_19] : memref<400x64xf32, #tpu.memory_space<vmem>> -> memref<240x64xf32, #tpu.memory_space<vmem>>
      %dma_start3A_21 = arith.constant 0 : i32
      %dma_start3A_22 = tpu.memref_slice %arg9[%add3A_13, %dma_start3A_21] : memref<10240x64xf32, #tpu.memory_space<vmem_shared>> -> memref<240x64xf32, #tpu.memory_space<vmem_shared>>
      %dma_start3A_23 = arith.constant 0 : i32
      %dma_start3A_24 = arith.constant 0 : i32
      %dma_start3A_25 = tpu.memref_slice %arg8[%dma_start3A_23, %dma_start3A_24] : memref<400x64xf32, #tpu.memory_space<vmem>> -> memref<240x64xf32, #tpu.memory_space<vmem>>
      %dma_start3A_26 = arith.constant 0 : i32
      %dma_start3A_27 = tpu.memref_slice %arg9[%add3A_13, %dma_start3A_26] : memref<10240x64xf32, #tpu.memory_space<vmem_shared>> -> memref<240x64xf32, #tpu.memory_space<vmem_shared>>
      tpu.enqueue_dma source(%dma_start3A_27 : memref<240x64xf32, #tpu.memory_space<vmem_shared>>) target(%dma_start3A_25 : memref<240x64xf32, #tpu.memory_space<vmem>>) target_semaphore(%run_scoped3A : memref<!tpu.dma_semaphore, #tpu.memory_space<semaphore_mem>>)
      %dma_wait3A = arith.constant 0 : i32
      %dma_wait3A_28 = arith.constant 0 : i32
      %dma_wait3A_29 = tpu.memref_slice %arg8[%dma_wait3A, %dma_wait3A_28] : memref<400x64xf32, #tpu.memory_space<vmem>> -> memref<240x64xf32, #tpu.memory_space<vmem>>
      %dma_wait3A_30 = arith.constant 0 : i32
      %dma_wait3A_31 = tpu.memref_slice %arg9[%add3A_13, %dma_wait3A_30] : memref<10240x64xf32, #tpu.memory_space<vmem_shared>> -> memref<240x64xf32, #tpu.memory_space<vmem_shared>>
      %dma_wait3A_32 = arith.constant 0 : i32
      %dma_wait3A_33 = arith.constant 0 : i32
      %dma_wait3A_34 = tpu.memref_slice %arg8[%dma_wait3A_32, %dma_wait3A_33] : memref<400x64xf32, #tpu.memory_space<vmem>> -> memref<240x64xf32, #tpu.memory_space<vmem>>
      %dma_wait3A_35 = arith.constant 0 : i32
      %dma_wait3A_36 = tpu.memref_slice %arg9[%add3A_13, %dma_wait3A_35] : memref<10240x64xf32, #tpu.memory_space<vmem_shared>> -> memref<240x64xf32, #tpu.memory_space<vmem_shared>>
      tpu.wait_dma2 semaphore(%run_scoped3A : memref<!tpu.dma_semaphore, #tpu.memory_space<semaphore_mem>>) src(%dma_wait3A_36 : memref<240x64xf32, #tpu.memory_space<vmem_shared>>) dst(%dma_wait3A_34 : memref<240x64xf32, #tpu.memory_space<vmem>>)
      tpu.yield
    }) : () -> ()
    %mul3A_14 = arith.constant 10240 : i32
    %mul3A_15 = arith.muli %arg0, %mul3A_14 : i32
    %add3A_16 = arith.addi %mul3A_15, %mul3A_0 : i32
    %add3A_17 = arith.constant 400 : i32
    %add3A_18 = arith.addi %add3A_16, %add3A_17 : i32
    "tpu.region"() ({
      %run_scoped3A = tpu.sem_alloc : memref<!tpu.dma_semaphore, #tpu.memory_space<semaphore_mem>>
      %dma_start3A = arith.constant 0 : i32
      %dma_start3A_19 = arith.constant 0 : i32
      %dma_start3A_20 = tpu.memref_slice %arg8[%dma_start3A, %dma_start3A_19] : memref<400x64xf32, #tpu.memory_space<vmem>> -> memref<240x64xf32, #tpu.memory_space<vmem>>
      %dma_start3A_21 = arith.constant 0 : i32
      %dma_start3A_22 = tpu.memref_slice %arg6[%add3A_18, %dma_start3A_21] : memref<20480x64xf32, #tpu.memory_space<hbm>> -> memref<240x64xf32, #tpu.memory_space<hbm>>
      %dma_start3A_23 = arith.constant 0 : i32
      %dma_start3A_24 = tpu.memref_slice %arg6[%add3A_18, %dma_start3A_23] : memref<20480x64xf32, #tpu.memory_space<hbm>> -> memref<240x64xf32, #tpu.memory_space<hbm>>
      %dma_start3A_25 = arith.constant 0 : i32
      %dma_start3A_26 = arith.constant 0 : i32
      %dma_start3A_27 = tpu.memref_slice %arg8[%dma_start3A_25, %dma_start3A_26] : memref<400x64xf32, #tpu.memory_space<vmem>> -> memref<240x64xf32, #tpu.memory_space<vmem>>
      tpu.enqueue_dma source(%dma_start3A_27 : memref<240x64xf32, #tpu.memory_space<vmem>>) target(%dma_start3A_24 : memref<240x64xf32, #tpu.memory_space<hbm>>) target_semaphore(%run_scoped3A : memref<!tpu.dma_semaphore, #tpu.memory_space<semaphore_mem>>)
      %dma_wait3A = arith.constant 0 : i32
      %dma_wait3A_28 = arith.constant 0 : i32
      %dma_wait3A_29 = tpu.memref_slice %arg8[%dma_wait3A, %dma_wait3A_28] : memref<400x64xf32, #tpu.memory_space<vmem>> -> memref<240x64xf32, #tpu.memory_space<vmem>>
      %dma_wait3A_30 = arith.constant 0 : i32
      %dma_wait3A_31 = tpu.memref_slice %arg6[%add3A_18, %dma_wait3A_30] : memref<20480x64xf32, #tpu.memory_space<hbm>> -> memref<240x64xf32, #tpu.memory_space<hbm>>
      %dma_wait3A_32 = arith.constant 0 : i32
      %dma_wait3A_33 = tpu.memref_slice %arg6[%add3A_18, %dma_wait3A_32] : memref<20480x64xf32, #tpu.memory_space<hbm>> -> memref<240x64xf32, #tpu.memory_space<hbm>>
      %dma_wait3A_34 = arith.constant 0 : i32
      %dma_wait3A_35 = arith.constant 0 : i32
      %dma_wait3A_36 = tpu.memref_slice %arg8[%dma_wait3A_34, %dma_wait3A_35] : memref<400x64xf32, #tpu.memory_space<vmem>> -> memref<240x64xf32, #tpu.memory_space<vmem>>
      tpu.wait_dma2 semaphore(%run_scoped3A : memref<!tpu.dma_semaphore, #tpu.memory_space<semaphore_mem>>) src(%dma_wait3A_36 : memref<240x64xf32, #tpu.memory_space<vmem>>) dst(%dma_wait3A_33 : memref<240x64xf32, #tpu.memory_space<hbm>>)
      tpu.yield
    }) : () -> ()
    return
  }
}

#map = affine_map<(d0, d1) -> (0, 0)>
module attributes {stable_mosaic.version = 14 : i64} {
  func.func @_scatter64_kernel(%arg0: i32, %arg1: i32, %arg2: memref<320000x64xf32, #tpu.memory_space<hbm>>, %arg3: memref<320000x64xf32, #tpu.memory_space<hbm>>, %arg4: memref<4000x80xi32, #tpu.memory_space<hbm>>, %arg5: memref<400x64xf32, #tpu.memory_space<hbm>>, %arg6: memref<20480x64xf32, #tpu.memory_space<hbm>>, %arg7: memref<5x80xi32, #tpu.memory_space<vmem>>, %arg8: memref<400x64xf32, #tpu.memory_space<vmem>>, %arg9: memref<10240x64xf32, #tpu.memory_space<vmem_shared>>, %arg10: memref<!tpu.dma_semaphore, #tpu.memory_space<semaphore_mem>>) attributes {dimension_semantics = [#tpu.dimension_semantics<core_parallel>, #tpu.dimension_semantics<subcore_parallel>], iteration_bounds = array<i64: 2, 16>, scalar_prefetch = 0 : i64, scratch_operands = 4 : i64, tpu.core_type = #tpu.core_type<sc_vector_subcore>, window_params = [{transform_indices = #map}, {transform_indices = #map}, {transform_indices = #map}, {transform_indices = #map}, {transform_indices = #map}]} {
    %mul3A = arith.constant 640 : i32
    %mul3A_0 = arith.muli %arg1, %mul3A : i32
    "tpu.region"() ({
      %run_scoped3A = tpu.sem_alloc : memref<!tpu.dma_semaphore, #tpu.memory_space<semaphore_mem>>
      tpu.enqueue_dma source(%arg5 : memref<400x64xf32, #tpu.memory_space<hbm>>) target(%arg8 : memref<400x64xf32, #tpu.memory_space<vmem>>) target_semaphore(%run_scoped3A : memref<!tpu.dma_semaphore, #tpu.memory_space<semaphore_mem>>)
      tpu.wait_dma2 semaphore(%run_scoped3A : memref<!tpu.dma_semaphore, #tpu.memory_space<semaphore_mem>>) src(%arg5 : memref<400x64xf32, #tpu.memory_space<hbm>>) dst(%arg8 : memref<400x64xf32, #tpu.memory_space<vmem>>)
      tpu.yield
    }) : () -> ()
    "tpu.region"() ({
      %run_scoped3A = tpu.sem_alloc : memref<!tpu.dma_semaphore, #tpu.memory_space<semaphore_mem>>
      %dma_start3A = arith.constant 0 : i32
      %dma_start3A_19 = tpu.memref_slice %arg9[%mul3A_0, %dma_start3A] : memref<10240x64xf32, #tpu.memory_space<vmem_shared>> -> memref<400x64xf32, #tpu.memory_space<vmem_shared>>
      %dma_start3A_20 = arith.constant 0 : i32
      %dma_start3A_21 = tpu.memref_slice %arg9[%mul3A_0, %dma_start3A_20] : memref<10240x64xf32, #tpu.memory_space<vmem_shared>> -> memref<400x64xf32, #tpu.memory_space<vmem_shared>>
      tpu.enqueue_dma source(%arg8 : memref<400x64xf32, #tpu.memory_space<vmem>>) target(%dma_start3A_21 : memref<400x64xf32, #tpu.memory_space<vmem_shared>>) target_semaphore(%run_scoped3A : memref<!tpu.dma_semaphore, #tpu.memory_space<semaphore_mem>>)
      %dma_wait3A = arith.constant 0 : i32
      %dma_wait3A_22 = tpu.memref_slice %arg9[%mul3A_0, %dma_wait3A] : memref<10240x64xf32, #tpu.memory_space<vmem_shared>> -> memref<400x64xf32, #tpu.memory_space<vmem_shared>>
      %dma_wait3A_23 = arith.constant 0 : i32
      %dma_wait3A_24 = tpu.memref_slice %arg9[%mul3A_0, %dma_wait3A_23] : memref<10240x64xf32, #tpu.memory_space<vmem_shared>> -> memref<400x64xf32, #tpu.memory_space<vmem_shared>>
      tpu.wait_dma2 semaphore(%run_scoped3A : memref<!tpu.dma_semaphore, #tpu.memory_space<semaphore_mem>>) src(%arg8 : memref<400x64xf32, #tpu.memory_space<vmem>>) dst(%dma_wait3A_24 : memref<400x64xf32, #tpu.memory_space<vmem_shared>>)
      tpu.yield
    }) : () -> ()
    %add3A = arith.constant 400 : i32
    %add3A_1 = arith.addi %mul3A_0, %add3A : i32
    "tpu.region"() ({
      %run_scoped3A = tpu.sem_alloc : memref<!tpu.dma_semaphore, #tpu.memory_space<semaphore_mem>>
      %dma_start3A = arith.constant 0 : i32
      %dma_start3A_19 = arith.constant 0 : i32
      %dma_start3A_20 = tpu.memref_slice %arg8[%dma_start3A, %dma_start3A_19] : memref<400x64xf32, #tpu.memory_space<vmem>> -> memref<240x64xf32, #tpu.memory_space<vmem>>
      %dma_start3A_21 = arith.constant 0 : i32
      %dma_start3A_22 = tpu.memref_slice %arg9[%add3A_1, %dma_start3A_21] : memref<10240x64xf32, #tpu.memory_space<vmem_shared>> -> memref<240x64xf32, #tpu.memory_space<vmem_shared>>
      %dma_start3A_23 = arith.constant 0 : i32
      %dma_start3A_24 = tpu.memref_slice %arg9[%add3A_1, %dma_start3A_23] : memref<10240x64xf32, #tpu.memory_space<vmem_shared>> -> memref<240x64xf32, #tpu.memory_space<vmem_shared>>
      %dma_start3A_25 = arith.constant 0 : i32
      %dma_start3A_26 = arith.constant 0 : i32
      %dma_start3A_27 = tpu.memref_slice %arg8[%dma_start3A_25, %dma_start3A_26] : memref<400x64xf32, #tpu.memory_space<vmem>> -> memref<240x64xf32, #tpu.memory_space<vmem>>
      tpu.enqueue_dma source(%dma_start3A_27 : memref<240x64xf32, #tpu.memory_space<vmem>>) target(%dma_start3A_24 : memref<240x64xf32, #tpu.memory_space<vmem_shared>>) target_semaphore(%run_scoped3A : memref<!tpu.dma_semaphore, #tpu.memory_space<semaphore_mem>>)
      %dma_wait3A = arith.constant 0 : i32
      %dma_wait3A_28 = arith.constant 0 : i32
      %dma_wait3A_29 = tpu.memref_slice %arg8[%dma_wait3A, %dma_wait3A_28] : memref<400x64xf32, #tpu.memory_space<vmem>> -> memref<240x64xf32, #tpu.memory_space<vmem>>
      %dma_wait3A_30 = arith.constant 0 : i32
      %dma_wait3A_31 = tpu.memref_slice %arg9[%add3A_1, %dma_wait3A_30] : memref<10240x64xf32, #tpu.memory_space<vmem_shared>> -> memref<240x64xf32, #tpu.memory_space<vmem_shared>>
      %dma_wait3A_32 = arith.constant 0 : i32
      %dma_wait3A_33 = tpu.memref_slice %arg9[%add3A_1, %dma_wait3A_32] : memref<10240x64xf32, #tpu.memory_space<vmem_shared>> -> memref<240x64xf32, #tpu.memory_space<vmem_shared>>
      %dma_wait3A_34 = arith.constant 0 : i32
      %dma_wait3A_35 = arith.constant 0 : i32
      %dma_wait3A_36 = tpu.memref_slice %arg8[%dma_wait3A_34, %dma_wait3A_35] : memref<400x64xf32, #tpu.memory_space<vmem>> -> memref<240x64xf32, #tpu.memory_space<vmem>>
      tpu.wait_dma2 semaphore(%run_scoped3A : memref<!tpu.dma_semaphore, #tpu.memory_space<semaphore_mem>>) src(%dma_wait3A_36 : memref<240x64xf32, #tpu.memory_space<vmem>>) dst(%dma_wait3A_33 : memref<240x64xf32, #tpu.memory_space<vmem_shared>>)
      tpu.yield
    }) : () -> ()
    %barrier3A = arith.constant 0 : index
    tpu.barrier barrier_id(%barrier3A)
    %scan3A = arith.constant 0 : i32
    %scan3A_2 = arith.constant 0 : i32
    %scan3A_3 = arith.constant 50 : i32
    %scan3A_4 = arith.addi %scan3A_2, %scan3A_3 : i32
    %scan3A_5 = arith.constant 1 : i32
    %scan3A_6 = scf.for %scan3A_19 = %scan3A_2 to %scan3A_4 step %scan3A_5 iter_args(%scan3A_20 = %scan3A) -> (i32)  : i32 {
      %mul3A_21 = arith.constant 20000 : i32
      %mul3A_22 = arith.muli %arg1, %mul3A_21 : i32
      %mul3A_23 = arith.constant 400 : i32
      %mul3A_24 = arith.muli %scan3A_19, %mul3A_23 : i32
      %add3A_25 = arith.addi %mul3A_22, %mul3A_24 : i32
      %jit3A = arith.constant 80 : i32
      %div3A = arith.divsi %add3A_25, %jit3A : i32
      %sign3A = arith.constant 0 : i32
      %sign3A_26 = arith.cmpi sgt, %add3A_25, %sign3A : i32
      %sign3A_27 = arith.extui %sign3A_26 : i1 to i32
      %sign3A_28 = arith.constant 0 : i32
      %sign3A_29 = arith.cmpi slt, %add3A_25, %sign3A_28 : i32
      %sign3A_30 = arith.extui %sign3A_29 : i1 to i32
      %sign3A_31 = arith.subi %sign3A_27, %sign3A_30 : i32
      %sign3A_32 = arith.constant 0 : i32
      %sign3A_33 = arith.cmpi sgt, %jit3A, %sign3A_32 : i32
      %sign3A_34 = arith.extui %sign3A_33 : i1 to i32
      %sign3A_35 = arith.constant 0 : i32
      %sign3A_36 = arith.cmpi slt, %jit3A, %sign3A_35 : i32
      %sign3A_37 = arith.extui %sign3A_36 : i1 to i32
      %sign3A_38 = arith.subi %sign3A_34, %sign3A_37 : i32
      %ne3A = arith.cmpi ne, %sign3A_31, %sign3A_38 : i32
      %rem3A = arith.remsi %add3A_25, %jit3A : i32
      %ne3A_39 = arith.constant 0 : i32
      %ne3A_40 = arith.cmpi ne, %rem3A, %ne3A_39 : i32
      %and3A = arith.andi %ne3A, %ne3A_40 : i1
      %sub3A = arith.constant 1 : i32
      %sub3A_41 = arith.subi %div3A, %sub3A : i32
      %select_n3A = arith.select %and3A, %sub3A_41, %div3A : i32
      "tpu.region"() ({
        %run_scoped3A_54 = tpu.sem_alloc : memref<!tpu.dma_semaphore, #tpu.memory_space<semaphore_mem>>
        %dma_start3A = arith.constant 0 : i32
        %dma_start3A_55 = tpu.memref_slice %arg4[%select_n3A, %dma_start3A] : memref<4000x80xi32, #tpu.memory_space<hbm>> -> memref<5x80xi32, #tpu.memory_space<hbm>>
        %dma_start3A_56 = arith.constant 0 : i32
        %dma_start3A_57 = tpu.memref_slice %arg4[%select_n3A, %dma_start3A_56] : memref<4000x80xi32, #tpu.memory_space<hbm>> -> memref<5x80xi32, #tpu.memory_space<hbm>>
        tpu.enqueue_dma source(%dma_start3A_57 : memref<5x80xi32, #tpu.memory_space<hbm>>) target(%arg7 : memref<5x80xi32, #tpu.memory_space<vmem>>) target_semaphore(%run_scoped3A_54 : memref<!tpu.dma_semaphore, #tpu.memory_space<semaphore_mem>>)
        %dma_wait3A = arith.constant 0 : i32
        %dma_wait3A_58 = tpu.memref_slice %arg4[%select_n3A, %dma_wait3A] : memref<4000x80xi32, #tpu.memory_space<hbm>> -> memref<5x80xi32, #tpu.memory_space<hbm>>
        %dma_wait3A_59 = arith.constant 0 : i32
        %dma_wait3A_60 = tpu.memref_slice %arg4[%select_n3A, %dma_wait3A_59] : memref<4000x80xi32, #tpu.memory_space<hbm>> -> memref<5x80xi32, #tpu.memory_space<hbm>>
        tpu.wait_dma2 semaphore(%run_scoped3A_54 : memref<!tpu.dma_semaphore, #tpu.memory_space<semaphore_mem>>) src(%dma_wait3A_60 : memref<5x80xi32, #tpu.memory_space<hbm>>) dst(%arg7 : memref<5x80xi32, #tpu.memory_space<vmem>>)
        tpu.yield
      }) : () -> ()
      %eq3A = arith.constant 0 : i32
      %eq3A_42 = arith.cmpi eq, %arg0, %eq3A : i32
      %convert_element_type3A = arith.extui %eq3A_42 : i1 to i32
      %cond3A = arith.constant 0 : i32
      %cond3A_43 = arith.cmpi ne, %convert_element_type3A, %cond3A : i32
      scf.if %cond3A_43 {
        "tpu.region"() ({
          %run_scoped3A_54 = tpu.sem_alloc : memref<!tpu.dma_semaphore, #tpu.memory_space<semaphore_mem>>
          %dma_start3A = arith.constant 0 : i32
          %dma_start3A_55 = tpu.memref_slice %arg2[%add3A_25, %dma_start3A] : memref<320000x64xf32, #tpu.memory_space<hbm>> -> memref<400x64xf32, #tpu.memory_space<hbm>>
          %dma_start3A_56 = arith.constant 0 : i32
          %dma_start3A_57 = tpu.memref_slice %arg2[%add3A_25, %dma_start3A_56] : memref<320000x64xf32, #tpu.memory_space<hbm>> -> memref<400x64xf32, #tpu.memory_space<hbm>>
          tpu.enqueue_dma source(%dma_start3A_57 : memref<400x64xf32, #tpu.memory_space<hbm>>) target(%arg8 : memref<400x64xf32, #tpu.memory_space<vmem>>) target_semaphore(%run_scoped3A_54 : memref<!tpu.dma_semaphore, #tpu.memory_space<semaphore_mem>>)
          %dma_wait3A = arith.constant 0 : i32
          %dma_wait3A_58 = tpu.memref_slice %arg2[%add3A_25, %dma_wait3A] : memref<320000x64xf32, #tpu.memory_space<hbm>> -> memref<400x64xf32, #tpu.memory_space<hbm>>
          %dma_wait3A_59 = arith.constant 0 : i32
          %dma_wait3A_60 = tpu.memref_slice %arg2[%add3A_25, %dma_wait3A_59] : memref<320000x64xf32, #tpu.memory_space<hbm>> -> memref<400x64xf32, #tpu.memory_space<hbm>>
          tpu.wait_dma2 semaphore(%run_scoped3A_54 : memref<!tpu.dma_semaphore, #tpu.memory_space<semaphore_mem>>) src(%dma_wait3A_60 : memref<400x64xf32, #tpu.memory_space<hbm>>) dst(%arg8 : memref<400x64xf32, #tpu.memory_space<vmem>>)
          tpu.yield
        }) : () -> ()
      } else {
      }
      %eq3A_44 = arith.constant 1 : i32
      %eq3A_45 = arith.cmpi eq, %arg0, %eq3A_44 : i32
      %convert_element_type3A_46 = arith.extui %eq3A_45 : i1 to i32
      %cond3A_47 = arith.constant 0 : i32
      %cond3A_48 = arith.cmpi ne, %convert_element_type3A_46, %cond3A_47 : i32
      scf.if %cond3A_48 {
        "tpu.region"() ({
          %run_scoped3A_54 = tpu.sem_alloc : memref<!tpu.dma_semaphore, #tpu.memory_space<semaphore_mem>>
          %dma_start3A = arith.constant 0 : i32
          %dma_start3A_55 = tpu.memref_slice %arg3[%add3A_25, %dma_start3A] : memref<320000x64xf32, #tpu.memory_space<hbm>> -> memref<400x64xf32, #tpu.memory_space<hbm>>
          %dma_start3A_56 = arith.constant 0 : i32
          %dma_start3A_57 = tpu.memref_slice %arg3[%add3A_25, %dma_start3A_56] : memref<320000x64xf32, #tpu.memory_space<hbm>> -> memref<400x64xf32, #tpu.memory_space<hbm>>
          tpu.enqueue_dma source(%dma_start3A_57 : memref<400x64xf32, #tpu.memory_space<hbm>>) target(%arg8 : memref<400x64xf32, #tpu.memory_space<vmem>>) target_semaphore(%run_scoped3A_54 : memref<!tpu.dma_semaphore, #tpu.memory_space<semaphore_mem>>)
          %dma_wait3A = arith.constant 0 : i32
          %dma_wait3A_58 = tpu.memref_slice %arg3[%add3A_25, %dma_wait3A] : memref<320000x64xf32, #tpu.memory_space<hbm>> -> memref<400x64xf32, #tpu.memory_space<hbm>>
          %dma_wait3A_59 = arith.constant 0 : i32
          %dma_wait3A_60 = tpu.memref_slice %arg3[%add3A_25, %dma_wait3A_59] : memref<320000x64xf32, #tpu.memory_space<hbm>> -> memref<400x64xf32, #tpu.memory_space<hbm>>
          tpu.wait_dma2 semaphore(%run_scoped3A_54 : memref<!tpu.dma_semaphore, #tpu.memory_space<semaphore_mem>>) src(%dma_wait3A_60 : memref<400x64xf32, #tpu.memory_space<hbm>>) dst(%arg8 : memref<400x64xf32, #tpu.memory_space<vmem>>)
          tpu.yield
        }) : () -> ()
      } else {
      }
      %run_scoped3A = arith.constant 0 : i32
      "tpu.region"() ({
        %run_scoped3A_54 = tpu.sem_alloc : memref<!tpu.dma_semaphore, #tpu.memory_space<semaphore_mem>>
        %dma_start3A = arith.constant 0 : i32
        %dma_start3A_55 = arith.constant 0 : i32
        %dma_start3A_56 = tpu.memref_slice %arg8[%dma_start3A, %dma_start3A_55] : memref<400x64xf32, #tpu.memory_space<vmem>> -> memref<80x64xf32, #tpu.memory_space<vmem>>
        %dma_start3A_57 = arith.constant 0 : i32
        %dma_start3A_58 = tpu.memref_slice %arg7[%run_scoped3A, %dma_start3A_57] : memref<5x80xi32, #tpu.memory_space<vmem>> -> memref<1x80xi32, #tpu.memory_space<vmem>>
        %dma_start3A_59 = tpu.memref_squeeze %dma_start3A_58 : memref<1x80xi32, #tpu.memory_space<vmem>> -> memref<80xi32, #tpu.memory_space<vmem>>
        %dma_start3A_60 = arith.constant 0 : i32
        %dma_start3A_61 = arith.constant 0 : i32
        %dma_start3A_62 = tpu.memref_slice %arg9[%dma_start3A_60, %dma_start3A_61] : memref<10240x64xf32, #tpu.memory_space<vmem_shared>> -> memref<10240x64xf32, #tpu.memory_space<vmem_shared>>
        tpu.enqueue_indirect_dma source(%dma_start3A_56 : memref<80x64xf32, #tpu.memory_space<vmem>>) target(%dma_start3A_62 : memref<10240x64xf32, #tpu.memory_space<vmem_shared>>) offsets(%dma_start3A_59 : memref<80xi32, #tpu.memory_space<vmem>>) semaphore(%run_scoped3A_54 : memref<!tpu.dma_semaphore, #tpu.memory_space<semaphore_mem>>) {add = true}
        %dma_wait3A = arith.constant 0 : i32
        %dma_wait3A_63 = arith.constant 0 : i32
        %dma_wait3A_64 = tpu.memref_slice %arg8[%dma_wait3A, %dma_wait3A_63] : memref<400x64xf32, #tpu.memory_space<vmem>> -> memref<80x64xf32, #tpu.memory_space<vmem>>
        %dma_wait3A_65 = arith.constant 0 : i32
        %dma_wait3A_66 = tpu.memref_slice %arg7[%run_scoped3A, %dma_wait3A_65] : memref<5x80xi32, #tpu.memory_space<vmem>> -> memref<1x80xi32, #tpu.memory_space<vmem>>
        %dma_wait3A_67 = tpu.memref_squeeze %dma_wait3A_66 : memref<1x80xi32, #tpu.memory_space<vmem>> -> memref<80xi32, #tpu.memory_space<vmem>>
        %dma_wait3A_68 = arith.constant 0 : i32
        %dma_wait3A_69 = arith.constant 0 : i32
        %dma_wait3A_70 = tpu.memref_slice %arg9[%dma_wait3A_68, %dma_wait3A_69] : memref<10240x64xf32, #tpu.memory_space<vmem_shared>> -> memref<10240x64xf32, #tpu.memory_space<vmem_shared>>
        tpu.wait_indirect_dma semaphore(%run_scoped3A_54 : memref<!tpu.dma_semaphore, #tpu.memory_space<semaphore_mem>>) src(%dma_wait3A_64 : memref<80x64xf32, #tpu.memory_space<vmem>>) dst(%dma_wait3A_70 : memref<10240x64xf32, #tpu.memory_space<vmem_shared>>)
        tpu.yield
      }) : () -> ()
      %run_scoped3A_49 = arith.constant 1 : i32
      "tpu.region"() ({
        %run_scoped3A_54 = tpu.sem_alloc : memref<!tpu.dma_semaphore, #tpu.memory_space<semaphore_mem>>
        %dma_start3A = arith.constant 80 : i32
        %dma_start3A_55 = arith.constant 0 : i32
        %dma_start3A_56 = tpu.memref_slice %arg8[%dma_start3A, %dma_start3A_55] : memref<400x64xf32, #tpu.memory_space<vmem>> -> memref<80x64xf32, #tpu.memory_space<vmem>>
        %dma_start3A_57 = arith.constant 0 : i32
        %dma_start3A_58 = tpu.memref_slice %arg7[%run_scoped3A_49, %dma_start3A_57] : memref<5x80xi32, #tpu.memory_space<vmem>> -> memref<1x80xi32, #tpu.memory_space<vmem>>
        %dma_start3A_59 = tpu.memref_squeeze %dma_start3A_58 : memref<1x80xi32, #tpu.memory_space<vmem>> -> memref<80xi32, #tpu.memory_space<vmem>>
        %dma_start3A_60 = arith.constant 0 : i32
        %dma_start3A_61 = arith.constant 0 : i32
        %dma_start3A_62 = tpu.memref_slice %arg9[%dma_start3A_60, %dma_start3A_61] : memref<10240x64xf32, #tpu.memory_space<vmem_shared>> -> memref<10240x64xf32, #tpu.memory_space<vmem_shared>>
        tpu.enqueue_indirect_dma source(%dma_start3A_56 : memref<80x64xf32, #tpu.memory_space<vmem>>) target(%dma_start3A_62 : memref<10240x64xf32, #tpu.memory_space<vmem_shared>>) offsets(%dma_start3A_59 : memref<80xi32, #tpu.memory_space<vmem>>) semaphore(%run_scoped3A_54 : memref<!tpu.dma_semaphore, #tpu.memory_space<semaphore_mem>>) {add = true}
        %dma_wait3A = arith.constant 80 : i32
        %dma_wait3A_63 = arith.constant 0 : i32
        %dma_wait3A_64 = tpu.memref_slice %arg8[%dma_wait3A, %dma_wait3A_63] : memref<400x64xf32, #tpu.memory_space<vmem>> -> memref<80x64xf32, #tpu.memory_space<vmem>>
        %dma_wait3A_65 = arith.constant 0 : i32
        %dma_wait3A_66 = tpu.memref_slice %arg7[%run_scoped3A_49, %dma_wait3A_65] : memref<5x80xi32, #tpu.memory_space<vmem>> -> memref<1x80xi32, #tpu.memory_space<vmem>>
        %dma_wait3A_67 = tpu.memref_squeeze %dma_wait3A_66 : memref<1x80xi32, #tpu.memory_space<vmem>> -> memref<80xi32, #tpu.memory_space<vmem>>
        %dma_wait3A_68 = arith.constant 0 : i32
        %dma_wait3A_69 = arith.constant 0 : i32
        %dma_wait3A_70 = tpu.memref_slice %arg9[%dma_wait3A_68, %dma_wait3A_69] : memref<10240x64xf32, #tpu.memory_space<vmem_shared>> -> memref<10240x64xf32, #tpu.memory_space<vmem_shared>>
        tpu.wait_indirect_dma semaphore(%run_scoped3A_54 : memref<!tpu.dma_semaphore, #tpu.memory_space<semaphore_mem>>) src(%dma_wait3A_64 : memref<80x64xf32, #tpu.memory_space<vmem>>) dst(%dma_wait3A_70 : memref<10240x64xf32, #tpu.memory_space<vmem_shared>>)
        tpu.yield
      }) : () -> ()
      %run_scoped3A_50 = arith.constant 2 : i32
      "tpu.region"() ({
        %run_scoped3A_54 = tpu.sem_alloc : memref<!tpu.dma_semaphore, #tpu.memory_space<semaphore_mem>>
        %dma_start3A = arith.constant 160 : i32
        %dma_start3A_55 = arith.constant 0 : i32
        %dma_start3A_56 = tpu.memref_slice %arg8[%dma_start3A, %dma_start3A_55] : memref<400x64xf32, #tpu.memory_space<vmem>> -> memref<80x64xf32, #tpu.memory_space<vmem>>
        %dma_start3A_57 = arith.constant 0 : i32
        %dma_start3A_58 = tpu.memref_slice %arg7[%run_scoped3A_50, %dma_start3A_57] : memref<5x80xi32, #tpu.memory_space<vmem>> -> memref<1x80xi32, #tpu.memory_space<vmem>>
        %dma_start3A_59 = tpu.memref_squeeze %dma_start3A_58 : memref<1x80xi32, #tpu.memory_space<vmem>> -> memref<80xi32, #tpu.memory_space<vmem>>
        %dma_start3A_60 = arith.constant 0 : i32
        %dma_start3A_61 = arith.constant 0 : i32
        %dma_start3A_62 = tpu.memref_slice %arg9[%dma_start3A_60, %dma_start3A_61] : memref<10240x64xf32, #tpu.memory_space<vmem_shared>> -> memref<10240x64xf32, #tpu.memory_space<vmem_shared>>
        tpu.enqueue_indirect_dma source(%dma_start3A_56 : memref<80x64xf32, #tpu.memory_space<vmem>>) target(%dma_start3A_62 : memref<10240x64xf32, #tpu.memory_space<vmem_shared>>) offsets(%dma_start3A_59 : memref<80xi32, #tpu.memory_space<vmem>>) semaphore(%run_scoped3A_54 : memref<!tpu.dma_semaphore, #tpu.memory_space<semaphore_mem>>) {add = true}
        %dma_wait3A = arith.constant 160 : i32
        %dma_wait3A_63 = arith.constant 0 : i32
        %dma_wait3A_64 = tpu.memref_slice %arg8[%dma_wait3A, %dma_wait3A_63] : memref<400x64xf32, #tpu.memory_space<vmem>> -> memref<80x64xf32, #tpu.memory_space<vmem>>
        %dma_wait3A_65 = arith.constant 0 : i32
        %dma_wait3A_66 = tpu.memref_slice %arg7[%run_scoped3A_50, %dma_wait3A_65] : memref<5x80xi32, #tpu.memory_space<vmem>> -> memref<1x80xi32, #tpu.memory_space<vmem>>
        %dma_wait3A_67 = tpu.memref_squeeze %dma_wait3A_66 : memref<1x80xi32, #tpu.memory_space<vmem>> -> memref<80xi32, #tpu.memory_space<vmem>>
        %dma_wait3A_68 = arith.constant 0 : i32
        %dma_wait3A_69 = arith.constant 0 : i32
        %dma_wait3A_70 = tpu.memref_slice %arg9[%dma_wait3A_68, %dma_wait3A_69] : memref<10240x64xf32, #tpu.memory_space<vmem_shared>> -> memref<10240x64xf32, #tpu.memory_space<vmem_shared>>
        tpu.wait_indirect_dma semaphore(%run_scoped3A_54 : memref<!tpu.dma_semaphore, #tpu.memory_space<semaphore_mem>>) src(%dma_wait3A_64 : memref<80x64xf32, #tpu.memory_space<vmem>>) dst(%dma_wait3A_70 : memref<10240x64xf32, #tpu.memory_space<vmem_shared>>)
        tpu.yield
      }) : () -> ()
      %run_scoped3A_51 = arith.constant 3 : i32
      "tpu.region"() ({
        %run_scoped3A_54 = tpu.sem_alloc : memref<!tpu.dma_semaphore, #tpu.memory_space<semaphore_mem>>
        %dma_start3A = arith.constant 240 : i32
        %dma_start3A_55 = arith.constant 0 : i32
        %dma_start3A_56 = tpu.memref_slice %arg8[%dma_start3A, %dma_start3A_55] : memref<400x64xf32, #tpu.memory_space<vmem>> -> memref<80x64xf32, #tpu.memory_space<vmem>>
        %dma_start3A_57 = arith.constant 0 : i32
        %dma_start3A_58 = tpu.memref_slice %arg7[%run_scoped3A_51, %dma_start3A_57] : memref<5x80xi32, #tpu.memory_space<vmem>> -> memref<1x80xi32, #tpu.memory_space<vmem>>
        %dma_start3A_59 = tpu.memref_squeeze %dma_start3A_58 : memref<1x80xi32, #tpu.memory_space<vmem>> -> memref<80xi32, #tpu.memory_space<vmem>>
        %dma_start3A_60 = arith.constant 0 : i32
        %dma_start3A_61 = arith.constant 0 : i32
        %dma_start3A_62 = tpu.memref_slice %arg9[%dma_start3A_60, %dma_start3A_61] : memref<10240x64xf32, #tpu.memory_space<vmem_shared>> -> memref<10240x64xf32, #tpu.memory_space<vmem_shared>>
        tpu.enqueue_indirect_dma source(%dma_start3A_56 : memref<80x64xf32, #tpu.memory_space<vmem>>) target(%dma_start3A_62 : memref<10240x64xf32, #tpu.memory_space<vmem_shared>>) offsets(%dma_start3A_59 : memref<80xi32, #tpu.memory_space<vmem>>) semaphore(%run_scoped3A_54 : memref<!tpu.dma_semaphore, #tpu.memory_space<semaphore_mem>>) {add = true}
        %dma_wait3A = arith.constant 240 : i32
        %dma_wait3A_63 = arith.constant 0 : i32
        %dma_wait3A_64 = tpu.memref_slice %arg8[%dma_wait3A, %dma_wait3A_63] : memref<400x64xf32, #tpu.memory_space<vmem>> -> memref<80x64xf32, #tpu.memory_space<vmem>>
        %dma_wait3A_65 = arith.constant 0 : i32
        %dma_wait3A_66 = tpu.memref_slice %arg7[%run_scoped3A_51, %dma_wait3A_65] : memref<5x80xi32, #tpu.memory_space<vmem>> -> memref<1x80xi32, #tpu.memory_space<vmem>>
        %dma_wait3A_67 = tpu.memref_squeeze %dma_wait3A_66 : memref<1x80xi32, #tpu.memory_space<vmem>> -> memref<80xi32, #tpu.memory_space<vmem>>
        %dma_wait3A_68 = arith.constant 0 : i32
        %dma_wait3A_69 = arith.constant 0 : i32
        %dma_wait3A_70 = tpu.memref_slice %arg9[%dma_wait3A_68, %dma_wait3A_69] : memref<10240x64xf32, #tpu.memory_space<vmem_shared>> -> memref<10240x64xf32, #tpu.memory_space<vmem_shared>>
        tpu.wait_indirect_dma semaphore(%run_scoped3A_54 : memref<!tpu.dma_semaphore, #tpu.memory_space<semaphore_mem>>) src(%dma_wait3A_64 : memref<80x64xf32, #tpu.memory_space<vmem>>) dst(%dma_wait3A_70 : memref<10240x64xf32, #tpu.memory_space<vmem_shared>>)
        tpu.yield
      }) : () -> ()
      %run_scoped3A_52 = arith.constant 4 : i32
      "tpu.region"() ({
        %run_scoped3A_54 = tpu.sem_alloc : memref<!tpu.dma_semaphore, #tpu.memory_space<semaphore_mem>>
        %dma_start3A = arith.constant 320 : i32
        %dma_start3A_55 = arith.constant 0 : i32
        %dma_start3A_56 = tpu.memref_slice %arg8[%dma_start3A, %dma_start3A_55] : memref<400x64xf32, #tpu.memory_space<vmem>> -> memref<80x64xf32, #tpu.memory_space<vmem>>
        %dma_start3A_57 = arith.constant 0 : i32
        %dma_start3A_58 = tpu.memref_slice %arg7[%run_scoped3A_52, %dma_start3A_57] : memref<5x80xi32, #tpu.memory_space<vmem>> -> memref<1x80xi32, #tpu.memory_space<vmem>>
        %dma_start3A_59 = tpu.memref_squeeze %dma_start3A_58 : memref<1x80xi32, #tpu.memory_space<vmem>> -> memref<80xi32, #tpu.memory_space<vmem>>
        %dma_start3A_60 = arith.constant 0 : i32
        %dma_start3A_61 = arith.constant 0 : i32
        %dma_start3A_62 = tpu.memref_slice %arg9[%dma_start3A_60, %dma_start3A_61] : memref<10240x64xf32, #tpu.memory_space<vmem_shared>> -> memref<10240x64xf32, #tpu.memory_space<vmem_shared>>
        tpu.enqueue_indirect_dma source(%dma_start3A_56 : memref<80x64xf32, #tpu.memory_space<vmem>>) target(%dma_start3A_62 : memref<10240x64xf32, #tpu.memory_space<vmem_shared>>) offsets(%dma_start3A_59 : memref<80xi32, #tpu.memory_space<vmem>>) semaphore(%run_scoped3A_54 : memref<!tpu.dma_semaphore, #tpu.memory_space<semaphore_mem>>) {add = true}
        %dma_wait3A = arith.constant 320 : i32
        %dma_wait3A_63 = arith.constant 0 : i32
        %dma_wait3A_64 = tpu.memref_slice %arg8[%dma_wait3A, %dma_wait3A_63] : memref<400x64xf32, #tpu.memory_space<vmem>> -> memref<80x64xf32, #tpu.memory_space<vmem>>
        %dma_wait3A_65 = arith.constant 0 : i32
        %dma_wait3A_66 = tpu.memref_slice %arg7[%run_scoped3A_52, %dma_wait3A_65] : memref<5x80xi32, #tpu.memory_space<vmem>> -> memref<1x80xi32, #tpu.memory_space<vmem>>
        %dma_wait3A_67 = tpu.memref_squeeze %dma_wait3A_66 : memref<1x80xi32, #tpu.memory_space<vmem>> -> memref<80xi32, #tpu.memory_space<vmem>>
        %dma_wait3A_68 = arith.constant 0 : i32
        %dma_wait3A_69 = arith.constant 0 : i32
        %dma_wait3A_70 = tpu.memref_slice %arg9[%dma_wait3A_68, %dma_wait3A_69] : memref<10240x64xf32, #tpu.memory_space<vmem_shared>> -> memref<10240x64xf32, #tpu.memory_space<vmem_shared>>
        tpu.wait_indirect_dma semaphore(%run_scoped3A_54 : memref<!tpu.dma_semaphore, #tpu.memory_space<semaphore_mem>>) src(%dma_wait3A_64 : memref<80x64xf32, #tpu.memory_space<vmem>>) dst(%dma_wait3A_70 : memref<10240x64xf32, #tpu.memory_space<vmem_shared>>)
        tpu.yield
      }) : () -> ()
      %scan3A_53 = arith.constant 0 : i32
      scf.yield %scan3A_53 : i32
    }
    %scan3A_7 = arith.constant 50 : i32
    %barrier3A_8 = arith.constant 0 : index
    tpu.barrier barrier_id(%barrier3A_8)
    "tpu.region"() ({
      %run_scoped3A = tpu.sem_alloc : memref<!tpu.dma_semaphore, #tpu.memory_space<semaphore_mem>>
      %dma_start3A = arith.constant 0 : i32
      %dma_start3A_19 = tpu.memref_slice %arg9[%mul3A_0, %dma_start3A] : memref<10240x64xf32, #tpu.memory_space<vmem_shared>> -> memref<400x64xf32, #tpu.memory_space<vmem_shared>>
      %dma_start3A_20 = arith.constant 0 : i32
      %dma_start3A_21 = tpu.memref_slice %arg9[%mul3A_0, %dma_start3A_20] : memref<10240x64xf32, #tpu.memory_space<vmem_shared>> -> memref<400x64xf32, #tpu.memory_space<vmem_shared>>
      tpu.enqueue_dma source(%dma_start3A_21 : memref<400x64xf32, #tpu.memory_space<vmem_shared>>) target(%arg8 : memref<400x64xf32, #tpu.memory_space<vmem>>) target_semaphore(%run_scoped3A : memref<!tpu.dma_semaphore, #tpu.memory_space<semaphore_mem>>)
      %dma_wait3A = arith.constant 0 : i32
      %dma_wait3A_22 = tpu.memref_slice %arg9[%mul3A_0, %dma_wait3A] : memref<10240x64xf32, #tpu.memory_space<vmem_shared>> -> memref<400x64xf32, #tpu.memory_space<vmem_shared>>
      %dma_wait3A_23 = arith.constant 0 : i32
      %dma_wait3A_24 = tpu.memref_slice %arg9[%mul3A_0, %dma_wait3A_23] : memref<10240x64xf32, #tpu.memory_space<vmem_shared>> -> memref<400x64xf32, #tpu.memory_space<vmem_shared>>
      tpu.wait_dma2 semaphore(%run_scoped3A : memref<!tpu.dma_semaphore, #tpu.memory_space<semaphore_mem>>) src(%dma_wait3A_24 : memref<400x64xf32, #tpu.memory_space<vmem_shared>>) dst(%arg8 : memref<400x64xf32, #tpu.memory_space<vmem>>)
      tpu.yield
    }) : () -> ()
    %mul3A_9 = arith.constant 10240 : i32
    %mul3A_10 = arith.muli %arg0, %mul3A_9 : i32
    %add3A_11 = arith.addi %mul3A_10, %mul3A_0 : i32
    "tpu.region"() ({
      %run_scoped3A = tpu.sem_alloc : memref<!tpu.dma_semaphore, #tpu.memory_space<semaphore_mem>>
      %dma_start3A = arith.constant 0 : i32
      %dma_start3A_19 = tpu.memref_slice %arg6[%add3A_11, %dma_start3A] : memref<20480x64xf32, #tpu.memory_space<hbm>> -> memref<400x64xf32, #tpu.memory_space<hbm>>
      %dma_start3A_20 = arith.constant 0 : i32
      %dma_start3A_21 = tpu.memref_slice %arg6[%add3A_11, %dma_start3A_20] : memref<20480x64xf32, #tpu.memory_space<hbm>> -> memref<400x64xf32, #tpu.memory_space<hbm>>
      tpu.enqueue_dma source(%arg8 : memref<400x64xf32, #tpu.memory_space<vmem>>) target(%dma_start3A_21 : memref<400x64xf32, #tpu.memory_space<hbm>>) target_semaphore(%run_scoped3A : memref<!tpu.dma_semaphore, #tpu.memory_space<semaphore_mem>>)
      %dma_wait3A = arith.constant 0 : i32
      %dma_wait3A_22 = tpu.memref_slice %arg6[%add3A_11, %dma_wait3A] : memref<20480x64xf32, #tpu.memory_space<hbm>> -> memref<400x64xf32, #tpu.memory_space<hbm>>
      %dma_wait3A_23 = arith.constant 0 : i32
      %dma_wait3A_24 = tpu.memref_slice %arg6[%add3A_11, %dma_wait3A_23] : memref<20480x64xf32, #tpu.memory_space<hbm>> -> memref<400x64xf32, #tpu.memory_space<hbm>>
      tpu.wait_dma2 semaphore(%run_scoped3A : memref<!tpu.dma_semaphore, #tpu.memory_space<semaphore_mem>>) src(%arg8 : memref<400x64xf32, #tpu.memory_space<vmem>>) dst(%dma_wait3A_24 : memref<400x64xf32, #tpu.memory_space<hbm>>)
      tpu.yield
    }) : () -> ()
    %add3A_12 = arith.constant 400 : i32
    %add3A_13 = arith.addi %mul3A_0, %add3A_12 : i32
    "tpu.region"() ({
      %run_scoped3A = tpu.sem_alloc : memref<!tpu.dma_semaphore, #tpu.memory_space<semaphore_mem>>
      %dma_start3A = arith.constant 0 : i32
      %dma_start3A_19 = arith.constant 0 : i32
      %dma_start3A_20 = tpu.memref_slice %arg8[%dma_start3A, %dma_start3A_19] : memref<400x64xf32, #tpu.memory_space<vmem>> -> memref<240x64xf32, #tpu.memory_space<vmem>>
      %dma_start3A_21 = arith.constant 0 : i32
      %dma_start3A_22 = tpu.memref_slice %arg9[%add3A_13, %dma_start3A_21] : memref<10240x64xf32, #tpu.memory_space<vmem_shared>> -> memref<240x64xf32, #tpu.memory_space<vmem_shared>>
      %dma_start3A_23 = arith.constant 0 : i32
      %dma_start3A_24 = arith.constant 0 : i32
      %dma_start3A_25 = tpu.memref_slice %arg8[%dma_start3A_23, %dma_start3A_24] : memref<400x64xf32, #tpu.memory_space<vmem>> -> memref<240x64xf32, #tpu.memory_space<vmem>>
      %dma_start3A_26 = arith.constant 0 : i32
      %dma_start3A_27 = tpu.memref_slice %arg9[%add3A_13, %dma_start3A_26] : memref<10240x64xf32, #tpu.memory_space<vmem_shared>> -> memref<240x64xf32, #tpu.memory_space<vmem_shared>>
      tpu.enqueue_dma source(%dma_start3A_27 : memref<240x64xf32, #tpu.memory_space<vmem_shared>>) target(%dma_start3A_25 : memref<240x64xf32, #tpu.memory_space<vmem>>) target_semaphore(%run_scoped3A : memref<!tpu.dma_semaphore, #tpu.memory_space<semaphore_mem>>)
      %dma_wait3A = arith.constant 0 : i32
      %dma_wait3A_28 = arith.constant 0 : i32
      %dma_wait3A_29 = tpu.memref_slice %arg8[%dma_wait3A, %dma_wait3A_28] : memref<400x64xf32, #tpu.memory_space<vmem>> -> memref<240x64xf32, #tpu.memory_space<vmem>>
      %dma_wait3A_30 = arith.constant 0 : i32
      %dma_wait3A_31 = tpu.memref_slice %arg9[%add3A_13, %dma_wait3A_30] : memref<10240x64xf32, #tpu.memory_space<vmem_shared>> -> memref<240x64xf32, #tpu.memory_space<vmem_shared>>
      %dma_wait3A_32 = arith.constant 0 : i32
      %dma_wait3A_33 = arith.constant 0 : i32
      %dma_wait3A_34 = tpu.memref_slice %arg8[%dma_wait3A_32, %dma_wait3A_33] : memref<400x64xf32, #tpu.memory_space<vmem>> -> memref<240x64xf32, #tpu.memory_space<vmem>>
      %dma_wait3A_35 = arith.constant 0 : i32
      %dma_wait3A_36 = tpu.memref_slice %arg9[%add3A_13, %dma_wait3A_35] : memref<10240x64xf32, #tpu.memory_space<vmem_shared>> -> memref<240x64xf32, #tpu.memory_space<vmem_shared>>
      tpu.wait_dma2 semaphore(%run_scoped3A : memref<!tpu.dma_semaphore, #tpu.memory_space<semaphore_mem>>) src(%dma_wait3A_36 : memref<240x64xf32, #tpu.memory_space<vmem_shared>>) dst(%dma_wait3A_34 : memref<240x64xf32, #tpu.memory_space<vmem>>)
      tpu.yield
    }) : () -> ()
    %mul3A_14 = arith.constant 10240 : i32
    %mul3A_15 = arith.muli %arg0, %mul3A_14 : i32
    %add3A_16 = arith.addi %mul3A_15, %mul3A_0 : i32
    %add3A_17 = arith.constant 400 : i32
    %add3A_18 = arith.addi %add3A_16, %add3A_17 : i32
    "tpu.region"() ({
      %run_scoped3A = tpu.sem_alloc : memref<!tpu.dma_semaphore, #tpu.memory_space<semaphore_mem>>
      %dma_start3A = arith.constant 0 : i32
      %dma_start3A_19 = arith.constant 0 : i32
      %dma_start3A_20 = tpu.memref_slice %arg8[%dma_start3A, %dma_start3A_19] : memref<400x64xf32, #tpu.memory_space<vmem>> -> memref<240x64xf32, #tpu.memory_space<vmem>>
      %dma_start3A_21 = arith.constant 0 : i32
      %dma_start3A_22 = tpu.memref_slice %arg6[%add3A_18, %dma_start3A_21] : memref<20480x64xf32, #tpu.memory_space<hbm>> -> memref<240x64xf32, #tpu.memory_space<hbm>>
      %dma_start3A_23 = arith.constant 0 : i32
      %dma_start3A_24 = tpu.memref_slice %arg6[%add3A_18, %dma_start3A_23] : memref<20480x64xf32, #tpu.memory_space<hbm>> -> memref<240x64xf32, #tpu.memory_space<hbm>>
      %dma_start3A_25 = arith.constant 0 : i32
      %dma_start3A_26 = arith.constant 0 : i32
      %dma_start3A_27 = tpu.memref_slice %arg8[%dma_start3A_25, %dma_start3A_26] : memref<400x64xf32, #tpu.memory_space<vmem>> -> memref<240x64xf32, #tpu.memory_space<vmem>>
      tpu.enqueue_dma source(%dma_start3A_27 : memref<240x64xf32, #tpu.memory_space<vmem>>) target(%dma_start3A_24 : memref<240x64xf32, #tpu.memory_space<hbm>>) target_semaphore(%run_scoped3A : memref<!tpu.dma_semaphore, #tpu.memory_space<semaphore_mem>>)
      %dma_wait3A = arith.constant 0 : i32
      %dma_wait3A_28 = arith.constant 0 : i32
      %dma_wait3A_29 = tpu.memref_slice %arg8[%dma_wait3A, %dma_wait3A_28] : memref<400x64xf32, #tpu.memory_space<vmem>> -> memref<240x64xf32, #tpu.memory_space<vmem>>
      %dma_wait3A_30 = arith.constant 0 : i32
      %dma_wait3A_31 = tpu.memref_slice %arg6[%add3A_18, %dma_wait3A_30] : memref<20480x64xf32, #tpu.memory_space<hbm>> -> memref<240x64xf32, #tpu.memory_space<hbm>>
      %dma_wait3A_32 = arith.constant 0 : i32
      %dma_wait3A_33 = tpu.memref_slice %arg6[%add3A_18, %dma_wait3A_32] : memref<20480x64xf32, #tpu.memory_space<hbm>> -> memref<240x64xf32, #tpu.memory_space<hbm>>
      %dma_wait3A_34 = arith.constant 0 : i32
      %dma_wait3A_35 = arith.constant 0 : i32
      %dma_wait3A_36 = tpu.memref_slice %arg8[%dma_wait3A_34, %dma_wait3A_35] : memref<400x64xf32, #tpu.memory_space<vmem>> -> memref<240x64xf32, #tpu.memory_space<vmem>>
      tpu.wait_dma2 semaphore(%run_scoped3A : memref<!tpu.dma_semaphore, #tpu.memory_space<semaphore_mem>>) src(%dma_wait3A_36 : memref<240x64xf32, #tpu.memory_space<vmem>>) dst(%dma_wait3A_33 : memref<240x64xf32, #tpu.memory_space<hbm>>)
      tpu.yield
    }) : () -> ()
    return
  }
}

#map = affine_map<(d0, d1) -> (0, 0)>
module attributes {stable_mosaic.version = 14 : i64} {
  func.func @_gather2_kernel(%arg0: i32, %arg1: i32, %arg2: memref<10240x128xf32, #tpu.memory_space<hbm>>, %arg3: memref<4000x80xi32, #tpu.memory_space<hbm>>, %arg4: memref<4000x80xi32, #tpu.memory_space<hbm>>, %arg5: memref<320000x128xf32, #tpu.memory_space<hbm>>, %arg6: memref<320000x128xf32, #tpu.memory_space<hbm>>, %arg7: memref<5x80xi32, #tpu.memory_space<vmem>>, %arg8: memref<5x80xi32, #tpu.memory_space<vmem>>, %arg9: memref<400x128xf32, #tpu.memory_space<vmem>>, %arg10: memref<400x128xf32, #tpu.memory_space<vmem>>, %arg11: memref<!tpu.dma_semaphore, #tpu.memory_space<semaphore_mem>>, %arg12: memref<!tpu.dma_semaphore, #tpu.memory_space<semaphore_mem>>) attributes {dimension_semantics = [#tpu.dimension_semantics<core_parallel>, #tpu.dimension_semantics<subcore_parallel>], iteration_bounds = array<i64: 2, 16>, scalar_prefetch = 0 : i64, scratch_operands = 6 : i64, tpu.core_type = #tpu.core_type<sc_vector_subcore>, window_params = [{transform_indices = #map}, {transform_indices = #map}, {transform_indices = #map}, {transform_indices = #map}, {transform_indices = #map}]} {
    %mul3A = arith.constant 2 : i32
    %mul3A_0 = arith.muli %arg1, %mul3A : i32
    %add3A = arith.addi %mul3A_0, %arg0 : i32
    %scan3A = arith.constant 0 : i32
    %scan3A_1 = arith.constant 0 : i32
    %scan3A_2 = arith.constant 25 : i32
    %scan3A_3 = arith.addi %scan3A_1, %scan3A_2 : i32
    %scan3A_4 = arith.constant 1 : i32
    %scan3A_5 = scf.for %scan3A_7 = %scan3A_1 to %scan3A_3 step %scan3A_4 iter_args(%scan3A_8 = %scan3A) -> (i32)  : i32 {
      %mul3A_9 = arith.constant 10000 : i32
      %mul3A_10 = arith.muli %add3A, %mul3A_9 : i32
      %mul3A_11 = arith.constant 400 : i32
      %mul3A_12 = arith.muli %scan3A_7, %mul3A_11 : i32
      %add3A_13 = arith.addi %mul3A_10, %mul3A_12 : i32
      %jit3A = arith.constant 80 : i32
      %div3A = arith.divsi %add3A_13, %jit3A : i32
      %sign3A = arith.constant 0 : i32
      %sign3A_14 = arith.cmpi sgt, %add3A_13, %sign3A : i32
      %sign3A_15 = arith.extui %sign3A_14 : i1 to i32
      %sign3A_16 = arith.constant 0 : i32
      %sign3A_17 = arith.cmpi slt, %add3A_13, %sign3A_16 : i32
      %sign3A_18 = arith.extui %sign3A_17 : i1 to i32
      %sign3A_19 = arith.subi %sign3A_15, %sign3A_18 : i32
      %sign3A_20 = arith.constant 0 : i32
      %sign3A_21 = arith.cmpi sgt, %jit3A, %sign3A_20 : i32
      %sign3A_22 = arith.extui %sign3A_21 : i1 to i32
      %sign3A_23 = arith.constant 0 : i32
      %sign3A_24 = arith.cmpi slt, %jit3A, %sign3A_23 : i32
      %sign3A_25 = arith.extui %sign3A_24 : i1 to i32
      %sign3A_26 = arith.subi %sign3A_22, %sign3A_25 : i32
      %ne3A = arith.cmpi ne, %sign3A_19, %sign3A_26 : i32
      %rem3A = arith.remsi %add3A_13, %jit3A : i32
      %ne3A_27 = arith.constant 0 : i32
      %ne3A_28 = arith.cmpi ne, %rem3A, %ne3A_27 : i32
      %and3A = arith.andi %ne3A, %ne3A_28 : i1
      %sub3A = arith.constant 1 : i32
      %sub3A_29 = arith.subi %div3A, %sub3A : i32
      %select_n3A = arith.select %and3A, %sub3A_29, %div3A : i32
      "tpu.region"() ({
        %run_scoped3A = tpu.sem_alloc : memref<!tpu.dma_semaphore, #tpu.memory_space<semaphore_mem>>
        %dma_start3A_229 = arith.constant 0 : i32
        %dma_start3A_230 = tpu.memref_slice %arg3[%select_n3A, %dma_start3A_229] : memref<4000x80xi32, #tpu.memory_space<hbm>> -> memref<5x80xi32, #tpu.memory_space<hbm>>
        %dma_start3A_231 = arith.constant 0 : i32
        %dma_start3A_232 = tpu.memref_slice %arg3[%select_n3A, %dma_start3A_231] : memref<4000x80xi32, #tpu.memory_space<hbm>> -> memref<5x80xi32, #tpu.memory_space<hbm>>
        tpu.enqueue_dma source(%dma_start3A_232 : memref<5x80xi32, #tpu.memory_space<hbm>>) target(%arg7 : memref<5x80xi32, #tpu.memory_space<vmem>>) target_semaphore(%run_scoped3A : memref<!tpu.dma_semaphore, #tpu.memory_space<semaphore_mem>>)
        %dma_wait3A_233 = arith.constant 0 : i32
        %dma_wait3A_234 = tpu.memref_slice %arg3[%select_n3A, %dma_wait3A_233] : memref<4000x80xi32, #tpu.memory_space<hbm>> -> memref<5x80xi32, #tpu.memory_space<hbm>>
        %dma_wait3A_235 = arith.constant 0 : i32
        %dma_wait3A_236 = tpu.memref_slice %arg3[%select_n3A, %dma_wait3A_235] : memref<4000x80xi32, #tpu.memory_space<hbm>> -> memref<5x80xi32, #tpu.memory_space<hbm>>
        tpu.wait_dma2 semaphore(%run_scoped3A : memref<!tpu.dma_semaphore, #tpu.memory_space<semaphore_mem>>) src(%dma_wait3A_236 : memref<5x80xi32, #tpu.memory_space<hbm>>) dst(%arg7 : memref<5x80xi32, #tpu.memory_space<vmem>>)
        tpu.yield
      }) : () -> ()
      "tpu.region"() ({
        %run_scoped3A = tpu.sem_alloc : memref<!tpu.dma_semaphore, #tpu.memory_space<semaphore_mem>>
        %dma_start3A_229 = arith.constant 0 : i32
        %dma_start3A_230 = tpu.memref_slice %arg4[%select_n3A, %dma_start3A_229] : memref<4000x80xi32, #tpu.memory_space<hbm>> -> memref<5x80xi32, #tpu.memory_space<hbm>>
        %dma_start3A_231 = arith.constant 0 : i32
        %dma_start3A_232 = tpu.memref_slice %arg4[%select_n3A, %dma_start3A_231] : memref<4000x80xi32, #tpu.memory_space<hbm>> -> memref<5x80xi32, #tpu.memory_space<hbm>>
        tpu.enqueue_dma source(%dma_start3A_232 : memref<5x80xi32, #tpu.memory_space<hbm>>) target(%arg8 : memref<5x80xi32, #tpu.memory_space<vmem>>) target_semaphore(%run_scoped3A : memref<!tpu.dma_semaphore, #tpu.memory_space<semaphore_mem>>)
        %dma_wait3A_233 = arith.constant 0 : i32
        %dma_wait3A_234 = tpu.memref_slice %arg4[%select_n3A, %dma_wait3A_233] : memref<4000x80xi32, #tpu.memory_space<hbm>> -> memref<5x80xi32, #tpu.memory_space<hbm>>
        %dma_wait3A_235 = arith.constant 0 : i32
        %dma_wait3A_236 = tpu.memref_slice %arg4[%select_n3A, %dma_wait3A_235] : memref<4000x80xi32, #tpu.memory_space<hbm>> -> memref<5x80xi32, #tpu.memory_space<hbm>>
        tpu.wait_dma2 semaphore(%run_scoped3A : memref<!tpu.dma_semaphore, #tpu.memory_space<semaphore_mem>>) src(%dma_wait3A_236 : memref<5x80xi32, #tpu.memory_space<hbm>>) dst(%arg8 : memref<5x80xi32, #tpu.memory_space<vmem>>)
        tpu.yield
      }) : () -> ()
      %dma_start3A = arith.constant 0 : i32
      %dma_start3A_30 = arith.constant 0 : i32
      %dma_start3A_31 = arith.constant 0 : i32
      %dma_start3A_32 = tpu.memref_slice %arg9[%dma_start3A_30, %dma_start3A_31] : memref<400x128xf32, #tpu.memory_space<vmem>> -> memref<80x128xf32, #tpu.memory_space<vmem>>
      %dma_start3A_33 = arith.constant 0 : i32
      %dma_start3A_34 = tpu.memref_slice %arg7[%dma_start3A, %dma_start3A_33] : memref<5x80xi32, #tpu.memory_space<vmem>> -> memref<1x80xi32, #tpu.memory_space<vmem>>
      %dma_start3A_35 = tpu.memref_squeeze %dma_start3A_34 : memref<1x80xi32, #tpu.memory_space<vmem>> -> memref<80xi32, #tpu.memory_space<vmem>>
      %dma_start3A_36 = arith.constant 0 : i32
      %dma_start3A_37 = arith.constant 0 : i32
      %dma_start3A_38 = tpu.memref_slice %arg2[%dma_start3A_36, %dma_start3A_37] : memref<10240x128xf32, #tpu.memory_space<hbm>> -> memref<10240x128xf32, #tpu.memory_space<hbm>>
      tpu.enqueue_indirect_dma source(%dma_start3A_38 : memref<10240x128xf32, #tpu.memory_space<hbm>>) target(%dma_start3A_32 : memref<80x128xf32, #tpu.memory_space<vmem>>) offsets(%dma_start3A_35 : memref<80xi32, #tpu.memory_space<vmem>>) semaphore(%arg11 : memref<!tpu.dma_semaphore, #tpu.memory_space<semaphore_mem>>)
      %dma_start3A_39 = arith.constant 0 : i32
      %dma_start3A_40 = arith.constant 0 : i32
      %dma_start3A_41 = arith.constant 0 : i32
      %dma_start3A_42 = tpu.memref_slice %arg10[%dma_start3A_40, %dma_start3A_41] : memref<400x128xf32, #tpu.memory_space<vmem>> -> memref<80x128xf32, #tpu.memory_space<vmem>>
      %dma_start3A_43 = arith.constant 0 : i32
      %dma_start3A_44 = tpu.memref_slice %arg8[%dma_start3A_39, %dma_start3A_43] : memref<5x80xi32, #tpu.memory_space<vmem>> -> memref<1x80xi32, #tpu.memory_space<vmem>>
      %dma_start3A_45 = tpu.memref_squeeze %dma_start3A_44 : memref<1x80xi32, #tpu.memory_space<vmem>> -> memref<80xi32, #tpu.memory_space<vmem>>
      %dma_start3A_46 = arith.constant 0 : i32
      %dma_start3A_47 = arith.constant 0 : i32
      %dma_start3A_48 = tpu.memref_slice %arg2[%dma_start3A_46, %dma_start3A_47] : memref<10240x128xf32, #tpu.memory_space<hbm>> -> memref<10240x128xf32, #tpu.memory_space<hbm>>
      tpu.enqueue_indirect_dma source(%dma_start3A_48 : memref<10240x128xf32, #tpu.memory_space<hbm>>) target(%dma_start3A_42 : memref<80x128xf32, #tpu.memory_space<vmem>>) offsets(%dma_start3A_45 : memref<80xi32, #tpu.memory_space<vmem>>) semaphore(%arg12 : memref<!tpu.dma_semaphore, #tpu.memory_space<semaphore_mem>>)
      %dma_start3A_49 = arith.constant 1 : i32
      %dma_start3A_50 = arith.constant 80 : i32
      %dma_start3A_51 = arith.constant 0 : i32
      %dma_start3A_52 = tpu.memref_slice %arg9[%dma_start3A_50, %dma_start3A_51] : memref<400x128xf32, #tpu.memory_space<vmem>> -> memref<80x128xf32, #tpu.memory_space<vmem>>
      %dma_start3A_53 = arith.constant 0 : i32
      %dma_start3A_54 = tpu.memref_slice %arg7[%dma_start3A_49, %dma_start3A_53] : memref<5x80xi32, #tpu.memory_space<vmem>> -> memref<1x80xi32, #tpu.memory_space<vmem>>
      %dma_start3A_55 = tpu.memref_squeeze %dma_start3A_54 : memref<1x80xi32, #tpu.memory_space<vmem>> -> memref<80xi32, #tpu.memory_space<vmem>>
      %dma_start3A_56 = arith.constant 0 : i32
      %dma_start3A_57 = arith.constant 0 : i32
      %dma_start3A_58 = tpu.memref_slice %arg2[%dma_start3A_56, %dma_start3A_57] : memref<10240x128xf32, #tpu.memory_space<hbm>> -> memref<10240x128xf32, #tpu.memory_space<hbm>>
      tpu.enqueue_indirect_dma source(%dma_start3A_58 : memref<10240x128xf32, #tpu.memory_space<hbm>>) target(%dma_start3A_52 : memref<80x128xf32, #tpu.memory_space<vmem>>) offsets(%dma_start3A_55 : memref<80xi32, #tpu.memory_space<vmem>>) semaphore(%arg11 : memref<!tpu.dma_semaphore, #tpu.memory_space<semaphore_mem>>)
      %dma_start3A_59 = arith.constant 1 : i32
      %dma_start3A_60 = arith.constant 80 : i32
      %dma_start3A_61 = arith.constant 0 : i32
      %dma_start3A_62 = tpu.memref_slice %arg10[%dma_start3A_60, %dma_start3A_61] : memref<400x128xf32, #tpu.memory_space<vmem>> -> memref<80x128xf32, #tpu.memory_space<vmem>>
      %dma_start3A_63 = arith.constant 0 : i32
      %dma_start3A_64 = tpu.memref_slice %arg8[%dma_start3A_59, %dma_start3A_63] : memref<5x80xi32, #tpu.memory_space<vmem>> -> memref<1x80xi32, #tpu.memory_space<vmem>>
      %dma_start3A_65 = tpu.memref_squeeze %dma_start3A_64 : memref<1x80xi32, #tpu.memory_space<vmem>> -> memref<80xi32, #tpu.memory_space<vmem>>
      %dma_start3A_66 = arith.constant 0 : i32
      %dma_start3A_67 = arith.constant 0 : i32
      %dma_start3A_68 = tpu.memref_slice %arg2[%dma_start3A_66, %dma_start3A_67] : memref<10240x128xf32, #tpu.memory_space<hbm>> -> memref<10240x128xf32, #tpu.memory_space<hbm>>
      tpu.enqueue_indirect_dma source(%dma_start3A_68 : memref<10240x128xf32, #tpu.memory_space<hbm>>) target(%dma_start3A_62 : memref<80x128xf32, #tpu.memory_space<vmem>>) offsets(%dma_start3A_65 : memref<80xi32, #tpu.memory_space<vmem>>) semaphore(%arg12 : memref<!tpu.dma_semaphore, #tpu.memory_space<semaphore_mem>>)
      %dma_start3A_69 = arith.constant 2 : i32
      %dma_start3A_70 = arith.constant 160 : i32
      %dma_start3A_71 = arith.constant 0 : i32
      %dma_start3A_72 = tpu.memref_slice %arg9[%dma_start3A_70, %dma_start3A_71] : memref<400x128xf32, #tpu.memory_space<vmem>> -> memref<80x128xf32, #tpu.memory_space<vmem>>
      %dma_start3A_73 = arith.constant 0 : i32
      %dma_start3A_74 = tpu.memref_slice %arg7[%dma_start3A_69, %dma_start3A_73] : memref<5x80xi32, #tpu.memory_space<vmem>> -> memref<1x80xi32, #tpu.memory_space<vmem>>
      %dma_start3A_75 = tpu.memref_squeeze %dma_start3A_74 : memref<1x80xi32, #tpu.memory_space<vmem>> -> memref<80xi32, #tpu.memory_space<vmem>>
      %dma_start3A_76 = arith.constant 0 : i32
      %dma_start3A_77 = arith.constant 0 : i32
      %dma_start3A_78 = tpu.memref_slice %arg2[%dma_start3A_76, %dma_start3A_77] : memref<10240x128xf32, #tpu.memory_space<hbm>> -> memref<10240x128xf32, #tpu.memory_space<hbm>>
      tpu.enqueue_indirect_dma source(%dma_start3A_78 : memref<10240x128xf32, #tpu.memory_space<hbm>>) target(%dma_start3A_72 : memref<80x128xf32, #tpu.memory_space<vmem>>) offsets(%dma_start3A_75 : memref<80xi32, #tpu.memory_space<vmem>>) semaphore(%arg11 : memref<!tpu.dma_semaphore, #tpu.memory_space<semaphore_mem>>)
      %dma_start3A_79 = arith.constant 2 : i32
      %dma_start3A_80 = arith.constant 160 : i32
      %dma_start3A_81 = arith.constant 0 : i32
      %dma_start3A_82 = tpu.memref_slice %arg10[%dma_start3A_80, %dma_start3A_81] : memref<400x128xf32, #tpu.memory_space<vmem>> -> memref<80x128xf32, #tpu.memory_space<vmem>>
      %dma_start3A_83 = arith.constant 0 : i32
      %dma_start3A_84 = tpu.memref_slice %arg8[%dma_start3A_79, %dma_start3A_83] : memref<5x80xi32, #tpu.memory_space<vmem>> -> memref<1x80xi32, #tpu.memory_space<vmem>>
      %dma_start3A_85 = tpu.memref_squeeze %dma_start3A_84 : memref<1x80xi32, #tpu.memory_space<vmem>> -> memref<80xi32, #tpu.memory_space<vmem>>
      %dma_start3A_86 = arith.constant 0 : i32
      %dma_start3A_87 = arith.constant 0 : i32
      %dma_start3A_88 = tpu.memref_slice %arg2[%dma_start3A_86, %dma_start3A_87] : memref<10240x128xf32, #tpu.memory_space<hbm>> -> memref<10240x128xf32, #tpu.memory_space<hbm>>
      tpu.enqueue_indirect_dma source(%dma_start3A_88 : memref<10240x128xf32, #tpu.memory_space<hbm>>) target(%dma_start3A_82 : memref<80x128xf32, #tpu.memory_space<vmem>>) offsets(%dma_start3A_85 : memref<80xi32, #tpu.memory_space<vmem>>) semaphore(%arg12 : memref<!tpu.dma_semaphore, #tpu.memory_space<semaphore_mem>>)
      %dma_start3A_89 = arith.constant 3 : i32
      %dma_start3A_90 = arith.constant 240 : i32
      %dma_start3A_91 = arith.constant 0 : i32
      %dma_start3A_92 = tpu.memref_slice %arg9[%dma_start3A_90, %dma_start3A_91] : memref<400x128xf32, #tpu.memory_space<vmem>> -> memref<80x128xf32, #tpu.memory_space<vmem>>
      %dma_start3A_93 = arith.constant 0 : i32
      %dma_start3A_94 = tpu.memref_slice %arg7[%dma_start3A_89, %dma_start3A_93] : memref<5x80xi32, #tpu.memory_space<vmem>> -> memref<1x80xi32, #tpu.memory_space<vmem>>
      %dma_start3A_95 = tpu.memref_squeeze %dma_start3A_94 : memref<1x80xi32, #tpu.memory_space<vmem>> -> memref<80xi32, #tpu.memory_space<vmem>>
      %dma_start3A_96 = arith.constant 0 : i32
      %dma_start3A_97 = arith.constant 0 : i32
      %dma_start3A_98 = tpu.memref_slice %arg2[%dma_start3A_96, %dma_start3A_97] : memref<10240x128xf32, #tpu.memory_space<hbm>> -> memref<10240x128xf32, #tpu.memory_space<hbm>>
      tpu.enqueue_indirect_dma source(%dma_start3A_98 : memref<10240x128xf32, #tpu.memory_space<hbm>>) target(%dma_start3A_92 : memref<80x128xf32, #tpu.memory_space<vmem>>) offsets(%dma_start3A_95 : memref<80xi32, #tpu.memory_space<vmem>>) semaphore(%arg11 : memref<!tpu.dma_semaphore, #tpu.memory_space<semaphore_mem>>)
      %dma_start3A_99 = arith.constant 3 : i32
      %dma_start3A_100 = arith.constant 240 : i32
      %dma_start3A_101 = arith.constant 0 : i32
      %dma_start3A_102 = tpu.memref_slice %arg10[%dma_start3A_100, %dma_start3A_101] : memref<400x128xf32, #tpu.memory_space<vmem>> -> memref<80x128xf32, #tpu.memory_space<vmem>>
      %dma_start3A_103 = arith.constant 0 : i32
      %dma_start3A_104 = tpu.memref_slice %arg8[%dma_start3A_99, %dma_start3A_103] : memref<5x80xi32, #tpu.memory_space<vmem>> -> memref<1x80xi32, #tpu.memory_space<vmem>>
      %dma_start3A_105 = tpu.memref_squeeze %dma_start3A_104 : memref<1x80xi32, #tpu.memory_space<vmem>> -> memref<80xi32, #tpu.memory_space<vmem>>
      %dma_start3A_106 = arith.constant 0 : i32
      %dma_start3A_107 = arith.constant 0 : i32
      %dma_start3A_108 = tpu.memref_slice %arg2[%dma_start3A_106, %dma_start3A_107] : memref<10240x128xf32, #tpu.memory_space<hbm>> -> memref<10240x128xf32, #tpu.memory_space<hbm>>
      tpu.enqueue_indirect_dma source(%dma_start3A_108 : memref<10240x128xf32, #tpu.memory_space<hbm>>) target(%dma_start3A_102 : memref<80x128xf32, #tpu.memory_space<vmem>>) offsets(%dma_start3A_105 : memref<80xi32, #tpu.memory_space<vmem>>) semaphore(%arg12 : memref<!tpu.dma_semaphore, #tpu.memory_space<semaphore_mem>>)
      %dma_start3A_109 = arith.constant 4 : i32
      %dma_start3A_110 = arith.constant 320 : i32
      %dma_start3A_111 = arith.constant 0 : i32
      %dma_start3A_112 = tpu.memref_slice %arg9[%dma_start3A_110, %dma_start3A_111] : memref<400x128xf32, #tpu.memory_space<vmem>> -> memref<80x128xf32, #tpu.memory_space<vmem>>
      %dma_start3A_113 = arith.constant 0 : i32
      %dma_start3A_114 = tpu.memref_slice %arg7[%dma_start3A_109, %dma_start3A_113] : memref<5x80xi32, #tpu.memory_space<vmem>> -> memref<1x80xi32, #tpu.memory_space<vmem>>
      %dma_start3A_115 = tpu.memref_squeeze %dma_start3A_114 : memref<1x80xi32, #tpu.memory_space<vmem>> -> memref<80xi32, #tpu.memory_space<vmem>>
      %dma_start3A_116 = arith.constant 0 : i32
      %dma_start3A_117 = arith.constant 0 : i32
      %dma_start3A_118 = tpu.memref_slice %arg2[%dma_start3A_116, %dma_start3A_117] : memref<10240x128xf32, #tpu.memory_space<hbm>> -> memref<10240x128xf32, #tpu.memory_space<hbm>>
      tpu.enqueue_indirect_dma source(%dma_start3A_118 : memref<10240x128xf32, #tpu.memory_space<hbm>>) target(%dma_start3A_112 : memref<80x128xf32, #tpu.memory_space<vmem>>) offsets(%dma_start3A_115 : memref<80xi32, #tpu.memory_space<vmem>>) semaphore(%arg11 : memref<!tpu.dma_semaphore, #tpu.memory_space<semaphore_mem>>)
      %dma_start3A_119 = arith.constant 4 : i32
      %dma_start3A_120 = arith.constant 320 : i32
      %dma_start3A_121 = arith.constant 0 : i32
      %dma_start3A_122 = tpu.memref_slice %arg10[%dma_start3A_120, %dma_start3A_121] : memref<400x128xf32, #tpu.memory_space<vmem>> -> memref<80x128xf32, #tpu.memory_space<vmem>>
      %dma_start3A_123 = arith.constant 0 : i32
      %dma_start3A_124 = tpu.memref_slice %arg8[%dma_start3A_119, %dma_start3A_123] : memref<5x80xi32, #tpu.memory_space<vmem>> -> memref<1x80xi32, #tpu.memory_space<vmem>>
      %dma_start3A_125 = tpu.memref_squeeze %dma_start3A_124 : memref<1x80xi32, #tpu.memory_space<vmem>> -> memref<80xi32, #tpu.memory_space<vmem>>
      %dma_start3A_126 = arith.constant 0 : i32
      %dma_start3A_127 = arith.constant 0 : i32
      %dma_start3A_128 = tpu.memref_slice %arg2[%dma_start3A_126, %dma_start3A_127] : memref<10240x128xf32, #tpu.memory_space<hbm>> -> memref<10240x128xf32, #tpu.memory_space<hbm>>
      tpu.enqueue_indirect_dma source(%dma_start3A_128 : memref<10240x128xf32, #tpu.memory_space<hbm>>) target(%dma_start3A_122 : memref<80x128xf32, #tpu.memory_space<vmem>>) offsets(%dma_start3A_125 : memref<80xi32, #tpu.memory_space<vmem>>) semaphore(%arg12 : memref<!tpu.dma_semaphore, #tpu.memory_space<semaphore_mem>>)
      %dma_wait3A = arith.constant 0 : i32
      %dma_wait3A_129 = arith.constant 0 : i32
      %dma_wait3A_130 = arith.constant 0 : i32
      %dma_wait3A_131 = tpu.memref_slice %arg9[%dma_wait3A_129, %dma_wait3A_130] : memref<400x128xf32, #tpu.memory_space<vmem>> -> memref<80x128xf32, #tpu.memory_space<vmem>>
      %dma_wait3A_132 = arith.constant 0 : i32
      %dma_wait3A_133 = tpu.memref_slice %arg7[%dma_wait3A, %dma_wait3A_132] : memref<5x80xi32, #tpu.memory_space<vmem>> -> memref<1x80xi32, #tpu.memory_space<vmem>>
      %dma_wait3A_134 = tpu.memref_squeeze %dma_wait3A_133 : memref<1x80xi32, #tpu.memory_space<vmem>> -> memref<80xi32, #tpu.memory_space<vmem>>
      %dma_wait3A_135 = arith.constant 0 : i32
      %dma_wait3A_136 = arith.constant 0 : i32
      %dma_wait3A_137 = tpu.memref_slice %arg2[%dma_wait3A_135, %dma_wait3A_136] : memref<10240x128xf32, #tpu.memory_space<hbm>> -> memref<10240x128xf32, #tpu.memory_space<hbm>>
      tpu.wait_indirect_dma semaphore(%arg11 : memref<!tpu.dma_semaphore, #tpu.memory_space<semaphore_mem>>) src(%dma_wait3A_137 : memref<10240x128xf32, #tpu.memory_space<hbm>>) dst(%dma_wait3A_131 : memref<80x128xf32, #tpu.memory_space<vmem>>)
      %dma_wait3A_138 = arith.constant 0 : i32
      %dma_wait3A_139 = arith.constant 0 : i32
      %dma_wait3A_140 = arith.constant 0 : i32
      %dma_wait3A_141 = tpu.memref_slice %arg10[%dma_wait3A_139, %dma_wait3A_140] : memref<400x128xf32, #tpu.memory_space<vmem>> -> memref<80x128xf32, #tpu.memory_space<vmem>>
      %dma_wait3A_142 = arith.constant 0 : i32
      %dma_wait3A_143 = tpu.memref_slice %arg8[%dma_wait3A_138, %dma_wait3A_142] : memref<5x80xi32, #tpu.memory_space<vmem>> -> memref<1x80xi32, #tpu.memory_space<vmem>>
      %dma_wait3A_144 = tpu.memref_squeeze %dma_wait3A_143 : memref<1x80xi32, #tpu.memory_space<vmem>> -> memref<80xi32, #tpu.memory_space<vmem>>
      %dma_wait3A_145 = arith.constant 0 : i32
      %dma_wait3A_146 = arith.constant 0 : i32
      %dma_wait3A_147 = tpu.memref_slice %arg2[%dma_wait3A_145, %dma_wait3A_146] : memref<10240x128xf32, #tpu.memory_space<hbm>> -> memref<10240x128xf32, #tpu.memory_space<hbm>>
      tpu.wait_indirect_dma semaphore(%arg12 : memref<!tpu.dma_semaphore, #tpu.memory_space<semaphore_mem>>) src(%dma_wait3A_147 : memref<10240x128xf32, #tpu.memory_space<hbm>>) dst(%dma_wait3A_141 : memref<80x128xf32, #tpu.memory_space<vmem>>)
      %dma_wait3A_148 = arith.constant 1 : i32
      %dma_wait3A_149 = arith.constant 80 : i32
      %dma_wait3A_150 = arith.constant 0 : i32
      %dma_wait3A_151 = tpu.memref_slice %arg9[%dma_wait3A_149, %dma_wait3A_150] : memref<400x128xf32, #tpu.memory_space<vmem>> -> memref<80x128xf32, #tpu.memory_space<vmem>>
      %dma_wait3A_152 = arith.constant 0 : i32
      %dma_wait3A_153 = tpu.memref_slice %arg7[%dma_wait3A_148, %dma_wait3A_152] : memref<5x80xi32, #tpu.memory_space<vmem>> -> memref<1x80xi32, #tpu.memory_space<vmem>>
      %dma_wait3A_154 = tpu.memref_squeeze %dma_wait3A_153 : memref<1x80xi32, #tpu.memory_space<vmem>> -> memref<80xi32, #tpu.memory_space<vmem>>
      %dma_wait3A_155 = arith.constant 0 : i32
      %dma_wait3A_156 = arith.constant 0 : i32
      %dma_wait3A_157 = tpu.memref_slice %arg2[%dma_wait3A_155, %dma_wait3A_156] : memref<10240x128xf32, #tpu.memory_space<hbm>> -> memref<10240x128xf32, #tpu.memory_space<hbm>>
      tpu.wait_indirect_dma semaphore(%arg11 : memref<!tpu.dma_semaphore, #tpu.memory_space<semaphore_mem>>) src(%dma_wait3A_157 : memref<10240x128xf32, #tpu.memory_space<hbm>>) dst(%dma_wait3A_151 : memref<80x128xf32, #tpu.memory_space<vmem>>)
      %dma_wait3A_158 = arith.constant 1 : i32
      %dma_wait3A_159 = arith.constant 80 : i32
      %dma_wait3A_160 = arith.constant 0 : i32
      %dma_wait3A_161 = tpu.memref_slice %arg10[%dma_wait3A_159, %dma_wait3A_160] : memref<400x128xf32, #tpu.memory_space<vmem>> -> memref<80x128xf32, #tpu.memory_space<vmem>>
      %dma_wait3A_162 = arith.constant 0 : i32
      %dma_wait3A_163 = tpu.memref_slice %arg8[%dma_wait3A_158, %dma_wait3A_162] : memref<5x80xi32, #tpu.memory_space<vmem>> -> memref<1x80xi32, #tpu.memory_space<vmem>>
      %dma_wait3A_164 = tpu.memref_squeeze %dma_wait3A_163 : memref<1x80xi32, #tpu.memory_space<vmem>> -> memref<80xi32, #tpu.memory_space<vmem>>
      %dma_wait3A_165 = arith.constant 0 : i32
      %dma_wait3A_166 = arith.constant 0 : i32
      %dma_wait3A_167 = tpu.memref_slice %arg2[%dma_wait3A_165, %dma_wait3A_166] : memref<10240x128xf32, #tpu.memory_space<hbm>> -> memref<10240x128xf32, #tpu.memory_space<hbm>>
      tpu.wait_indirect_dma semaphore(%arg12 : memref<!tpu.dma_semaphore, #tpu.memory_space<semaphore_mem>>) src(%dma_wait3A_167 : memref<10240x128xf32, #tpu.memory_space<hbm>>) dst(%dma_wait3A_161 : memref<80x128xf32, #tpu.memory_space<vmem>>)
      %dma_wait3A_168 = arith.constant 2 : i32
      %dma_wait3A_169 = arith.constant 160 : i32
      %dma_wait3A_170 = arith.constant 0 : i32
      %dma_wait3A_171 = tpu.memref_slice %arg9[%dma_wait3A_169, %dma_wait3A_170] : memref<400x128xf32, #tpu.memory_space<vmem>> -> memref<80x128xf32, #tpu.memory_space<vmem>>
      %dma_wait3A_172 = arith.constant 0 : i32
      %dma_wait3A_173 = tpu.memref_slice %arg7[%dma_wait3A_168, %dma_wait3A_172] : memref<5x80xi32, #tpu.memory_space<vmem>> -> memref<1x80xi32, #tpu.memory_space<vmem>>
      %dma_wait3A_174 = tpu.memref_squeeze %dma_wait3A_173 : memref<1x80xi32, #tpu.memory_space<vmem>> -> memref<80xi32, #tpu.memory_space<vmem>>
      %dma_wait3A_175 = arith.constant 0 : i32
      %dma_wait3A_176 = arith.constant 0 : i32
      %dma_wait3A_177 = tpu.memref_slice %arg2[%dma_wait3A_175, %dma_wait3A_176] : memref<10240x128xf32, #tpu.memory_space<hbm>> -> memref<10240x128xf32, #tpu.memory_space<hbm>>
      tpu.wait_indirect_dma semaphore(%arg11 : memref<!tpu.dma_semaphore, #tpu.memory_space<semaphore_mem>>) src(%dma_wait3A_177 : memref<10240x128xf32, #tpu.memory_space<hbm>>) dst(%dma_wait3A_171 : memref<80x128xf32, #tpu.memory_space<vmem>>)
      %dma_wait3A_178 = arith.constant 2 : i32
      %dma_wait3A_179 = arith.constant 160 : i32
      %dma_wait3A_180 = arith.constant 0 : i32
      %dma_wait3A_181 = tpu.memref_slice %arg10[%dma_wait3A_179, %dma_wait3A_180] : memref<400x128xf32, #tpu.memory_space<vmem>> -> memref<80x128xf32, #tpu.memory_space<vmem>>
      %dma_wait3A_182 = arith.constant 0 : i32
      %dma_wait3A_183 = tpu.memref_slice %arg8[%dma_wait3A_178, %dma_wait3A_182] : memref<5x80xi32, #tpu.memory_space<vmem>> -> memref<1x80xi32, #tpu.memory_space<vmem>>
      %dma_wait3A_184 = tpu.memref_squeeze %dma_wait3A_183 : memref<1x80xi32, #tpu.memory_space<vmem>> -> memref<80xi32, #tpu.memory_space<vmem>>
      %dma_wait3A_185 = arith.constant 0 : i32
      %dma_wait3A_186 = arith.constant 0 : i32
      %dma_wait3A_187 = tpu.memref_slice %arg2[%dma_wait3A_185, %dma_wait3A_186] : memref<10240x128xf32, #tpu.memory_space<hbm>> -> memref<10240x128xf32, #tpu.memory_space<hbm>>
      tpu.wait_indirect_dma semaphore(%arg12 : memref<!tpu.dma_semaphore, #tpu.memory_space<semaphore_mem>>) src(%dma_wait3A_187 : memref<10240x128xf32, #tpu.memory_space<hbm>>) dst(%dma_wait3A_181 : memref<80x128xf32, #tpu.memory_space<vmem>>)
      %dma_wait3A_188 = arith.constant 3 : i32
      %dma_wait3A_189 = arith.constant 240 : i32
      %dma_wait3A_190 = arith.constant 0 : i32
      %dma_wait3A_191 = tpu.memref_slice %arg9[%dma_wait3A_189, %dma_wait3A_190] : memref<400x128xf32, #tpu.memory_space<vmem>> -> memref<80x128xf32, #tpu.memory_space<vmem>>
      %dma_wait3A_192 = arith.constant 0 : i32
      %dma_wait3A_193 = tpu.memref_slice %arg7[%dma_wait3A_188, %dma_wait3A_192] : memref<5x80xi32, #tpu.memory_space<vmem>> -> memref<1x80xi32, #tpu.memory_space<vmem>>
      %dma_wait3A_194 = tpu.memref_squeeze %dma_wait3A_193 : memref<1x80xi32, #tpu.memory_space<vmem>> -> memref<80xi32, #tpu.memory_space<vmem>>
      %dma_wait3A_195 = arith.constant 0 : i32
      %dma_wait3A_196 = arith.constant 0 : i32
      %dma_wait3A_197 = tpu.memref_slice %arg2[%dma_wait3A_195, %dma_wait3A_196] : memref<10240x128xf32, #tpu.memory_space<hbm>> -> memref<10240x128xf32, #tpu.memory_space<hbm>>
      tpu.wait_indirect_dma semaphore(%arg11 : memref<!tpu.dma_semaphore, #tpu.memory_space<semaphore_mem>>) src(%dma_wait3A_197 : memref<10240x128xf32, #tpu.memory_space<hbm>>) dst(%dma_wait3A_191 : memref<80x128xf32, #tpu.memory_space<vmem>>)
      %dma_wait3A_198 = arith.constant 3 : i32
      %dma_wait3A_199 = arith.constant 240 : i32
      %dma_wait3A_200 = arith.constant 0 : i32
      %dma_wait3A_201 = tpu.memref_slice %arg10[%dma_wait3A_199, %dma_wait3A_200] : memref<400x128xf32, #tpu.memory_space<vmem>> -> memref<80x128xf32, #tpu.memory_space<vmem>>
      %dma_wait3A_202 = arith.constant 0 : i32
      %dma_wait3A_203 = tpu.memref_slice %arg8[%dma_wait3A_198, %dma_wait3A_202] : memref<5x80xi32, #tpu.memory_space<vmem>> -> memref<1x80xi32, #tpu.memory_space<vmem>>
      %dma_wait3A_204 = tpu.memref_squeeze %dma_wait3A_203 : memref<1x80xi32, #tpu.memory_space<vmem>> -> memref<80xi32, #tpu.memory_space<vmem>>
      %dma_wait3A_205 = arith.constant 0 : i32
      %dma_wait3A_206 = arith.constant 0 : i32
      %dma_wait3A_207 = tpu.memref_slice %arg2[%dma_wait3A_205, %dma_wait3A_206] : memref<10240x128xf32, #tpu.memory_space<hbm>> -> memref<10240x128xf32, #tpu.memory_space<hbm>>
      tpu.wait_indirect_dma semaphore(%arg12 : memref<!tpu.dma_semaphore, #tpu.memory_space<semaphore_mem>>) src(%dma_wait3A_207 : memref<10240x128xf32, #tpu.memory_space<hbm>>) dst(%dma_wait3A_201 : memref<80x128xf32, #tpu.memory_space<vmem>>)
      %dma_wait3A_208 = arith.constant 4 : i32
      %dma_wait3A_209 = arith.constant 320 : i32
      %dma_wait3A_210 = arith.constant 0 : i32
      %dma_wait3A_211 = tpu.memref_slice %arg9[%dma_wait3A_209, %dma_wait3A_210] : memref<400x128xf32, #tpu.memory_space<vmem>> -> memref<80x128xf32, #tpu.memory_space<vmem>>
      %dma_wait3A_212 = arith.constant 0 : i32
      %dma_wait3A_213 = tpu.memref_slice %arg7[%dma_wait3A_208, %dma_wait3A_212] : memref<5x80xi32, #tpu.memory_space<vmem>> -> memref<1x80xi32, #tpu.memory_space<vmem>>
      %dma_wait3A_214 = tpu.memref_squeeze %dma_wait3A_213 : memref<1x80xi32, #tpu.memory_space<vmem>> -> memref<80xi32, #tpu.memory_space<vmem>>
      %dma_wait3A_215 = arith.constant 0 : i32
      %dma_wait3A_216 = arith.constant 0 : i32
      %dma_wait3A_217 = tpu.memref_slice %arg2[%dma_wait3A_215, %dma_wait3A_216] : memref<10240x128xf32, #tpu.memory_space<hbm>> -> memref<10240x128xf32, #tpu.memory_space<hbm>>
      tpu.wait_indirect_dma semaphore(%arg11 : memref<!tpu.dma_semaphore, #tpu.memory_space<semaphore_mem>>) src(%dma_wait3A_217 : memref<10240x128xf32, #tpu.memory_space<hbm>>) dst(%dma_wait3A_211 : memref<80x128xf32, #tpu.memory_space<vmem>>)
      %dma_wait3A_218 = arith.constant 4 : i32
      %dma_wait3A_219 = arith.constant 320 : i32
      %dma_wait3A_220 = arith.constant 0 : i32
      %dma_wait3A_221 = tpu.memref_slice %arg10[%dma_wait3A_219, %dma_wait3A_220] : memref<400x128xf32, #tpu.memory_space<vmem>> -> memref<80x128xf32, #tpu.memory_space<vmem>>
      %dma_wait3A_222 = arith.constant 0 : i32
      %dma_wait3A_223 = tpu.memref_slice %arg8[%dma_wait3A_218, %dma_wait3A_222] : memref<5x80xi32, #tpu.memory_space<vmem>> -> memref<1x80xi32, #tpu.memory_space<vmem>>
      %dma_wait3A_224 = tpu.memref_squeeze %dma_wait3A_223 : memref<1x80xi32, #tpu.memory_space<vmem>> -> memref<80xi32, #tpu.memory_space<vmem>>
      %dma_wait3A_225 = arith.constant 0 : i32
      %dma_wait3A_226 = arith.constant 0 : i32
      %dma_wait3A_227 = tpu.memref_slice %arg2[%dma_wait3A_225, %dma_wait3A_226] : memref<10240x128xf32, #tpu.memory_space<hbm>> -> memref<10240x128xf32, #tpu.memory_space<hbm>>
      tpu.wait_indirect_dma semaphore(%arg12 : memref<!tpu.dma_semaphore, #tpu.memory_space<semaphore_mem>>) src(%dma_wait3A_227 : memref<10240x128xf32, #tpu.memory_space<hbm>>) dst(%dma_wait3A_221 : memref<80x128xf32, #tpu.memory_space<vmem>>)
      "tpu.region"() ({
        %run_scoped3A = tpu.sem_alloc : memref<!tpu.dma_semaphore, #tpu.memory_space<semaphore_mem>>
        %dma_start3A_229 = arith.constant 0 : i32
        %dma_start3A_230 = tpu.memref_slice %arg5[%add3A_13, %dma_start3A_229] : memref<320000x128xf32, #tpu.memory_space<hbm>> -> memref<400x128xf32, #tpu.memory_space<hbm>>
        %dma_start3A_231 = arith.constant 0 : i32
        %dma_start3A_232 = tpu.memref_slice %arg5[%add3A_13, %dma_start3A_231] : memref<320000x128xf32, #tpu.memory_space<hbm>> -> memref<400x128xf32, #tpu.memory_space<hbm>>
        tpu.enqueue_dma source(%arg9 : memref<400x128xf32, #tpu.memory_space<vmem>>) target(%dma_start3A_232 : memref<400x128xf32, #tpu.memory_space<hbm>>) target_semaphore(%run_scoped3A : memref<!tpu.dma_semaphore, #tpu.memory_space<semaphore_mem>>)
        %dma_wait3A_233 = arith.constant 0 : i32
        %dma_wait3A_234 = tpu.memref_slice %arg5[%add3A_13, %dma_wait3A_233] : memref<320000x128xf32, #tpu.memory_space<hbm>> -> memref<400x128xf32, #tpu.memory_space<hbm>>
        %dma_wait3A_235 = arith.constant 0 : i32
        %dma_wait3A_236 = tpu.memref_slice %arg5[%add3A_13, %dma_wait3A_235] : memref<320000x128xf32, #tpu.memory_space<hbm>> -> memref<400x128xf32, #tpu.memory_space<hbm>>
        tpu.wait_dma2 semaphore(%run_scoped3A : memref<!tpu.dma_semaphore, #tpu.memory_space<semaphore_mem>>) src(%arg9 : memref<400x128xf32, #tpu.memory_space<vmem>>) dst(%dma_wait3A_236 : memref<400x128xf32, #tpu.memory_space<hbm>>)
        tpu.yield
      }) : () -> ()
      "tpu.region"() ({
        %run_scoped3A = tpu.sem_alloc : memref<!tpu.dma_semaphore, #tpu.memory_space<semaphore_mem>>
        %dma_start3A_229 = arith.constant 0 : i32
        %dma_start3A_230 = tpu.memref_slice %arg6[%add3A_13, %dma_start3A_229] : memref<320000x128xf32, #tpu.memory_space<hbm>> -> memref<400x128xf32, #tpu.memory_space<hbm>>
        %dma_start3A_231 = arith.constant 0 : i32
        %dma_start3A_232 = tpu.memref_slice %arg6[%add3A_13, %dma_start3A_231] : memref<320000x128xf32, #tpu.memory_space<hbm>> -> memref<400x128xf32, #tpu.memory_space<hbm>>
        tpu.enqueue_dma source(%arg10 : memref<400x128xf32, #tpu.memory_space<vmem>>) target(%dma_start3A_232 : memref<400x128xf32, #tpu.memory_space<hbm>>) target_semaphore(%run_scoped3A : memref<!tpu.dma_semaphore, #tpu.memory_space<semaphore_mem>>)
        %dma_wait3A_233 = arith.constant 0 : i32
        %dma_wait3A_234 = tpu.memref_slice %arg6[%add3A_13, %dma_wait3A_233] : memref<320000x128xf32, #tpu.memory_space<hbm>> -> memref<400x128xf32, #tpu.memory_space<hbm>>
        %dma_wait3A_235 = arith.constant 0 : i32
        %dma_wait3A_236 = tpu.memref_slice %arg6[%add3A_13, %dma_wait3A_235] : memref<320000x128xf32, #tpu.memory_space<hbm>> -> memref<400x128xf32, #tpu.memory_space<hbm>>
        tpu.wait_dma2 semaphore(%run_scoped3A : memref<!tpu.dma_semaphore, #tpu.memory_space<semaphore_mem>>) src(%arg10 : memref<400x128xf32, #tpu.memory_space<vmem>>) dst(%dma_wait3A_236 : memref<400x128xf32, #tpu.memory_space<hbm>>)
        tpu.yield
      }) : () -> ()
      %scan3A_228 = arith.constant 0 : i32
      scf.yield %scan3A_228 : i32
    }
    %scan3A_6 = arith.constant 25 : i32
    return
  }
}

#map = affine_map<(d0, d1) -> (0, 0)>
module attributes {stable_mosaic.version = 14 : i64} {
  func.func @_gather2_kernel(%arg0: i32, %arg1: i32, %arg2: memref<10240x128xf32, #tpu.memory_space<hbm>>, %arg3: memref<4000x80xi32, #tpu.memory_space<hbm>>, %arg4: memref<4000x80xi32, #tpu.memory_space<hbm>>, %arg5: memref<320000x128xf32, #tpu.memory_space<hbm>>, %arg6: memref<320000x128xf32, #tpu.memory_space<hbm>>, %arg7: memref<5x80xi32, #tpu.memory_space<vmem>>, %arg8: memref<5x80xi32, #tpu.memory_space<vmem>>, %arg9: memref<400x128xf32, #tpu.memory_space<vmem>>, %arg10: memref<400x128xf32, #tpu.memory_space<vmem>>, %arg11: memref<!tpu.dma_semaphore, #tpu.memory_space<semaphore_mem>>, %arg12: memref<!tpu.dma_semaphore, #tpu.memory_space<semaphore_mem>>) attributes {dimension_semantics = [#tpu.dimension_semantics<core_parallel>, #tpu.dimension_semantics<subcore_parallel>], iteration_bounds = array<i64: 2, 16>, scalar_prefetch = 0 : i64, scratch_operands = 6 : i64, tpu.core_type = #tpu.core_type<sc_vector_subcore>, window_params = [{transform_indices = #map}, {transform_indices = #map}, {transform_indices = #map}, {transform_indices = #map}, {transform_indices = #map}]} {
    %mul3A = arith.constant 2 : i32
    %mul3A_0 = arith.muli %arg1, %mul3A : i32
    %add3A = arith.addi %mul3A_0, %arg0 : i32
    %scan3A = arith.constant 0 : i32
    %scan3A_1 = arith.constant 0 : i32
    %scan3A_2 = arith.constant 25 : i32
    %scan3A_3 = arith.addi %scan3A_1, %scan3A_2 : i32
    %scan3A_4 = arith.constant 1 : i32
    %scan3A_5 = scf.for %scan3A_7 = %scan3A_1 to %scan3A_3 step %scan3A_4 iter_args(%scan3A_8 = %scan3A) -> (i32)  : i32 {
      %mul3A_9 = arith.constant 10000 : i32
      %mul3A_10 = arith.muli %add3A, %mul3A_9 : i32
      %mul3A_11 = arith.constant 400 : i32
      %mul3A_12 = arith.muli %scan3A_7, %mul3A_11 : i32
      %add3A_13 = arith.addi %mul3A_10, %mul3A_12 : i32
      %jit3A = arith.constant 80 : i32
      %div3A = arith.divsi %add3A_13, %jit3A : i32
      %sign3A = arith.constant 0 : i32
      %sign3A_14 = arith.cmpi sgt, %add3A_13, %sign3A : i32
      %sign3A_15 = arith.extui %sign3A_14 : i1 to i32
      %sign3A_16 = arith.constant 0 : i32
      %sign3A_17 = arith.cmpi slt, %add3A_13, %sign3A_16 : i32
      %sign3A_18 = arith.extui %sign3A_17 : i1 to i32
      %sign3A_19 = arith.subi %sign3A_15, %sign3A_18 : i32
      %sign3A_20 = arith.constant 0 : i32
      %sign3A_21 = arith.cmpi sgt, %jit3A, %sign3A_20 : i32
      %sign3A_22 = arith.extui %sign3A_21 : i1 to i32
      %sign3A_23 = arith.constant 0 : i32
      %sign3A_24 = arith.cmpi slt, %jit3A, %sign3A_23 : i32
      %sign3A_25 = arith.extui %sign3A_24 : i1 to i32
      %sign3A_26 = arith.subi %sign3A_22, %sign3A_25 : i32
      %ne3A = arith.cmpi ne, %sign3A_19, %sign3A_26 : i32
      %rem3A = arith.remsi %add3A_13, %jit3A : i32
      %ne3A_27 = arith.constant 0 : i32
      %ne3A_28 = arith.cmpi ne, %rem3A, %ne3A_27 : i32
      %and3A = arith.andi %ne3A, %ne3A_28 : i1
      %sub3A = arith.constant 1 : i32
      %sub3A_29 = arith.subi %div3A, %sub3A : i32
      %select_n3A = arith.select %and3A, %sub3A_29, %div3A : i32
      "tpu.region"() ({
        %run_scoped3A = tpu.sem_alloc : memref<!tpu.dma_semaphore, #tpu.memory_space<semaphore_mem>>
        %dma_start3A_229 = arith.constant 0 : i32
        %dma_start3A_230 = tpu.memref_slice %arg3[%select_n3A, %dma_start3A_229] : memref<4000x80xi32, #tpu.memory_space<hbm>> -> memref<5x80xi32, #tpu.memory_space<hbm>>
        %dma_start3A_231 = arith.constant 0 : i32
        %dma_start3A_232 = tpu.memref_slice %arg3[%select_n3A, %dma_start3A_231] : memref<4000x80xi32, #tpu.memory_space<hbm>> -> memref<5x80xi32, #tpu.memory_space<hbm>>
        tpu.enqueue_dma source(%dma_start3A_232 : memref<5x80xi32, #tpu.memory_space<hbm>>) target(%arg7 : memref<5x80xi32, #tpu.memory_space<vmem>>) target_semaphore(%run_scoped3A : memref<!tpu.dma_semaphore, #tpu.memory_space<semaphore_mem>>)
        %dma_wait3A_233 = arith.constant 0 : i32
        %dma_wait3A_234 = tpu.memref_slice %arg3[%select_n3A, %dma_wait3A_233] : memref<4000x80xi32, #tpu.memory_space<hbm>> -> memref<5x80xi32, #tpu.memory_space<hbm>>
        %dma_wait3A_235 = arith.constant 0 : i32
        %dma_wait3A_236 = tpu.memref_slice %arg3[%select_n3A, %dma_wait3A_235] : memref<4000x80xi32, #tpu.memory_space<hbm>> -> memref<5x80xi32, #tpu.memory_space<hbm>>
        tpu.wait_dma2 semaphore(%run_scoped3A : memref<!tpu.dma_semaphore, #tpu.memory_space<semaphore_mem>>) src(%dma_wait3A_236 : memref<5x80xi32, #tpu.memory_space<hbm>>) dst(%arg7 : memref<5x80xi32, #tpu.memory_space<vmem>>)
        tpu.yield
      }) : () -> ()
      "tpu.region"() ({
        %run_scoped3A = tpu.sem_alloc : memref<!tpu.dma_semaphore, #tpu.memory_space<semaphore_mem>>
        %dma_start3A_229 = arith.constant 0 : i32
        %dma_start3A_230 = tpu.memref_slice %arg4[%select_n3A, %dma_start3A_229] : memref<4000x80xi32, #tpu.memory_space<hbm>> -> memref<5x80xi32, #tpu.memory_space<hbm>>
        %dma_start3A_231 = arith.constant 0 : i32
        %dma_start3A_232 = tpu.memref_slice %arg4[%select_n3A, %dma_start3A_231] : memref<4000x80xi32, #tpu.memory_space<hbm>> -> memref<5x80xi32, #tpu.memory_space<hbm>>
        tpu.enqueue_dma source(%dma_start3A_232 : memref<5x80xi32, #tpu.memory_space<hbm>>) target(%arg8 : memref<5x80xi32, #tpu.memory_space<vmem>>) target_semaphore(%run_scoped3A : memref<!tpu.dma_semaphore, #tpu.memory_space<semaphore_mem>>)
        %dma_wait3A_233 = arith.constant 0 : i32
        %dma_wait3A_234 = tpu.memref_slice %arg4[%select_n3A, %dma_wait3A_233] : memref<4000x80xi32, #tpu.memory_space<hbm>> -> memref<5x80xi32, #tpu.memory_space<hbm>>
        %dma_wait3A_235 = arith.constant 0 : i32
        %dma_wait3A_236 = tpu.memref_slice %arg4[%select_n3A, %dma_wait3A_235] : memref<4000x80xi32, #tpu.memory_space<hbm>> -> memref<5x80xi32, #tpu.memory_space<hbm>>
        tpu.wait_dma2 semaphore(%run_scoped3A : memref<!tpu.dma_semaphore, #tpu.memory_space<semaphore_mem>>) src(%dma_wait3A_236 : memref<5x80xi32, #tpu.memory_space<hbm>>) dst(%arg8 : memref<5x80xi32, #tpu.memory_space<vmem>>)
        tpu.yield
      }) : () -> ()
      %dma_start3A = arith.constant 0 : i32
      %dma_start3A_30 = arith.constant 0 : i32
      %dma_start3A_31 = arith.constant 0 : i32
      %dma_start3A_32 = tpu.memref_slice %arg9[%dma_start3A_30, %dma_start3A_31] : memref<400x128xf32, #tpu.memory_space<vmem>> -> memref<80x128xf32, #tpu.memory_space<vmem>>
      %dma_start3A_33 = arith.constant 0 : i32
      %dma_start3A_34 = tpu.memref_slice %arg7[%dma_start3A, %dma_start3A_33] : memref<5x80xi32, #tpu.memory_space<vmem>> -> memref<1x80xi32, #tpu.memory_space<vmem>>
      %dma_start3A_35 = tpu.memref_squeeze %dma_start3A_34 : memref<1x80xi32, #tpu.memory_space<vmem>> -> memref<80xi32, #tpu.memory_space<vmem>>
      %dma_start3A_36 = arith.constant 0 : i32
      %dma_start3A_37 = arith.constant 0 : i32
      %dma_start3A_38 = tpu.memref_slice %arg2[%dma_start3A_36, %dma_start3A_37] : memref<10240x128xf32, #tpu.memory_space<hbm>> -> memref<10240x128xf32, #tpu.memory_space<hbm>>
      tpu.enqueue_indirect_dma source(%dma_start3A_38 : memref<10240x128xf32, #tpu.memory_space<hbm>>) target(%dma_start3A_32 : memref<80x128xf32, #tpu.memory_space<vmem>>) offsets(%dma_start3A_35 : memref<80xi32, #tpu.memory_space<vmem>>) semaphore(%arg11 : memref<!tpu.dma_semaphore, #tpu.memory_space<semaphore_mem>>)
      %dma_start3A_39 = arith.constant 0 : i32
      %dma_start3A_40 = arith.constant 0 : i32
      %dma_start3A_41 = arith.constant 0 : i32
      %dma_start3A_42 = tpu.memref_slice %arg10[%dma_start3A_40, %dma_start3A_41] : memref<400x128xf32, #tpu.memory_space<vmem>> -> memref<80x128xf32, #tpu.memory_space<vmem>>
      %dma_start3A_43 = arith.constant 0 : i32
      %dma_start3A_44 = tpu.memref_slice %arg8[%dma_start3A_39, %dma_start3A_43] : memref<5x80xi32, #tpu.memory_space<vmem>> -> memref<1x80xi32, #tpu.memory_space<vmem>>
      %dma_start3A_45 = tpu.memref_squeeze %dma_start3A_44 : memref<1x80xi32, #tpu.memory_space<vmem>> -> memref<80xi32, #tpu.memory_space<vmem>>
      %dma_start3A_46 = arith.constant 0 : i32
      %dma_start3A_47 = arith.constant 0 : i32
      %dma_start3A_48 = tpu.memref_slice %arg2[%dma_start3A_46, %dma_start3A_47] : memref<10240x128xf32, #tpu.memory_space<hbm>> -> memref<10240x128xf32, #tpu.memory_space<hbm>>
      tpu.enqueue_indirect_dma source(%dma_start3A_48 : memref<10240x128xf32, #tpu.memory_space<hbm>>) target(%dma_start3A_42 : memref<80x128xf32, #tpu.memory_space<vmem>>) offsets(%dma_start3A_45 : memref<80xi32, #tpu.memory_space<vmem>>) semaphore(%arg12 : memref<!tpu.dma_semaphore, #tpu.memory_space<semaphore_mem>>)
      %dma_start3A_49 = arith.constant 1 : i32
      %dma_start3A_50 = arith.constant 80 : i32
      %dma_start3A_51 = arith.constant 0 : i32
      %dma_start3A_52 = tpu.memref_slice %arg9[%dma_start3A_50, %dma_start3A_51] : memref<400x128xf32, #tpu.memory_space<vmem>> -> memref<80x128xf32, #tpu.memory_space<vmem>>
      %dma_start3A_53 = arith.constant 0 : i32
      %dma_start3A_54 = tpu.memref_slice %arg7[%dma_start3A_49, %dma_start3A_53] : memref<5x80xi32, #tpu.memory_space<vmem>> -> memref<1x80xi32, #tpu.memory_space<vmem>>
      %dma_start3A_55 = tpu.memref_squeeze %dma_start3A_54 : memref<1x80xi32, #tpu.memory_space<vmem>> -> memref<80xi32, #tpu.memory_space<vmem>>
      %dma_start3A_56 = arith.constant 0 : i32
      %dma_start3A_57 = arith.constant 0 : i32
      %dma_start3A_58 = tpu.memref_slice %arg2[%dma_start3A_56, %dma_start3A_57] : memref<10240x128xf32, #tpu.memory_space<hbm>> -> memref<10240x128xf32, #tpu.memory_space<hbm>>
      tpu.enqueue_indirect_dma source(%dma_start3A_58 : memref<10240x128xf32, #tpu.memory_space<hbm>>) target(%dma_start3A_52 : memref<80x128xf32, #tpu.memory_space<vmem>>) offsets(%dma_start3A_55 : memref<80xi32, #tpu.memory_space<vmem>>) semaphore(%arg11 : memref<!tpu.dma_semaphore, #tpu.memory_space<semaphore_mem>>)
      %dma_start3A_59 = arith.constant 1 : i32
      %dma_start3A_60 = arith.constant 80 : i32
      %dma_start3A_61 = arith.constant 0 : i32
      %dma_start3A_62 = tpu.memref_slice %arg10[%dma_start3A_60, %dma_start3A_61] : memref<400x128xf32, #tpu.memory_space<vmem>> -> memref<80x128xf32, #tpu.memory_space<vmem>>
      %dma_start3A_63 = arith.constant 0 : i32
      %dma_start3A_64 = tpu.memref_slice %arg8[%dma_start3A_59, %dma_start3A_63] : memref<5x80xi32, #tpu.memory_space<vmem>> -> memref<1x80xi32, #tpu.memory_space<vmem>>
      %dma_start3A_65 = tpu.memref_squeeze %dma_start3A_64 : memref<1x80xi32, #tpu.memory_space<vmem>> -> memref<80xi32, #tpu.memory_space<vmem>>
      %dma_start3A_66 = arith.constant 0 : i32
      %dma_start3A_67 = arith.constant 0 : i32
      %dma_start3A_68 = tpu.memref_slice %arg2[%dma_start3A_66, %dma_start3A_67] : memref<10240x128xf32, #tpu.memory_space<hbm>> -> memref<10240x128xf32, #tpu.memory_space<hbm>>
      tpu.enqueue_indirect_dma source(%dma_start3A_68 : memref<10240x128xf32, #tpu.memory_space<hbm>>) target(%dma_start3A_62 : memref<80x128xf32, #tpu.memory_space<vmem>>) offsets(%dma_start3A_65 : memref<80xi32, #tpu.memory_space<vmem>>) semaphore(%arg12 : memref<!tpu.dma_semaphore, #tpu.memory_space<semaphore_mem>>)
      %dma_start3A_69 = arith.constant 2 : i32
      %dma_start3A_70 = arith.constant 160 : i32
      %dma_start3A_71 = arith.constant 0 : i32
      %dma_start3A_72 = tpu.memref_slice %arg9[%dma_start3A_70, %dma_start3A_71] : memref<400x128xf32, #tpu.memory_space<vmem>> -> memref<80x128xf32, #tpu.memory_space<vmem>>
      %dma_start3A_73 = arith.constant 0 : i32
      %dma_start3A_74 = tpu.memref_slice %arg7[%dma_start3A_69, %dma_start3A_73] : memref<5x80xi32, #tpu.memory_space<vmem>> -> memref<1x80xi32, #tpu.memory_space<vmem>>
      %dma_start3A_75 = tpu.memref_squeeze %dma_start3A_74 : memref<1x80xi32, #tpu.memory_space<vmem>> -> memref<80xi32, #tpu.memory_space<vmem>>
      %dma_start3A_76 = arith.constant 0 : i32
      %dma_start3A_77 = arith.constant 0 : i32
      %dma_start3A_78 = tpu.memref_slice %arg2[%dma_start3A_76, %dma_start3A_77] : memref<10240x128xf32, #tpu.memory_space<hbm>> -> memref<10240x128xf32, #tpu.memory_space<hbm>>
      tpu.enqueue_indirect_dma source(%dma_start3A_78 : memref<10240x128xf32, #tpu.memory_space<hbm>>) target(%dma_start3A_72 : memref<80x128xf32, #tpu.memory_space<vmem>>) offsets(%dma_start3A_75 : memref<80xi32, #tpu.memory_space<vmem>>) semaphore(%arg11 : memref<!tpu.dma_semaphore, #tpu.memory_space<semaphore_mem>>)
      %dma_start3A_79 = arith.constant 2 : i32
      %dma_start3A_80 = arith.constant 160 : i32
      %dma_start3A_81 = arith.constant 0 : i32
      %dma_start3A_82 = tpu.memref_slice %arg10[%dma_start3A_80, %dma_start3A_81] : memref<400x128xf32, #tpu.memory_space<vmem>> -> memref<80x128xf32, #tpu.memory_space<vmem>>
      %dma_start3A_83 = arith.constant 0 : i32
      %dma_start3A_84 = tpu.memref_slice %arg8[%dma_start3A_79, %dma_start3A_83] : memref<5x80xi32, #tpu.memory_space<vmem>> -> memref<1x80xi32, #tpu.memory_space<vmem>>
      %dma_start3A_85 = tpu.memref_squeeze %dma_start3A_84 : memref<1x80xi32, #tpu.memory_space<vmem>> -> memref<80xi32, #tpu.memory_space<vmem>>
      %dma_start3A_86 = arith.constant 0 : i32
      %dma_start3A_87 = arith.constant 0 : i32
      %dma_start3A_88 = tpu.memref_slice %arg2[%dma_start3A_86, %dma_start3A_87] : memref<10240x128xf32, #tpu.memory_space<hbm>> -> memref<10240x128xf32, #tpu.memory_space<hbm>>
      tpu.enqueue_indirect_dma source(%dma_start3A_88 : memref<10240x128xf32, #tpu.memory_space<hbm>>) target(%dma_start3A_82 : memref<80x128xf32, #tpu.memory_space<vmem>>) offsets(%dma_start3A_85 : memref<80xi32, #tpu.memory_space<vmem>>) semaphore(%arg12 : memref<!tpu.dma_semaphore, #tpu.memory_space<semaphore_mem>>)
      %dma_start3A_89 = arith.constant 3 : i32
      %dma_start3A_90 = arith.constant 240 : i32
      %dma_start3A_91 = arith.constant 0 : i32
      %dma_start3A_92 = tpu.memref_slice %arg9[%dma_start3A_90, %dma_start3A_91] : memref<400x128xf32, #tpu.memory_space<vmem>> -> memref<80x128xf32, #tpu.memory_space<vmem>>
      %dma_start3A_93 = arith.constant 0 : i32
      %dma_start3A_94 = tpu.memref_slice %arg7[%dma_start3A_89, %dma_start3A_93] : memref<5x80xi32, #tpu.memory_space<vmem>> -> memref<1x80xi32, #tpu.memory_space<vmem>>
      %dma_start3A_95 = tpu.memref_squeeze %dma_start3A_94 : memref<1x80xi32, #tpu.memory_space<vmem>> -> memref<80xi32, #tpu.memory_space<vmem>>
      %dma_start3A_96 = arith.constant 0 : i32
      %dma_start3A_97 = arith.constant 0 : i32
      %dma_start3A_98 = tpu.memref_slice %arg2[%dma_start3A_96, %dma_start3A_97] : memref<10240x128xf32, #tpu.memory_space<hbm>> -> memref<10240x128xf32, #tpu.memory_space<hbm>>
      tpu.enqueue_indirect_dma source(%dma_start3A_98 : memref<10240x128xf32, #tpu.memory_space<hbm>>) target(%dma_start3A_92 : memref<80x128xf32, #tpu.memory_space<vmem>>) offsets(%dma_start3A_95 : memref<80xi32, #tpu.memory_space<vmem>>) semaphore(%arg11 : memref<!tpu.dma_semaphore, #tpu.memory_space<semaphore_mem>>)
      %dma_start3A_99 = arith.constant 3 : i32
      %dma_start3A_100 = arith.constant 240 : i32
      %dma_start3A_101 = arith.constant 0 : i32
      %dma_start3A_102 = tpu.memref_slice %arg10[%dma_start3A_100, %dma_start3A_101] : memref<400x128xf32, #tpu.memory_space<vmem>> -> memref<80x128xf32, #tpu.memory_space<vmem>>
      %dma_start3A_103 = arith.constant 0 : i32
      %dma_start3A_104 = tpu.memref_slice %arg8[%dma_start3A_99, %dma_start3A_103] : memref<5x80xi32, #tpu.memory_space<vmem>> -> memref<1x80xi32, #tpu.memory_space<vmem>>
      %dma_start3A_105 = tpu.memref_squeeze %dma_start3A_104 : memref<1x80xi32, #tpu.memory_space<vmem>> -> memref<80xi32, #tpu.memory_space<vmem>>
      %dma_start3A_106 = arith.constant 0 : i32
      %dma_start3A_107 = arith.constant 0 : i32
      %dma_start3A_108 = tpu.memref_slice %arg2[%dma_start3A_106, %dma_start3A_107] : memref<10240x128xf32, #tpu.memory_space<hbm>> -> memref<10240x128xf32, #tpu.memory_space<hbm>>
      tpu.enqueue_indirect_dma source(%dma_start3A_108 : memref<10240x128xf32, #tpu.memory_space<hbm>>) target(%dma_start3A_102 : memref<80x128xf32, #tpu.memory_space<vmem>>) offsets(%dma_start3A_105 : memref<80xi32, #tpu.memory_space<vmem>>) semaphore(%arg12 : memref<!tpu.dma_semaphore, #tpu.memory_space<semaphore_mem>>)
      %dma_start3A_109 = arith.constant 4 : i32
      %dma_start3A_110 = arith.constant 320 : i32
      %dma_start3A_111 = arith.constant 0 : i32
      %dma_start3A_112 = tpu.memref_slice %arg9[%dma_start3A_110, %dma_start3A_111] : memref<400x128xf32, #tpu.memory_space<vmem>> -> memref<80x128xf32, #tpu.memory_space<vmem>>
      %dma_start3A_113 = arith.constant 0 : i32
      %dma_start3A_114 = tpu.memref_slice %arg7[%dma_start3A_109, %dma_start3A_113] : memref<5x80xi32, #tpu.memory_space<vmem>> -> memref<1x80xi32, #tpu.memory_space<vmem>>
      %dma_start3A_115 = tpu.memref_squeeze %dma_start3A_114 : memref<1x80xi32, #tpu.memory_space<vmem>> -> memref<80xi32, #tpu.memory_space<vmem>>
      %dma_start3A_116 = arith.constant 0 : i32
      %dma_start3A_117 = arith.constant 0 : i32
      %dma_start3A_118 = tpu.memref_slice %arg2[%dma_start3A_116, %dma_start3A_117] : memref<10240x128xf32, #tpu.memory_space<hbm>> -> memref<10240x128xf32, #tpu.memory_space<hbm>>
      tpu.enqueue_indirect_dma source(%dma_start3A_118 : memref<10240x128xf32, #tpu.memory_space<hbm>>) target(%dma_start3A_112 : memref<80x128xf32, #tpu.memory_space<vmem>>) offsets(%dma_start3A_115 : memref<80xi32, #tpu.memory_space<vmem>>) semaphore(%arg11 : memref<!tpu.dma_semaphore, #tpu.memory_space<semaphore_mem>>)
      %dma_start3A_119 = arith.constant 4 : i32
      %dma_start3A_120 = arith.constant 320 : i32
      %dma_start3A_121 = arith.constant 0 : i32
      %dma_start3A_122 = tpu.memref_slice %arg10[%dma_start3A_120, %dma_start3A_121] : memref<400x128xf32, #tpu.memory_space<vmem>> -> memref<80x128xf32, #tpu.memory_space<vmem>>
      %dma_start3A_123 = arith.constant 0 : i32
      %dma_start3A_124 = tpu.memref_slice %arg8[%dma_start3A_119, %dma_start3A_123] : memref<5x80xi32, #tpu.memory_space<vmem>> -> memref<1x80xi32, #tpu.memory_space<vmem>>
      %dma_start3A_125 = tpu.memref_squeeze %dma_start3A_124 : memref<1x80xi32, #tpu.memory_space<vmem>> -> memref<80xi32, #tpu.memory_space<vmem>>
      %dma_start3A_126 = arith.constant 0 : i32
      %dma_start3A_127 = arith.constant 0 : i32
      %dma_start3A_128 = tpu.memref_slice %arg2[%dma_start3A_126, %dma_start3A_127] : memref<10240x128xf32, #tpu.memory_space<hbm>> -> memref<10240x128xf32, #tpu.memory_space<hbm>>
      tpu.enqueue_indirect_dma source(%dma_start3A_128 : memref<10240x128xf32, #tpu.memory_space<hbm>>) target(%dma_start3A_122 : memref<80x128xf32, #tpu.memory_space<vmem>>) offsets(%dma_start3A_125 : memref<80xi32, #tpu.memory_space<vmem>>) semaphore(%arg12 : memref<!tpu.dma_semaphore, #tpu.memory_space<semaphore_mem>>)
      %dma_wait3A = arith.constant 0 : i32
      %dma_wait3A_129 = arith.constant 0 : i32
      %dma_wait3A_130 = arith.constant 0 : i32
      %dma_wait3A_131 = tpu.memref_slice %arg9[%dma_wait3A_129, %dma_wait3A_130] : memref<400x128xf32, #tpu.memory_space<vmem>> -> memref<80x128xf32, #tpu.memory_space<vmem>>
      %dma_wait3A_132 = arith.constant 0 : i32
      %dma_wait3A_133 = tpu.memref_slice %arg7[%dma_wait3A, %dma_wait3A_132] : memref<5x80xi32, #tpu.memory_space<vmem>> -> memref<1x80xi32, #tpu.memory_space<vmem>>
      %dma_wait3A_134 = tpu.memref_squeeze %dma_wait3A_133 : memref<1x80xi32, #tpu.memory_space<vmem>> -> memref<80xi32, #tpu.memory_space<vmem>>
      %dma_wait3A_135 = arith.constant 0 : i32
      %dma_wait3A_136 = arith.constant 0 : i32
      %dma_wait3A_137 = tpu.memref_slice %arg2[%dma_wait3A_135, %dma_wait3A_136] : memref<10240x128xf32, #tpu.memory_space<hbm>> -> memref<10240x128xf32, #tpu.memory_space<hbm>>
      tpu.wait_indirect_dma semaphore(%arg11 : memref<!tpu.dma_semaphore, #tpu.memory_space<semaphore_mem>>) src(%dma_wait3A_137 : memref<10240x128xf32, #tpu.memory_space<hbm>>) dst(%dma_wait3A_131 : memref<80x128xf32, #tpu.memory_space<vmem>>)
      %dma_wait3A_138 = arith.constant 0 : i32
      %dma_wait3A_139 = arith.constant 0 : i32
      %dma_wait3A_140 = arith.constant 0 : i32
      %dma_wait3A_141 = tpu.memref_slice %arg10[%dma_wait3A_139, %dma_wait3A_140] : memref<400x128xf32, #tpu.memory_space<vmem>> -> memref<80x128xf32, #tpu.memory_space<vmem>>
      %dma_wait3A_142 = arith.constant 0 : i32
      %dma_wait3A_143 = tpu.memref_slice %arg8[%dma_wait3A_138, %dma_wait3A_142] : memref<5x80xi32, #tpu.memory_space<vmem>> -> memref<1x80xi32, #tpu.memory_space<vmem>>
      %dma_wait3A_144 = tpu.memref_squeeze %dma_wait3A_143 : memref<1x80xi32, #tpu.memory_space<vmem>> -> memref<80xi32, #tpu.memory_space<vmem>>
      %dma_wait3A_145 = arith.constant 0 : i32
      %dma_wait3A_146 = arith.constant 0 : i32
      %dma_wait3A_147 = tpu.memref_slice %arg2[%dma_wait3A_145, %dma_wait3A_146] : memref<10240x128xf32, #tpu.memory_space<hbm>> -> memref<10240x128xf32, #tpu.memory_space<hbm>>
      tpu.wait_indirect_dma semaphore(%arg12 : memref<!tpu.dma_semaphore, #tpu.memory_space<semaphore_mem>>) src(%dma_wait3A_147 : memref<10240x128xf32, #tpu.memory_space<hbm>>) dst(%dma_wait3A_141 : memref<80x128xf32, #tpu.memory_space<vmem>>)
      %dma_wait3A_148 = arith.constant 1 : i32
      %dma_wait3A_149 = arith.constant 80 : i32
      %dma_wait3A_150 = arith.constant 0 : i32
      %dma_wait3A_151 = tpu.memref_slice %arg9[%dma_wait3A_149, %dma_wait3A_150] : memref<400x128xf32, #tpu.memory_space<vmem>> -> memref<80x128xf32, #tpu.memory_space<vmem>>
      %dma_wait3A_152 = arith.constant 0 : i32
      %dma_wait3A_153 = tpu.memref_slice %arg7[%dma_wait3A_148, %dma_wait3A_152] : memref<5x80xi32, #tpu.memory_space<vmem>> -> memref<1x80xi32, #tpu.memory_space<vmem>>
      %dma_wait3A_154 = tpu.memref_squeeze %dma_wait3A_153 : memref<1x80xi32, #tpu.memory_space<vmem>> -> memref<80xi32, #tpu.memory_space<vmem>>
      %dma_wait3A_155 = arith.constant 0 : i32
      %dma_wait3A_156 = arith.constant 0 : i32
      %dma_wait3A_157 = tpu.memref_slice %arg2[%dma_wait3A_155, %dma_wait3A_156] : memref<10240x128xf32, #tpu.memory_space<hbm>> -> memref<10240x128xf32, #tpu.memory_space<hbm>>
      tpu.wait_indirect_dma semaphore(%arg11 : memref<!tpu.dma_semaphore, #tpu.memory_space<semaphore_mem>>) src(%dma_wait3A_157 : memref<10240x128xf32, #tpu.memory_space<hbm>>) dst(%dma_wait3A_151 : memref<80x128xf32, #tpu.memory_space<vmem>>)
      %dma_wait3A_158 = arith.constant 1 : i32
      %dma_wait3A_159 = arith.constant 80 : i32
      %dma_wait3A_160 = arith.constant 0 : i32
      %dma_wait3A_161 = tpu.memref_slice %arg10[%dma_wait3A_159, %dma_wait3A_160] : memref<400x128xf32, #tpu.memory_space<vmem>> -> memref<80x128xf32, #tpu.memory_space<vmem>>
      %dma_wait3A_162 = arith.constant 0 : i32
      %dma_wait3A_163 = tpu.memref_slice %arg8[%dma_wait3A_158, %dma_wait3A_162] : memref<5x80xi32, #tpu.memory_space<vmem>> -> memref<1x80xi32, #tpu.memory_space<vmem>>
      %dma_wait3A_164 = tpu.memref_squeeze %dma_wait3A_163 : memref<1x80xi32, #tpu.memory_space<vmem>> -> memref<80xi32, #tpu.memory_space<vmem>>
      %dma_wait3A_165 = arith.constant 0 : i32
      %dma_wait3A_166 = arith.constant 0 : i32
      %dma_wait3A_167 = tpu.memref_slice %arg2[%dma_wait3A_165, %dma_wait3A_166] : memref<10240x128xf32, #tpu.memory_space<hbm>> -> memref<10240x128xf32, #tpu.memory_space<hbm>>
      tpu.wait_indirect_dma semaphore(%arg12 : memref<!tpu.dma_semaphore, #tpu.memory_space<semaphore_mem>>) src(%dma_wait3A_167 : memref<10240x128xf32, #tpu.memory_space<hbm>>) dst(%dma_wait3A_161 : memref<80x128xf32, #tpu.memory_space<vmem>>)
      %dma_wait3A_168 = arith.constant 2 : i32
      %dma_wait3A_169 = arith.constant 160 : i32
      %dma_wait3A_170 = arith.constant 0 : i32
      %dma_wait3A_171 = tpu.memref_slice %arg9[%dma_wait3A_169, %dma_wait3A_170] : memref<400x128xf32, #tpu.memory_space<vmem>> -> memref<80x128xf32, #tpu.memory_space<vmem>>
      %dma_wait3A_172 = arith.constant 0 : i32
      %dma_wait3A_173 = tpu.memref_slice %arg7[%dma_wait3A_168, %dma_wait3A_172] : memref<5x80xi32, #tpu.memory_space<vmem>> -> memref<1x80xi32, #tpu.memory_space<vmem>>
      %dma_wait3A_174 = tpu.memref_squeeze %dma_wait3A_173 : memref<1x80xi32, #tpu.memory_space<vmem>> -> memref<80xi32, #tpu.memory_space<vmem>>
      %dma_wait3A_175 = arith.constant 0 : i32
      %dma_wait3A_176 = arith.constant 0 : i32
      %dma_wait3A_177 = tpu.memref_slice %arg2[%dma_wait3A_175, %dma_wait3A_176] : memref<10240x128xf32, #tpu.memory_space<hbm>> -> memref<10240x128xf32, #tpu.memory_space<hbm>>
      tpu.wait_indirect_dma semaphore(%arg11 : memref<!tpu.dma_semaphore, #tpu.memory_space<semaphore_mem>>) src(%dma_wait3A_177 : memref<10240x128xf32, #tpu.memory_space<hbm>>) dst(%dma_wait3A_171 : memref<80x128xf32, #tpu.memory_space<vmem>>)
      %dma_wait3A_178 = arith.constant 2 : i32
      %dma_wait3A_179 = arith.constant 160 : i32
      %dma_wait3A_180 = arith.constant 0 : i32
      %dma_wait3A_181 = tpu.memref_slice %arg10[%dma_wait3A_179, %dma_wait3A_180] : memref<400x128xf32, #tpu.memory_space<vmem>> -> memref<80x128xf32, #tpu.memory_space<vmem>>
      %dma_wait3A_182 = arith.constant 0 : i32
      %dma_wait3A_183 = tpu.memref_slice %arg8[%dma_wait3A_178, %dma_wait3A_182] : memref<5x80xi32, #tpu.memory_space<vmem>> -> memref<1x80xi32, #tpu.memory_space<vmem>>
      %dma_wait3A_184 = tpu.memref_squeeze %dma_wait3A_183 : memref<1x80xi32, #tpu.memory_space<vmem>> -> memref<80xi32, #tpu.memory_space<vmem>>
      %dma_wait3A_185 = arith.constant 0 : i32
      %dma_wait3A_186 = arith.constant 0 : i32
      %dma_wait3A_187 = tpu.memref_slice %arg2[%dma_wait3A_185, %dma_wait3A_186] : memref<10240x128xf32, #tpu.memory_space<hbm>> -> memref<10240x128xf32, #tpu.memory_space<hbm>>
      tpu.wait_indirect_dma semaphore(%arg12 : memref<!tpu.dma_semaphore, #tpu.memory_space<semaphore_mem>>) src(%dma_wait3A_187 : memref<10240x128xf32, #tpu.memory_space<hbm>>) dst(%dma_wait3A_181 : memref<80x128xf32, #tpu.memory_space<vmem>>)
      %dma_wait3A_188 = arith.constant 3 : i32
      %dma_wait3A_189 = arith.constant 240 : i32
      %dma_wait3A_190 = arith.constant 0 : i32
      %dma_wait3A_191 = tpu.memref_slice %arg9[%dma_wait3A_189, %dma_wait3A_190] : memref<400x128xf32, #tpu.memory_space<vmem>> -> memref<80x128xf32, #tpu.memory_space<vmem>>
      %dma_wait3A_192 = arith.constant 0 : i32
      %dma_wait3A_193 = tpu.memref_slice %arg7[%dma_wait3A_188, %dma_wait3A_192] : memref<5x80xi32, #tpu.memory_space<vmem>> -> memref<1x80xi32, #tpu.memory_space<vmem>>
      %dma_wait3A_194 = tpu.memref_squeeze %dma_wait3A_193 : memref<1x80xi32, #tpu.memory_space<vmem>> -> memref<80xi32, #tpu.memory_space<vmem>>
      %dma_wait3A_195 = arith.constant 0 : i32
      %dma_wait3A_196 = arith.constant 0 : i32
      %dma_wait3A_197 = tpu.memref_slice %arg2[%dma_wait3A_195, %dma_wait3A_196] : memref<10240x128xf32, #tpu.memory_space<hbm>> -> memref<10240x128xf32, #tpu.memory_space<hbm>>
      tpu.wait_indirect_dma semaphore(%arg11 : memref<!tpu.dma_semaphore, #tpu.memory_space<semaphore_mem>>) src(%dma_wait3A_197 : memref<10240x128xf32, #tpu.memory_space<hbm>>) dst(%dma_wait3A_191 : memref<80x128xf32, #tpu.memory_space<vmem>>)
      %dma_wait3A_198 = arith.constant 3 : i32
      %dma_wait3A_199 = arith.constant 240 : i32
      %dma_wait3A_200 = arith.constant 0 : i32
      %dma_wait3A_201 = tpu.memref_slice %arg10[%dma_wait3A_199, %dma_wait3A_200] : memref<400x128xf32, #tpu.memory_space<vmem>> -> memref<80x128xf32, #tpu.memory_space<vmem>>
      %dma_wait3A_202 = arith.constant 0 : i32
      %dma_wait3A_203 = tpu.memref_slice %arg8[%dma_wait3A_198, %dma_wait3A_202] : memref<5x80xi32, #tpu.memory_space<vmem>> -> memref<1x80xi32, #tpu.memory_space<vmem>>
      %dma_wait3A_204 = tpu.memref_squeeze %dma_wait3A_203 : memref<1x80xi32, #tpu.memory_space<vmem>> -> memref<80xi32, #tpu.memory_space<vmem>>
      %dma_wait3A_205 = arith.constant 0 : i32
      %dma_wait3A_206 = arith.constant 0 : i32
      %dma_wait3A_207 = tpu.memref_slice %arg2[%dma_wait3A_205, %dma_wait3A_206] : memref<10240x128xf32, #tpu.memory_space<hbm>> -> memref<10240x128xf32, #tpu.memory_space<hbm>>
      tpu.wait_indirect_dma semaphore(%arg12 : memref<!tpu.dma_semaphore, #tpu.memory_space<semaphore_mem>>) src(%dma_wait3A_207 : memref<10240x128xf32, #tpu.memory_space<hbm>>) dst(%dma_wait3A_201 : memref<80x128xf32, #tpu.memory_space<vmem>>)
      %dma_wait3A_208 = arith.constant 4 : i32
      %dma_wait3A_209 = arith.constant 320 : i32
      %dma_wait3A_210 = arith.constant 0 : i32
      %dma_wait3A_211 = tpu.memref_slice %arg9[%dma_wait3A_209, %dma_wait3A_210] : memref<400x128xf32, #tpu.memory_space<vmem>> -> memref<80x128xf32, #tpu.memory_space<vmem>>
      %dma_wait3A_212 = arith.constant 0 : i32
      %dma_wait3A_213 = tpu.memref_slice %arg7[%dma_wait3A_208, %dma_wait3A_212] : memref<5x80xi32, #tpu.memory_space<vmem>> -> memref<1x80xi32, #tpu.memory_space<vmem>>
      %dma_wait3A_214 = tpu.memref_squeeze %dma_wait3A_213 : memref<1x80xi32, #tpu.memory_space<vmem>> -> memref<80xi32, #tpu.memory_space<vmem>>
      %dma_wait3A_215 = arith.constant 0 : i32
      %dma_wait3A_216 = arith.constant 0 : i32
      %dma_wait3A_217 = tpu.memref_slice %arg2[%dma_wait3A_215, %dma_wait3A_216] : memref<10240x128xf32, #tpu.memory_space<hbm>> -> memref<10240x128xf32, #tpu.memory_space<hbm>>
      tpu.wait_indirect_dma semaphore(%arg11 : memref<!tpu.dma_semaphore, #tpu.memory_space<semaphore_mem>>) src(%dma_wait3A_217 : memref<10240x128xf32, #tpu.memory_space<hbm>>) dst(%dma_wait3A_211 : memref<80x128xf32, #tpu.memory_space<vmem>>)
      %dma_wait3A_218 = arith.constant 4 : i32
      %dma_wait3A_219 = arith.constant 320 : i32
      %dma_wait3A_220 = arith.constant 0 : i32
      %dma_wait3A_221 = tpu.memref_slice %arg10[%dma_wait3A_219, %dma_wait3A_220] : memref<400x128xf32, #tpu.memory_space<vmem>> -> memref<80x128xf32, #tpu.memory_space<vmem>>
      %dma_wait3A_222 = arith.constant 0 : i32
      %dma_wait3A_223 = tpu.memref_slice %arg8[%dma_wait3A_218, %dma_wait3A_222] : memref<5x80xi32, #tpu.memory_space<vmem>> -> memref<1x80xi32, #tpu.memory_space<vmem>>
      %dma_wait3A_224 = tpu.memref_squeeze %dma_wait3A_223 : memref<1x80xi32, #tpu.memory_space<vmem>> -> memref<80xi32, #tpu.memory_space<vmem>>
      %dma_wait3A_225 = arith.constant 0 : i32
      %dma_wait3A_226 = arith.constant 0 : i32
      %dma_wait3A_227 = tpu.memref_slice %arg2[%dma_wait3A_225, %dma_wait3A_226] : memref<10240x128xf32, #tpu.memory_space<hbm>> -> memref<10240x128xf32, #tpu.memory_space<hbm>>
      tpu.wait_indirect_dma semaphore(%arg12 : memref<!tpu.dma_semaphore, #tpu.memory_space<semaphore_mem>>) src(%dma_wait3A_227 : memref<10240x128xf32, #tpu.memory_space<hbm>>) dst(%dma_wait3A_221 : memref<80x128xf32, #tpu.memory_space<vmem>>)
      "tpu.region"() ({
        %run_scoped3A = tpu.sem_alloc : memref<!tpu.dma_semaphore, #tpu.memory_space<semaphore_mem>>
        %dma_start3A_229 = arith.constant 0 : i32
        %dma_start3A_230 = tpu.memref_slice %arg5[%add3A_13, %dma_start3A_229] : memref<320000x128xf32, #tpu.memory_space<hbm>> -> memref<400x128xf32, #tpu.memory_space<hbm>>
        %dma_start3A_231 = arith.constant 0 : i32
        %dma_start3A_232 = tpu.memref_slice %arg5[%add3A_13, %dma_start3A_231] : memref<320000x128xf32, #tpu.memory_space<hbm>> -> memref<400x128xf32, #tpu.memory_space<hbm>>
        tpu.enqueue_dma source(%arg9 : memref<400x128xf32, #tpu.memory_space<vmem>>) target(%dma_start3A_232 : memref<400x128xf32, #tpu.memory_space<hbm>>) target_semaphore(%run_scoped3A : memref<!tpu.dma_semaphore, #tpu.memory_space<semaphore_mem>>)
        %dma_wait3A_233 = arith.constant 0 : i32
        %dma_wait3A_234 = tpu.memref_slice %arg5[%add3A_13, %dma_wait3A_233] : memref<320000x128xf32, #tpu.memory_space<hbm>> -> memref<400x128xf32, #tpu.memory_space<hbm>>
        %dma_wait3A_235 = arith.constant 0 : i32
        %dma_wait3A_236 = tpu.memref_slice %arg5[%add3A_13, %dma_wait3A_235] : memref<320000x128xf32, #tpu.memory_space<hbm>> -> memref<400x128xf32, #tpu.memory_space<hbm>>
        tpu.wait_dma2 semaphore(%run_scoped3A : memref<!tpu.dma_semaphore, #tpu.memory_space<semaphore_mem>>) src(%arg9 : memref<400x128xf32, #tpu.memory_space<vmem>>) dst(%dma_wait3A_236 : memref<400x128xf32, #tpu.memory_space<hbm>>)
        tpu.yield
      }) : () -> ()
      "tpu.region"() ({
        %run_scoped3A = tpu.sem_alloc : memref<!tpu.dma_semaphore, #tpu.memory_space<semaphore_mem>>
        %dma_start3A_229 = arith.constant 0 : i32
        %dma_start3A_230 = tpu.memref_slice %arg6[%add3A_13, %dma_start3A_229] : memref<320000x128xf32, #tpu.memory_space<hbm>> -> memref<400x128xf32, #tpu.memory_space<hbm>>
        %dma_start3A_231 = arith.constant 0 : i32
        %dma_start3A_232 = tpu.memref_slice %arg6[%add3A_13, %dma_start3A_231] : memref<320000x128xf32, #tpu.memory_space<hbm>> -> memref<400x128xf32, #tpu.memory_space<hbm>>
        tpu.enqueue_dma source(%arg10 : memref<400x128xf32, #tpu.memory_space<vmem>>) target(%dma_start3A_232 : memref<400x128xf32, #tpu.memory_space<hbm>>) target_semaphore(%run_scoped3A : memref<!tpu.dma_semaphore, #tpu.memory_space<semaphore_mem>>)
        %dma_wait3A_233 = arith.constant 0 : i32
        %dma_wait3A_234 = tpu.memref_slice %arg6[%add3A_13, %dma_wait3A_233] : memref<320000x128xf32, #tpu.memory_space<hbm>> -> memref<400x128xf32, #tpu.memory_space<hbm>>
        %dma_wait3A_235 = arith.constant 0 : i32
        %dma_wait3A_236 = tpu.memref_slice %arg6[%add3A_13, %dma_wait3A_235] : memref<320000x128xf32, #tpu.memory_space<hbm>> -> memref<400x128xf32, #tpu.memory_space<hbm>>
        tpu.wait_dma2 semaphore(%run_scoped3A : memref<!tpu.dma_semaphore, #tpu.memory_space<semaphore_mem>>) src(%arg10 : memref<400x128xf32, #tpu.memory_space<vmem>>) dst(%dma_wait3A_236 : memref<400x128xf32, #tpu.memory_space<hbm>>)
        tpu.yield
      }) : () -> ()
      %scan3A_228 = arith.constant 0 : i32
      scf.yield %scan3A_228 : i32
    }
    %scan3A_6 = arith.constant 25 : i32
    return
  }
}

#map = affine_map<(d0, d1) -> (0, 0)>
#map1 = affine_map<(d0, d1) -> (0)>
module attributes {stable_mosaic.version = 14 : i64} {
  func.func @_actor_gather_kernel(%arg0: i32, %arg1: i32, %arg2: memref<10240x128xf32, #tpu.memory_space<hbm>>, %arg3: memref<320000x16xf32, #tpu.memory_space<hbm>>, %arg4: memref<320000xi32, #tpu.memory_space<hbm>>, %arg5: memref<320000xi32, #tpu.memory_space<hbm>>, %arg6: memref<2000x80xi32, #tpu.memory_space<hbm>>, %arg7: memref<160000x128xf32, #tpu.memory_space<hbm>>, %arg8: memref<160000x128xf32, #tpu.memory_space<hbm>>, %arg9: memref<160000x16xf32, #tpu.memory_space<hbm>>, %arg10: memref<5x80xi32, #tpu.memory_space<vmem>>, %arg11: memref<5x80xi32, #tpu.memory_space<vmem>>, %arg12: memref<5x80xi32, #tpu.memory_space<vmem>>, %arg13: memref<400x128xf32, #tpu.memory_space<vmem>>, %arg14: memref<400x128xf32, #tpu.memory_space<vmem>>, %arg15: memref<400x16xf32, #tpu.memory_space<vmem>>, %arg16: memref<!tpu.dma_semaphore, #tpu.memory_space<semaphore_mem>>, %arg17: memref<!tpu.dma_semaphore, #tpu.memory_space<semaphore_mem>>, %arg18: memref<!tpu.dma_semaphore, #tpu.memory_space<semaphore_mem>>, %arg19: memref<!tpu.dma_semaphore, #tpu.memory_space<semaphore_mem>>, %arg20: memref<!tpu.dma_semaphore, #tpu.memory_space<semaphore_mem>>) attributes {dimension_semantics = [#tpu.dimension_semantics<core_parallel>, #tpu.dimension_semantics<subcore_parallel>], iteration_bounds = array<i64: 2, 16>, scalar_prefetch = 0 : i64, scratch_operands = 11 : i64, tpu.core_type = #tpu.core_type<sc_vector_subcore>, window_params = [{transform_indices = #map}, {transform_indices = #map}, {transform_indices = #map1}, {transform_indices = #map1}, {transform_indices = #map}, {transform_indices = #map}, {transform_indices = #map}, {transform_indices = #map}]} {
    %mul3A = arith.constant 2 : i32
    %mul3A_0 = arith.muli %arg1, %mul3A : i32
    %add3A = arith.addi %mul3A_0, %arg0 : i32
    %sub3A = arith.constant 399 : i32
    %sub3A_1 = arith.subi %sub3A, %add3A : i32
    %jit3A = arith.constant 32 : i32
    %div3A = arith.divsi %sub3A_1, %jit3A : i32
    %sign3A = arith.constant 0 : i32
    %sign3A_2 = arith.cmpi sgt, %sub3A_1, %sign3A : i32
    %sign3A_3 = arith.extui %sign3A_2 : i1 to i32
    %sign3A_4 = arith.constant 0 : i32
    %sign3A_5 = arith.cmpi slt, %sub3A_1, %sign3A_4 : i32
    %sign3A_6 = arith.extui %sign3A_5 : i1 to i32
    %sign3A_7 = arith.subi %sign3A_3, %sign3A_6 : i32
    %sign3A_8 = arith.constant 0 : i32
    %sign3A_9 = arith.cmpi sgt, %jit3A, %sign3A_8 : i32
    %sign3A_10 = arith.extui %sign3A_9 : i1 to i32
    %sign3A_11 = arith.constant 0 : i32
    %sign3A_12 = arith.cmpi slt, %jit3A, %sign3A_11 : i32
    %sign3A_13 = arith.extui %sign3A_12 : i1 to i32
    %sign3A_14 = arith.subi %sign3A_10, %sign3A_13 : i32
    %ne3A = arith.cmpi ne, %sign3A_7, %sign3A_14 : i32
    %rem3A = arith.remsi %sub3A_1, %jit3A : i32
    %ne3A_15 = arith.constant 0 : i32
    %ne3A_16 = arith.cmpi ne, %rem3A, %ne3A_15 : i32
    %and3A = arith.andi %ne3A, %ne3A_16 : i1
    %sub3A_17 = arith.constant 1 : i32
    %sub3A_18 = arith.subi %div3A, %sub3A_17 : i32
    %select_n3A = arith.select %and3A, %sub3A_18, %div3A : i32
    %add3A_19 = arith.constant 1 : i32
    %add3A_20 = arith.addi %select_n3A, %add3A_19 : i32
    %while3A = arith.constant 0 : i32
    %while3A_21 = arith.constant 0 : i32
    %while3A_22 = arith.subi %add3A_20, %while3A : i32
    %while3A_23 = arith.addi %while3A, %while3A_22 : i32
    %while3A_24 = arith.constant 1 : i32
    %while3A_25 = arith.divsi %while3A_22, %while3A_24 : i32
    %while3A_26 = arith.muli %while3A_25, %while3A_24 : i32
    %while3A_27 = arith.addi %while3A, %while3A_26 : i32
    %while3A_28 = arith.constant 1 : i32
    %while3A_29 = scf.for %while3A_32 = %while3A to %while3A_27 step %while3A_28 iter_args(%while3A_33 = %while3A_21) -> (i32)  : i32 {
      %mul3A_34 = arith.constant 32 : i32
      %mul3A_35 = arith.muli %while3A_32, %mul3A_34 : i32
      %add3A_36 = arith.addi %add3A, %mul3A_35 : i32
      %mul3A_37 = arith.constant 5 : i32
      %mul3A_38 = arith.muli %add3A_36, %mul3A_37 : i32
      "tpu.region"() ({
        %run_scoped3A = tpu.sem_alloc : memref<!tpu.dma_semaphore, #tpu.memory_space<semaphore_mem>>
        %dma_start3A_540 = arith.constant 0 : i32
        %dma_start3A_541 = tpu.memref_slice %arg6[%mul3A_38, %dma_start3A_540] : memref<2000x80xi32, #tpu.memory_space<hbm>> -> memref<5x80xi32, #tpu.memory_space<hbm>>
        %dma_start3A_542 = arith.constant 0 : i32
        %dma_start3A_543 = tpu.memref_slice %arg6[%mul3A_38, %dma_start3A_542] : memref<2000x80xi32, #tpu.memory_space<hbm>> -> memref<5x80xi32, #tpu.memory_space<hbm>>
        tpu.enqueue_dma source(%dma_start3A_543 : memref<5x80xi32, #tpu.memory_space<hbm>>) target(%arg10 : memref<5x80xi32, #tpu.memory_space<vmem>>) target_semaphore(%run_scoped3A : memref<!tpu.dma_semaphore, #tpu.memory_space<semaphore_mem>>)
        %dma_wait3A_544 = arith.constant 0 : i32
        %dma_wait3A_545 = tpu.memref_slice %arg6[%mul3A_38, %dma_wait3A_544] : memref<2000x80xi32, #tpu.memory_space<hbm>> -> memref<5x80xi32, #tpu.memory_space<hbm>>
        %dma_wait3A_546 = arith.constant 0 : i32
        %dma_wait3A_547 = tpu.memref_slice %arg6[%mul3A_38, %dma_wait3A_546] : memref<2000x80xi32, #tpu.memory_space<hbm>> -> memref<5x80xi32, #tpu.memory_space<hbm>>
        tpu.wait_dma2 semaphore(%run_scoped3A : memref<!tpu.dma_semaphore, #tpu.memory_space<semaphore_mem>>) src(%dma_wait3A_547 : memref<5x80xi32, #tpu.memory_space<hbm>>) dst(%arg10 : memref<5x80xi32, #tpu.memory_space<vmem>>)
        tpu.yield
      }) : () -> ()
      %dma_start3A = arith.constant 0 : i32
      %dma_start3A_39 = arith.constant 0 : i32
      %dma_start3A_40 = arith.constant 0 : i32
      %dma_start3A_41 = tpu.memref_slice %arg11[%dma_start3A_39, %dma_start3A_40] : memref<5x80xi32, #tpu.memory_space<vmem>> -> memref<1x80xi32, #tpu.memory_space<vmem>>
      %dma_start3A_42 = tpu.memref_squeeze %dma_start3A_41 : memref<1x80xi32, #tpu.memory_space<vmem>> -> memref<80xi32, #tpu.memory_space<vmem>>
      %dma_start3A_43 = arith.constant 0 : i32
      %dma_start3A_44 = tpu.memref_slice %arg10[%dma_start3A, %dma_start3A_43] : memref<5x80xi32, #tpu.memory_space<vmem>> -> memref<1x80xi32, #tpu.memory_space<vmem>>
      %dma_start3A_45 = tpu.memref_squeeze %dma_start3A_44 : memref<1x80xi32, #tpu.memory_space<vmem>> -> memref<80xi32, #tpu.memory_space<vmem>>
      %dma_start3A_46 = arith.constant 0 : i32
      %dma_start3A_47 = tpu.memref_slice %arg4[%dma_start3A_46] : memref<320000xi32, #tpu.memory_space<hbm>> -> memref<320000xi32, #tpu.memory_space<hbm>>
      tpu.enqueue_indirect_dma source(%dma_start3A_47 : memref<320000xi32, #tpu.memory_space<hbm>>) target(%dma_start3A_42 : memref<80xi32, #tpu.memory_space<vmem>>) offsets(%dma_start3A_45 : memref<80xi32, #tpu.memory_space<vmem>>) semaphore(%arg19 : memref<!tpu.dma_semaphore, #tpu.memory_space<semaphore_mem>>)
      %dma_start3A_48 = arith.constant 1 : i32
      %dma_start3A_49 = arith.constant 1 : i32
      %dma_start3A_50 = arith.constant 0 : i32
      %dma_start3A_51 = tpu.memref_slice %arg11[%dma_start3A_49, %dma_start3A_50] : memref<5x80xi32, #tpu.memory_space<vmem>> -> memref<1x80xi32, #tpu.memory_space<vmem>>
      %dma_start3A_52 = tpu.memref_squeeze %dma_start3A_51 : memref<1x80xi32, #tpu.memory_space<vmem>> -> memref<80xi32, #tpu.memory_space<vmem>>
      %dma_start3A_53 = arith.constant 0 : i32
      %dma_start3A_54 = tpu.memref_slice %arg10[%dma_start3A_48, %dma_start3A_53] : memref<5x80xi32, #tpu.memory_space<vmem>> -> memref<1x80xi32, #tpu.memory_space<vmem>>
      %dma_start3A_55 = tpu.memref_squeeze %dma_start3A_54 : memref<1x80xi32, #tpu.memory_space<vmem>> -> memref<80xi32, #tpu.memory_space<vmem>>
      %dma_start3A_56 = arith.constant 0 : i32
      %dma_start3A_57 = tpu.memref_slice %arg4[%dma_start3A_56] : memref<320000xi32, #tpu.memory_space<hbm>> -> memref<320000xi32, #tpu.memory_space<hbm>>
      tpu.enqueue_indirect_dma source(%dma_start3A_57 : memref<320000xi32, #tpu.memory_space<hbm>>) target(%dma_start3A_52 : memref<80xi32, #tpu.memory_space<vmem>>) offsets(%dma_start3A_55 : memref<80xi32, #tpu.memory_space<vmem>>) semaphore(%arg20 : memref<!tpu.dma_semaphore, #tpu.memory_space<semaphore_mem>>)
      %dma_start3A_58 = arith.constant 2 : i32
      %dma_start3A_59 = arith.constant 2 : i32
      %dma_start3A_60 = arith.constant 0 : i32
      %dma_start3A_61 = tpu.memref_slice %arg11[%dma_start3A_59, %dma_start3A_60] : memref<5x80xi32, #tpu.memory_space<vmem>> -> memref<1x80xi32, #tpu.memory_space<vmem>>
      %dma_start3A_62 = tpu.memref_squeeze %dma_start3A_61 : memref<1x80xi32, #tpu.memory_space<vmem>> -> memref<80xi32, #tpu.memory_space<vmem>>
      %dma_start3A_63 = arith.constant 0 : i32
      %dma_start3A_64 = tpu.memref_slice %arg10[%dma_start3A_58, %dma_start3A_63] : memref<5x80xi32, #tpu.memory_space<vmem>> -> memref<1x80xi32, #tpu.memory_space<vmem>>
      %dma_start3A_65 = tpu.memref_squeeze %dma_start3A_64 : memref<1x80xi32, #tpu.memory_space<vmem>> -> memref<80xi32, #tpu.memory_space<vmem>>
      %dma_start3A_66 = arith.constant 0 : i32
      %dma_start3A_67 = tpu.memref_slice %arg4[%dma_start3A_66] : memref<320000xi32, #tpu.memory_space<hbm>> -> memref<320000xi32, #tpu.memory_space<hbm>>
      tpu.enqueue_indirect_dma source(%dma_start3A_67 : memref<320000xi32, #tpu.memory_space<hbm>>) target(%dma_start3A_62 : memref<80xi32, #tpu.memory_space<vmem>>) offsets(%dma_start3A_65 : memref<80xi32, #tpu.memory_space<vmem>>) semaphore(%arg19 : memref<!tpu.dma_semaphore, #tpu.memory_space<semaphore_mem>>)
      %dma_start3A_68 = arith.constant 3 : i32
      %dma_start3A_69 = arith.constant 3 : i32
      %dma_start3A_70 = arith.constant 0 : i32
      %dma_start3A_71 = tpu.memref_slice %arg11[%dma_start3A_69, %dma_start3A_70] : memref<5x80xi32, #tpu.memory_space<vmem>> -> memref<1x80xi32, #tpu.memory_space<vmem>>
      %dma_start3A_72 = tpu.memref_squeeze %dma_start3A_71 : memref<1x80xi32, #tpu.memory_space<vmem>> -> memref<80xi32, #tpu.memory_space<vmem>>
      %dma_start3A_73 = arith.constant 0 : i32
      %dma_start3A_74 = tpu.memref_slice %arg10[%dma_start3A_68, %dma_start3A_73] : memref<5x80xi32, #tpu.memory_space<vmem>> -> memref<1x80xi32, #tpu.memory_space<vmem>>
      %dma_start3A_75 = tpu.memref_squeeze %dma_start3A_74 : memref<1x80xi32, #tpu.memory_space<vmem>> -> memref<80xi32, #tpu.memory_space<vmem>>
      %dma_start3A_76 = arith.constant 0 : i32
      %dma_start3A_77 = tpu.memref_slice %arg4[%dma_start3A_76] : memref<320000xi32, #tpu.memory_space<hbm>> -> memref<320000xi32, #tpu.memory_space<hbm>>
      tpu.enqueue_indirect_dma source(%dma_start3A_77 : memref<320000xi32, #tpu.memory_space<hbm>>) target(%dma_start3A_72 : memref<80xi32, #tpu.memory_space<vmem>>) offsets(%dma_start3A_75 : memref<80xi32, #tpu.memory_space<vmem>>) semaphore(%arg20 : memref<!tpu.dma_semaphore, #tpu.memory_space<semaphore_mem>>)
      %dma_start3A_78 = arith.constant 4 : i32
      %dma_start3A_79 = arith.constant 4 : i32
      %dma_start3A_80 = arith.constant 0 : i32
      %dma_start3A_81 = tpu.memref_slice %arg11[%dma_start3A_79, %dma_start3A_80] : memref<5x80xi32, #tpu.memory_space<vmem>> -> memref<1x80xi32, #tpu.memory_space<vmem>>
      %dma_start3A_82 = tpu.memref_squeeze %dma_start3A_81 : memref<1x80xi32, #tpu.memory_space<vmem>> -> memref<80xi32, #tpu.memory_space<vmem>>
      %dma_start3A_83 = arith.constant 0 : i32
      %dma_start3A_84 = tpu.memref_slice %arg10[%dma_start3A_78, %dma_start3A_83] : memref<5x80xi32, #tpu.memory_space<vmem>> -> memref<1x80xi32, #tpu.memory_space<vmem>>
      %dma_start3A_85 = tpu.memref_squeeze %dma_start3A_84 : memref<1x80xi32, #tpu.memory_space<vmem>> -> memref<80xi32, #tpu.memory_space<vmem>>
      %dma_start3A_86 = arith.constant 0 : i32
      %dma_start3A_87 = tpu.memref_slice %arg4[%dma_start3A_86] : memref<320000xi32, #tpu.memory_space<hbm>> -> memref<320000xi32, #tpu.memory_space<hbm>>
      tpu.enqueue_indirect_dma source(%dma_start3A_87 : memref<320000xi32, #tpu.memory_space<hbm>>) target(%dma_start3A_82 : memref<80xi32, #tpu.memory_space<vmem>>) offsets(%dma_start3A_85 : memref<80xi32, #tpu.memory_space<vmem>>) semaphore(%arg19 : memref<!tpu.dma_semaphore, #tpu.memory_space<semaphore_mem>>)
      %dma_wait3A = arith.constant 0 : i32
      %dma_wait3A_88 = arith.constant 0 : i32
      %dma_wait3A_89 = arith.constant 0 : i32
      %dma_wait3A_90 = tpu.memref_slice %arg11[%dma_wait3A_88, %dma_wait3A_89] : memref<5x80xi32, #tpu.memory_space<vmem>> -> memref<1x80xi32, #tpu.memory_space<vmem>>
      %dma_wait3A_91 = tpu.memref_squeeze %dma_wait3A_90 : memref<1x80xi32, #tpu.memory_space<vmem>> -> memref<80xi32, #tpu.memory_space<vmem>>
      %dma_wait3A_92 = arith.constant 0 : i32
      %dma_wait3A_93 = tpu.memref_slice %arg10[%dma_wait3A, %dma_wait3A_92] : memref<5x80xi32, #tpu.memory_space<vmem>> -> memref<1x80xi32, #tpu.memory_space<vmem>>
      %dma_wait3A_94 = tpu.memref_squeeze %dma_wait3A_93 : memref<1x80xi32, #tpu.memory_space<vmem>> -> memref<80xi32, #tpu.memory_space<vmem>>
      %dma_wait3A_95 = arith.constant 0 : i32
      %dma_wait3A_96 = tpu.memref_slice %arg4[%dma_wait3A_95] : memref<320000xi32, #tpu.memory_space<hbm>> -> memref<320000xi32, #tpu.memory_space<hbm>>
      tpu.wait_indirect_dma semaphore(%arg19 : memref<!tpu.dma_semaphore, #tpu.memory_space<semaphore_mem>>) src(%dma_wait3A_96 : memref<320000xi32, #tpu.memory_space<hbm>>) dst(%dma_wait3A_91 : memref<80xi32, #tpu.memory_space<vmem>>)
      %dma_wait3A_97 = arith.constant 1 : i32
      %dma_wait3A_98 = arith.constant 1 : i32
      %dma_wait3A_99 = arith.constant 0 : i32
      %dma_wait3A_100 = tpu.memref_slice %arg11[%dma_wait3A_98, %dma_wait3A_99] : memref<5x80xi32, #tpu.memory_space<vmem>> -> memref<1x80xi32, #tpu.memory_space<vmem>>
      %dma_wait3A_101 = tpu.memref_squeeze %dma_wait3A_100 : memref<1x80xi32, #tpu.memory_space<vmem>> -> memref<80xi32, #tpu.memory_space<vmem>>
      %dma_wait3A_102 = arith.constant 0 : i32
      %dma_wait3A_103 = tpu.memref_slice %arg10[%dma_wait3A_97, %dma_wait3A_102] : memref<5x80xi32, #tpu.memory_space<vmem>> -> memref<1x80xi32, #tpu.memory_space<vmem>>
      %dma_wait3A_104 = tpu.memref_squeeze %dma_wait3A_103 : memref<1x80xi32, #tpu.memory_space<vmem>> -> memref<80xi32, #tpu.memory_space<vmem>>
      %dma_wait3A_105 = arith.constant 0 : i32
      %dma_wait3A_106 = tpu.memref_slice %arg4[%dma_wait3A_105] : memref<320000xi32, #tpu.memory_space<hbm>> -> memref<320000xi32, #tpu.memory_space<hbm>>
      tpu.wait_indirect_dma semaphore(%arg20 : memref<!tpu.dma_semaphore, #tpu.memory_space<semaphore_mem>>) src(%dma_wait3A_106 : memref<320000xi32, #tpu.memory_space<hbm>>) dst(%dma_wait3A_101 : memref<80xi32, #tpu.memory_space<vmem>>)
      %dma_wait3A_107 = arith.constant 2 : i32
      %dma_wait3A_108 = arith.constant 2 : i32
      %dma_wait3A_109 = arith.constant 0 : i32
      %dma_wait3A_110 = tpu.memref_slice %arg11[%dma_wait3A_108, %dma_wait3A_109] : memref<5x80xi32, #tpu.memory_space<vmem>> -> memref<1x80xi32, #tpu.memory_space<vmem>>
      %dma_wait3A_111 = tpu.memref_squeeze %dma_wait3A_110 : memref<1x80xi32, #tpu.memory_space<vmem>> -> memref<80xi32, #tpu.memory_space<vmem>>
      %dma_wait3A_112 = arith.constant 0 : i32
      %dma_wait3A_113 = tpu.memref_slice %arg10[%dma_wait3A_107, %dma_wait3A_112] : memref<5x80xi32, #tpu.memory_space<vmem>> -> memref<1x80xi32, #tpu.memory_space<vmem>>
      %dma_wait3A_114 = tpu.memref_squeeze %dma_wait3A_113 : memref<1x80xi32, #tpu.memory_space<vmem>> -> memref<80xi32, #tpu.memory_space<vmem>>
      %dma_wait3A_115 = arith.constant 0 : i32
      %dma_wait3A_116 = tpu.memref_slice %arg4[%dma_wait3A_115] : memref<320000xi32, #tpu.memory_space<hbm>> -> memref<320000xi32, #tpu.memory_space<hbm>>
      tpu.wait_indirect_dma semaphore(%arg19 : memref<!tpu.dma_semaphore, #tpu.memory_space<semaphore_mem>>) src(%dma_wait3A_116 : memref<320000xi32, #tpu.memory_space<hbm>>) dst(%dma_wait3A_111 : memref<80xi32, #tpu.memory_space<vmem>>)
      %dma_wait3A_117 = arith.constant 3 : i32
      %dma_wait3A_118 = arith.constant 3 : i32
      %dma_wait3A_119 = arith.constant 0 : i32
      %dma_wait3A_120 = tpu.memref_slice %arg11[%dma_wait3A_118, %dma_wait3A_119] : memref<5x80xi32, #tpu.memory_space<vmem>> -> memref<1x80xi32, #tpu.memory_space<vmem>>
      %dma_wait3A_121 = tpu.memref_squeeze %dma_wait3A_120 : memref<1x80xi32, #tpu.memory_space<vmem>> -> memref<80xi32, #tpu.memory_space<vmem>>
      %dma_wait3A_122 = arith.constant 0 : i32
      %dma_wait3A_123 = tpu.memref_slice %arg10[%dma_wait3A_117, %dma_wait3A_122] : memref<5x80xi32, #tpu.memory_space<vmem>> -> memref<1x80xi32, #tpu.memory_space<vmem>>
      %dma_wait3A_124 = tpu.memref_squeeze %dma_wait3A_123 : memref<1x80xi32, #tpu.memory_space<vmem>> -> memref<80xi32, #tpu.memory_space<vmem>>
      %dma_wait3A_125 = arith.constant 0 : i32
      %dma_wait3A_126 = tpu.memref_slice %arg4[%dma_wait3A_125] : memref<320000xi32, #tpu.memory_space<hbm>> -> memref<320000xi32, #tpu.memory_space<hbm>>
      tpu.wait_indirect_dma semaphore(%arg20 : memref<!tpu.dma_semaphore, #tpu.memory_space<semaphore_mem>>) src(%dma_wait3A_126 : memref<320000xi32, #tpu.memory_space<hbm>>) dst(%dma_wait3A_121 : memref<80xi32, #tpu.memory_space<vmem>>)
      %dma_wait3A_127 = arith.constant 4 : i32
      %dma_wait3A_128 = arith.constant 4 : i32
      %dma_wait3A_129 = arith.constant 0 : i32
      %dma_wait3A_130 = tpu.memref_slice %arg11[%dma_wait3A_128, %dma_wait3A_129] : memref<5x80xi32, #tpu.memory_space<vmem>> -> memref<1x80xi32, #tpu.memory_space<vmem>>
      %dma_wait3A_131 = tpu.memref_squeeze %dma_wait3A_130 : memref<1x80xi32, #tpu.memory_space<vmem>> -> memref<80xi32, #tpu.memory_space<vmem>>
      %dma_wait3A_132 = arith.constant 0 : i32
      %dma_wait3A_133 = tpu.memref_slice %arg10[%dma_wait3A_127, %dma_wait3A_132] : memref<5x80xi32, #tpu.memory_space<vmem>> -> memref<1x80xi32, #tpu.memory_space<vmem>>
      %dma_wait3A_134 = tpu.memref_squeeze %dma_wait3A_133 : memref<1x80xi32, #tpu.memory_space<vmem>> -> memref<80xi32, #tpu.memory_space<vmem>>
      %dma_wait3A_135 = arith.constant 0 : i32
      %dma_wait3A_136 = tpu.memref_slice %arg4[%dma_wait3A_135] : memref<320000xi32, #tpu.memory_space<hbm>> -> memref<320000xi32, #tpu.memory_space<hbm>>
      tpu.wait_indirect_dma semaphore(%arg19 : memref<!tpu.dma_semaphore, #tpu.memory_space<semaphore_mem>>) src(%dma_wait3A_136 : memref<320000xi32, #tpu.memory_space<hbm>>) dst(%dma_wait3A_131 : memref<80xi32, #tpu.memory_space<vmem>>)
      %dma_start3A_137 = arith.constant 0 : i32
      %dma_start3A_138 = arith.constant 0 : i32
      %dma_start3A_139 = arith.constant 0 : i32
      %dma_start3A_140 = tpu.memref_slice %arg12[%dma_start3A_138, %dma_start3A_139] : memref<5x80xi32, #tpu.memory_space<vmem>> -> memref<1x80xi32, #tpu.memory_space<vmem>>
      %dma_start3A_141 = tpu.memref_squeeze %dma_start3A_140 : memref<1x80xi32, #tpu.memory_space<vmem>> -> memref<80xi32, #tpu.memory_space<vmem>>
      %dma_start3A_142 = arith.constant 0 : i32
      %dma_start3A_143 = tpu.memref_slice %arg10[%dma_start3A_137, %dma_start3A_142] : memref<5x80xi32, #tpu.memory_space<vmem>> -> memref<1x80xi32, #tpu.memory_space<vmem>>
      %dma_start3A_144 = tpu.memref_squeeze %dma_start3A_143 : memref<1x80xi32, #tpu.memory_space<vmem>> -> memref<80xi32, #tpu.memory_space<vmem>>
      %dma_start3A_145 = arith.constant 0 : i32
      %dma_start3A_146 = tpu.memref_slice %arg5[%dma_start3A_145] : memref<320000xi32, #tpu.memory_space<hbm>> -> memref<320000xi32, #tpu.memory_space<hbm>>
      tpu.enqueue_indirect_dma source(%dma_start3A_146 : memref<320000xi32, #tpu.memory_space<hbm>>) target(%dma_start3A_141 : memref<80xi32, #tpu.memory_space<vmem>>) offsets(%dma_start3A_144 : memref<80xi32, #tpu.memory_space<vmem>>) semaphore(%arg19 : memref<!tpu.dma_semaphore, #tpu.memory_space<semaphore_mem>>)
      %dma_start3A_147 = arith.constant 1 : i32
      %dma_start3A_148 = arith.constant 1 : i32
      %dma_start3A_149 = arith.constant 0 : i32
      %dma_start3A_150 = tpu.memref_slice %arg12[%dma_start3A_148, %dma_start3A_149] : memref<5x80xi32, #tpu.memory_space<vmem>> -> memref<1x80xi32, #tpu.memory_space<vmem>>
      %dma_start3A_151 = tpu.memref_squeeze %dma_start3A_150 : memref<1x80xi32, #tpu.memory_space<vmem>> -> memref<80xi32, #tpu.memory_space<vmem>>
      %dma_start3A_152 = arith.constant 0 : i32
      %dma_start3A_153 = tpu.memref_slice %arg10[%dma_start3A_147, %dma_start3A_152] : memref<5x80xi32, #tpu.memory_space<vmem>> -> memref<1x80xi32, #tpu.memory_space<vmem>>
      %dma_start3A_154 = tpu.memref_squeeze %dma_start3A_153 : memref<1x80xi32, #tpu.memory_space<vmem>> -> memref<80xi32, #tpu.memory_space<vmem>>
      %dma_start3A_155 = arith.constant 0 : i32
      %dma_start3A_156 = tpu.memref_slice %arg5[%dma_start3A_155] : memref<320000xi32, #tpu.memory_space<hbm>> -> memref<320000xi32, #tpu.memory_space<hbm>>
      tpu.enqueue_indirect_dma source(%dma_start3A_156 : memref<320000xi32, #tpu.memory_space<hbm>>) target(%dma_start3A_151 : memref<80xi32, #tpu.memory_space<vmem>>) offsets(%dma_start3A_154 : memref<80xi32, #tpu.memory_space<vmem>>) semaphore(%arg20 : memref<!tpu.dma_semaphore, #tpu.memory_space<semaphore_mem>>)
      %dma_start3A_157 = arith.constant 2 : i32
      %dma_start3A_158 = arith.constant 2 : i32
      %dma_start3A_159 = arith.constant 0 : i32
      %dma_start3A_160 = tpu.memref_slice %arg12[%dma_start3A_158, %dma_start3A_159] : memref<5x80xi32, #tpu.memory_space<vmem>> -> memref<1x80xi32, #tpu.memory_space<vmem>>
      %dma_start3A_161 = tpu.memref_squeeze %dma_start3A_160 : memref<1x80xi32, #tpu.memory_space<vmem>> -> memref<80xi32, #tpu.memory_space<vmem>>
      %dma_start3A_162 = arith.constant 0 : i32
      %dma_start3A_163 = tpu.memref_slice %arg10[%dma_start3A_157, %dma_start3A_162] : memref<5x80xi32, #tpu.memory_space<vmem>> -> memref<1x80xi32, #tpu.memory_space<vmem>>
      %dma_start3A_164 = tpu.memref_squeeze %dma_start3A_163 : memref<1x80xi32, #tpu.memory_space<vmem>> -> memref<80xi32, #tpu.memory_space<vmem>>
      %dma_start3A_165 = arith.constant 0 : i32
      %dma_start3A_166 = tpu.memref_slice %arg5[%dma_start3A_165] : memref<320000xi32, #tpu.memory_space<hbm>> -> memref<320000xi32, #tpu.memory_space<hbm>>
      tpu.enqueue_indirect_dma source(%dma_start3A_166 : memref<320000xi32, #tpu.memory_space<hbm>>) target(%dma_start3A_161 : memref<80xi32, #tpu.memory_space<vmem>>) offsets(%dma_start3A_164 : memref<80xi32, #tpu.memory_space<vmem>>) semaphore(%arg19 : memref<!tpu.dma_semaphore, #tpu.memory_space<semaphore_mem>>)
      %dma_start3A_167 = arith.constant 3 : i32
      %dma_start3A_168 = arith.constant 3 : i32
      %dma_start3A_169 = arith.constant 0 : i32
      %dma_start3A_170 = tpu.memref_slice %arg12[%dma_start3A_168, %dma_start3A_169] : memref<5x80xi32, #tpu.memory_space<vmem>> -> memref<1x80xi32, #tpu.memory_space<vmem>>
      %dma_start3A_171 = tpu.memref_squeeze %dma_start3A_170 : memref<1x80xi32, #tpu.memory_space<vmem>> -> memref<80xi32, #tpu.memory_space<vmem>>
      %dma_start3A_172 = arith.constant 0 : i32
      %dma_start3A_173 = tpu.memref_slice %arg10[%dma_start3A_167, %dma_start3A_172] : memref<5x80xi32, #tpu.memory_space<vmem>> -> memref<1x80xi32, #tpu.memory_space<vmem>>
      %dma_start3A_174 = tpu.memref_squeeze %dma_start3A_173 : memref<1x80xi32, #tpu.memory_space<vmem>> -> memref<80xi32, #tpu.memory_space<vmem>>
      %dma_start3A_175 = arith.constant 0 : i32
      %dma_start3A_176 = tpu.memref_slice %arg5[%dma_start3A_175] : memref<320000xi32, #tpu.memory_space<hbm>> -> memref<320000xi32, #tpu.memory_space<hbm>>
      tpu.enqueue_indirect_dma source(%dma_start3A_176 : memref<320000xi32, #tpu.memory_space<hbm>>) target(%dma_start3A_171 : memref<80xi32, #tpu.memory_space<vmem>>) offsets(%dma_start3A_174 : memref<80xi32, #tpu.memory_space<vmem>>) semaphore(%arg20 : memref<!tpu.dma_semaphore, #tpu.memory_space<semaphore_mem>>)
      %dma_start3A_177 = arith.constant 4 : i32
      %dma_start3A_178 = arith.constant 4 : i32
      %dma_start3A_179 = arith.constant 0 : i32
      %dma_start3A_180 = tpu.memref_slice %arg12[%dma_start3A_178, %dma_start3A_179] : memref<5x80xi32, #tpu.memory_space<vmem>> -> memref<1x80xi32, #tpu.memory_space<vmem>>
      %dma_start3A_181 = tpu.memref_squeeze %dma_start3A_180 : memref<1x80xi32, #tpu.memory_space<vmem>> -> memref<80xi32, #tpu.memory_space<vmem>>
      %dma_start3A_182 = arith.constant 0 : i32
      %dma_start3A_183 = tpu.memref_slice %arg10[%dma_start3A_177, %dma_start3A_182] : memref<5x80xi32, #tpu.memory_space<vmem>> -> memref<1x80xi32, #tpu.memory_space<vmem>>
      %dma_start3A_184 = tpu.memref_squeeze %dma_start3A_183 : memref<1x80xi32, #tpu.memory_space<vmem>> -> memref<80xi32, #tpu.memory_space<vmem>>
      %dma_start3A_185 = arith.constant 0 : i32
      %dma_start3A_186 = tpu.memref_slice %arg5[%dma_start3A_185] : memref<320000xi32, #tpu.memory_space<hbm>> -> memref<320000xi32, #tpu.memory_space<hbm>>
      tpu.enqueue_indirect_dma source(%dma_start3A_186 : memref<320000xi32, #tpu.memory_space<hbm>>) target(%dma_start3A_181 : memref<80xi32, #tpu.memory_space<vmem>>) offsets(%dma_start3A_184 : memref<80xi32, #tpu.memory_space<vmem>>) semaphore(%arg19 : memref<!tpu.dma_semaphore, #tpu.memory_space<semaphore_mem>>)
      %dma_wait3A_187 = arith.constant 0 : i32
      %dma_wait3A_188 = arith.constant 0 : i32
      %dma_wait3A_189 = arith.constant 0 : i32
      %dma_wait3A_190 = tpu.memref_slice %arg12[%dma_wait3A_188, %dma_wait3A_189] : memref<5x80xi32, #tpu.memory_space<vmem>> -> memref<1x80xi32, #tpu.memory_space<vmem>>
      %dma_wait3A_191 = tpu.memref_squeeze %dma_wait3A_190 : memref<1x80xi32, #tpu.memory_space<vmem>> -> memref<80xi32, #tpu.memory_space<vmem>>
      %dma_wait3A_192 = arith.constant 0 : i32
      %dma_wait3A_193 = tpu.memref_slice %arg10[%dma_wait3A_187, %dma_wait3A_192] : memref<5x80xi32, #tpu.memory_space<vmem>> -> memref<1x80xi32, #tpu.memory_space<vmem>>
      %dma_wait3A_194 = tpu.memref_squeeze %dma_wait3A_193 : memref<1x80xi32, #tpu.memory_space<vmem>> -> memref<80xi32, #tpu.memory_space<vmem>>
      %dma_wait3A_195 = arith.constant 0 : i32
      %dma_wait3A_196 = tpu.memref_slice %arg5[%dma_wait3A_195] : memref<320000xi32, #tpu.memory_space<hbm>> -> memref<320000xi32, #tpu.memory_space<hbm>>
      tpu.wait_indirect_dma semaphore(%arg19 : memref<!tpu.dma_semaphore, #tpu.memory_space<semaphore_mem>>) src(%dma_wait3A_196 : memref<320000xi32, #tpu.memory_space<hbm>>) dst(%dma_wait3A_191 : memref<80xi32, #tpu.memory_space<vmem>>)
      %dma_wait3A_197 = arith.constant 1 : i32
      %dma_wait3A_198 = arith.constant 1 : i32
      %dma_wait3A_199 = arith.constant 0 : i32
      %dma_wait3A_200 = tpu.memref_slice %arg12[%dma_wait3A_198, %dma_wait3A_199] : memref<5x80xi32, #tpu.memory_space<vmem>> -> memref<1x80xi32, #tpu.memory_space<vmem>>
      %dma_wait3A_201 = tpu.memref_squeeze %dma_wait3A_200 : memref<1x80xi32, #tpu.memory_space<vmem>> -> memref<80xi32, #tpu.memory_space<vmem>>
      %dma_wait3A_202 = arith.constant 0 : i32
      %dma_wait3A_203 = tpu.memref_slice %arg10[%dma_wait3A_197, %dma_wait3A_202] : memref<5x80xi32, #tpu.memory_space<vmem>> -> memref<1x80xi32, #tpu.memory_space<vmem>>
      %dma_wait3A_204 = tpu.memref_squeeze %dma_wait3A_203 : memref<1x80xi32, #tpu.memory_space<vmem>> -> memref<80xi32, #tpu.memory_space<vmem>>
      %dma_wait3A_205 = arith.constant 0 : i32
      %dma_wait3A_206 = tpu.memref_slice %arg5[%dma_wait3A_205] : memref<320000xi32, #tpu.memory_space<hbm>> -> memref<320000xi32, #tpu.memory_space<hbm>>
      tpu.wait_indirect_dma semaphore(%arg20 : memref<!tpu.dma_semaphore, #tpu.memory_space<semaphore_mem>>) src(%dma_wait3A_206 : memref<320000xi32, #tpu.memory_space<hbm>>) dst(%dma_wait3A_201 : memref<80xi32, #tpu.memory_space<vmem>>)
      %dma_wait3A_207 = arith.constant 2 : i32
      %dma_wait3A_208 = arith.constant 2 : i32
      %dma_wait3A_209 = arith.constant 0 : i32
      %dma_wait3A_210 = tpu.memref_slice %arg12[%dma_wait3A_208, %dma_wait3A_209] : memref<5x80xi32, #tpu.memory_space<vmem>> -> memref<1x80xi32, #tpu.memory_space<vmem>>
      %dma_wait3A_211 = tpu.memref_squeeze %dma_wait3A_210 : memref<1x80xi32, #tpu.memory_space<vmem>> -> memref<80xi32, #tpu.memory_space<vmem>>
      %dma_wait3A_212 = arith.constant 0 : i32
      %dma_wait3A_213 = tpu.memref_slice %arg10[%dma_wait3A_207, %dma_wait3A_212] : memref<5x80xi32, #tpu.memory_space<vmem>> -> memref<1x80xi32, #tpu.memory_space<vmem>>
      %dma_wait3A_214 = tpu.memref_squeeze %dma_wait3A_213 : memref<1x80xi32, #tpu.memory_space<vmem>> -> memref<80xi32, #tpu.memory_space<vmem>>
      %dma_wait3A_215 = arith.constant 0 : i32
      %dma_wait3A_216 = tpu.memref_slice %arg5[%dma_wait3A_215] : memref<320000xi32, #tpu.memory_space<hbm>> -> memref<320000xi32, #tpu.memory_space<hbm>>
      tpu.wait_indirect_dma semaphore(%arg19 : memref<!tpu.dma_semaphore, #tpu.memory_space<semaphore_mem>>) src(%dma_wait3A_216 : memref<320000xi32, #tpu.memory_space<hbm>>) dst(%dma_wait3A_211 : memref<80xi32, #tpu.memory_space<vmem>>)
      %dma_wait3A_217 = arith.constant 3 : i32
      %dma_wait3A_218 = arith.constant 3 : i32
      %dma_wait3A_219 = arith.constant 0 : i32
      %dma_wait3A_220 = tpu.memref_slice %arg12[%dma_wait3A_218, %dma_wait3A_219] : memref<5x80xi32, #tpu.memory_space<vmem>> -> memref<1x80xi32, #tpu.memory_space<vmem>>
      %dma_wait3A_221 = tpu.memref_squeeze %dma_wait3A_220 : memref<1x80xi32, #tpu.memory_space<vmem>> -> memref<80xi32, #tpu.memory_space<vmem>>
      %dma_wait3A_222 = arith.constant 0 : i32
      %dma_wait3A_223 = tpu.memref_slice %arg10[%dma_wait3A_217, %dma_wait3A_222] : memref<5x80xi32, #tpu.memory_space<vmem>> -> memref<1x80xi32, #tpu.memory_space<vmem>>
      %dma_wait3A_224 = tpu.memref_squeeze %dma_wait3A_223 : memref<1x80xi32, #tpu.memory_space<vmem>> -> memref<80xi32, #tpu.memory_space<vmem>>
      %dma_wait3A_225 = arith.constant 0 : i32
      %dma_wait3A_226 = tpu.memref_slice %arg5[%dma_wait3A_225] : memref<320000xi32, #tpu.memory_space<hbm>> -> memref<320000xi32, #tpu.memory_space<hbm>>
      tpu.wait_indirect_dma semaphore(%arg20 : memref<!tpu.dma_semaphore, #tpu.memory_space<semaphore_mem>>) src(%dma_wait3A_226 : memref<320000xi32, #tpu.memory_space<hbm>>) dst(%dma_wait3A_221 : memref<80xi32, #tpu.memory_space<vmem>>)
      %dma_wait3A_227 = arith.constant 4 : i32
      %dma_wait3A_228 = arith.constant 4 : i32
      %dma_wait3A_229 = arith.constant 0 : i32
      %dma_wait3A_230 = tpu.memref_slice %arg12[%dma_wait3A_228, %dma_wait3A_229] : memref<5x80xi32, #tpu.memory_space<vmem>> -> memref<1x80xi32, #tpu.memory_space<vmem>>
      %dma_wait3A_231 = tpu.memref_squeeze %dma_wait3A_230 : memref<1x80xi32, #tpu.memory_space<vmem>> -> memref<80xi32, #tpu.memory_space<vmem>>
      %dma_wait3A_232 = arith.constant 0 : i32
      %dma_wait3A_233 = tpu.memref_slice %arg10[%dma_wait3A_227, %dma_wait3A_232] : memref<5x80xi32, #tpu.memory_space<vmem>> -> memref<1x80xi32, #tpu.memory_space<vmem>>
      %dma_wait3A_234 = tpu.memref_squeeze %dma_wait3A_233 : memref<1x80xi32, #tpu.memory_space<vmem>> -> memref<80xi32, #tpu.memory_space<vmem>>
      %dma_wait3A_235 = arith.constant 0 : i32
      %dma_wait3A_236 = tpu.memref_slice %arg5[%dma_wait3A_235] : memref<320000xi32, #tpu.memory_space<hbm>> -> memref<320000xi32, #tpu.memory_space<hbm>>
      tpu.wait_indirect_dma semaphore(%arg19 : memref<!tpu.dma_semaphore, #tpu.memory_space<semaphore_mem>>) src(%dma_wait3A_236 : memref<320000xi32, #tpu.memory_space<hbm>>) dst(%dma_wait3A_231 : memref<80xi32, #tpu.memory_space<vmem>>)
      %dma_start3A_237 = arith.constant 0 : i32
      %dma_start3A_238 = arith.constant 0 : i32
      %dma_start3A_239 = arith.constant 0 : i32
      %dma_start3A_240 = tpu.memref_slice %arg13[%dma_start3A_238, %dma_start3A_239] : memref<400x128xf32, #tpu.memory_space<vmem>> -> memref<80x128xf32, #tpu.memory_space<vmem>>
      %dma_start3A_241 = arith.constant 0 : i32
      %dma_start3A_242 = tpu.memref_slice %arg11[%dma_start3A_237, %dma_start3A_241] : memref<5x80xi32, #tpu.memory_space<vmem>> -> memref<1x80xi32, #tpu.memory_space<vmem>>
      %dma_start3A_243 = tpu.memref_squeeze %dma_start3A_242 : memref<1x80xi32, #tpu.memory_space<vmem>> -> memref<80xi32, #tpu.memory_space<vmem>>
      %dma_start3A_244 = arith.constant 0 : i32
      %dma_start3A_245 = arith.constant 0 : i32
      %dma_start3A_246 = tpu.memref_slice %arg2[%dma_start3A_244, %dma_start3A_245] : memref<10240x128xf32, #tpu.memory_space<hbm>> -> memref<10240x128xf32, #tpu.memory_space<hbm>>
      tpu.enqueue_indirect_dma source(%dma_start3A_246 : memref<10240x128xf32, #tpu.memory_space<hbm>>) target(%dma_start3A_240 : memref<80x128xf32, #tpu.memory_space<vmem>>) offsets(%dma_start3A_243 : memref<80xi32, #tpu.memory_space<vmem>>) semaphore(%arg16 : memref<!tpu.dma_semaphore, #tpu.memory_space<semaphore_mem>>)
      %dma_start3A_247 = arith.constant 0 : i32
      %dma_start3A_248 = arith.constant 0 : i32
      %dma_start3A_249 = arith.constant 0 : i32
      %dma_start3A_250 = tpu.memref_slice %arg14[%dma_start3A_248, %dma_start3A_249] : memref<400x128xf32, #tpu.memory_space<vmem>> -> memref<80x128xf32, #tpu.memory_space<vmem>>
      %dma_start3A_251 = arith.constant 0 : i32
      %dma_start3A_252 = tpu.memref_slice %arg12[%dma_start3A_247, %dma_start3A_251] : memref<5x80xi32, #tpu.memory_space<vmem>> -> memref<1x80xi32, #tpu.memory_space<vmem>>
      %dma_start3A_253 = tpu.memref_squeeze %dma_start3A_252 : memref<1x80xi32, #tpu.memory_space<vmem>> -> memref<80xi32, #tpu.memory_space<vmem>>
      %dma_start3A_254 = arith.constant 0 : i32
      %dma_start3A_255 = arith.constant 0 : i32
      %dma_start3A_256 = tpu.memref_slice %arg2[%dma_start3A_254, %dma_start3A_255] : memref<10240x128xf32, #tpu.memory_space<hbm>> -> memref<10240x128xf32, #tpu.memory_space<hbm>>
      tpu.enqueue_indirect_dma source(%dma_start3A_256 : memref<10240x128xf32, #tpu.memory_space<hbm>>) target(%dma_start3A_250 : memref<80x128xf32, #tpu.memory_space<vmem>>) offsets(%dma_start3A_253 : memref<80xi32, #tpu.memory_space<vmem>>) semaphore(%arg17 : memref<!tpu.dma_semaphore, #tpu.memory_space<semaphore_mem>>)
      %dma_start3A_257 = arith.constant 0 : i32
      %dma_start3A_258 = arith.constant 0 : i32
      %dma_start3A_259 = arith.constant 0 : i32
      %dma_start3A_260 = tpu.memref_slice %arg15[%dma_start3A_258, %dma_start3A_259] : memref<400x16xf32, #tpu.memory_space<vmem>> -> memref<80x16xf32, #tpu.memory_space<vmem>>
      %dma_start3A_261 = arith.constant 0 : i32
      %dma_start3A_262 = tpu.memref_slice %arg10[%dma_start3A_257, %dma_start3A_261] : memref<5x80xi32, #tpu.memory_space<vmem>> -> memref<1x80xi32, #tpu.memory_space<vmem>>
      %dma_start3A_263 = tpu.memref_squeeze %dma_start3A_262 : memref<1x80xi32, #tpu.memory_space<vmem>> -> memref<80xi32, #tpu.memory_space<vmem>>
      %dma_start3A_264 = arith.constant 0 : i32
      %dma_start3A_265 = arith.constant 0 : i32
      %dma_start3A_266 = tpu.memref_slice %arg3[%dma_start3A_264, %dma_start3A_265] : memref<320000x16xf32, #tpu.memory_space<hbm>> -> memref<320000x16xf32, #tpu.memory_space<hbm>>
      tpu.enqueue_indirect_dma source(%dma_start3A_266 : memref<320000x16xf32, #tpu.memory_space<hbm>>) target(%dma_start3A_260 : memref<80x16xf32, #tpu.memory_space<vmem>>) offsets(%dma_start3A_263 : memref<80xi32, #tpu.memory_space<vmem>>) semaphore(%arg18 : memref<!tpu.dma_semaphore, #tpu.memory_space<semaphore_mem>>)
      %dma_start3A_267 = arith.constant 1 : i32
      %dma_start3A_268 = arith.constant 80 : i32
      %dma_start3A_269 = arith.constant 0 : i32
      %dma_start3A_270 = tpu.memref_slice %arg13[%dma_start3A_268, %dma_start3A_269] : memref<400x128xf32, #tpu.memory_space<vmem>> -> memref<80x128xf32, #tpu.memory_space<vmem>>
      %dma_start3A_271 = arith.constant 0 : i32
      %dma_start3A_272 = tpu.memref_slice %arg11[%dma_start3A_267, %dma_start3A_271] : memref<5x80xi32, #tpu.memory_space<vmem>> -> memref<1x80xi32, #tpu.memory_space<vmem>>
      %dma_start3A_273 = tpu.memref_squeeze %dma_start3A_272 : memref<1x80xi32, #tpu.memory_space<vmem>> -> memref<80xi32, #tpu.memory_space<vmem>>
      %dma_start3A_274 = arith.constant 0 : i32
      %dma_start3A_275 = arith.constant 0 : i32
      %dma_start3A_276 = tpu.memref_slice %arg2[%dma_start3A_274, %dma_start3A_275] : memref<10240x128xf32, #tpu.memory_space<hbm>> -> memref<10240x128xf32, #tpu.memory_space<hbm>>
      tpu.enqueue_indirect_dma source(%dma_start3A_276 : memref<10240x128xf32, #tpu.memory_space<hbm>>) target(%dma_start3A_270 : memref<80x128xf32, #tpu.memory_space<vmem>>) offsets(%dma_start3A_273 : memref<80xi32, #tpu.memory_space<vmem>>) semaphore(%arg16 : memref<!tpu.dma_semaphore, #tpu.memory_space<semaphore_mem>>)
      %dma_start3A_277 = arith.constant 1 : i32
      %dma_start3A_278 = arith.constant 80 : i32
      %dma_start3A_279 = arith.constant 0 : i32
      %dma_start3A_280 = tpu.memref_slice %arg14[%dma_start3A_278, %dma_start3A_279] : memref<400x128xf32, #tpu.memory_space<vmem>> -> memref<80x128xf32, #tpu.memory_space<vmem>>
      %dma_start3A_281 = arith.constant 0 : i32
      %dma_start3A_282 = tpu.memref_slice %arg12[%dma_start3A_277, %dma_start3A_281] : memref<5x80xi32, #tpu.memory_space<vmem>> -> memref<1x80xi32, #tpu.memory_space<vmem>>
      %dma_start3A_283 = tpu.memref_squeeze %dma_start3A_282 : memref<1x80xi32, #tpu.memory_space<vmem>> -> memref<80xi32, #tpu.memory_space<vmem>>
      %dma_start3A_284 = arith.constant 0 : i32
      %dma_start3A_285 = arith.constant 0 : i32
      %dma_start3A_286 = tpu.memref_slice %arg2[%dma_start3A_284, %dma_start3A_285] : memref<10240x128xf32, #tpu.memory_space<hbm>> -> memref<10240x128xf32, #tpu.memory_space<hbm>>
      tpu.enqueue_indirect_dma source(%dma_start3A_286 : memref<10240x128xf32, #tpu.memory_space<hbm>>) target(%dma_start3A_280 : memref<80x128xf32, #tpu.memory_space<vmem>>) offsets(%dma_start3A_283 : memref<80xi32, #tpu.memory_space<vmem>>) semaphore(%arg17 : memref<!tpu.dma_semaphore, #tpu.memory_space<semaphore_mem>>)
      %dma_start3A_287 = arith.constant 1 : i32
      %dma_start3A_288 = arith.constant 80 : i32
      %dma_start3A_289 = arith.constant 0 : i32
      %dma_start3A_290 = tpu.memref_slice %arg15[%dma_start3A_288, %dma_start3A_289] : memref<400x16xf32, #tpu.memory_space<vmem>> -> memref<80x16xf32, #tpu.memory_space<vmem>>
      %dma_start3A_291 = arith.constant 0 : i32
      %dma_start3A_292 = tpu.memref_slice %arg10[%dma_start3A_287, %dma_start3A_291] : memref<5x80xi32, #tpu.memory_space<vmem>> -> memref<1x80xi32, #tpu.memory_space<vmem>>
      %dma_start3A_293 = tpu.memref_squeeze %dma_start3A_292 : memref<1x80xi32, #tpu.memory_space<vmem>> -> memref<80xi32, #tpu.memory_space<vmem>>
      %dma_start3A_294 = arith.constant 0 : i32
      %dma_start3A_295 = arith.constant 0 : i32
      %dma_start3A_296 = tpu.memref_slice %arg3[%dma_start3A_294, %dma_start3A_295] : memref<320000x16xf32, #tpu.memory_space<hbm>> -> memref<320000x16xf32, #tpu.memory_space<hbm>>
      tpu.enqueue_indirect_dma source(%dma_start3A_296 : memref<320000x16xf32, #tpu.memory_space<hbm>>) target(%dma_start3A_290 : memref<80x16xf32, #tpu.memory_space<vmem>>) offsets(%dma_start3A_293 : memref<80xi32, #tpu.memory_space<vmem>>) semaphore(%arg18 : memref<!tpu.dma_semaphore, #tpu.memory_space<semaphore_mem>>)
      %dma_start3A_297 = arith.constant 2 : i32
      %dma_start3A_298 = arith.constant 160 : i32
      %dma_start3A_299 = arith.constant 0 : i32
      %dma_start3A_300 = tpu.memref_slice %arg13[%dma_start3A_298, %dma_start3A_299] : memref<400x128xf32, #tpu.memory_space<vmem>> -> memref<80x128xf32, #tpu.memory_space<vmem>>
      %dma_start3A_301 = arith.constant 0 : i32
      %dma_start3A_302 = tpu.memref_slice %arg11[%dma_start3A_297, %dma_start3A_301] : memref<5x80xi32, #tpu.memory_space<vmem>> -> memref<1x80xi32, #tpu.memory_space<vmem>>
      %dma_start3A_303 = tpu.memref_squeeze %dma_start3A_302 : memref<1x80xi32, #tpu.memory_space<vmem>> -> memref<80xi32, #tpu.memory_space<vmem>>
      %dma_start3A_304 = arith.constant 0 : i32
      %dma_start3A_305 = arith.constant 0 : i32
      %dma_start3A_306 = tpu.memref_slice %arg2[%dma_start3A_304, %dma_start3A_305] : memref<10240x128xf32, #tpu.memory_space<hbm>> -> memref<10240x128xf32, #tpu.memory_space<hbm>>
      tpu.enqueue_indirect_dma source(%dma_start3A_306 : memref<10240x128xf32, #tpu.memory_space<hbm>>) target(%dma_start3A_300 : memref<80x128xf32, #tpu.memory_space<vmem>>) offsets(%dma_start3A_303 : memref<80xi32, #tpu.memory_space<vmem>>) semaphore(%arg16 : memref<!tpu.dma_semaphore, #tpu.memory_space<semaphore_mem>>)
      %dma_start3A_307 = arith.constant 2 : i32
      %dma_start3A_308 = arith.constant 160 : i32
      %dma_start3A_309 = arith.constant 0 : i32
      %dma_start3A_310 = tpu.memref_slice %arg14[%dma_start3A_308, %dma_start3A_309] : memref<400x128xf32, #tpu.memory_space<vmem>> -> memref<80x128xf32, #tpu.memory_space<vmem>>
      %dma_start3A_311 = arith.constant 0 : i32
      %dma_start3A_312 = tpu.memref_slice %arg12[%dma_start3A_307, %dma_start3A_311] : memref<5x80xi32, #tpu.memory_space<vmem>> -> memref<1x80xi32, #tpu.memory_space<vmem>>
      %dma_start3A_313 = tpu.memref_squeeze %dma_start3A_312 : memref<1x80xi32, #tpu.memory_space<vmem>> -> memref<80xi32, #tpu.memory_space<vmem>>
      %dma_start3A_314 = arith.constant 0 : i32
      %dma_start3A_315 = arith.constant 0 : i32
      %dma_start3A_316 = tpu.memref_slice %arg2[%dma_start3A_314, %dma_start3A_315] : memref<10240x128xf32, #tpu.memory_space<hbm>> -> memref<10240x128xf32, #tpu.memory_space<hbm>>
      tpu.enqueue_indirect_dma source(%dma_start3A_316 : memref<10240x128xf32, #tpu.memory_space<hbm>>) target(%dma_start3A_310 : memref<80x128xf32, #tpu.memory_space<vmem>>) offsets(%dma_start3A_313 : memref<80xi32, #tpu.memory_space<vmem>>) semaphore(%arg17 : memref<!tpu.dma_semaphore, #tpu.memory_space<semaphore_mem>>)
      %dma_start3A_317 = arith.constant 2 : i32
      %dma_start3A_318 = arith.constant 160 : i32
      %dma_start3A_319 = arith.constant 0 : i32
      %dma_start3A_320 = tpu.memref_slice %arg15[%dma_start3A_318, %dma_start3A_319] : memref<400x16xf32, #tpu.memory_space<vmem>> -> memref<80x16xf32, #tpu.memory_space<vmem>>
      %dma_start3A_321 = arith.constant 0 : i32
      %dma_start3A_322 = tpu.memref_slice %arg10[%dma_start3A_317, %dma_start3A_321] : memref<5x80xi32, #tpu.memory_space<vmem>> -> memref<1x80xi32, #tpu.memory_space<vmem>>
      %dma_start3A_323 = tpu.memref_squeeze %dma_start3A_322 : memref<1x80xi32, #tpu.memory_space<vmem>> -> memref<80xi32, #tpu.memory_space<vmem>>
      %dma_start3A_324 = arith.constant 0 : i32
      %dma_start3A_325 = arith.constant 0 : i32
      %dma_start3A_326 = tpu.memref_slice %arg3[%dma_start3A_324, %dma_start3A_325] : memref<320000x16xf32, #tpu.memory_space<hbm>> -> memref<320000x16xf32, #tpu.memory_space<hbm>>
      tpu.enqueue_indirect_dma source(%dma_start3A_326 : memref<320000x16xf32, #tpu.memory_space<hbm>>) target(%dma_start3A_320 : memref<80x16xf32, #tpu.memory_space<vmem>>) offsets(%dma_start3A_323 : memref<80xi32, #tpu.memory_space<vmem>>) semaphore(%arg18 : memref<!tpu.dma_semaphore, #tpu.memory_space<semaphore_mem>>)
      %dma_start3A_327 = arith.constant 3 : i32
      %dma_start3A_328 = arith.constant 240 : i32
      %dma_start3A_329 = arith.constant 0 : i32
      %dma_start3A_330 = tpu.memref_slice %arg13[%dma_start3A_328, %dma_start3A_329] : memref<400x128xf32, #tpu.memory_space<vmem>> -> memref<80x128xf32, #tpu.memory_space<vmem>>
      %dma_start3A_331 = arith.constant 0 : i32
      %dma_start3A_332 = tpu.memref_slice %arg11[%dma_start3A_327, %dma_start3A_331] : memref<5x80xi32, #tpu.memory_space<vmem>> -> memref<1x80xi32, #tpu.memory_space<vmem>>
      %dma_start3A_333 = tpu.memref_squeeze %dma_start3A_332 : memref<1x80xi32, #tpu.memory_space<vmem>> -> memref<80xi32, #tpu.memory_space<vmem>>
      %dma_start3A_334 = arith.constant 0 : i32
      %dma_start3A_335 = arith.constant 0 : i32
      %dma_start3A_336 = tpu.memref_slice %arg2[%dma_start3A_334, %dma_start3A_335] : memref<10240x128xf32, #tpu.memory_space<hbm>> -> memref<10240x128xf32, #tpu.memory_space<hbm>>
      tpu.enqueue_indirect_dma source(%dma_start3A_336 : memref<10240x128xf32, #tpu.memory_space<hbm>>) target(%dma_start3A_330 : memref<80x128xf32, #tpu.memory_space<vmem>>) offsets(%dma_start3A_333 : memref<80xi32, #tpu.memory_space<vmem>>) semaphore(%arg16 : memref<!tpu.dma_semaphore, #tpu.memory_space<semaphore_mem>>)
      %dma_start3A_337 = arith.constant 3 : i32
      %dma_start3A_338 = arith.constant 240 : i32
      %dma_start3A_339 = arith.constant 0 : i32
      %dma_start3A_340 = tpu.memref_slice %arg14[%dma_start3A_338, %dma_start3A_339] : memref<400x128xf32, #tpu.memory_space<vmem>> -> memref<80x128xf32, #tpu.memory_space<vmem>>
      %dma_start3A_341 = arith.constant 0 : i32
      %dma_start3A_342 = tpu.memref_slice %arg12[%dma_start3A_337, %dma_start3A_341] : memref<5x80xi32, #tpu.memory_space<vmem>> -> memref<1x80xi32, #tpu.memory_space<vmem>>
      %dma_start3A_343 = tpu.memref_squeeze %dma_start3A_342 : memref<1x80xi32, #tpu.memory_space<vmem>> -> memref<80xi32, #tpu.memory_space<vmem>>
      %dma_start3A_344 = arith.constant 0 : i32
      %dma_start3A_345 = arith.constant 0 : i32
      %dma_start3A_346 = tpu.memref_slice %arg2[%dma_start3A_344, %dma_start3A_345] : memref<10240x128xf32, #tpu.memory_space<hbm>> -> memref<10240x128xf32, #tpu.memory_space<hbm>>
      tpu.enqueue_indirect_dma source(%dma_start3A_346 : memref<10240x128xf32, #tpu.memory_space<hbm>>) target(%dma_start3A_340 : memref<80x128xf32, #tpu.memory_space<vmem>>) offsets(%dma_start3A_343 : memref<80xi32, #tpu.memory_space<vmem>>) semaphore(%arg17 : memref<!tpu.dma_semaphore, #tpu.memory_space<semaphore_mem>>)
      %dma_start3A_347 = arith.constant 3 : i32
      %dma_start3A_348 = arith.constant 240 : i32
      %dma_start3A_349 = arith.constant 0 : i32
      %dma_start3A_350 = tpu.memref_slice %arg15[%dma_start3A_348, %dma_start3A_349] : memref<400x16xf32, #tpu.memory_space<vmem>> -> memref<80x16xf32, #tpu.memory_space<vmem>>
      %dma_start3A_351 = arith.constant 0 : i32
      %dma_start3A_352 = tpu.memref_slice %arg10[%dma_start3A_347, %dma_start3A_351] : memref<5x80xi32, #tpu.memory_space<vmem>> -> memref<1x80xi32, #tpu.memory_space<vmem>>
      %dma_start3A_353 = tpu.memref_squeeze %dma_start3A_352 : memref<1x80xi32, #tpu.memory_space<vmem>> -> memref<80xi32, #tpu.memory_space<vmem>>
      %dma_start3A_354 = arith.constant 0 : i32
      %dma_start3A_355 = arith.constant 0 : i32
      %dma_start3A_356 = tpu.memref_slice %arg3[%dma_start3A_354, %dma_start3A_355] : memref<320000x16xf32, #tpu.memory_space<hbm>> -> memref<320000x16xf32, #tpu.memory_space<hbm>>
      tpu.enqueue_indirect_dma source(%dma_start3A_356 : memref<320000x16xf32, #tpu.memory_space<hbm>>) target(%dma_start3A_350 : memref<80x16xf32, #tpu.memory_space<vmem>>) offsets(%dma_start3A_353 : memref<80xi32, #tpu.memory_space<vmem>>) semaphore(%arg18 : memref<!tpu.dma_semaphore, #tpu.memory_space<semaphore_mem>>)
      %dma_start3A_357 = arith.constant 4 : i32
      %dma_start3A_358 = arith.constant 320 : i32
      %dma_start3A_359 = arith.constant 0 : i32
      %dma_start3A_360 = tpu.memref_slice %arg13[%dma_start3A_358, %dma_start3A_359] : memref<400x128xf32, #tpu.memory_space<vmem>> -> memref<80x128xf32, #tpu.memory_space<vmem>>
      %dma_start3A_361 = arith.constant 0 : i32
      %dma_start3A_362 = tpu.memref_slice %arg11[%dma_start3A_357, %dma_start3A_361] : memref<5x80xi32, #tpu.memory_space<vmem>> -> memref<1x80xi32, #tpu.memory_space<vmem>>
      %dma_start3A_363 = tpu.memref_squeeze %dma_start3A_362 : memref<1x80xi32, #tpu.memory_space<vmem>> -> memref<80xi32, #tpu.memory_space<vmem>>
      %dma_start3A_364 = arith.constant 0 : i32
      %dma_start3A_365 = arith.constant 0 : i32
      %dma_start3A_366 = tpu.memref_slice %arg2[%dma_start3A_364, %dma_start3A_365] : memref<10240x128xf32, #tpu.memory_space<hbm>> -> memref<10240x128xf32, #tpu.memory_space<hbm>>
      tpu.enqueue_indirect_dma source(%dma_start3A_366 : memref<10240x128xf32, #tpu.memory_space<hbm>>) target(%dma_start3A_360 : memref<80x128xf32, #tpu.memory_space<vmem>>) offsets(%dma_start3A_363 : memref<80xi32, #tpu.memory_space<vmem>>) semaphore(%arg16 : memref<!tpu.dma_semaphore, #tpu.memory_space<semaphore_mem>>)
      %dma_start3A_367 = arith.constant 4 : i32
      %dma_start3A_368 = arith.constant 320 : i32
      %dma_start3A_369 = arith.constant 0 : i32
      %dma_start3A_370 = tpu.memref_slice %arg14[%dma_start3A_368, %dma_start3A_369] : memref<400x128xf32, #tpu.memory_space<vmem>> -> memref<80x128xf32, #tpu.memory_space<vmem>>
      %dma_start3A_371 = arith.constant 0 : i32
      %dma_start3A_372 = tpu.memref_slice %arg12[%dma_start3A_367, %dma_start3A_371] : memref<5x80xi32, #tpu.memory_space<vmem>> -> memref<1x80xi32, #tpu.memory_space<vmem>>
      %dma_start3A_373 = tpu.memref_squeeze %dma_start3A_372 : memref<1x80xi32, #tpu.memory_space<vmem>> -> memref<80xi32, #tpu.memory_space<vmem>>
      %dma_start3A_374 = arith.constant 0 : i32
      %dma_start3A_375 = arith.constant 0 : i32
      %dma_start3A_376 = tpu.memref_slice %arg2[%dma_start3A_374, %dma_start3A_375] : memref<10240x128xf32, #tpu.memory_space<hbm>> -> memref<10240x128xf32, #tpu.memory_space<hbm>>
      tpu.enqueue_indirect_dma source(%dma_start3A_376 : memref<10240x128xf32, #tpu.memory_space<hbm>>) target(%dma_start3A_370 : memref<80x128xf32, #tpu.memory_space<vmem>>) offsets(%dma_start3A_373 : memref<80xi32, #tpu.memory_space<vmem>>) semaphore(%arg17 : memref<!tpu.dma_semaphore, #tpu.memory_space<semaphore_mem>>)
      %dma_start3A_377 = arith.constant 4 : i32
      %dma_start3A_378 = arith.constant 320 : i32
      %dma_start3A_379 = arith.constant 0 : i32
      %dma_start3A_380 = tpu.memref_slice %arg15[%dma_start3A_378, %dma_start3A_379] : memref<400x16xf32, #tpu.memory_space<vmem>> -> memref<80x16xf32, #tpu.memory_space<vmem>>
      %dma_start3A_381 = arith.constant 0 : i32
      %dma_start3A_382 = tpu.memref_slice %arg10[%dma_start3A_377, %dma_start3A_381] : memref<5x80xi32, #tpu.memory_space<vmem>> -> memref<1x80xi32, #tpu.memory_space<vmem>>
      %dma_start3A_383 = tpu.memref_squeeze %dma_start3A_382 : memref<1x80xi32, #tpu.memory_space<vmem>> -> memref<80xi32, #tpu.memory_space<vmem>>
      %dma_start3A_384 = arith.constant 0 : i32
      %dma_start3A_385 = arith.constant 0 : i32
      %dma_start3A_386 = tpu.memref_slice %arg3[%dma_start3A_384, %dma_start3A_385] : memref<320000x16xf32, #tpu.memory_space<hbm>> -> memref<320000x16xf32, #tpu.memory_space<hbm>>
      tpu.enqueue_indirect_dma source(%dma_start3A_386 : memref<320000x16xf32, #tpu.memory_space<hbm>>) target(%dma_start3A_380 : memref<80x16xf32, #tpu.memory_space<vmem>>) offsets(%dma_start3A_383 : memref<80xi32, #tpu.memory_space<vmem>>) semaphore(%arg18 : memref<!tpu.dma_semaphore, #tpu.memory_space<semaphore_mem>>)
      %dma_wait3A_387 = arith.constant 0 : i32
      %dma_wait3A_388 = arith.constant 0 : i32
      %dma_wait3A_389 = arith.constant 0 : i32
      %dma_wait3A_390 = tpu.memref_slice %arg13[%dma_wait3A_388, %dma_wait3A_389] : memref<400x128xf32, #tpu.memory_space<vmem>> -> memref<80x128xf32, #tpu.memory_space<vmem>>
      %dma_wait3A_391 = arith.constant 0 : i32
      %dma_wait3A_392 = tpu.memref_slice %arg11[%dma_wait3A_387, %dma_wait3A_391] : memref<5x80xi32, #tpu.memory_space<vmem>> -> memref<1x80xi32, #tpu.memory_space<vmem>>
      %dma_wait3A_393 = tpu.memref_squeeze %dma_wait3A_392 : memref<1x80xi32, #tpu.memory_space<vmem>> -> memref<80xi32, #tpu.memory_space<vmem>>
      %dma_wait3A_394 = arith.constant 0 : i32
      %dma_wait3A_395 = arith.constant 0 : i32
      %dma_wait3A_396 = tpu.memref_slice %arg2[%dma_wait3A_394, %dma_wait3A_395] : memref<10240x128xf32, #tpu.memory_space<hbm>> -> memref<10240x128xf32, #tpu.memory_space<hbm>>
      tpu.wait_indirect_dma semaphore(%arg16 : memref<!tpu.dma_semaphore, #tpu.memory_space<semaphore_mem>>) src(%dma_wait3A_396 : memref<10240x128xf32, #tpu.memory_space<hbm>>) dst(%dma_wait3A_390 : memref<80x128xf32, #tpu.memory_space<vmem>>)
      %dma_wait3A_397 = arith.constant 0 : i32
      %dma_wait3A_398 = arith.constant 0 : i32
      %dma_wait3A_399 = arith.constant 0 : i32
      %dma_wait3A_400 = tpu.memref_slice %arg14[%dma_wait3A_398, %dma_wait3A_399] : memref<400x128xf32, #tpu.memory_space<vmem>> -> memref<80x128xf32, #tpu.memory_space<vmem>>
      %dma_wait3A_401 = arith.constant 0 : i32
      %dma_wait3A_402 = tpu.memref_slice %arg12[%dma_wait3A_397, %dma_wait3A_401] : memref<5x80xi32, #tpu.memory_space<vmem>> -> memref<1x80xi32, #tpu.memory_space<vmem>>
      %dma_wait3A_403 = tpu.memref_squeeze %dma_wait3A_402 : memref<1x80xi32, #tpu.memory_space<vmem>> -> memref<80xi32, #tpu.memory_space<vmem>>
      %dma_wait3A_404 = arith.constant 0 : i32
      %dma_wait3A_405 = arith.constant 0 : i32
      %dma_wait3A_406 = tpu.memref_slice %arg2[%dma_wait3A_404, %dma_wait3A_405] : memref<10240x128xf32, #tpu.memory_space<hbm>> -> memref<10240x128xf32, #tpu.memory_space<hbm>>
      tpu.wait_indirect_dma semaphore(%arg17 : memref<!tpu.dma_semaphore, #tpu.memory_space<semaphore_mem>>) src(%dma_wait3A_406 : memref<10240x128xf32, #tpu.memory_space<hbm>>) dst(%dma_wait3A_400 : memref<80x128xf32, #tpu.memory_space<vmem>>)
      %dma_wait3A_407 = arith.constant 0 : i32
      %dma_wait3A_408 = arith.constant 0 : i32
      %dma_wait3A_409 = arith.constant 0 : i32
      %dma_wait3A_410 = tpu.memref_slice %arg15[%dma_wait3A_408, %dma_wait3A_409] : memref<400x16xf32, #tpu.memory_space<vmem>> -> memref<80x16xf32, #tpu.memory_space<vmem>>
      %dma_wait3A_411 = arith.constant 0 : i32
      %dma_wait3A_412 = tpu.memref_slice %arg10[%dma_wait3A_407, %dma_wait3A_411] : memref<5x80xi32, #tpu.memory_space<vmem>> -> memref<1x80xi32, #tpu.memory_space<vmem>>
      %dma_wait3A_413 = tpu.memref_squeeze %dma_wait3A_412 : memref<1x80xi32, #tpu.memory_space<vmem>> -> memref<80xi32, #tpu.memory_space<vmem>>
      %dma_wait3A_414 = arith.constant 0 : i32
      %dma_wait3A_415 = arith.constant 0 : i32
      %dma_wait3A_416 = tpu.memref_slice %arg3[%dma_wait3A_414, %dma_wait3A_415] : memref<320000x16xf32, #tpu.memory_space<hbm>> -> memref<320000x16xf32, #tpu.memory_space<hbm>>
      tpu.wait_indirect_dma semaphore(%arg18 : memref<!tpu.dma_semaphore, #tpu.memory_space<semaphore_mem>>) src(%dma_wait3A_416 : memref<320000x16xf32, #tpu.memory_space<hbm>>) dst(%dma_wait3A_410 : memref<80x16xf32, #tpu.memory_space<vmem>>)
      %dma_wait3A_417 = arith.constant 1 : i32
      %dma_wait3A_418 = arith.constant 80 : i32
      %dma_wait3A_419 = arith.constant 0 : i32
      %dma_wait3A_420 = tpu.memref_slice %arg13[%dma_wait3A_418, %dma_wait3A_419] : memref<400x128xf32, #tpu.memory_space<vmem>> -> memref<80x128xf32, #tpu.memory_space<vmem>>
      %dma_wait3A_421 = arith.constant 0 : i32
      %dma_wait3A_422 = tpu.memref_slice %arg11[%dma_wait3A_417, %dma_wait3A_421] : memref<5x80xi32, #tpu.memory_space<vmem>> -> memref<1x80xi32, #tpu.memory_space<vmem>>
      %dma_wait3A_423 = tpu.memref_squeeze %dma_wait3A_422 : memref<1x80xi32, #tpu.memory_space<vmem>> -> memref<80xi32, #tpu.memory_space<vmem>>
      %dma_wait3A_424 = arith.constant 0 : i32
      %dma_wait3A_425 = arith.constant 0 : i32
      %dma_wait3A_426 = tpu.memref_slice %arg2[%dma_wait3A_424, %dma_wait3A_425] : memref<10240x128xf32, #tpu.memory_space<hbm>> -> memref<10240x128xf32, #tpu.memory_space<hbm>>
      tpu.wait_indirect_dma semaphore(%arg16 : memref<!tpu.dma_semaphore, #tpu.memory_space<semaphore_mem>>) src(%dma_wait3A_426 : memref<10240x128xf32, #tpu.memory_space<hbm>>) dst(%dma_wait3A_420 : memref<80x128xf32, #tpu.memory_space<vmem>>)
      %dma_wait3A_427 = arith.constant 1 : i32
      %dma_wait3A_428 = arith.constant 80 : i32
      %dma_wait3A_429 = arith.constant 0 : i32
      %dma_wait3A_430 = tpu.memref_slice %arg14[%dma_wait3A_428, %dma_wait3A_429] : memref<400x128xf32, #tpu.memory_space<vmem>> -> memref<80x128xf32, #tpu.memory_space<vmem>>
      %dma_wait3A_431 = arith.constant 0 : i32
      %dma_wait3A_432 = tpu.memref_slice %arg12[%dma_wait3A_427, %dma_wait3A_431] : memref<5x80xi32, #tpu.memory_space<vmem>> -> memref<1x80xi32, #tpu.memory_space<vmem>>
      %dma_wait3A_433 = tpu.memref_squeeze %dma_wait3A_432 : memref<1x80xi32, #tpu.memory_space<vmem>> -> memref<80xi32, #tpu.memory_space<vmem>>
      %dma_wait3A_434 = arith.constant 0 : i32
      %dma_wait3A_435 = arith.constant 0 : i32
      %dma_wait3A_436 = tpu.memref_slice %arg2[%dma_wait3A_434, %dma_wait3A_435] : memref<10240x128xf32, #tpu.memory_space<hbm>> -> memref<10240x128xf32, #tpu.memory_space<hbm>>
      tpu.wait_indirect_dma semaphore(%arg17 : memref<!tpu.dma_semaphore, #tpu.memory_space<semaphore_mem>>) src(%dma_wait3A_436 : memref<10240x128xf32, #tpu.memory_space<hbm>>) dst(%dma_wait3A_430 : memref<80x128xf32, #tpu.memory_space<vmem>>)
      %dma_wait3A_437 = arith.constant 1 : i32
      %dma_wait3A_438 = arith.constant 80 : i32
      %dma_wait3A_439 = arith.constant 0 : i32
      %dma_wait3A_440 = tpu.memref_slice %arg15[%dma_wait3A_438, %dma_wait3A_439] : memref<400x16xf32, #tpu.memory_space<vmem>> -> memref<80x16xf32, #tpu.memory_space<vmem>>
      %dma_wait3A_441 = arith.constant 0 : i32
      %dma_wait3A_442 = tpu.memref_slice %arg10[%dma_wait3A_437, %dma_wait3A_441] : memref<5x80xi32, #tpu.memory_space<vmem>> -> memref<1x80xi32, #tpu.memory_space<vmem>>
      %dma_wait3A_443 = tpu.memref_squeeze %dma_wait3A_442 : memref<1x80xi32, #tpu.memory_space<vmem>> -> memref<80xi32, #tpu.memory_space<vmem>>
      %dma_wait3A_444 = arith.constant 0 : i32
      %dma_wait3A_445 = arith.constant 0 : i32
      %dma_wait3A_446 = tpu.memref_slice %arg3[%dma_wait3A_444, %dma_wait3A_445] : memref<320000x16xf32, #tpu.memory_space<hbm>> -> memref<320000x16xf32, #tpu.memory_space<hbm>>
      tpu.wait_indirect_dma semaphore(%arg18 : memref<!tpu.dma_semaphore, #tpu.memory_space<semaphore_mem>>) src(%dma_wait3A_446 : memref<320000x16xf32, #tpu.memory_space<hbm>>) dst(%dma_wait3A_440 : memref<80x16xf32, #tpu.memory_space<vmem>>)
      %dma_wait3A_447 = arith.constant 2 : i32
      %dma_wait3A_448 = arith.constant 160 : i32
      %dma_wait3A_449 = arith.constant 0 : i32
      %dma_wait3A_450 = tpu.memref_slice %arg13[%dma_wait3A_448, %dma_wait3A_449] : memref<400x128xf32, #tpu.memory_space<vmem>> -> memref<80x128xf32, #tpu.memory_space<vmem>>
      %dma_wait3A_451 = arith.constant 0 : i32
      %dma_wait3A_452 = tpu.memref_slice %arg11[%dma_wait3A_447, %dma_wait3A_451] : memref<5x80xi32, #tpu.memory_space<vmem>> -> memref<1x80xi32, #tpu.memory_space<vmem>>
      %dma_wait3A_453 = tpu.memref_squeeze %dma_wait3A_452 : memref<1x80xi32, #tpu.memory_space<vmem>> -> memref<80xi32, #tpu.memory_space<vmem>>
      %dma_wait3A_454 = arith.constant 0 : i32
      %dma_wait3A_455 = arith.constant 0 : i32
      %dma_wait3A_456 = tpu.memref_slice %arg2[%dma_wait3A_454, %dma_wait3A_455] : memref<10240x128xf32, #tpu.memory_space<hbm>> -> memref<10240x128xf32, #tpu.memory_space<hbm>>
      tpu.wait_indirect_dma semaphore(%arg16 : memref<!tpu.dma_semaphore, #tpu.memory_space<semaphore_mem>>) src(%dma_wait3A_456 : memref<10240x128xf32, #tpu.memory_space<hbm>>) dst(%dma_wait3A_450 : memref<80x128xf32, #tpu.memory_space<vmem>>)
      %dma_wait3A_457 = arith.constant 2 : i32
      %dma_wait3A_458 = arith.constant 160 : i32
      %dma_wait3A_459 = arith.constant 0 : i32
      %dma_wait3A_460 = tpu.memref_slice %arg14[%dma_wait3A_458, %dma_wait3A_459] : memref<400x128xf32, #tpu.memory_space<vmem>> -> memref<80x128xf32, #tpu.memory_space<vmem>>
      %dma_wait3A_461 = arith.constant 0 : i32
      %dma_wait3A_462 = tpu.memref_slice %arg12[%dma_wait3A_457, %dma_wait3A_461] : memref<5x80xi32, #tpu.memory_space<vmem>> -> memref<1x80xi32, #tpu.memory_space<vmem>>
      %dma_wait3A_463 = tpu.memref_squeeze %dma_wait3A_462 : memref<1x80xi32, #tpu.memory_space<vmem>> -> memref<80xi32, #tpu.memory_space<vmem>>
      %dma_wait3A_464 = arith.constant 0 : i32
      %dma_wait3A_465 = arith.constant 0 : i32
      %dma_wait3A_466 = tpu.memref_slice %arg2[%dma_wait3A_464, %dma_wait3A_465] : memref<10240x128xf32, #tpu.memory_space<hbm>> -> memref<10240x128xf32, #tpu.memory_space<hbm>>
      tpu.wait_indirect_dma semaphore(%arg17 : memref<!tpu.dma_semaphore, #tpu.memory_space<semaphore_mem>>) src(%dma_wait3A_466 : memref<10240x128xf32, #tpu.memory_space<hbm>>) dst(%dma_wait3A_460 : memref<80x128xf32, #tpu.memory_space<vmem>>)
      %dma_wait3A_467 = arith.constant 2 : i32
      %dma_wait3A_468 = arith.constant 160 : i32
      %dma_wait3A_469 = arith.constant 0 : i32
      %dma_wait3A_470 = tpu.memref_slice %arg15[%dma_wait3A_468, %dma_wait3A_469] : memref<400x16xf32, #tpu.memory_space<vmem>> -> memref<80x16xf32, #tpu.memory_space<vmem>>
      %dma_wait3A_471 = arith.constant 0 : i32
      %dma_wait3A_472 = tpu.memref_slice %arg10[%dma_wait3A_467, %dma_wait3A_471] : memref<5x80xi32, #tpu.memory_space<vmem>> -> memref<1x80xi32, #tpu.memory_space<vmem>>
      %dma_wait3A_473 = tpu.memref_squeeze %dma_wait3A_472 : memref<1x80xi32, #tpu.memory_space<vmem>> -> memref<80xi32, #tpu.memory_space<vmem>>
      %dma_wait3A_474 = arith.constant 0 : i32
      %dma_wait3A_475 = arith.constant 0 : i32
      %dma_wait3A_476 = tpu.memref_slice %arg3[%dma_wait3A_474, %dma_wait3A_475] : memref<320000x16xf32, #tpu.memory_space<hbm>> -> memref<320000x16xf32, #tpu.memory_space<hbm>>
      tpu.wait_indirect_dma semaphore(%arg18 : memref<!tpu.dma_semaphore, #tpu.memory_space<semaphore_mem>>) src(%dma_wait3A_476 : memref<320000x16xf32, #tpu.memory_space<hbm>>) dst(%dma_wait3A_470 : memref<80x16xf32, #tpu.memory_space<vmem>>)
      %dma_wait3A_477 = arith.constant 3 : i32
      %dma_wait3A_478 = arith.constant 240 : i32
      %dma_wait3A_479 = arith.constant 0 : i32
      %dma_wait3A_480 = tpu.memref_slice %arg13[%dma_wait3A_478, %dma_wait3A_479] : memref<400x128xf32, #tpu.memory_space<vmem>> -> memref<80x128xf32, #tpu.memory_space<vmem>>
      %dma_wait3A_481 = arith.constant 0 : i32
      %dma_wait3A_482 = tpu.memref_slice %arg11[%dma_wait3A_477, %dma_wait3A_481] : memref<5x80xi32, #tpu.memory_space<vmem>> -> memref<1x80xi32, #tpu.memory_space<vmem>>
      %dma_wait3A_483 = tpu.memref_squeeze %dma_wait3A_482 : memref<1x80xi32, #tpu.memory_space<vmem>> -> memref<80xi32, #tpu.memory_space<vmem>>
      %dma_wait3A_484 = arith.constant 0 : i32
      %dma_wait3A_485 = arith.constant 0 : i32
      %dma_wait3A_486 = tpu.memref_slice %arg2[%dma_wait3A_484, %dma_wait3A_485] : memref<10240x128xf32, #tpu.memory_space<hbm>> -> memref<10240x128xf32, #tpu.memory_space<hbm>>
      tpu.wait_indirect_dma semaphore(%arg16 : memref<!tpu.dma_semaphore, #tpu.memory_space<semaphore_mem>>) src(%dma_wait3A_486 : memref<10240x128xf32, #tpu.memory_space<hbm>>) dst(%dma_wait3A_480 : memref<80x128xf32, #tpu.memory_space<vmem>>)
      %dma_wait3A_487 = arith.constant 3 : i32
      %dma_wait3A_488 = arith.constant 240 : i32
      %dma_wait3A_489 = arith.constant 0 : i32
      %dma_wait3A_490 = tpu.memref_slice %arg14[%dma_wait3A_488, %dma_wait3A_489] : memref<400x128xf32, #tpu.memory_space<vmem>> -> memref<80x128xf32, #tpu.memory_space<vmem>>
      %dma_wait3A_491 = arith.constant 0 : i32
      %dma_wait3A_492 = tpu.memref_slice %arg12[%dma_wait3A_487, %dma_wait3A_491] : memref<5x80xi32, #tpu.memory_space<vmem>> -> memref<1x80xi32, #tpu.memory_space<vmem>>
      %dma_wait3A_493 = tpu.memref_squeeze %dma_wait3A_492 : memref<1x80xi32, #tpu.memory_space<vmem>> -> memref<80xi32, #tpu.memory_space<vmem>>
      %dma_wait3A_494 = arith.constant 0 : i32
      %dma_wait3A_495 = arith.constant 0 : i32
      %dma_wait3A_496 = tpu.memref_slice %arg2[%dma_wait3A_494, %dma_wait3A_495] : memref<10240x128xf32, #tpu.memory_space<hbm>> -> memref<10240x128xf32, #tpu.memory_space<hbm>>
      tpu.wait_indirect_dma semaphore(%arg17 : memref<!tpu.dma_semaphore, #tpu.memory_space<semaphore_mem>>) src(%dma_wait3A_496 : memref<10240x128xf32, #tpu.memory_space<hbm>>) dst(%dma_wait3A_490 : memref<80x128xf32, #tpu.memory_space<vmem>>)
      %dma_wait3A_497 = arith.constant 3 : i32
      %dma_wait3A_498 = arith.constant 240 : i32
      %dma_wait3A_499 = arith.constant 0 : i32
      %dma_wait3A_500 = tpu.memref_slice %arg15[%dma_wait3A_498, %dma_wait3A_499] : memref<400x16xf32, #tpu.memory_space<vmem>> -> memref<80x16xf32, #tpu.memory_space<vmem>>
      %dma_wait3A_501 = arith.constant 0 : i32
      %dma_wait3A_502 = tpu.memref_slice %arg10[%dma_wait3A_497, %dma_wait3A_501] : memref<5x80xi32, #tpu.memory_space<vmem>> -> memref<1x80xi32, #tpu.memory_space<vmem>>
      %dma_wait3A_503 = tpu.memref_squeeze %dma_wait3A_502 : memref<1x80xi32, #tpu.memory_space<vmem>> -> memref<80xi32, #tpu.memory_space<vmem>>
      %dma_wait3A_504 = arith.constant 0 : i32
      %dma_wait3A_505 = arith.constant 0 : i32
      %dma_wait3A_506 = tpu.memref_slice %arg3[%dma_wait3A_504, %dma_wait3A_505] : memref<320000x16xf32, #tpu.memory_space<hbm>> -> memref<320000x16xf32, #tpu.memory_space<hbm>>
      tpu.wait_indirect_dma semaphore(%arg18 : memref<!tpu.dma_semaphore, #tpu.memory_space<semaphore_mem>>) src(%dma_wait3A_506 : memref<320000x16xf32, #tpu.memory_space<hbm>>) dst(%dma_wait3A_500 : memref<80x16xf32, #tpu.memory_space<vmem>>)
      %dma_wait3A_507 = arith.constant 4 : i32
      %dma_wait3A_508 = arith.constant 320 : i32
      %dma_wait3A_509 = arith.constant 0 : i32
      %dma_wait3A_510 = tpu.memref_slice %arg13[%dma_wait3A_508, %dma_wait3A_509] : memref<400x128xf32, #tpu.memory_space<vmem>> -> memref<80x128xf32, #tpu.memory_space<vmem>>
      %dma_wait3A_511 = arith.constant 0 : i32
      %dma_wait3A_512 = tpu.memref_slice %arg11[%dma_wait3A_507, %dma_wait3A_511] : memref<5x80xi32, #tpu.memory_space<vmem>> -> memref<1x80xi32, #tpu.memory_space<vmem>>
      %dma_wait3A_513 = tpu.memref_squeeze %dma_wait3A_512 : memref<1x80xi32, #tpu.memory_space<vmem>> -> memref<80xi32, #tpu.memory_space<vmem>>
      %dma_wait3A_514 = arith.constant 0 : i32
      %dma_wait3A_515 = arith.constant 0 : i32
      %dma_wait3A_516 = tpu.memref_slice %arg2[%dma_wait3A_514, %dma_wait3A_515] : memref<10240x128xf32, #tpu.memory_space<hbm>> -> memref<10240x128xf32, #tpu.memory_space<hbm>>
      tpu.wait_indirect_dma semaphore(%arg16 : memref<!tpu.dma_semaphore, #tpu.memory_space<semaphore_mem>>) src(%dma_wait3A_516 : memref<10240x128xf32, #tpu.memory_space<hbm>>) dst(%dma_wait3A_510 : memref<80x128xf32, #tpu.memory_space<vmem>>)
      %dma_wait3A_517 = arith.constant 4 : i32
      %dma_wait3A_518 = arith.constant 320 : i32
      %dma_wait3A_519 = arith.constant 0 : i32
      %dma_wait3A_520 = tpu.memref_slice %arg14[%dma_wait3A_518, %dma_wait3A_519] : memref<400x128xf32, #tpu.memory_space<vmem>> -> memref<80x128xf32, #tpu.memory_space<vmem>>
      %dma_wait3A_521 = arith.constant 0 : i32
      %dma_wait3A_522 = tpu.memref_slice %arg12[%dma_wait3A_517, %dma_wait3A_521] : memref<5x80xi32, #tpu.memory_space<vmem>> -> memref<1x80xi32, #tpu.memory_space<vmem>>
      %dma_wait3A_523 = tpu.memref_squeeze %dma_wait3A_522 : memref<1x80xi32, #tpu.memory_space<vmem>> -> memref<80xi32, #tpu.memory_space<vmem>>
      %dma_wait3A_524 = arith.constant 0 : i32
      %dma_wait3A_525 = arith.constant 0 : i32
      %dma_wait3A_526 = tpu.memref_slice %arg2[%dma_wait3A_524, %dma_wait3A_525] : memref<10240x128xf32, #tpu.memory_space<hbm>> -> memref<10240x128xf32, #tpu.memory_space<hbm>>
      tpu.wait_indirect_dma semaphore(%arg17 : memref<!tpu.dma_semaphore, #tpu.memory_space<semaphore_mem>>) src(%dma_wait3A_526 : memref<10240x128xf32, #tpu.memory_space<hbm>>) dst(%dma_wait3A_520 : memref<80x128xf32, #tpu.memory_space<vmem>>)
      %dma_wait3A_527 = arith.constant 4 : i32
      %dma_wait3A_528 = arith.constant 320 : i32
      %dma_wait3A_529 = arith.constant 0 : i32
      %dma_wait3A_530 = tpu.memref_slice %arg15[%dma_wait3A_528, %dma_wait3A_529] : memref<400x16xf32, #tpu.memory_space<vmem>> -> memref<80x16xf32, #tpu.memory_space<vmem>>
      %dma_wait3A_531 = arith.constant 0 : i32
      %dma_wait3A_532 = tpu.memref_slice %arg10[%dma_wait3A_527, %dma_wait3A_531] : memref<5x80xi32, #tpu.memory_space<vmem>> -> memref<1x80xi32, #tpu.memory_space<vmem>>
      %dma_wait3A_533 = tpu.memref_squeeze %dma_wait3A_532 : memref<1x80xi32, #tpu.memory_space<vmem>> -> memref<80xi32, #tpu.memory_space<vmem>>
      %dma_wait3A_534 = arith.constant 0 : i32
      %dma_wait3A_535 = arith.constant 0 : i32
      %dma_wait3A_536 = tpu.memref_slice %arg3[%dma_wait3A_534, %dma_wait3A_535] : memref<320000x16xf32, #tpu.memory_space<hbm>> -> memref<320000x16xf32, #tpu.memory_space<hbm>>
      tpu.wait_indirect_dma semaphore(%arg18 : memref<!tpu.dma_semaphore, #tpu.memory_space<semaphore_mem>>) src(%dma_wait3A_536 : memref<320000x16xf32, #tpu.memory_space<hbm>>) dst(%dma_wait3A_530 : memref<80x16xf32, #tpu.memory_space<vmem>>)
      %mul3A_537 = arith.constant 400 : i32
      %mul3A_538 = arith.muli %add3A_36, %mul3A_537 : i32
      "tpu.region"() ({
        %run_scoped3A = tpu.sem_alloc : memref<!tpu.dma_semaphore, #tpu.memory_space<semaphore_mem>>
        %dma_start3A_540 = arith.constant 0 : i32
        %dma_start3A_541 = tpu.memref_slice %arg7[%mul3A_538, %dma_start3A_540] : memref<160000x128xf32, #tpu.memory_space<hbm>> -> memref<400x128xf32, #tpu.memory_space<hbm>>
        %dma_start3A_542 = arith.constant 0 : i32
        %dma_start3A_543 = tpu.memref_slice %arg7[%mul3A_538, %dma_start3A_542] : memref<160000x128xf32, #tpu.memory_space<hbm>> -> memref<400x128xf32, #tpu.memory_space<hbm>>
        tpu.enqueue_dma source(%arg13 : memref<400x128xf32, #tpu.memory_space<vmem>>) target(%dma_start3A_543 : memref<400x128xf32, #tpu.memory_space<hbm>>) target_semaphore(%run_scoped3A : memref<!tpu.dma_semaphore, #tpu.memory_space<semaphore_mem>>)
        %dma_wait3A_544 = arith.constant 0 : i32
        %dma_wait3A_545 = tpu.memref_slice %arg7[%mul3A_538, %dma_wait3A_544] : memref<160000x128xf32, #tpu.memory_space<hbm>> -> memref<400x128xf32, #tpu.memory_space<hbm>>
        %dma_wait3A_546 = arith.constant 0 : i32
        %dma_wait3A_547 = tpu.memref_slice %arg7[%mul3A_538, %dma_wait3A_546] : memref<160000x128xf32, #tpu.memory_space<hbm>> -> memref<400x128xf32, #tpu.memory_space<hbm>>
        tpu.wait_dma2 semaphore(%run_scoped3A : memref<!tpu.dma_semaphore, #tpu.memory_space<semaphore_mem>>) src(%arg13 : memref<400x128xf32, #tpu.memory_space<vmem>>) dst(%dma_wait3A_547 : memref<400x128xf32, #tpu.memory_space<hbm>>)
        tpu.yield
      }) : () -> ()
      "tpu.region"() ({
        %run_scoped3A = tpu.sem_alloc : memref<!tpu.dma_semaphore, #tpu.memory_space<semaphore_mem>>
        %dma_start3A_540 = arith.constant 0 : i32
        %dma_start3A_541 = tpu.memref_slice %arg8[%mul3A_538, %dma_start3A_540] : memref<160000x128xf32, #tpu.memory_space<hbm>> -> memref<400x128xf32, #tpu.memory_space<hbm>>
        %dma_start3A_542 = arith.constant 0 : i32
        %dma_start3A_543 = tpu.memref_slice %arg8[%mul3A_538, %dma_start3A_542] : memref<160000x128xf32, #tpu.memory_space<hbm>> -> memref<400x128xf32, #tpu.memory_space<hbm>>
        tpu.enqueue_dma source(%arg14 : memref<400x128xf32, #tpu.memory_space<vmem>>) target(%dma_start3A_543 : memref<400x128xf32, #tpu.memory_space<hbm>>) target_semaphore(%run_scoped3A : memref<!tpu.dma_semaphore, #tpu.memory_space<semaphore_mem>>)
        %dma_wait3A_544 = arith.constant 0 : i32
        %dma_wait3A_545 = tpu.memref_slice %arg8[%mul3A_538, %dma_wait3A_544] : memref<160000x128xf32, #tpu.memory_space<hbm>> -> memref<400x128xf32, #tpu.memory_space<hbm>>
        %dma_wait3A_546 = arith.constant 0 : i32
        %dma_wait3A_547 = tpu.memref_slice %arg8[%mul3A_538, %dma_wait3A_546] : memref<160000x128xf32, #tpu.memory_space<hbm>> -> memref<400x128xf32, #tpu.memory_space<hbm>>
        tpu.wait_dma2 semaphore(%run_scoped3A : memref<!tpu.dma_semaphore, #tpu.memory_space<semaphore_mem>>) src(%arg14 : memref<400x128xf32, #tpu.memory_space<vmem>>) dst(%dma_wait3A_547 : memref<400x128xf32, #tpu.memory_space<hbm>>)
        tpu.yield
      }) : () -> ()
      "tpu.region"() ({
        %run_scoped3A = tpu.sem_alloc : memref<!tpu.dma_semaphore, #tpu.memory_space<semaphore_mem>>
        %dma_start3A_540 = arith.constant 0 : i32
        %dma_start3A_541 = tpu.memref_slice %arg9[%mul3A_538, %dma_start3A_540] : memref<160000x16xf32, #tpu.memory_space<hbm>> -> memref<400x16xf32, #tpu.memory_space<hbm>>
        %dma_start3A_542 = arith.constant 0 : i32
        %dma_start3A_543 = tpu.memref_slice %arg9[%mul3A_538, %dma_start3A_542] : memref<160000x16xf32, #tpu.memory_space<hbm>> -> memref<400x16xf32, #tpu.memory_space<hbm>>
        tpu.enqueue_dma source(%arg15 : memref<400x16xf32, #tpu.memory_space<vmem>>) target(%dma_start3A_543 : memref<400x16xf32, #tpu.memory_space<hbm>>) target_semaphore(%run_scoped3A : memref<!tpu.dma_semaphore, #tpu.memory_space<semaphore_mem>>)
        %dma_wait3A_544 = arith.constant 0 : i32
        %dma_wait3A_545 = tpu.memref_slice %arg9[%mul3A_538, %dma_wait3A_544] : memref<160000x16xf32, #tpu.memory_space<hbm>> -> memref<400x16xf32, #tpu.memory_space<hbm>>
        %dma_wait3A_546 = arith.constant 0 : i32
        %dma_wait3A_547 = tpu.memref_slice %arg9[%mul3A_538, %dma_wait3A_546] : memref<160000x16xf32, #tpu.memory_space<hbm>> -> memref<400x16xf32, #tpu.memory_space<hbm>>
        tpu.wait_dma2 semaphore(%run_scoped3A : memref<!tpu.dma_semaphore, #tpu.memory_space<semaphore_mem>>) src(%arg15 : memref<400x16xf32, #tpu.memory_space<vmem>>) dst(%dma_wait3A_547 : memref<400x16xf32, #tpu.memory_space<hbm>>)
        tpu.yield
      }) : () -> ()
      %while3A_539 = arith.constant 0 : i32
      scf.yield %while3A_539 : i32
    }
    %while3A_30 = arith.constant 1 : i32
    %while3A_31 = scf.for %while3A_32 = %while3A_27 to %while3A_23 step %while3A_30 iter_args(%while3A_33 = %while3A_29) -> (i32)  : i32 {
      %mul3A_34 = arith.constant 32 : i32
      %mul3A_35 = arith.muli %while3A_32, %mul3A_34 : i32
      %add3A_36 = arith.addi %add3A, %mul3A_35 : i32
      %mul3A_37 = arith.constant 5 : i32
      %mul3A_38 = arith.muli %add3A_36, %mul3A_37 : i32
      "tpu.region"() ({
        %run_scoped3A = tpu.sem_alloc : memref<!tpu.dma_semaphore, #tpu.memory_space<semaphore_mem>>
        %dma_start3A_540 = arith.constant 0 : i32
        %dma_start3A_541 = tpu.memref_slice %arg6[%mul3A_38, %dma_start3A_540] : memref<2000x80xi32, #tpu.memory_space<hbm>> -> memref<5x80xi32, #tpu.memory_space<hbm>>
        %dma_start3A_542 = arith.constant 0 : i32
        %dma_start3A_543 = tpu.memref_slice %arg6[%mul3A_38, %dma_start3A_542] : memref<2000x80xi32, #tpu.memory_space<hbm>> -> memref<5x80xi32, #tpu.memory_space<hbm>>
        tpu.enqueue_dma source(%dma_start3A_543 : memref<5x80xi32, #tpu.memory_space<hbm>>) target(%arg10 : memref<5x80xi32, #tpu.memory_space<vmem>>) target_semaphore(%run_scoped3A : memref<!tpu.dma_semaphore, #tpu.memory_space<semaphore_mem>>)
        %dma_wait3A_544 = arith.constant 0 : i32
        %dma_wait3A_545 = tpu.memref_slice %arg6[%mul3A_38, %dma_wait3A_544] : memref<2000x80xi32, #tpu.memory_space<hbm>> -> memref<5x80xi32, #tpu.memory_space<hbm>>
        %dma_wait3A_546 = arith.constant 0 : i32
        %dma_wait3A_547 = tpu.memref_slice %arg6[%mul3A_38, %dma_wait3A_546] : memref<2000x80xi32, #tpu.memory_space<hbm>> -> memref<5x80xi32, #tpu.memory_space<hbm>>
        tpu.wait_dma2 semaphore(%run_scoped3A : memref<!tpu.dma_semaphore, #tpu.memory_space<semaphore_mem>>) src(%dma_wait3A_547 : memref<5x80xi32, #tpu.memory_space<hbm>>) dst(%arg10 : memref<5x80xi32, #tpu.memory_space<vmem>>)
        tpu.yield
      }) : () -> ()
      %dma_start3A = arith.constant 0 : i32
      %dma_start3A_39 = arith.constant 0 : i32
      %dma_start3A_40 = arith.constant 0 : i32
      %dma_start3A_41 = tpu.memref_slice %arg11[%dma_start3A_39, %dma_start3A_40] : memref<5x80xi32, #tpu.memory_space<vmem>> -> memref<1x80xi32, #tpu.memory_space<vmem>>
      %dma_start3A_42 = tpu.memref_squeeze %dma_start3A_41 : memref<1x80xi32, #tpu.memory_space<vmem>> -> memref<80xi32, #tpu.memory_space<vmem>>
      %dma_start3A_43 = arith.constant 0 : i32
      %dma_start3A_44 = tpu.memref_slice %arg10[%dma_start3A, %dma_start3A_43] : memref<5x80xi32, #tpu.memory_space<vmem>> -> memref<1x80xi32, #tpu.memory_space<vmem>>
      %dma_start3A_45 = tpu.memref_squeeze %dma_start3A_44 : memref<1x80xi32, #tpu.memory_space<vmem>> -> memref<80xi32, #tpu.memory_space<vmem>>
      %dma_start3A_46 = arith.constant 0 : i32
      %dma_start3A_47 = tpu.memref_slice %arg4[%dma_start3A_46] : memref<320000xi32, #tpu.memory_space<hbm>> -> memref<320000xi32, #tpu.memory_space<hbm>>
      tpu.enqueue_indirect_dma source(%dma_start3A_47 : memref<320000xi32, #tpu.memory_space<hbm>>) target(%dma_start3A_42 : memref<80xi32, #tpu.memory_space<vmem>>) offsets(%dma_start3A_45 : memref<80xi32, #tpu.memory_space<vmem>>) semaphore(%arg19 : memref<!tpu.dma_semaphore, #tpu.memory_space<semaphore_mem>>)
      %dma_start3A_48 = arith.constant 1 : i32
      %dma_start3A_49 = arith.constant 1 : i32
      %dma_start3A_50 = arith.constant 0 : i32
      %dma_start3A_51 = tpu.memref_slice %arg11[%dma_start3A_49, %dma_start3A_50] : memref<5x80xi32, #tpu.memory_space<vmem>> -> memref<1x80xi32, #tpu.memory_space<vmem>>
      %dma_start3A_52 = tpu.memref_squeeze %dma_start3A_51 : memref<1x80xi32, #tpu.memory_space<vmem>> -> memref<80xi32, #tpu.memory_space<vmem>>
      %dma_start3A_53 = arith.constant 0 : i32
      %dma_start3A_54 = tpu.memref_slice %arg10[%dma_start3A_48, %dma_start3A_53] : memref<5x80xi32, #tpu.memory_space<vmem>> -> memref<1x80xi32, #tpu.memory_space<vmem>>
      %dma_start3A_55 = tpu.memref_squeeze %dma_start3A_54 : memref<1x80xi32, #tpu.memory_space<vmem>> -> memref<80xi32, #tpu.memory_space<vmem>>
      %dma_start3A_56 = arith.constant 0 : i32
      %dma_start3A_57 = tpu.memref_slice %arg4[%dma_start3A_56] : memref<320000xi32, #tpu.memory_space<hbm>> -> memref<320000xi32, #tpu.memory_space<hbm>>
      tpu.enqueue_indirect_dma source(%dma_start3A_57 : memref<320000xi32, #tpu.memory_space<hbm>>) target(%dma_start3A_52 : memref<80xi32, #tpu.memory_space<vmem>>) offsets(%dma_start3A_55 : memref<80xi32, #tpu.memory_space<vmem>>) semaphore(%arg20 : memref<!tpu.dma_semaphore, #tpu.memory_space<semaphore_mem>>)
      %dma_start3A_58 = arith.constant 2 : i32
      %dma_start3A_59 = arith.constant 2 : i32
      %dma_start3A_60 = arith.constant 0 : i32
      %dma_start3A_61 = tpu.memref_slice %arg11[%dma_start3A_59, %dma_start3A_60] : memref<5x80xi32, #tpu.memory_space<vmem>> -> memref<1x80xi32, #tpu.memory_space<vmem>>
      %dma_start3A_62 = tpu.memref_squeeze %dma_start3A_61 : memref<1x80xi32, #tpu.memory_space<vmem>> -> memref<80xi32, #tpu.memory_space<vmem>>
      %dma_start3A_63 = arith.constant 0 : i32
      %dma_start3A_64 = tpu.memref_slice %arg10[%dma_start3A_58, %dma_start3A_63] : memref<5x80xi32, #tpu.memory_space<vmem>> -> memref<1x80xi32, #tpu.memory_space<vmem>>
      %dma_start3A_65 = tpu.memref_squeeze %dma_start3A_64 : memref<1x80xi32, #tpu.memory_space<vmem>> -> memref<80xi32, #tpu.memory_space<vmem>>
      %dma_start3A_66 = arith.constant 0 : i32
      %dma_start3A_67 = tpu.memref_slice %arg4[%dma_start3A_66] : memref<320000xi32, #tpu.memory_space<hbm>> -> memref<320000xi32, #tpu.memory_space<hbm>>
      tpu.enqueue_indirect_dma source(%dma_start3A_67 : memref<320000xi32, #tpu.memory_space<hbm>>) target(%dma_start3A_62 : memref<80xi32, #tpu.memory_space<vmem>>) offsets(%dma_start3A_65 : memref<80xi32, #tpu.memory_space<vmem>>) semaphore(%arg19 : memref<!tpu.dma_semaphore, #tpu.memory_space<semaphore_mem>>)
      %dma_start3A_68 = arith.constant 3 : i32
      %dma_start3A_69 = arith.constant 3 : i32
      %dma_start3A_70 = arith.constant 0 : i32
      %dma_start3A_71 = tpu.memref_slice %arg11[%dma_start3A_69, %dma_start3A_70] : memref<5x80xi32, #tpu.memory_space<vmem>> -> memref<1x80xi32, #tpu.memory_space<vmem>>
      %dma_start3A_72 = tpu.memref_squeeze %dma_start3A_71 : memref<1x80xi32, #tpu.memory_space<vmem>> -> memref<80xi32, #tpu.memory_space<vmem>>
      %dma_start3A_73 = arith.constant 0 : i32
      %dma_start3A_74 = tpu.memref_slice %arg10[%dma_start3A_68, %dma_start3A_73] : memref<5x80xi32, #tpu.memory_space<vmem>> -> memref<1x80xi32, #tpu.memory_space<vmem>>
      %dma_start3A_75 = tpu.memref_squeeze %dma_start3A_74 : memref<1x80xi32, #tpu.memory_space<vmem>> -> memref<80xi32, #tpu.memory_space<vmem>>
      %dma_start3A_76 = arith.constant 0 : i32
      %dma_start3A_77 = tpu.memref_slice %arg4[%dma_start3A_76] : memref<320000xi32, #tpu.memory_space<hbm>> -> memref<320000xi32, #tpu.memory_space<hbm>>
      tpu.enqueue_indirect_dma source(%dma_start3A_77 : memref<320000xi32, #tpu.memory_space<hbm>>) target(%dma_start3A_72 : memref<80xi32, #tpu.memory_space<vmem>>) offsets(%dma_start3A_75 : memref<80xi32, #tpu.memory_space<vmem>>) semaphore(%arg20 : memref<!tpu.dma_semaphore, #tpu.memory_space<semaphore_mem>>)
      %dma_start3A_78 = arith.constant 4 : i32
      %dma_start3A_79 = arith.constant 4 : i32
      %dma_start3A_80 = arith.constant 0 : i32
      %dma_start3A_81 = tpu.memref_slice %arg11[%dma_start3A_79, %dma_start3A_80] : memref<5x80xi32, #tpu.memory_space<vmem>> -> memref<1x80xi32, #tpu.memory_space<vmem>>
      %dma_start3A_82 = tpu.memref_squeeze %dma_start3A_81 : memref<1x80xi32, #tpu.memory_space<vmem>> -> memref<80xi32, #tpu.memory_space<vmem>>
      %dma_start3A_83 = arith.constant 0 : i32
      %dma_start3A_84 = tpu.memref_slice %arg10[%dma_start3A_78, %dma_start3A_83] : memref<5x80xi32, #tpu.memory_space<vmem>> -> memref<1x80xi32, #tpu.memory_space<vmem>>
      %dma_start3A_85 = tpu.memref_squeeze %dma_start3A_84 : memref<1x80xi32, #tpu.memory_space<vmem>> -> memref<80xi32, #tpu.memory_space<vmem>>
      %dma_start3A_86 = arith.constant 0 : i32
      %dma_start3A_87 = tpu.memref_slice %arg4[%dma_start3A_86] : memref<320000xi32, #tpu.memory_space<hbm>> -> memref<320000xi32, #tpu.memory_space<hbm>>
      tpu.enqueue_indirect_dma source(%dma_start3A_87 : memref<320000xi32, #tpu.memory_space<hbm>>) target(%dma_start3A_82 : memref<80xi32, #tpu.memory_space<vmem>>) offsets(%dma_start3A_85 : memref<80xi32, #tpu.memory_space<vmem>>) semaphore(%arg19 : memref<!tpu.dma_semaphore, #tpu.memory_space<semaphore_mem>>)
      %dma_wait3A = arith.constant 0 : i32
      %dma_wait3A_88 = arith.constant 0 : i32
      %dma_wait3A_89 = arith.constant 0 : i32
      %dma_wait3A_90 = tpu.memref_slice %arg11[%dma_wait3A_88, %dma_wait3A_89] : memref<5x80xi32, #tpu.memory_space<vmem>> -> memref<1x80xi32, #tpu.memory_space<vmem>>
      %dma_wait3A_91 = tpu.memref_squeeze %dma_wait3A_90 : memref<1x80xi32, #tpu.memory_space<vmem>> -> memref<80xi32, #tpu.memory_space<vmem>>
      %dma_wait3A_92 = arith.constant 0 : i32
      %dma_wait3A_93 = tpu.memref_slice %arg10[%dma_wait3A, %dma_wait3A_92] : memref<5x80xi32, #tpu.memory_space<vmem>> -> memref<1x80xi32, #tpu.memory_space<vmem>>
      %dma_wait3A_94 = tpu.memref_squeeze %dma_wait3A_93 : memref<1x80xi32, #tpu.memory_space<vmem>> -> memref<80xi32, #tpu.memory_space<vmem>>
      %dma_wait3A_95 = arith.constant 0 : i32
      %dma_wait3A_96 = tpu.memref_slice %arg4[%dma_wait3A_95] : memref<320000xi32, #tpu.memory_space<hbm>> -> memref<320000xi32, #tpu.memory_space<hbm>>
      tpu.wait_indirect_dma semaphore(%arg19 : memref<!tpu.dma_semaphore, #tpu.memory_space<semaphore_mem>>) src(%dma_wait3A_96 : memref<320000xi32, #tpu.memory_space<hbm>>) dst(%dma_wait3A_91 : memref<80xi32, #tpu.memory_space<vmem>>)
      %dma_wait3A_97 = arith.constant 1 : i32
      %dma_wait3A_98 = arith.constant 1 : i32
      %dma_wait3A_99 = arith.constant 0 : i32
      %dma_wait3A_100 = tpu.memref_slice %arg11[%dma_wait3A_98, %dma_wait3A_99] : memref<5x80xi32, #tpu.memory_space<vmem>> -> memref<1x80xi32, #tpu.memory_space<vmem>>
      %dma_wait3A_101 = tpu.memref_squeeze %dma_wait3A_100 : memref<1x80xi32, #tpu.memory_space<vmem>> -> memref<80xi32, #tpu.memory_space<vmem>>
      %dma_wait3A_102 = arith.constant 0 : i32
      %dma_wait3A_103 = tpu.memref_slice %arg10[%dma_wait3A_97, %dma_wait3A_102] : memref<5x80xi32, #tpu.memory_space<vmem>> -> memref<1x80xi32, #tpu.memory_space<vmem>>
      %dma_wait3A_104 = tpu.memref_squeeze %dma_wait3A_103 : memref<1x80xi32, #tpu.memory_space<vmem>> -> memref<80xi32, #tpu.memory_space<vmem>>
      %dma_wait3A_105 = arith.constant 0 : i32
      %dma_wait3A_106 = tpu.memref_slice %arg4[%dma_wait3A_105] : memref<320000xi32, #tpu.memory_space<hbm>> -> memref<320000xi32, #tpu.memory_space<hbm>>
      tpu.wait_indirect_dma semaphore(%arg20 : memref<!tpu.dma_semaphore, #tpu.memory_space<semaphore_mem>>) src(%dma_wait3A_106 : memref<320000xi32, #tpu.memory_space<hbm>>) dst(%dma_wait3A_101 : memref<80xi32, #tpu.memory_space<vmem>>)
      %dma_wait3A_107 = arith.constant 2 : i32
      %dma_wait3A_108 = arith.constant 2 : i32
      %dma_wait3A_109 = arith.constant 0 : i32
      %dma_wait3A_110 = tpu.memref_slice %arg11[%dma_wait3A_108, %dma_wait3A_109] : memref<5x80xi32, #tpu.memory_space<vmem>> -> memref<1x80xi32, #tpu.memory_space<vmem>>
      %dma_wait3A_111 = tpu.memref_squeeze %dma_wait3A_110 : memref<1x80xi32, #tpu.memory_space<vmem>> -> memref<80xi32, #tpu.memory_space<vmem>>
      %dma_wait3A_112 = arith.constant 0 : i32
      %dma_wait3A_113 = tpu.memref_slice %arg10[%dma_wait3A_107, %dma_wait3A_112] : memref<5x80xi32, #tpu.memory_space<vmem>> -> memref<1x80xi32, #tpu.memory_space<vmem>>
      %dma_wait3A_114 = tpu.memref_squeeze %dma_wait3A_113 : memref<1x80xi32, #tpu.memory_space<vmem>> -> memref<80xi32, #tpu.memory_space<vmem>>
      %dma_wait3A_115 = arith.constant 0 : i32
      %dma_wait3A_116 = tpu.memref_slice %arg4[%dma_wait3A_115] : memref<320000xi32, #tpu.memory_space<hbm>> -> memref<320000xi32, #tpu.memory_space<hbm>>
      tpu.wait_indirect_dma semaphore(%arg19 : memref<!tpu.dma_semaphore, #tpu.memory_space<semaphore_mem>>) src(%dma_wait3A_116 : memref<320000xi32, #tpu.memory_space<hbm>>) dst(%dma_wait3A_111 : memref<80xi32, #tpu.memory_space<vmem>>)
      %dma_wait3A_117 = arith.constant 3 : i32
      %dma_wait3A_118 = arith.constant 3 : i32
      %dma_wait3A_119 = arith.constant 0 : i32
      %dma_wait3A_120 = tpu.memref_slice %arg11[%dma_wait3A_118, %dma_wait3A_119] : memref<5x80xi32, #tpu.memory_space<vmem>> -> memref<1x80xi32, #tpu.memory_space<vmem>>
      %dma_wait3A_121 = tpu.memref_squeeze %dma_wait3A_120 : memref<1x80xi32, #tpu.memory_space<vmem>> -> memref<80xi32, #tpu.memory_space<vmem>>
      %dma_wait3A_122 = arith.constant 0 : i32
      %dma_wait3A_123 = tpu.memref_slice %arg10[%dma_wait3A_117, %dma_wait3A_122] : memref<5x80xi32, #tpu.memory_space<vmem>> -> memref<1x80xi32, #tpu.memory_space<vmem>>
      %dma_wait3A_124 = tpu.memref_squeeze %dma_wait3A_123 : memref<1x80xi32, #tpu.memory_space<vmem>> -> memref<80xi32, #tpu.memory_space<vmem>>
      %dma_wait3A_125 = arith.constant 0 : i32
      %dma_wait3A_126 = tpu.memref_slice %arg4[%dma_wait3A_125] : memref<320000xi32, #tpu.memory_space<hbm>> -> memref<320000xi32, #tpu.memory_space<hbm>>
      tpu.wait_indirect_dma semaphore(%arg20 : memref<!tpu.dma_semaphore, #tpu.memory_space<semaphore_mem>>) src(%dma_wait3A_126 : memref<320000xi32, #tpu.memory_space<hbm>>) dst(%dma_wait3A_121 : memref<80xi32, #tpu.memory_space<vmem>>)
      %dma_wait3A_127 = arith.constant 4 : i32
      %dma_wait3A_128 = arith.constant 4 : i32
      %dma_wait3A_129 = arith.constant 0 : i32
      %dma_wait3A_130 = tpu.memref_slice %arg11[%dma_wait3A_128, %dma_wait3A_129] : memref<5x80xi32, #tpu.memory_space<vmem>> -> memref<1x80xi32, #tpu.memory_space<vmem>>
      %dma_wait3A_131 = tpu.memref_squeeze %dma_wait3A_130 : memref<1x80xi32, #tpu.memory_space<vmem>> -> memref<80xi32, #tpu.memory_space<vmem>>
      %dma_wait3A_132 = arith.constant 0 : i32
      %dma_wait3A_133 = tpu.memref_slice %arg10[%dma_wait3A_127, %dma_wait3A_132] : memref<5x80xi32, #tpu.memory_space<vmem>> -> memref<1x80xi32, #tpu.memory_space<vmem>>
      %dma_wait3A_134 = tpu.memref_squeeze %dma_wait3A_133 : memref<1x80xi32, #tpu.memory_space<vmem>> -> memref<80xi32, #tpu.memory_space<vmem>>
      %dma_wait3A_135 = arith.constant 0 : i32
      %dma_wait3A_136 = tpu.memref_slice %arg4[%dma_wait3A_135] : memref<320000xi32, #tpu.memory_space<hbm>> -> memref<320000xi32, #tpu.memory_space<hbm>>
      tpu.wait_indirect_dma semaphore(%arg19 : memref<!tpu.dma_semaphore, #tpu.memory_space<semaphore_mem>>) src(%dma_wait3A_136 : memref<320000xi32, #tpu.memory_space<hbm>>) dst(%dma_wait3A_131 : memref<80xi32, #tpu.memory_space<vmem>>)
      %dma_start3A_137 = arith.constant 0 : i32
      %dma_start3A_138 = arith.constant 0 : i32
      %dma_start3A_139 = arith.constant 0 : i32
      %dma_start3A_140 = tpu.memref_slice %arg12[%dma_start3A_138, %dma_start3A_139] : memref<5x80xi32, #tpu.memory_space<vmem>> -> memref<1x80xi32, #tpu.memory_space<vmem>>
      %dma_start3A_141 = tpu.memref_squeeze %dma_start3A_140 : memref<1x80xi32, #tpu.memory_space<vmem>> -> memref<80xi32, #tpu.memory_space<vmem>>
      %dma_start3A_142 = arith.constant 0 : i32
      %dma_start3A_143 = tpu.memref_slice %arg10[%dma_start3A_137, %dma_start3A_142] : memref<5x80xi32, #tpu.memory_space<vmem>> -> memref<1x80xi32, #tpu.memory_space<vmem>>
      %dma_start3A_144 = tpu.memref_squeeze %dma_start3A_143 : memref<1x80xi32, #tpu.memory_space<vmem>> -> memref<80xi32, #tpu.memory_space<vmem>>
      %dma_start3A_145 = arith.constant 0 : i32
      %dma_start3A_146 = tpu.memref_slice %arg5[%dma_start3A_145] : memref<320000xi32, #tpu.memory_space<hbm>> -> memref<320000xi32, #tpu.memory_space<hbm>>
      tpu.enqueue_indirect_dma source(%dma_start3A_146 : memref<320000xi32, #tpu.memory_space<hbm>>) target(%dma_start3A_141 : memref<80xi32, #tpu.memory_space<vmem>>) offsets(%dma_start3A_144 : memref<80xi32, #tpu.memory_space<vmem>>) semaphore(%arg19 : memref<!tpu.dma_semaphore, #tpu.memory_space<semaphore_mem>>)
      %dma_start3A_147 = arith.constant 1 : i32
      %dma_start3A_148 = arith.constant 1 : i32
      %dma_start3A_149 = arith.constant 0 : i32
      %dma_start3A_150 = tpu.memref_slice %arg12[%dma_start3A_148, %dma_start3A_149] : memref<5x80xi32, #tpu.memory_space<vmem>> -> memref<1x80xi32, #tpu.memory_space<vmem>>
      %dma_start3A_151 = tpu.memref_squeeze %dma_start3A_150 : memref<1x80xi32, #tpu.memory_space<vmem>> -> memref<80xi32, #tpu.memory_space<vmem>>
      %dma_start3A_152 = arith.constant 0 : i32
      %dma_start3A_153 = tpu.memref_slice %arg10[%dma_start3A_147, %dma_start3A_152] : memref<5x80xi32, #tpu.memory_space<vmem>> -> memref<1x80xi32, #tpu.memory_space<vmem>>
      %dma_start3A_154 = tpu.memref_squeeze %dma_start3A_153 : memref<1x80xi32, #tpu.memory_space<vmem>> -> memref<80xi32, #tpu.memory_space<vmem>>
      %dma_start3A_155 = arith.constant 0 : i32
      %dma_start3A_156 = tpu.memref_slice %arg5[%dma_start3A_155] : memref<320000xi32, #tpu.memory_space<hbm>> -> memref<320000xi32, #tpu.memory_space<hbm>>
      tpu.enqueue_indirect_dma source(%dma_start3A_156 : memref<320000xi32, #tpu.memory_space<hbm>>) target(%dma_start3A_151 : memref<80xi32, #tpu.memory_space<vmem>>) offsets(%dma_start3A_154 : memref<80xi32, #tpu.memory_space<vmem>>) semaphore(%arg20 : memref<!tpu.dma_semaphore, #tpu.memory_space<semaphore_mem>>)
      %dma_start3A_157 = arith.constant 2 : i32
      %dma_start3A_158 = arith.constant 2 : i32
      %dma_start3A_159 = arith.constant 0 : i32
      %dma_start3A_160 = tpu.memref_slice %arg12[%dma_start3A_158, %dma_start3A_159] : memref<5x80xi32, #tpu.memory_space<vmem>> -> memref<1x80xi32, #tpu.memory_space<vmem>>
      %dma_start3A_161 = tpu.memref_squeeze %dma_start3A_160 : memref<1x80xi32, #tpu.memory_space<vmem>> -> memref<80xi32, #tpu.memory_space<vmem>>
      %dma_start3A_162 = arith.constant 0 : i32
      %dma_start3A_163 = tpu.memref_slice %arg10[%dma_start3A_157, %dma_start3A_162] : memref<5x80xi32, #tpu.memory_space<vmem>> -> memref<1x80xi32, #tpu.memory_space<vmem>>
      %dma_start3A_164 = tpu.memref_squeeze %dma_start3A_163 : memref<1x80xi32, #tpu.memory_space<vmem>> -> memref<80xi32, #tpu.memory_space<vmem>>
      %dma_start3A_165 = arith.constant 0 : i32
      %dma_start3A_166 = tpu.memref_slice %arg5[%dma_start3A_165] : memref<320000xi32, #tpu.memory_space<hbm>> -> memref<320000xi32, #tpu.memory_space<hbm>>
      tpu.enqueue_indirect_dma source(%dma_start3A_166 : memref<320000xi32, #tpu.memory_space<hbm>>) target(%dma_start3A_161 : memref<80xi32, #tpu.memory_space<vmem>>) offsets(%dma_start3A_164 : memref<80xi32, #tpu.memory_space<vmem>>) semaphore(%arg19 : memref<!tpu.dma_semaphore, #tpu.memory_space<semaphore_mem>>)
      %dma_start3A_167 = arith.constant 3 : i32
      %dma_start3A_168 = arith.constant 3 : i32
      %dma_start3A_169 = arith.constant 0 : i32
      %dma_start3A_170 = tpu.memref_slice %arg12[%dma_start3A_168, %dma_start3A_169] : memref<5x80xi32, #tpu.memory_space<vmem>> -> memref<1x80xi32, #tpu.memory_space<vmem>>
      %dma_start3A_171 = tpu.memref_squeeze %dma_start3A_170 : memref<1x80xi32, #tpu.memory_space<vmem>> -> memref<80xi32, #tpu.memory_space<vmem>>
      %dma_start3A_172 = arith.constant 0 : i32
      %dma_start3A_173 = tpu.memref_slice %arg10[%dma_start3A_167, %dma_start3A_172] : memref<5x80xi32, #tpu.memory_space<vmem>> -> memref<1x80xi32, #tpu.memory_space<vmem>>
      %dma_start3A_174 = tpu.memref_squeeze %dma_start3A_173 : memref<1x80xi32, #tpu.memory_space<vmem>> -> memref<80xi32, #tpu.memory_space<vmem>>
      %dma_start3A_175 = arith.constant 0 : i32
      %dma_start3A_176 = tpu.memref_slice %arg5[%dma_start3A_175] : memref<320000xi32, #tpu.memory_space<hbm>> -> memref<320000xi32, #tpu.memory_space<hbm>>
      tpu.enqueue_indirect_dma source(%dma_start3A_176 : memref<320000xi32, #tpu.memory_space<hbm>>) target(%dma_start3A_171 : memref<80xi32, #tpu.memory_space<vmem>>) offsets(%dma_start3A_174 : memref<80xi32, #tpu.memory_space<vmem>>) semaphore(%arg20 : memref<!tpu.dma_semaphore, #tpu.memory_space<semaphore_mem>>)
      %dma_start3A_177 = arith.constant 4 : i32
      %dma_start3A_178 = arith.constant 4 : i32
      %dma_start3A_179 = arith.constant 0 : i32
      %dma_start3A_180 = tpu.memref_slice %arg12[%dma_start3A_178, %dma_start3A_179] : memref<5x80xi32, #tpu.memory_space<vmem>> -> memref<1x80xi32, #tpu.memory_space<vmem>>
      %dma_start3A_181 = tpu.memref_squeeze %dma_start3A_180 : memref<1x80xi32, #tpu.memory_space<vmem>> -> memref<80xi32, #tpu.memory_space<vmem>>
      %dma_start3A_182 = arith.constant 0 : i32
      %dma_start3A_183 = tpu.memref_slice %arg10[%dma_start3A_177, %dma_start3A_182] : memref<5x80xi32, #tpu.memory_space<vmem>> -> memref<1x80xi32, #tpu.memory_space<vmem>>
      %dma_start3A_184 = tpu.memref_squeeze %dma_start3A_183 : memref<1x80xi32, #tpu.memory_space<vmem>> -> memref<80xi32, #tpu.memory_space<vmem>>
      %dma_start3A_185 = arith.constant 0 : i32
      %dma_start3A_186 = tpu.memref_slice %arg5[%dma_start3A_185] : memref<320000xi32, #tpu.memory_space<hbm>> -> memref<320000xi32, #tpu.memory_space<hbm>>
      tpu.enqueue_indirect_dma source(%dma_start3A_186 : memref<320000xi32, #tpu.memory_space<hbm>>) target(%dma_start3A_181 : memref<80xi32, #tpu.memory_space<vmem>>) offsets(%dma_start3A_184 : memref<80xi32, #tpu.memory_space<vmem>>) semaphore(%arg19 : memref<!tpu.dma_semaphore, #tpu.memory_space<semaphore_mem>>)
      %dma_wait3A_187 = arith.constant 0 : i32
      %dma_wait3A_188 = arith.constant 0 : i32
      %dma_wait3A_189 = arith.constant 0 : i32
      %dma_wait3A_190 = tpu.memref_slice %arg12[%dma_wait3A_188, %dma_wait3A_189] : memref<5x80xi32, #tpu.memory_space<vmem>> -> memref<1x80xi32, #tpu.memory_space<vmem>>
      %dma_wait3A_191 = tpu.memref_squeeze %dma_wait3A_190 : memref<1x80xi32, #tpu.memory_space<vmem>> -> memref<80xi32, #tpu.memory_space<vmem>>
      %dma_wait3A_192 = arith.constant 0 : i32
      %dma_wait3A_193 = tpu.memref_slice %arg10[%dma_wait3A_187, %dma_wait3A_192] : memref<5x80xi32, #tpu.memory_space<vmem>> -> memref<1x80xi32, #tpu.memory_space<vmem>>
      %dma_wait3A_194 = tpu.memref_squeeze %dma_wait3A_193 : memref<1x80xi32, #tpu.memory_space<vmem>> -> memref<80xi32, #tpu.memory_space<vmem>>
      %dma_wait3A_195 = arith.constant 0 : i32
      %dma_wait3A_196 = tpu.memref_slice %arg5[%dma_wait3A_195] : memref<320000xi32, #tpu.memory_space<hbm>> -> memref<320000xi32, #tpu.memory_space<hbm>>
      tpu.wait_indirect_dma semaphore(%arg19 : memref<!tpu.dma_semaphore, #tpu.memory_space<semaphore_mem>>) src(%dma_wait3A_196 : memref<320000xi32, #tpu.memory_space<hbm>>) dst(%dma_wait3A_191 : memref<80xi32, #tpu.memory_space<vmem>>)
      %dma_wait3A_197 = arith.constant 1 : i32
      %dma_wait3A_198 = arith.constant 1 : i32
      %dma_wait3A_199 = arith.constant 0 : i32
      %dma_wait3A_200 = tpu.memref_slice %arg12[%dma_wait3A_198, %dma_wait3A_199] : memref<5x80xi32, #tpu.memory_space<vmem>> -> memref<1x80xi32, #tpu.memory_space<vmem>>
      %dma_wait3A_201 = tpu.memref_squeeze %dma_wait3A_200 : memref<1x80xi32, #tpu.memory_space<vmem>> -> memref<80xi32, #tpu.memory_space<vmem>>
      %dma_wait3A_202 = arith.constant 0 : i32
      %dma_wait3A_203 = tpu.memref_slice %arg10[%dma_wait3A_197, %dma_wait3A_202] : memref<5x80xi32, #tpu.memory_space<vmem>> -> memref<1x80xi32, #tpu.memory_space<vmem>>
      %dma_wait3A_204 = tpu.memref_squeeze %dma_wait3A_203 : memref<1x80xi32, #tpu.memory_space<vmem>> -> memref<80xi32, #tpu.memory_space<vmem>>
      %dma_wait3A_205 = arith.constant 0 : i32
      %dma_wait3A_206 = tpu.memref_slice %arg5[%dma_wait3A_205] : memref<320000xi32, #tpu.memory_space<hbm>> -> memref<320000xi32, #tpu.memory_space<hbm>>
      tpu.wait_indirect_dma semaphore(%arg20 : memref<!tpu.dma_semaphore, #tpu.memory_space<semaphore_mem>>) src(%dma_wait3A_206 : memref<320000xi32, #tpu.memory_space<hbm>>) dst(%dma_wait3A_201 : memref<80xi32, #tpu.memory_space<vmem>>)
      %dma_wait3A_207 = arith.constant 2 : i32
      %dma_wait3A_208 = arith.constant 2 : i32
      %dma_wait3A_209 = arith.constant 0 : i32
      %dma_wait3A_210 = tpu.memref_slice %arg12[%dma_wait3A_208, %dma_wait3A_209] : memref<5x80xi32, #tpu.memory_space<vmem>> -> memref<1x80xi32, #tpu.memory_space<vmem>>
      %dma_wait3A_211 = tpu.memref_squeeze %dma_wait3A_210 : memref<1x80xi32, #tpu.memory_space<vmem>> -> memref<80xi32, #tpu.memory_space<vmem>>
      %dma_wait3A_212 = arith.constant 0 : i32
      %dma_wait3A_213 = tpu.memref_slice %arg10[%dma_wait3A_207, %dma_wait3A_212] : memref<5x80xi32, #tpu.memory_space<vmem>> -> memref<1x80xi32, #tpu.memory_space<vmem>>
      %dma_wait3A_214 = tpu.memref_squeeze %dma_wait3A_213 : memref<1x80xi32, #tpu.memory_space<vmem>> -> memref<80xi32, #tpu.memory_space<vmem>>
      %dma_wait3A_215 = arith.constant 0 : i32
      %dma_wait3A_216 = tpu.memref_slice %arg5[%dma_wait3A_215] : memref<320000xi32, #tpu.memory_space<hbm>> -> memref<320000xi32, #tpu.memory_space<hbm>>
      tpu.wait_indirect_dma semaphore(%arg19 : memref<!tpu.dma_semaphore, #tpu.memory_space<semaphore_mem>>) src(%dma_wait3A_216 : memref<320000xi32, #tpu.memory_space<hbm>>) dst(%dma_wait3A_211 : memref<80xi32, #tpu.memory_space<vmem>>)
      %dma_wait3A_217 = arith.constant 3 : i32
      %dma_wait3A_218 = arith.constant 3 : i32
      %dma_wait3A_219 = arith.constant 0 : i32
      %dma_wait3A_220 = tpu.memref_slice %arg12[%dma_wait3A_218, %dma_wait3A_219] : memref<5x80xi32, #tpu.memory_space<vmem>> -> memref<1x80xi32, #tpu.memory_space<vmem>>
      %dma_wait3A_221 = tpu.memref_squeeze %dma_wait3A_220 : memref<1x80xi32, #tpu.memory_space<vmem>> -> memref<80xi32, #tpu.memory_space<vmem>>
      %dma_wait3A_222 = arith.constant 0 : i32
      %dma_wait3A_223 = tpu.memref_slice %arg10[%dma_wait3A_217, %dma_wait3A_222] : memref<5x80xi32, #tpu.memory_space<vmem>> -> memref<1x80xi32, #tpu.memory_space<vmem>>
      %dma_wait3A_224 = tpu.memref_squeeze %dma_wait3A_223 : memref<1x80xi32, #tpu.memory_space<vmem>> -> memref<80xi32, #tpu.memory_space<vmem>>
      %dma_wait3A_225 = arith.constant 0 : i32
      %dma_wait3A_226 = tpu.memref_slice %arg5[%dma_wait3A_225] : memref<320000xi32, #tpu.memory_space<hbm>> -> memref<320000xi32, #tpu.memory_space<hbm>>
      tpu.wait_indirect_dma semaphore(%arg20 : memref<!tpu.dma_semaphore, #tpu.memory_space<semaphore_mem>>) src(%dma_wait3A_226 : memref<320000xi32, #tpu.memory_space<hbm>>) dst(%dma_wait3A_221 : memref<80xi32, #tpu.memory_space<vmem>>)
      %dma_wait3A_227 = arith.constant 4 : i32
      %dma_wait3A_228 = arith.constant 4 : i32
      %dma_wait3A_229 = arith.constant 0 : i32
      %dma_wait3A_230 = tpu.memref_slice %arg12[%dma_wait3A_228, %dma_wait3A_229] : memref<5x80xi32, #tpu.memory_space<vmem>> -> memref<1x80xi32, #tpu.memory_space<vmem>>
      %dma_wait3A_231 = tpu.memref_squeeze %dma_wait3A_230 : memref<1x80xi32, #tpu.memory_space<vmem>> -> memref<80xi32, #tpu.memory_space<vmem>>
      %dma_wait3A_232 = arith.constant 0 : i32
      %dma_wait3A_233 = tpu.memref_slice %arg10[%dma_wait3A_227, %dma_wait3A_232] : memref<5x80xi32, #tpu.memory_space<vmem>> -> memref<1x80xi32, #tpu.memory_space<vmem>>
      %dma_wait3A_234 = tpu.memref_squeeze %dma_wait3A_233 : memref<1x80xi32, #tpu.memory_space<vmem>> -> memref<80xi32, #tpu.memory_space<vmem>>
      %dma_wait3A_235 = arith.constant 0 : i32
      %dma_wait3A_236 = tpu.memref_slice %arg5[%dma_wait3A_235] : memref<320000xi32, #tpu.memory_space<hbm>> -> memref<320000xi32, #tpu.memory_space<hbm>>
      tpu.wait_indirect_dma semaphore(%arg19 : memref<!tpu.dma_semaphore, #tpu.memory_space<semaphore_mem>>) src(%dma_wait3A_236 : memref<320000xi32, #tpu.memory_space<hbm>>) dst(%dma_wait3A_231 : memref<80xi32, #tpu.memory_space<vmem>>)
      %dma_start3A_237 = arith.constant 0 : i32
      %dma_start3A_238 = arith.constant 0 : i32
      %dma_start3A_239 = arith.constant 0 : i32
      %dma_start3A_240 = tpu.memref_slice %arg13[%dma_start3A_238, %dma_start3A_239] : memref<400x128xf32, #tpu.memory_space<vmem>> -> memref<80x128xf32, #tpu.memory_space<vmem>>
      %dma_start3A_241 = arith.constant 0 : i32
      %dma_start3A_242 = tpu.memref_slice %arg11[%dma_start3A_237, %dma_start3A_241] : memref<5x80xi32, #tpu.memory_space<vmem>> -> memref<1x80xi32, #tpu.memory_space<vmem>>
      %dma_start3A_243 = tpu.memref_squeeze %dma_start3A_242 : memref<1x80xi32, #tpu.memory_space<vmem>> -> memref<80xi32, #tpu.memory_space<vmem>>
      %dma_start3A_244 = arith.constant 0 : i32
      %dma_start3A_245 = arith.constant 0 : i32
      %dma_start3A_246 = tpu.memref_slice %arg2[%dma_start3A_244, %dma_start3A_245] : memref<10240x128xf32, #tpu.memory_space<hbm>> -> memref<10240x128xf32, #tpu.memory_space<hbm>>
      tpu.enqueue_indirect_dma source(%dma_start3A_246 : memref<10240x128xf32, #tpu.memory_space<hbm>>) target(%dma_start3A_240 : memref<80x128xf32, #tpu.memory_space<vmem>>) offsets(%dma_start3A_243 : memref<80xi32, #tpu.memory_space<vmem>>) semaphore(%arg16 : memref<!tpu.dma_semaphore, #tpu.memory_space<semaphore_mem>>)
      %dma_start3A_247 = arith.constant 0 : i32
      %dma_start3A_248 = arith.constant 0 : i32
      %dma_start3A_249 = arith.constant 0 : i32
      %dma_start3A_250 = tpu.memref_slice %arg14[%dma_start3A_248, %dma_start3A_249] : memref<400x128xf32, #tpu.memory_space<vmem>> -> memref<80x128xf32, #tpu.memory_space<vmem>>
      %dma_start3A_251 = arith.constant 0 : i32
      %dma_start3A_252 = tpu.memref_slice %arg12[%dma_start3A_247, %dma_start3A_251] : memref<5x80xi32, #tpu.memory_space<vmem>> -> memref<1x80xi32, #tpu.memory_space<vmem>>
      %dma_start3A_253 = tpu.memref_squeeze %dma_start3A_252 : memref<1x80xi32, #tpu.memory_space<vmem>> -> memref<80xi32, #tpu.memory_space<vmem>>
      %dma_start3A_254 = arith.constant 0 : i32
      %dma_start3A_255 = arith.constant 0 : i32
      %dma_start3A_256 = tpu.memref_slice %arg2[%dma_start3A_254, %dma_start3A_255] : memref<10240x128xf32, #tpu.memory_space<hbm>> -> memref<10240x128xf32, #tpu.memory_space<hbm>>
      tpu.enqueue_indirect_dma source(%dma_start3A_256 : memref<10240x128xf32, #tpu.memory_space<hbm>>) target(%dma_start3A_250 : memref<80x128xf32, #tpu.memory_space<vmem>>) offsets(%dma_start3A_253 : memref<80xi32, #tpu.memory_space<vmem>>) semaphore(%arg17 : memref<!tpu.dma_semaphore, #tpu.memory_space<semaphore_mem>>)
      %dma_start3A_257 = arith.constant 0 : i32
      %dma_start3A_258 = arith.constant 0 : i32
      %dma_start3A_259 = arith.constant 0 : i32
      %dma_start3A_260 = tpu.memref_slice %arg15[%dma_start3A_258, %dma_start3A_259] : memref<400x16xf32, #tpu.memory_space<vmem>> -> memref<80x16xf32, #tpu.memory_space<vmem>>
      %dma_start3A_261 = arith.constant 0 : i32
      %dma_start3A_262 = tpu.memref_slice %arg10[%dma_start3A_257, %dma_start3A_261] : memref<5x80xi32, #tpu.memory_space<vmem>> -> memref<1x80xi32, #tpu.memory_space<vmem>>
      %dma_start3A_263 = tpu.memref_squeeze %dma_start3A_262 : memref<1x80xi32, #tpu.memory_space<vmem>> -> memref<80xi32, #tpu.memory_space<vmem>>
      %dma_start3A_264 = arith.constant 0 : i32
      %dma_start3A_265 = arith.constant 0 : i32
      %dma_start3A_266 = tpu.memref_slice %arg3[%dma_start3A_264, %dma_start3A_265] : memref<320000x16xf32, #tpu.memory_space<hbm>> -> memref<320000x16xf32, #tpu.memory_space<hbm>>
      tpu.enqueue_indirect_dma source(%dma_start3A_266 : memref<320000x16xf32, #tpu.memory_space<hbm>>) target(%dma_start3A_260 : memref<80x16xf32, #tpu.memory_space<vmem>>) offsets(%dma_start3A_263 : memref<80xi32, #tpu.memory_space<vmem>>) semaphore(%arg18 : memref<!tpu.dma_semaphore, #tpu.memory_space<semaphore_mem>>)
      %dma_start3A_267 = arith.constant 1 : i32
      %dma_start3A_268 = arith.constant 80 : i32
      %dma_start3A_269 = arith.constant 0 : i32
      %dma_start3A_270 = tpu.memref_slice %arg13[%dma_start3A_268, %dma_start3A_269] : memref<400x128xf32, #tpu.memory_space<vmem>> -> memref<80x128xf32, #tpu.memory_space<vmem>>
      %dma_start3A_271 = arith.constant 0 : i32
      %dma_start3A_272 = tpu.memref_slice %arg11[%dma_start3A_267, %dma_start3A_271] : memref<5x80xi32, #tpu.memory_space<vmem>> -> memref<1x80xi32, #tpu.memory_space<vmem>>
      %dma_start3A_273 = tpu.memref_squeeze %dma_start3A_272 : memref<1x80xi32, #tpu.memory_space<vmem>> -> memref<80xi32, #tpu.memory_space<vmem>>
      %dma_start3A_274 = arith.constant 0 : i32
      %dma_start3A_275 = arith.constant 0 : i32
      %dma_start3A_276 = tpu.memref_slice %arg2[%dma_start3A_274, %dma_start3A_275] : memref<10240x128xf32, #tpu.memory_space<hbm>> -> memref<10240x128xf32, #tpu.memory_space<hbm>>
      tpu.enqueue_indirect_dma source(%dma_start3A_276 : memref<10240x128xf32, #tpu.memory_space<hbm>>) target(%dma_start3A_270 : memref<80x128xf32, #tpu.memory_space<vmem>>) offsets(%dma_start3A_273 : memref<80xi32, #tpu.memory_space<vmem>>) semaphore(%arg16 : memref<!tpu.dma_semaphore, #tpu.memory_space<semaphore_mem>>)
      %dma_start3A_277 = arith.constant 1 : i32
      %dma_start3A_278 = arith.constant 80 : i32
      %dma_start3A_279 = arith.constant 0 : i32
      %dma_start3A_280 = tpu.memref_slice %arg14[%dma_start3A_278, %dma_start3A_279] : memref<400x128xf32, #tpu.memory_space<vmem>> -> memref<80x128xf32, #tpu.memory_space<vmem>>
      %dma_start3A_281 = arith.constant 0 : i32
      %dma_start3A_282 = tpu.memref_slice %arg12[%dma_start3A_277, %dma_start3A_281] : memref<5x80xi32, #tpu.memory_space<vmem>> -> memref<1x80xi32, #tpu.memory_space<vmem>>
      %dma_start3A_283 = tpu.memref_squeeze %dma_start3A_282 : memref<1x80xi32, #tpu.memory_space<vmem>> -> memref<80xi32, #tpu.memory_space<vmem>>
      %dma_start3A_284 = arith.constant 0 : i32
      %dma_start3A_285 = arith.constant 0 : i32
      %dma_start3A_286 = tpu.memref_slice %arg2[%dma_start3A_284, %dma_start3A_285] : memref<10240x128xf32, #tpu.memory_space<hbm>> -> memref<10240x128xf32, #tpu.memory_space<hbm>>
      tpu.enqueue_indirect_dma source(%dma_start3A_286 : memref<10240x128xf32, #tpu.memory_space<hbm>>) target(%dma_start3A_280 : memref<80x128xf32, #tpu.memory_space<vmem>>) offsets(%dma_start3A_283 : memref<80xi32, #tpu.memory_space<vmem>>) semaphore(%arg17 : memref<!tpu.dma_semaphore, #tpu.memory_space<semaphore_mem>>)
      %dma_start3A_287 = arith.constant 1 : i32
      %dma_start3A_288 = arith.constant 80 : i32
      %dma_start3A_289 = arith.constant 0 : i32
      %dma_start3A_290 = tpu.memref_slice %arg15[%dma_start3A_288, %dma_start3A_289] : memref<400x16xf32, #tpu.memory_space<vmem>> -> memref<80x16xf32, #tpu.memory_space<vmem>>
      %dma_start3A_291 = arith.constant 0 : i32
      %dma_start3A_292 = tpu.memref_slice %arg10[%dma_start3A_287, %dma_start3A_291] : memref<5x80xi32, #tpu.memory_space<vmem>> -> memref<1x80xi32, #tpu.memory_space<vmem>>
      %dma_start3A_293 = tpu.memref_squeeze %dma_start3A_292 : memref<1x80xi32, #tpu.memory_space<vmem>> -> memref<80xi32, #tpu.memory_space<vmem>>
      %dma_start3A_294 = arith.constant 0 : i32
      %dma_start3A_295 = arith.constant 0 : i32
      %dma_start3A_296 = tpu.memref_slice %arg3[%dma_start3A_294, %dma_start3A_295] : memref<320000x16xf32, #tpu.memory_space<hbm>> -> memref<320000x16xf32, #tpu.memory_space<hbm>>
      tpu.enqueue_indirect_dma source(%dma_start3A_296 : memref<320000x16xf32, #tpu.memory_space<hbm>>) target(%dma_start3A_290 : memref<80x16xf32, #tpu.memory_space<vmem>>) offsets(%dma_start3A_293 : memref<80xi32, #tpu.memory_space<vmem>>) semaphore(%arg18 : memref<!tpu.dma_semaphore, #tpu.memory_space<semaphore_mem>>)
      %dma_start3A_297 = arith.constant 2 : i32
      %dma_start3A_298 = arith.constant 160 : i32
      %dma_start3A_299 = arith.constant 0 : i32
      %dma_start3A_300 = tpu.memref_slice %arg13[%dma_start3A_298, %dma_start3A_299] : memref<400x128xf32, #tpu.memory_space<vmem>> -> memref<80x128xf32, #tpu.memory_space<vmem>>
      %dma_start3A_301 = arith.constant 0 : i32
      %dma_start3A_302 = tpu.memref_slice %arg11[%dma_start3A_297, %dma_start3A_301] : memref<5x80xi32, #tpu.memory_space<vmem>> -> memref<1x80xi32, #tpu.memory_space<vmem>>
      %dma_start3A_303 = tpu.memref_squeeze %dma_start3A_302 : memref<1x80xi32, #tpu.memory_space<vmem>> -> memref<80xi32, #tpu.memory_space<vmem>>
      %dma_start3A_304 = arith.constant 0 : i32
      %dma_start3A_305 = arith.constant 0 : i32
      %dma_start3A_306 = tpu.memref_slice %arg2[%dma_start3A_304, %dma_start3A_305] : memref<10240x128xf32, #tpu.memory_space<hbm>> -> memref<10240x128xf32, #tpu.memory_space<hbm>>
      tpu.enqueue_indirect_dma source(%dma_start3A_306 : memref<10240x128xf32, #tpu.memory_space<hbm>>) target(%dma_start3A_300 : memref<80x128xf32, #tpu.memory_space<vmem>>) offsets(%dma_start3A_303 : memref<80xi32, #tpu.memory_space<vmem>>) semaphore(%arg16 : memref<!tpu.dma_semaphore, #tpu.memory_space<semaphore_mem>>)
      %dma_start3A_307 = arith.constant 2 : i32
      %dma_start3A_308 = arith.constant 160 : i32
      %dma_start3A_309 = arith.constant 0 : i32
      %dma_start3A_310 = tpu.memref_slice %arg14[%dma_start3A_308, %dma_start3A_309] : memref<400x128xf32, #tpu.memory_space<vmem>> -> memref<80x128xf32, #tpu.memory_space<vmem>>
      %dma_start3A_311 = arith.constant 0 : i32
      %dma_start3A_312 = tpu.memref_slice %arg12[%dma_start3A_307, %dma_start3A_311] : memref<5x80xi32, #tpu.memory_space<vmem>> -> memref<1x80xi32, #tpu.memory_space<vmem>>
      %dma_start3A_313 = tpu.memref_squeeze %dma_start3A_312 : memref<1x80xi32, #tpu.memory_space<vmem>> -> memref<80xi32, #tpu.memory_space<vmem>>
      %dma_start3A_314 = arith.constant 0 : i32
      %dma_start3A_315 = arith.constant 0 : i32
      %dma_start3A_316 = tpu.memref_slice %arg2[%dma_start3A_314, %dma_start3A_315] : memref<10240x128xf32, #tpu.memory_space<hbm>> -> memref<10240x128xf32, #tpu.memory_space<hbm>>
      tpu.enqueue_indirect_dma source(%dma_start3A_316 : memref<10240x128xf32, #tpu.memory_space<hbm>>) target(%dma_start3A_310 : memref<80x128xf32, #tpu.memory_space<vmem>>) offsets(%dma_start3A_313 : memref<80xi32, #tpu.memory_space<vmem>>) semaphore(%arg17 : memref<!tpu.dma_semaphore, #tpu.memory_space<semaphore_mem>>)
      %dma_start3A_317 = arith.constant 2 : i32
      %dma_start3A_318 = arith.constant 160 : i32
      %dma_start3A_319 = arith.constant 0 : i32
      %dma_start3A_320 = tpu.memref_slice %arg15[%dma_start3A_318, %dma_start3A_319] : memref<400x16xf32, #tpu.memory_space<vmem>> -> memref<80x16xf32, #tpu.memory_space<vmem>>
      %dma_start3A_321 = arith.constant 0 : i32
      %dma_start3A_322 = tpu.memref_slice %arg10[%dma_start3A_317, %dma_start3A_321] : memref<5x80xi32, #tpu.memory_space<vmem>> -> memref<1x80xi32, #tpu.memory_space<vmem>>
      %dma_start3A_323 = tpu.memref_squeeze %dma_start3A_322 : memref<1x80xi32, #tpu.memory_space<vmem>> -> memref<80xi32, #tpu.memory_space<vmem>>
      %dma_start3A_324 = arith.constant 0 : i32
      %dma_start3A_325 = arith.constant 0 : i32
      %dma_start3A_326 = tpu.memref_slice %arg3[%dma_start3A_324, %dma_start3A_325] : memref<320000x16xf32, #tpu.memory_space<hbm>> -> memref<320000x16xf32, #tpu.memory_space<hbm>>
      tpu.enqueue_indirect_dma source(%dma_start3A_326 : memref<320000x16xf32, #tpu.memory_space<hbm>>) target(%dma_start3A_320 : memref<80x16xf32, #tpu.memory_space<vmem>>) offsets(%dma_start3A_323 : memref<80xi32, #tpu.memory_space<vmem>>) semaphore(%arg18 : memref<!tpu.dma_semaphore, #tpu.memory_space<semaphore_mem>>)
      %dma_start3A_327 = arith.constant 3 : i32
      %dma_start3A_328 = arith.constant 240 : i32
      %dma_start3A_329 = arith.constant 0 : i32
      %dma_start3A_330 = tpu.memref_slice %arg13[%dma_start3A_328, %dma_start3A_329] : memref<400x128xf32, #tpu.memory_space<vmem>> -> memref<80x128xf32, #tpu.memory_space<vmem>>
      %dma_start3A_331 = arith.constant 0 : i32
      %dma_start3A_332 = tpu.memref_slice %arg11[%dma_start3A_327, %dma_start3A_331] : memref<5x80xi32, #tpu.memory_space<vmem>> -> memref<1x80xi32, #tpu.memory_space<vmem>>
      %dma_start3A_333 = tpu.memref_squeeze %dma_start3A_332 : memref<1x80xi32, #tpu.memory_space<vmem>> -> memref<80xi32, #tpu.memory_space<vmem>>
      %dma_start3A_334 = arith.constant 0 : i32
      %dma_start3A_335 = arith.constant 0 : i32
      %dma_start3A_336 = tpu.memref_slice %arg2[%dma_start3A_334, %dma_start3A_335] : memref<10240x128xf32, #tpu.memory_space<hbm>> -> memref<10240x128xf32, #tpu.memory_space<hbm>>
      tpu.enqueue_indirect_dma source(%dma_start3A_336 : memref<10240x128xf32, #tpu.memory_space<hbm>>) target(%dma_start3A_330 : memref<80x128xf32, #tpu.memory_space<vmem>>) offsets(%dma_start3A_333 : memref<80xi32, #tpu.memory_space<vmem>>) semaphore(%arg16 : memref<!tpu.dma_semaphore, #tpu.memory_space<semaphore_mem>>)
      %dma_start3A_337 = arith.constant 3 : i32
      %dma_start3A_338 = arith.constant 240 : i32
      %dma_start3A_339 = arith.constant 0 : i32
      %dma_start3A_340 = tpu.memref_slice %arg14[%dma_start3A_338, %dma_start3A_339] : memref<400x128xf32, #tpu.memory_space<vmem>> -> memref<80x128xf32, #tpu.memory_space<vmem>>
      %dma_start3A_341 = arith.constant 0 : i32
      %dma_start3A_342 = tpu.memref_slice %arg12[%dma_start3A_337, %dma_start3A_341] : memref<5x80xi32, #tpu.memory_space<vmem>> -> memref<1x80xi32, #tpu.memory_space<vmem>>
      %dma_start3A_343 = tpu.memref_squeeze %dma_start3A_342 : memref<1x80xi32, #tpu.memory_space<vmem>> -> memref<80xi32, #tpu.memory_space<vmem>>
      %dma_start3A_344 = arith.constant 0 : i32
      %dma_start3A_345 = arith.constant 0 : i32
      %dma_start3A_346 = tpu.memref_slice %arg2[%dma_start3A_344, %dma_start3A_345] : memref<10240x128xf32, #tpu.memory_space<hbm>> -> memref<10240x128xf32, #tpu.memory_space<hbm>>
      tpu.enqueue_indirect_dma source(%dma_start3A_346 : memref<10240x128xf32, #tpu.memory_space<hbm>>) target(%dma_start3A_340 : memref<80x128xf32, #tpu.memory_space<vmem>>) offsets(%dma_start3A_343 : memref<80xi32, #tpu.memory_space<vmem>>) semaphore(%arg17 : memref<!tpu.dma_semaphore, #tpu.memory_space<semaphore_mem>>)
      %dma_start3A_347 = arith.constant 3 : i32
      %dma_start3A_348 = arith.constant 240 : i32
      %dma_start3A_349 = arith.constant 0 : i32
      %dma_start3A_350 = tpu.memref_slice %arg15[%dma_start3A_348, %dma_start3A_349] : memref<400x16xf32, #tpu.memory_space<vmem>> -> memref<80x16xf32, #tpu.memory_space<vmem>>
      %dma_start3A_351 = arith.constant 0 : i32
      %dma_start3A_352 = tpu.memref_slice %arg10[%dma_start3A_347, %dma_start3A_351] : memref<5x80xi32, #tpu.memory_space<vmem>> -> memref<1x80xi32, #tpu.memory_space<vmem>>
      %dma_start3A_353 = tpu.memref_squeeze %dma_start3A_352 : memref<1x80xi32, #tpu.memory_space<vmem>> -> memref<80xi32, #tpu.memory_space<vmem>>
      %dma_start3A_354 = arith.constant 0 : i32
      %dma_start3A_355 = arith.constant 0 : i32
      %dma_start3A_356 = tpu.memref_slice %arg3[%dma_start3A_354, %dma_start3A_355] : memref<320000x16xf32, #tpu.memory_space<hbm>> -> memref<320000x16xf32, #tpu.memory_space<hbm>>
      tpu.enqueue_indirect_dma source(%dma_start3A_356 : memref<320000x16xf32, #tpu.memory_space<hbm>>) target(%dma_start3A_350 : memref<80x16xf32, #tpu.memory_space<vmem>>) offsets(%dma_start3A_353 : memref<80xi32, #tpu.memory_space<vmem>>) semaphore(%arg18 : memref<!tpu.dma_semaphore, #tpu.memory_space<semaphore_mem>>)
      %dma_start3A_357 = arith.constant 4 : i32
      %dma_start3A_358 = arith.constant 320 : i32
      %dma_start3A_359 = arith.constant 0 : i32
      %dma_start3A_360 = tpu.memref_slice %arg13[%dma_start3A_358, %dma_start3A_359] : memref<400x128xf32, #tpu.memory_space<vmem>> -> memref<80x128xf32, #tpu.memory_space<vmem>>
      %dma_start3A_361 = arith.constant 0 : i32
      %dma_start3A_362 = tpu.memref_slice %arg11[%dma_start3A_357, %dma_start3A_361] : memref<5x80xi32, #tpu.memory_space<vmem>> -> memref<1x80xi32, #tpu.memory_space<vmem>>
      %dma_start3A_363 = tpu.memref_squeeze %dma_start3A_362 : memref<1x80xi32, #tpu.memory_space<vmem>> -> memref<80xi32, #tpu.memory_space<vmem>>
      %dma_start3A_364 = arith.constant 0 : i32
      %dma_start3A_365 = arith.constant 0 : i32
      %dma_start3A_366 = tpu.memref_slice %arg2[%dma_start3A_364, %dma_start3A_365] : memref<10240x128xf32, #tpu.memory_space<hbm>> -> memref<10240x128xf32, #tpu.memory_space<hbm>>
      tpu.enqueue_indirect_dma source(%dma_start3A_366 : memref<10240x128xf32, #tpu.memory_space<hbm>>) target(%dma_start3A_360 : memref<80x128xf32, #tpu.memory_space<vmem>>) offsets(%dma_start3A_363 : memref<80xi32, #tpu.memory_space<vmem>>) semaphore(%arg16 : memref<!tpu.dma_semaphore, #tpu.memory_space<semaphore_mem>>)
      %dma_start3A_367 = arith.constant 4 : i32
      %dma_start3A_368 = arith.constant 320 : i32
      %dma_start3A_369 = arith.constant 0 : i32
      %dma_start3A_370 = tpu.memref_slice %arg14[%dma_start3A_368, %dma_start3A_369] : memref<400x128xf32, #tpu.memory_space<vmem>> -> memref<80x128xf32, #tpu.memory_space<vmem>>
      %dma_start3A_371 = arith.constant 0 : i32
      %dma_start3A_372 = tpu.memref_slice %arg12[%dma_start3A_367, %dma_start3A_371] : memref<5x80xi32, #tpu.memory_space<vmem>> -> memref<1x80xi32, #tpu.memory_space<vmem>>
      %dma_start3A_373 = tpu.memref_squeeze %dma_start3A_372 : memref<1x80xi32, #tpu.memory_space<vmem>> -> memref<80xi32, #tpu.memory_space<vmem>>
      %dma_start3A_374 = arith.constant 0 : i32
      %dma_start3A_375 = arith.constant 0 : i32
      %dma_start3A_376 = tpu.memref_slice %arg2[%dma_start3A_374, %dma_start3A_375] : memref<10240x128xf32, #tpu.memory_space<hbm>> -> memref<10240x128xf32, #tpu.memory_space<hbm>>
      tpu.enqueue_indirect_dma source(%dma_start3A_376 : memref<10240x128xf32, #tpu.memory_space<hbm>>) target(%dma_start3A_370 : memref<80x128xf32, #tpu.memory_space<vmem>>) offsets(%dma_start3A_373 : memref<80xi32, #tpu.memory_space<vmem>>) semaphore(%arg17 : memref<!tpu.dma_semaphore, #tpu.memory_space<semaphore_mem>>)
      %dma_start3A_377 = arith.constant 4 : i32
      %dma_start3A_378 = arith.constant 320 : i32
      %dma_start3A_379 = arith.constant 0 : i32
      %dma_start3A_380 = tpu.memref_slice %arg15[%dma_start3A_378, %dma_start3A_379] : memref<400x16xf32, #tpu.memory_space<vmem>> -> memref<80x16xf32, #tpu.memory_space<vmem>>
      %dma_start3A_381 = arith.constant 0 : i32
      %dma_start3A_382 = tpu.memref_slice %arg10[%dma_start3A_377, %dma_start3A_381] : memref<5x80xi32, #tpu.memory_space<vmem>> -> memref<1x80xi32, #tpu.memory_space<vmem>>
      %dma_start3A_383 = tpu.memref_squeeze %dma_start3A_382 : memref<1x80xi32, #tpu.memory_space<vmem>> -> memref<80xi32, #tpu.memory_space<vmem>>
      %dma_start3A_384 = arith.constant 0 : i32
      %dma_start3A_385 = arith.constant 0 : i32
      %dma_start3A_386 = tpu.memref_slice %arg3[%dma_start3A_384, %dma_start3A_385] : memref<320000x16xf32, #tpu.memory_space<hbm>> -> memref<320000x16xf32, #tpu.memory_space<hbm>>
      tpu.enqueue_indirect_dma source(%dma_start3A_386 : memref<320000x16xf32, #tpu.memory_space<hbm>>) target(%dma_start3A_380 : memref<80x16xf32, #tpu.memory_space<vmem>>) offsets(%dma_start3A_383 : memref<80xi32, #tpu.memory_space<vmem>>) semaphore(%arg18 : memref<!tpu.dma_semaphore, #tpu.memory_space<semaphore_mem>>)
      %dma_wait3A_387 = arith.constant 0 : i32
      %dma_wait3A_388 = arith.constant 0 : i32
      %dma_wait3A_389 = arith.constant 0 : i32
      %dma_wait3A_390 = tpu.memref_slice %arg13[%dma_wait3A_388, %dma_wait3A_389] : memref<400x128xf32, #tpu.memory_space<vmem>> -> memref<80x128xf32, #tpu.memory_space<vmem>>
      %dma_wait3A_391 = arith.constant 0 : i32
      %dma_wait3A_392 = tpu.memref_slice %arg11[%dma_wait3A_387, %dma_wait3A_391] : memref<5x80xi32, #tpu.memory_space<vmem>> -> memref<1x80xi32, #tpu.memory_space<vmem>>
      %dma_wait3A_393 = tpu.memref_squeeze %dma_wait3A_392 : memref<1x80xi32, #tpu.memory_space<vmem>> -> memref<80xi32, #tpu.memory_space<vmem>>
      %dma_wait3A_394 = arith.constant 0 : i32
      %dma_wait3A_395 = arith.constant 0 : i32
      %dma_wait3A_396 = tpu.memref_slice %arg2[%dma_wait3A_394, %dma_wait3A_395] : memref<10240x128xf32, #tpu.memory_space<hbm>> -> memref<10240x128xf32, #tpu.memory_space<hbm>>
      tpu.wait_indirect_dma semaphore(%arg16 : memref<!tpu.dma_semaphore, #tpu.memory_space<semaphore_mem>>) src(%dma_wait3A_396 : memref<10240x128xf32, #tpu.memory_space<hbm>>) dst(%dma_wait3A_390 : memref<80x128xf32, #tpu.memory_space<vmem>>)
      %dma_wait3A_397 = arith.constant 0 : i32
      %dma_wait3A_398 = arith.constant 0 : i32
      %dma_wait3A_399 = arith.constant 0 : i32
      %dma_wait3A_400 = tpu.memref_slice %arg14[%dma_wait3A_398, %dma_wait3A_399] : memref<400x128xf32, #tpu.memory_space<vmem>> -> memref<80x128xf32, #tpu.memory_space<vmem>>
      %dma_wait3A_401 = arith.constant 0 : i32
      %dma_wait3A_402 = tpu.memref_slice %arg12[%dma_wait3A_397, %dma_wait3A_401] : memref<5x80xi32, #tpu.memory_space<vmem>> -> memref<1x80xi32, #tpu.memory_space<vmem>>
      %dma_wait3A_403 = tpu.memref_squeeze %dma_wait3A_402 : memref<1x80xi32, #tpu.memory_space<vmem>> -> memref<80xi32, #tpu.memory_space<vmem>>
      %dma_wait3A_404 = arith.constant 0 : i32
      %dma_wait3A_405 = arith.constant 0 : i32
      %dma_wait3A_406 = tpu.memref_slice %arg2[%dma_wait3A_404, %dma_wait3A_405] : memref<10240x128xf32, #tpu.memory_space<hbm>> -> memref<10240x128xf32, #tpu.memory_space<hbm>>
      tpu.wait_indirect_dma semaphore(%arg17 : memref<!tpu.dma_semaphore, #tpu.memory_space<semaphore_mem>>) src(%dma_wait3A_406 : memref<10240x128xf32, #tpu.memory_space<hbm>>) dst(%dma_wait3A_400 : memref<80x128xf32, #tpu.memory_space<vmem>>)
      %dma_wait3A_407 = arith.constant 0 : i32
      %dma_wait3A_408 = arith.constant 0 : i32
      %dma_wait3A_409 = arith.constant 0 : i32
      %dma_wait3A_410 = tpu.memref_slice %arg15[%dma_wait3A_408, %dma_wait3A_409] : memref<400x16xf32, #tpu.memory_space<vmem>> -> memref<80x16xf32, #tpu.memory_space<vmem>>
      %dma_wait3A_411 = arith.constant 0 : i32
      %dma_wait3A_412 = tpu.memref_slice %arg10[%dma_wait3A_407, %dma_wait3A_411] : memref<5x80xi32, #tpu.memory_space<vmem>> -> memref<1x80xi32, #tpu.memory_space<vmem>>
      %dma_wait3A_413 = tpu.memref_squeeze %dma_wait3A_412 : memref<1x80xi32, #tpu.memory_space<vmem>> -> memref<80xi32, #tpu.memory_space<vmem>>
      %dma_wait3A_414 = arith.constant 0 : i32
      %dma_wait3A_415 = arith.constant 0 : i32
      %dma_wait3A_416 = tpu.memref_slice %arg3[%dma_wait3A_414, %dma_wait3A_415] : memref<320000x16xf32, #tpu.memory_space<hbm>> -> memref<320000x16xf32, #tpu.memory_space<hbm>>
      tpu.wait_indirect_dma semaphore(%arg18 : memref<!tpu.dma_semaphore, #tpu.memory_space<semaphore_mem>>) src(%dma_wait3A_416 : memref<320000x16xf32, #tpu.memory_space<hbm>>) dst(%dma_wait3A_410 : memref<80x16xf32, #tpu.memory_space<vmem>>)
      %dma_wait3A_417 = arith.constant 1 : i32
      %dma_wait3A_418 = arith.constant 80 : i32
      %dma_wait3A_419 = arith.constant 0 : i32
      %dma_wait3A_420 = tpu.memref_slice %arg13[%dma_wait3A_418, %dma_wait3A_419] : memref<400x128xf32, #tpu.memory_space<vmem>> -> memref<80x128xf32, #tpu.memory_space<vmem>>
      %dma_wait3A_421 = arith.constant 0 : i32
      %dma_wait3A_422 = tpu.memref_slice %arg11[%dma_wait3A_417, %dma_wait3A_421] : memref<5x80xi32, #tpu.memory_space<vmem>> -> memref<1x80xi32, #tpu.memory_space<vmem>>
      %dma_wait3A_423 = tpu.memref_squeeze %dma_wait3A_422 : memref<1x80xi32, #tpu.memory_space<vmem>> -> memref<80xi32, #tpu.memory_space<vmem>>
      %dma_wait3A_424 = arith.constant 0 : i32
      %dma_wait3A_425 = arith.constant 0 : i32
      %dma_wait3A_426 = tpu.memref_slice %arg2[%dma_wait3A_424, %dma_wait3A_425] : memref<10240x128xf32, #tpu.memory_space<hbm>> -> memref<10240x128xf32, #tpu.memory_space<hbm>>
      tpu.wait_indirect_dma semaphore(%arg16 : memref<!tpu.dma_semaphore, #tpu.memory_space<semaphore_mem>>) src(%dma_wait3A_426 : memref<10240x128xf32, #tpu.memory_space<hbm>>) dst(%dma_wait3A_420 : memref<80x128xf32, #tpu.memory_space<vmem>>)
      %dma_wait3A_427 = arith.constant 1 : i32
      %dma_wait3A_428 = arith.constant 80 : i32
      %dma_wait3A_429 = arith.constant 0 : i32
      %dma_wait3A_430 = tpu.memref_slice %arg14[%dma_wait3A_428, %dma_wait3A_429] : memref<400x128xf32, #tpu.memory_space<vmem>> -> memref<80x128xf32, #tpu.memory_space<vmem>>
      %dma_wait3A_431 = arith.constant 0 : i32
      %dma_wait3A_432 = tpu.memref_slice %arg12[%dma_wait3A_427, %dma_wait3A_431] : memref<5x80xi32, #tpu.memory_space<vmem>> -> memref<1x80xi32, #tpu.memory_space<vmem>>
      %dma_wait3A_433 = tpu.memref_squeeze %dma_wait3A_432 : memref<1x80xi32, #tpu.memory_space<vmem>> -> memref<80xi32, #tpu.memory_space<vmem>>
      %dma_wait3A_434 = arith.constant 0 : i32
      %dma_wait3A_435 = arith.constant 0 : i32
      %dma_wait3A_436 = tpu.memref_slice %arg2[%dma_wait3A_434, %dma_wait3A_435] : memref<10240x128xf32, #tpu.memory_space<hbm>> -> memref<10240x128xf32, #tpu.memory_space<hbm>>
      tpu.wait_indirect_dma semaphore(%arg17 : memref<!tpu.dma_semaphore, #tpu.memory_space<semaphore_mem>>) src(%dma_wait3A_436 : memref<10240x128xf32, #tpu.memory_space<hbm>>) dst(%dma_wait3A_430 : memref<80x128xf32, #tpu.memory_space<vmem>>)
      %dma_wait3A_437 = arith.constant 1 : i32
      %dma_wait3A_438 = arith.constant 80 : i32
      %dma_wait3A_439 = arith.constant 0 : i32
      %dma_wait3A_440 = tpu.memref_slice %arg15[%dma_wait3A_438, %dma_wait3A_439] : memref<400x16xf32, #tpu.memory_space<vmem>> -> memref<80x16xf32, #tpu.memory_space<vmem>>
      %dma_wait3A_441 = arith.constant 0 : i32
      %dma_wait3A_442 = tpu.memref_slice %arg10[%dma_wait3A_437, %dma_wait3A_441] : memref<5x80xi32, #tpu.memory_space<vmem>> -> memref<1x80xi32, #tpu.memory_space<vmem>>
      %dma_wait3A_443 = tpu.memref_squeeze %dma_wait3A_442 : memref<1x80xi32, #tpu.memory_space<vmem>> -> memref<80xi32, #tpu.memory_space<vmem>>
      %dma_wait3A_444 = arith.constant 0 : i32
      %dma_wait3A_445 = arith.constant 0 : i32
      %dma_wait3A_446 = tpu.memref_slice %arg3[%dma_wait3A_444, %dma_wait3A_445] : memref<320000x16xf32, #tpu.memory_space<hbm>> -> memref<320000x16xf32, #tpu.memory_space<hbm>>
      tpu.wait_indirect_dma semaphore(%arg18 : memref<!tpu.dma_semaphore, #tpu.memory_space<semaphore_mem>>) src(%dma_wait3A_446 : memref<320000x16xf32, #tpu.memory_space<hbm>>) dst(%dma_wait3A_440 : memref<80x16xf32, #tpu.memory_space<vmem>>)
      %dma_wait3A_447 = arith.constant 2 : i32
      %dma_wait3A_448 = arith.constant 160 : i32
      %dma_wait3A_449 = arith.constant 0 : i32
      %dma_wait3A_450 = tpu.memref_slice %arg13[%dma_wait3A_448, %dma_wait3A_449] : memref<400x128xf32, #tpu.memory_space<vmem>> -> memref<80x128xf32, #tpu.memory_space<vmem>>
      %dma_wait3A_451 = arith.constant 0 : i32
      %dma_wait3A_452 = tpu.memref_slice %arg11[%dma_wait3A_447, %dma_wait3A_451] : memref<5x80xi32, #tpu.memory_space<vmem>> -> memref<1x80xi32, #tpu.memory_space<vmem>>
      %dma_wait3A_453 = tpu.memref_squeeze %dma_wait3A_452 : memref<1x80xi32, #tpu.memory_space<vmem>> -> memref<80xi32, #tpu.memory_space<vmem>>
      %dma_wait3A_454 = arith.constant 0 : i32
      %dma_wait3A_455 = arith.constant 0 : i32
      %dma_wait3A_456 = tpu.memref_slice %arg2[%dma_wait3A_454, %dma_wait3A_455] : memref<10240x128xf32, #tpu.memory_space<hbm>> -> memref<10240x128xf32, #tpu.memory_space<hbm>>
      tpu.wait_indirect_dma semaphore(%arg16 : memref<!tpu.dma_semaphore, #tpu.memory_space<semaphore_mem>>) src(%dma_wait3A_456 : memref<10240x128xf32, #tpu.memory_space<hbm>>) dst(%dma_wait3A_450 : memref<80x128xf32, #tpu.memory_space<vmem>>)
      %dma_wait3A_457 = arith.constant 2 : i32
      %dma_wait3A_458 = arith.constant 160 : i32
      %dma_wait3A_459 = arith.constant 0 : i32
      %dma_wait3A_460 = tpu.memref_slice %arg14[%dma_wait3A_458, %dma_wait3A_459] : memref<400x128xf32, #tpu.memory_space<vmem>> -> memref<80x128xf32, #tpu.memory_space<vmem>>
      %dma_wait3A_461 = arith.constant 0 : i32
      %dma_wait3A_462 = tpu.memref_slice %arg12[%dma_wait3A_457, %dma_wait3A_461] : memref<5x80xi32, #tpu.memory_space<vmem>> -> memref<1x80xi32, #tpu.memory_space<vmem>>
      %dma_wait3A_463 = tpu.memref_squeeze %dma_wait3A_462 : memref<1x80xi32, #tpu.memory_space<vmem>> -> memref<80xi32, #tpu.memory_space<vmem>>
      %dma_wait3A_464 = arith.constant 0 : i32
      %dma_wait3A_465 = arith.constant 0 : i32
      %dma_wait3A_466 = tpu.memref_slice %arg2[%dma_wait3A_464, %dma_wait3A_465] : memref<10240x128xf32, #tpu.memory_space<hbm>> -> memref<10240x128xf32, #tpu.memory_space<hbm>>
      tpu.wait_indirect_dma semaphore(%arg17 : memref<!tpu.dma_semaphore, #tpu.memory_space<semaphore_mem>>) src(%dma_wait3A_466 : memref<10240x128xf32, #tpu.memory_space<hbm>>) dst(%dma_wait3A_460 : memref<80x128xf32, #tpu.memory_space<vmem>>)
      %dma_wait3A_467 = arith.constant 2 : i32
      %dma_wait3A_468 = arith.constant 160 : i32
      %dma_wait3A_469 = arith.constant 0 : i32
      %dma_wait3A_470 = tpu.memref_slice %arg15[%dma_wait3A_468, %dma_wait3A_469] : memref<400x16xf32, #tpu.memory_space<vmem>> -> memref<80x16xf32, #tpu.memory_space<vmem>>
      %dma_wait3A_471 = arith.constant 0 : i32
      %dma_wait3A_472 = tpu.memref_slice %arg10[%dma_wait3A_467, %dma_wait3A_471] : memref<5x80xi32, #tpu.memory_space<vmem>> -> memref<1x80xi32, #tpu.memory_space<vmem>>
      %dma_wait3A_473 = tpu.memref_squeeze %dma_wait3A_472 : memref<1x80xi32, #tpu.memory_space<vmem>> -> memref<80xi32, #tpu.memory_space<vmem>>
      %dma_wait3A_474 = arith.constant 0 : i32
      %dma_wait3A_475 = arith.constant 0 : i32
      %dma_wait3A_476 = tpu.memref_slice %arg3[%dma_wait3A_474, %dma_wait3A_475] : memref<320000x16xf32, #tpu.memory_space<hbm>> -> memref<320000x16xf32, #tpu.memory_space<hbm>>
      tpu.wait_indirect_dma semaphore(%arg18 : memref<!tpu.dma_semaphore, #tpu.memory_space<semaphore_mem>>) src(%dma_wait3A_476 : memref<320000x16xf32, #tpu.memory_space<hbm>>) dst(%dma_wait3A_470 : memref<80x16xf32, #tpu.memory_space<vmem>>)
      %dma_wait3A_477 = arith.constant 3 : i32
      %dma_wait3A_478 = arith.constant 240 : i32
      %dma_wait3A_479 = arith.constant 0 : i32
      %dma_wait3A_480 = tpu.memref_slice %arg13[%dma_wait3A_478, %dma_wait3A_479] : memref<400x128xf32, #tpu.memory_space<vmem>> -> memref<80x128xf32, #tpu.memory_space<vmem>>
      %dma_wait3A_481 = arith.constant 0 : i32
      %dma_wait3A_482 = tpu.memref_slice %arg11[%dma_wait3A_477, %dma_wait3A_481] : memref<5x80xi32, #tpu.memory_space<vmem>> -> memref<1x80xi32, #tpu.memory_space<vmem>>
      %dma_wait3A_483 = tpu.memref_squeeze %dma_wait3A_482 : memref<1x80xi32, #tpu.memory_space<vmem>> -> memref<80xi32, #tpu.memory_space<vmem>>
      %dma_wait3A_484 = arith.constant 0 : i32
      %dma_wait3A_485 = arith.constant 0 : i32
      %dma_wait3A_486 = tpu.memref_slice %arg2[%dma_wait3A_484, %dma_wait3A_485] : memref<10240x128xf32, #tpu.memory_space<hbm>> -> memref<10240x128xf32, #tpu.memory_space<hbm>>
      tpu.wait_indirect_dma semaphore(%arg16 : memref<!tpu.dma_semaphore, #tpu.memory_space<semaphore_mem>>) src(%dma_wait3A_486 : memref<10240x128xf32, #tpu.memory_space<hbm>>) dst(%dma_wait3A_480 : memref<80x128xf32, #tpu.memory_space<vmem>>)
      %dma_wait3A_487 = arith.constant 3 : i32
      %dma_wait3A_488 = arith.constant 240 : i32
      %dma_wait3A_489 = arith.constant 0 : i32
      %dma_wait3A_490 = tpu.memref_slice %arg14[%dma_wait3A_488, %dma_wait3A_489] : memref<400x128xf32, #tpu.memory_space<vmem>> -> memref<80x128xf32, #tpu.memory_space<vmem>>
      %dma_wait3A_491 = arith.constant 0 : i32
      %dma_wait3A_492 = tpu.memref_slice %arg12[%dma_wait3A_487, %dma_wait3A_491] : memref<5x80xi32, #tpu.memory_space<vmem>> -> memref<1x80xi32, #tpu.memory_space<vmem>>
      %dma_wait3A_493 = tpu.memref_squeeze %dma_wait3A_492 : memref<1x80xi32, #tpu.memory_space<vmem>> -> memref<80xi32, #tpu.memory_space<vmem>>
      %dma_wait3A_494 = arith.constant 0 : i32
      %dma_wait3A_495 = arith.constant 0 : i32
      %dma_wait3A_496 = tpu.memref_slice %arg2[%dma_wait3A_494, %dma_wait3A_495] : memref<10240x128xf32, #tpu.memory_space<hbm>> -> memref<10240x128xf32, #tpu.memory_space<hbm>>
      tpu.wait_indirect_dma semaphore(%arg17 : memref<!tpu.dma_semaphore, #tpu.memory_space<semaphore_mem>>) src(%dma_wait3A_496 : memref<10240x128xf32, #tpu.memory_space<hbm>>) dst(%dma_wait3A_490 : memref<80x128xf32, #tpu.memory_space<vmem>>)
      %dma_wait3A_497 = arith.constant 3 : i32
      %dma_wait3A_498 = arith.constant 240 : i32
      %dma_wait3A_499 = arith.constant 0 : i32
      %dma_wait3A_500 = tpu.memref_slice %arg15[%dma_wait3A_498, %dma_wait3A_499] : memref<400x16xf32, #tpu.memory_space<vmem>> -> memref<80x16xf32, #tpu.memory_space<vmem>>
      %dma_wait3A_501 = arith.constant 0 : i32
      %dma_wait3A_502 = tpu.memref_slice %arg10[%dma_wait3A_497, %dma_wait3A_501] : memref<5x80xi32, #tpu.memory_space<vmem>> -> memref<1x80xi32, #tpu.memory_space<vmem>>
      %dma_wait3A_503 = tpu.memref_squeeze %dma_wait3A_502 : memref<1x80xi32, #tpu.memory_space<vmem>> -> memref<80xi32, #tpu.memory_space<vmem>>
      %dma_wait3A_504 = arith.constant 0 : i32
      %dma_wait3A_505 = arith.constant 0 : i32
      %dma_wait3A_506 = tpu.memref_slice %arg3[%dma_wait3A_504, %dma_wait3A_505] : memref<320000x16xf32, #tpu.memory_space<hbm>> -> memref<320000x16xf32, #tpu.memory_space<hbm>>
      tpu.wait_indirect_dma semaphore(%arg18 : memref<!tpu.dma_semaphore, #tpu.memory_space<semaphore_mem>>) src(%dma_wait3A_506 : memref<320000x16xf32, #tpu.memory_space<hbm>>) dst(%dma_wait3A_500 : memref<80x16xf32, #tpu.memory_space<vmem>>)
      %dma_wait3A_507 = arith.constant 4 : i32
      %dma_wait3A_508 = arith.constant 320 : i32
      %dma_wait3A_509 = arith.constant 0 : i32
      %dma_wait3A_510 = tpu.memref_slice %arg13[%dma_wait3A_508, %dma_wait3A_509] : memref<400x128xf32, #tpu.memory_space<vmem>> -> memref<80x128xf32, #tpu.memory_space<vmem>>
      %dma_wait3A_511 = arith.constant 0 : i32
      %dma_wait3A_512 = tpu.memref_slice %arg11[%dma_wait3A_507, %dma_wait3A_511] : memref<5x80xi32, #tpu.memory_space<vmem>> -> memref<1x80xi32, #tpu.memory_space<vmem>>
      %dma_wait3A_513 = tpu.memref_squeeze %dma_wait3A_512 : memref<1x80xi32, #tpu.memory_space<vmem>> -> memref<80xi32, #tpu.memory_space<vmem>>
      %dma_wait3A_514 = arith.constant 0 : i32
      %dma_wait3A_515 = arith.constant 0 : i32
      %dma_wait3A_516 = tpu.memref_slice %arg2[%dma_wait3A_514, %dma_wait3A_515] : memref<10240x128xf32, #tpu.memory_space<hbm>> -> memref<10240x128xf32, #tpu.memory_space<hbm>>
      tpu.wait_indirect_dma semaphore(%arg16 : memref<!tpu.dma_semaphore, #tpu.memory_space<semaphore_mem>>) src(%dma_wait3A_516 : memref<10240x128xf32, #tpu.memory_space<hbm>>) dst(%dma_wait3A_510 : memref<80x128xf32, #tpu.memory_space<vmem>>)
      %dma_wait3A_517 = arith.constant 4 : i32
      %dma_wait3A_518 = arith.constant 320 : i32
      %dma_wait3A_519 = arith.constant 0 : i32
      %dma_wait3A_520 = tpu.memref_slice %arg14[%dma_wait3A_518, %dma_wait3A_519] : memref<400x128xf32, #tpu.memory_space<vmem>> -> memref<80x128xf32, #tpu.memory_space<vmem>>
      %dma_wait3A_521 = arith.constant 0 : i32
      %dma_wait3A_522 = tpu.memref_slice %arg12[%dma_wait3A_517, %dma_wait3A_521] : memref<5x80xi32, #tpu.memory_space<vmem>> -> memref<1x80xi32, #tpu.memory_space<vmem>>
      %dma_wait3A_523 = tpu.memref_squeeze %dma_wait3A_522 : memref<1x80xi32, #tpu.memory_space<vmem>> -> memref<80xi32, #tpu.memory_space<vmem>>
      %dma_wait3A_524 = arith.constant 0 : i32
      %dma_wait3A_525 = arith.constant 0 : i32
      %dma_wait3A_526 = tpu.memref_slice %arg2[%dma_wait3A_524, %dma_wait3A_525] : memref<10240x128xf32, #tpu.memory_space<hbm>> -> memref<10240x128xf32, #tpu.memory_space<hbm>>
      tpu.wait_indirect_dma semaphore(%arg17 : memref<!tpu.dma_semaphore, #tpu.memory_space<semaphore_mem>>) src(%dma_wait3A_526 : memref<10240x128xf32, #tpu.memory_space<hbm>>) dst(%dma_wait3A_520 : memref<80x128xf32, #tpu.memory_space<vmem>>)
      %dma_wait3A_527 = arith.constant 4 : i32
      %dma_wait3A_528 = arith.constant 320 : i32
      %dma_wait3A_529 = arith.constant 0 : i32
      %dma_wait3A_530 = tpu.memref_slice %arg15[%dma_wait3A_528, %dma_wait3A_529] : memref<400x16xf32, #tpu.memory_space<vmem>> -> memref<80x16xf32, #tpu.memory_space<vmem>>
      %dma_wait3A_531 = arith.constant 0 : i32
      %dma_wait3A_532 = tpu.memref_slice %arg10[%dma_wait3A_527, %dma_wait3A_531] : memref<5x80xi32, #tpu.memory_space<vmem>> -> memref<1x80xi32, #tpu.memory_space<vmem>>
      %dma_wait3A_533 = tpu.memref_squeeze %dma_wait3A_532 : memref<1x80xi32, #tpu.memory_space<vmem>> -> memref<80xi32, #tpu.memory_space<vmem>>
      %dma_wait3A_534 = arith.constant 0 : i32
      %dma_wait3A_535 = arith.constant 0 : i32
      %dma_wait3A_536 = tpu.memref_slice %arg3[%dma_wait3A_534, %dma_wait3A_535] : memref<320000x16xf32, #tpu.memory_space<hbm>> -> memref<320000x16xf32, #tpu.memory_space<hbm>>
      tpu.wait_indirect_dma semaphore(%arg18 : memref<!tpu.dma_semaphore, #tpu.memory_space<semaphore_mem>>) src(%dma_wait3A_536 : memref<320000x16xf32, #tpu.memory_space<hbm>>) dst(%dma_wait3A_530 : memref<80x16xf32, #tpu.memory_space<vmem>>)
      %mul3A_537 = arith.constant 400 : i32
      %mul3A_538 = arith.muli %add3A_36, %mul3A_537 : i32
      "tpu.region"() ({
        %run_scoped3A = tpu.sem_alloc : memref<!tpu.dma_semaphore, #tpu.memory_space<semaphore_mem>>
        %dma_start3A_540 = arith.constant 0 : i32
        %dma_start3A_541 = tpu.memref_slice %arg7[%mul3A_538, %dma_start3A_540] : memref<160000x128xf32, #tpu.memory_space<hbm>> -> memref<400x128xf32, #tpu.memory_space<hbm>>
        %dma_start3A_542 = arith.constant 0 : i32
        %dma_start3A_543 = tpu.memref_slice %arg7[%mul3A_538, %dma_start3A_542] : memref<160000x128xf32, #tpu.memory_space<hbm>> -> memref<400x128xf32, #tpu.memory_space<hbm>>
        tpu.enqueue_dma source(%arg13 : memref<400x128xf32, #tpu.memory_space<vmem>>) target(%dma_start3A_543 : memref<400x128xf32, #tpu.memory_space<hbm>>) target_semaphore(%run_scoped3A : memref<!tpu.dma_semaphore, #tpu.memory_space<semaphore_mem>>)
        %dma_wait3A_544 = arith.constant 0 : i32
        %dma_wait3A_545 = tpu.memref_slice %arg7[%mul3A_538, %dma_wait3A_544] : memref<160000x128xf32, #tpu.memory_space<hbm>> -> memref<400x128xf32, #tpu.memory_space<hbm>>
        %dma_wait3A_546 = arith.constant 0 : i32
        %dma_wait3A_547 = tpu.memref_slice %arg7[%mul3A_538, %dma_wait3A_546] : memref<160000x128xf32, #tpu.memory_space<hbm>> -> memref<400x128xf32, #tpu.memory_space<hbm>>
        tpu.wait_dma2 semaphore(%run_scoped3A : memref<!tpu.dma_semaphore, #tpu.memory_space<semaphore_mem>>) src(%arg13 : memref<400x128xf32, #tpu.memory_space<vmem>>) dst(%dma_wait3A_547 : memref<400x128xf32, #tpu.memory_space<hbm>>)
        tpu.yield
      }) : () -> ()
      "tpu.region"() ({
        %run_scoped3A = tpu.sem_alloc : memref<!tpu.dma_semaphore, #tpu.memory_space<semaphore_mem>>
        %dma_start3A_540 = arith.constant 0 : i32
        %dma_start3A_541 = tpu.memref_slice %arg8[%mul3A_538, %dma_start3A_540] : memref<160000x128xf32, #tpu.memory_space<hbm>> -> memref<400x128xf32, #tpu.memory_space<hbm>>
        %dma_start3A_542 = arith.constant 0 : i32
        %dma_start3A_543 = tpu.memref_slice %arg8[%mul3A_538, %dma_start3A_542] : memref<160000x128xf32, #tpu.memory_space<hbm>> -> memref<400x128xf32, #tpu.memory_space<hbm>>
        tpu.enqueue_dma source(%arg14 : memref<400x128xf32, #tpu.memory_space<vmem>>) target(%dma_start3A_543 : memref<400x128xf32, #tpu.memory_space<hbm>>) target_semaphore(%run_scoped3A : memref<!tpu.dma_semaphore, #tpu.memory_space<semaphore_mem>>)
        %dma_wait3A_544 = arith.constant 0 : i32
        %dma_wait3A_545 = tpu.memref_slice %arg8[%mul3A_538, %dma_wait3A_544] : memref<160000x128xf32, #tpu.memory_space<hbm>> -> memref<400x128xf32, #tpu.memory_space<hbm>>
        %dma_wait3A_546 = arith.constant 0 : i32
        %dma_wait3A_547 = tpu.memref_slice %arg8[%mul3A_538, %dma_wait3A_546] : memref<160000x128xf32, #tpu.memory_space<hbm>> -> memref<400x128xf32, #tpu.memory_space<hbm>>
        tpu.wait_dma2 semaphore(%run_scoped3A : memref<!tpu.dma_semaphore, #tpu.memory_space<semaphore_mem>>) src(%arg14 : memref<400x128xf32, #tpu.memory_space<vmem>>) dst(%dma_wait3A_547 : memref<400x128xf32, #tpu.memory_space<hbm>>)
        tpu.yield
      }) : () -> ()
      "tpu.region"() ({
        %run_scoped3A = tpu.sem_alloc : memref<!tpu.dma_semaphore, #tpu.memory_space<semaphore_mem>>
        %dma_start3A_540 = arith.constant 0 : i32
        %dma_start3A_541 = tpu.memref_slice %arg9[%mul3A_538, %dma_start3A_540] : memref<160000x16xf32, #tpu.memory_space<hbm>> -> memref<400x16xf32, #tpu.memory_space<hbm>>
        %dma_start3A_542 = arith.constant 0 : i32
        %dma_start3A_543 = tpu.memref_slice %arg9[%mul3A_538, %dma_start3A_542] : memref<160000x16xf32, #tpu.memory_space<hbm>> -> memref<400x16xf32, #tpu.memory_space<hbm>>
        tpu.enqueue_dma source(%arg15 : memref<400x16xf32, #tpu.memory_space<vmem>>) target(%dma_start3A_543 : memref<400x16xf32, #tpu.memory_space<hbm>>) target_semaphore(%run_scoped3A : memref<!tpu.dma_semaphore, #tpu.memory_space<semaphore_mem>>)
        %dma_wait3A_544 = arith.constant 0 : i32
        %dma_wait3A_545 = tpu.memref_slice %arg9[%mul3A_538, %dma_wait3A_544] : memref<160000x16xf32, #tpu.memory_space<hbm>> -> memref<400x16xf32, #tpu.memory_space<hbm>>
        %dma_wait3A_546 = arith.constant 0 : i32
        %dma_wait3A_547 = tpu.memref_slice %arg9[%mul3A_538, %dma_wait3A_546] : memref<160000x16xf32, #tpu.memory_space<hbm>> -> memref<400x16xf32, #tpu.memory_space<hbm>>
        tpu.wait_dma2 semaphore(%run_scoped3A : memref<!tpu.dma_semaphore, #tpu.memory_space<semaphore_mem>>) src(%arg15 : memref<400x16xf32, #tpu.memory_space<vmem>>) dst(%dma_wait3A_547 : memref<400x16xf32, #tpu.memory_space<hbm>>)
        tpu.yield
      }) : () -> ()
      %while3A_539 = arith.constant 0 : i32
      scf.yield %while3A_539 : i32
    }
    return
  }
}

module attributes {stable_mosaic.version = 14 : i64} {
  func.func @_edge_mlp_kernel(%arg0: i32, %arg1: memref<2000x128xf32, #tpu.memory_space<vmem>>, %arg2: memref<2000x128xf32, #tpu.memory_space<vmem>>, %arg3: memref<2000x16xf32, #tpu.memory_space<vmem>>, %arg4: memref<256x128xf32, #tpu.memory_space<vmem>>, %arg5: memref<16x128xf32, #tpu.memory_space<vmem>>, %arg6: memref<1x128xf32, #tpu.memory_space<vmem>>, %arg7: memref<128x128xf32, #tpu.memory_space<vmem>>, %arg8: memref<1x128xf32, #tpu.memory_space<vmem>>, %arg9: memref<2000x64xf32, #tpu.memory_space<vmem>>, %arg10: memref<2000x64xf32, #tpu.memory_space<vmem>>) attributes {dimension_semantics = [#tpu.dimension_semantics<arbitrary>], iteration_bounds = array<i64: 160>, scalar_prefetch = 0 : i64, scratch_operands = 0 : i64, tpu.core_type = #tpu.core_type<tc>, window_params = [{transform_indices = @transform_0, window_bounds = array<i64: 2000, 128>}, {transform_indices = @transform_1, window_bounds = array<i64: 2000, 128>}, {transform_indices = @transform_2, window_bounds = array<i64: 2000, 16>}, {pipeline_mode = #tpu.pipeline_mode<synchronous>, transform_indices = @transform_3, window_bounds = array<i64: 256, 128>}, {pipeline_mode = #tpu.pipeline_mode<synchronous>, transform_indices = @transform_4, window_bounds = array<i64: 16, 128>}, {pipeline_mode = #tpu.pipeline_mode<synchronous>, transform_indices = @transform_5, window_bounds = array<i64: 1, 128>}, {pipeline_mode = #tpu.pipeline_mode<synchronous>, transform_indices = @transform_6, window_bounds = array<i64: 128, 128>}, {pipeline_mode = #tpu.pipeline_mode<synchronous>, transform_indices = @transform_7, window_bounds = array<i64: 1, 128>}, {transform_indices = @transform_8, window_bounds = array<i64: 2000, 64>}, {transform_indices = @transform_9, window_bounds = array<i64: 2000, 64>}]} {
    %get3A = arith.constant 0 : index
    %get3A_0 = arith.constant 0 : index
    %get3A_1 = vector.load %arg1[%get3A, %get3A_0] : memref<2000x128xf32, #tpu.memory_space<vmem>>, vector<2000x128xf32>
    %get3A_2 = arith.constant 0 : index
    %get3A_3 = arith.constant 0 : index
    %get3A_4 = vector.load %arg2[%get3A_2, %get3A_3] : memref<2000x128xf32, #tpu.memory_space<vmem>>, vector<2000x128xf32>
    %concatenate3A = tpu.concatenate %get3A_1, %get3A_4 in 1 : vector<2000x128xf32>, vector<2000x128xf32> -> vector<2000x256xf32>
    %convert_element_type3A = arith.truncf %concatenate3A : vector<2000x256xf32> to vector<2000x256xbf16>
    %get3A_5 = arith.constant 0 : index
    %get3A_6 = arith.constant 0 : index
    %get3A_7 = vector.load %arg4[%get3A_5, %get3A_6] : memref<256x128xf32, #tpu.memory_space<vmem>>, vector<256x128xf32>
    %dot_general3A = arith.constant dense<0.000000e+00> : vector<2000x128xf32>
    %dot_general3A_8 = tpu.matmul %convert_element_type3A, %get3A_7, %dot_general3A {dimension_numbers = #tpu.dot_dimension_numbers<[1], [0], [0], [1], [0, 0, 1, 1], [], []>, transpose_lhs_hint = false} : vector<2000x256xbf16>, vector<256x128xf32>, vector<2000x128xf32> -> vector<2000x128xf32>
    %get3A_9 = arith.constant 0 : index
    %get3A_10 = arith.constant 0 : index
    %get3A_11 = vector.load %arg3[%get3A_9, %get3A_10] : memref<2000x16xf32, #tpu.memory_space<vmem>>, vector<2000x16xf32>
    %convert_element_type3A_12 = arith.truncf %get3A_11 : vector<2000x16xf32> to vector<2000x16xbf16>
    %get3A_13 = arith.constant 0 : index
    %get3A_14 = arith.constant 0 : index
    %get3A_15 = vector.load %arg5[%get3A_13, %get3A_14] : memref<16x128xf32, #tpu.memory_space<vmem>>, vector<16x128xf32>
    %dot_general3A_16 = arith.constant dense<0.000000e+00> : vector<2000x128xf32>
    %dot_general3A_17 = tpu.matmul %convert_element_type3A_12, %get3A_15, %dot_general3A_16 {dimension_numbers = #tpu.dot_dimension_numbers<[1], [0], [0], [1], [0, 0, 1, 1], [], []>, transpose_lhs_hint = false} : vector<2000x16xbf16>, vector<16x128xf32>, vector<2000x128xf32> -> vector<2000x128xf32>
    %add3A = arith.addf %dot_general3A_8, %dot_general3A_17 : vector<2000x128xf32>
    %get3A_18 = arith.constant 0 : index
    %get3A_19 = arith.constant 0 : index
    %get3A_20 = vector.load %arg6[%get3A_18, %get3A_19] : memref<1x128xf32, #tpu.memory_space<vmem>>, vector<1x128xf32>
    %add3A_21 = vector.broadcast %get3A_20 : vector<1x128xf32> to vector<2000x128xf32>
    %add3A_22 = arith.addf %add3A, %add3A_21 : vector<2000x128xf32>
    %max3A = arith.constant 0.000000e+00 : f32
    %max3A_23 = vector.broadcast %max3A : f32 to vector<2000x128xf32>
    %max3A_24 = arith.maximumf %add3A_22, %max3A_23 : vector<2000x128xf32>
    %convert_element_type3A_25 = arith.truncf %max3A_24 : vector<2000x128xf32> to vector<2000x128xbf16>
    %get3A_26 = arith.constant 0 : index
    %get3A_27 = arith.constant 0 : index
    %get3A_28 = vector.load %arg7[%get3A_26, %get3A_27] : memref<128x128xf32, #tpu.memory_space<vmem>>, vector<128x128xf32>
    %dot_general3A_29 = arith.constant dense<0.000000e+00> : vector<2000x128xf32>
    %dot_general3A_30 = tpu.matmul %convert_element_type3A_25, %get3A_28, %dot_general3A_29 {dimension_numbers = #tpu.dot_dimension_numbers<[1], [0], [0], [1], [0, 0, 1, 1], [], []>, transpose_lhs_hint = false} : vector<2000x128xbf16>, vector<128x128xf32>, vector<2000x128xf32> -> vector<2000x128xf32>
    %get3A_31 = arith.constant 0 : index
    %get3A_32 = arith.constant 0 : index
    %get3A_33 = vector.load %arg8[%get3A_31, %get3A_32] : memref<1x128xf32, #tpu.memory_space<vmem>>, vector<1x128xf32>
    %add3A_34 = vector.broadcast %get3A_33 : vector<1x128xf32> to vector<2000x128xf32>
    %add3A_35 = arith.addf %dot_general3A_30, %add3A_34 : vector<2000x128xf32>
    %slice3A = vector.extract_strided_slice %add3A_35 {offsets = [0, 0], sizes = [2000, 64], strides = [1, 1]} : vector<2000x128xf32> to vector<2000x64xf32>
    %swap3A = arith.constant 0 : index
    %swap3A_36 = arith.constant 0 : index
    %swap3A_37 = vector.load %arg9[%swap3A, %swap3A_36] : memref<2000x64xf32, #tpu.memory_space<vmem>>, vector<2000x64xf32>
    tpu.vector_store %arg9[%swap3A, %swap3A_36], %slice3A {strides = array<i32>} : memref<2000x64xf32, #tpu.memory_space<vmem>>, vector<2000x64xf32>,
    %slice3A_38 = vector.extract_strided_slice %add3A_35 {offsets = [0, 64], sizes = [2000, 64], strides = [1, 1]} : vector<2000x128xf32> to vector<2000x64xf32>
    %swap3A_39 = arith.constant 0 : index
    %swap3A_40 = arith.constant 0 : index
    %swap3A_41 = vector.load %arg10[%swap3A_39, %swap3A_40] : memref<2000x64xf32, #tpu.memory_space<vmem>>, vector<2000x64xf32>
    tpu.vector_store %arg10[%swap3A_39, %swap3A_40], %slice3A_38 {strides = array<i32>} : memref<2000x64xf32, #tpu.memory_space<vmem>>, vector<2000x64xf32>,
    return
  }
  func.func @transform_0(%arg0: i32) -> (i32, i32) {
    %c0_i32 = arith.constant 0 : i32
    %c0_i32_0 = arith.constant 0 : i32
    return %arg0, %c0_i32 : i32, i32
  }
  func.func @transform_1(%arg0: i32) -> (i32, i32) {
    %c0_i32 = arith.constant 0 : i32
    %c0_i32_0 = arith.constant 0 : i32
    return %arg0, %c0_i32 : i32, i32
  }
  func.func @transform_2(%arg0: i32) -> (i32, i32) {
    %c0_i32 = arith.constant 0 : i32
    %c0_i32_0 = arith.constant 0 : i32
    return %arg0, %c0_i32 : i32, i32
  }
  func.func @transform_3(%arg0: i32) -> (i32, i32) {
    %c0_i32 = arith.constant 0 : i32
    %c0_i32_0 = arith.constant 0 : i32
    %c0_i32_1 = arith.constant 0 : i32
    return %c0_i32, %c0_i32_0 : i32, i32
  }
  func.func @transform_4(%arg0: i32) -> (i32, i32) {
    %c0_i32 = arith.constant 0 : i32
    %c0_i32_0 = arith.constant 0 : i32
    %c0_i32_1 = arith.constant 0 : i32
    return %c0_i32, %c0_i32_0 : i32, i32
  }
  func.func @transform_5(%arg0: i32) -> (i32, i32) {
    %c0_i32 = arith.constant 0 : i32
    %c0_i32_0 = arith.constant 0 : i32
    %c0_i32_1 = arith.constant 0 : i32
    return %c0_i32, %c0_i32_0 : i32, i32
  }
  func.func @transform_6(%arg0: i32) -> (i32, i32) {
    %c0_i32 = arith.constant 0 : i32
    %c0_i32_0 = arith.constant 0 : i32
    %c0_i32_1 = arith.constant 0 : i32
    return %c0_i32, %c0_i32_0 : i32, i32
  }
  func.func @transform_7(%arg0: i32) -> (i32, i32) {
    %c0_i32 = arith.constant 0 : i32
    %c0_i32_0 = arith.constant 0 : i32
    %c0_i32_1 = arith.constant 0 : i32
    return %c0_i32, %c0_i32_0 : i32, i32
  }
  func.func @transform_8(%arg0: i32) -> (i32, i32) {
    %c0_i32 = arith.constant 0 : i32
    %c0_i32_0 = arith.constant 0 : i32
    return %arg0, %c0_i32 : i32, i32
  }
  func.func @transform_9(%arg0: i32) -> (i32, i32) {
    %c0_i32 = arith.constant 0 : i32
    %c0_i32_0 = arith.constant 0 : i32
    return %arg0, %c0_i32 : i32, i32
  }
}

module attributes {stable_mosaic.version = 14 : i64} {
  func.func @_nodeupd_kernel(%arg0: i32, %arg1: memref<1280x128xf32, #tpu.memory_space<vmem>>, %arg2: memref<1280x64xf32, #tpu.memory_space<vmem>>, %arg3: memref<1280x64xf32, #tpu.memory_space<vmem>>, %arg4: memref<256x128xf32, #tpu.memory_space<vmem>>, %arg5: memref<1x128xf32, #tpu.memory_space<vmem>>, %arg6: memref<1280x128xf32, #tpu.memory_space<vmem>>) attributes {dimension_semantics = [#tpu.dimension_semantics<arbitrary>], iteration_bounds = array<i64: 8>, scalar_prefetch = 0 : i64, scratch_operands = 0 : i64, tpu.core_type = #tpu.core_type<tc>, window_params = [{transform_indices = @transform_0, window_bounds = array<i64: 1280, 128>}, {transform_indices = @transform_1, window_bounds = array<i64: 1280, 64>}, {transform_indices = @transform_2, window_bounds = array<i64: 1280, 64>}, {pipeline_mode = #tpu.pipeline_mode<synchronous>, transform_indices = @transform_3, window_bounds = array<i64: 256, 128>}, {pipeline_mode = #tpu.pipeline_mode<synchronous>, transform_indices = @transform_4, window_bounds = array<i64: 1, 128>}, {transform_indices = @transform_5, window_bounds = array<i64: 1280, 128>}]} {
    %get3A = arith.constant 0 : index
    %get3A_0 = arith.constant 0 : index
    %get3A_1 = vector.load %arg1[%get3A, %get3A_0] : memref<1280x128xf32, #tpu.memory_space<vmem>>, vector<1280x128xf32>
    %get3A_2 = arith.constant 0 : index
    %get3A_3 = arith.constant 0 : index
    %get3A_4 = vector.load %arg2[%get3A_2, %get3A_3] : memref<1280x64xf32, #tpu.memory_space<vmem>>, vector<1280x64xf32>
    %get3A_5 = arith.constant 0 : index
    %get3A_6 = arith.constant 0 : index
    %get3A_7 = vector.load %arg3[%get3A_5, %get3A_6] : memref<1280x64xf32, #tpu.memory_space<vmem>>, vector<1280x64xf32>
    %concatenate3A = tpu.concatenate %get3A_1, %get3A_4, %get3A_7 in 1 : vector<1280x128xf32>, vector<1280x64xf32>, vector<1280x64xf32> -> vector<1280x256xf32>
    %convert_element_type3A = arith.truncf %concatenate3A : vector<1280x256xf32> to vector<1280x256xbf16>
    %get3A_8 = arith.constant 0 : index
    %get3A_9 = arith.constant 0 : index
    %get3A_10 = vector.load %arg4[%get3A_8, %get3A_9] : memref<256x128xf32, #tpu.memory_space<vmem>>, vector<256x128xf32>
    %dot_general3A = arith.constant dense<0.000000e+00> : vector<1280x128xf32>
    %dot_general3A_11 = tpu.matmul %convert_element_type3A, %get3A_10, %dot_general3A {dimension_numbers = #tpu.dot_dimension_numbers<[1], [0], [0], [1], [0, 0, 1, 1], [], []>, transpose_lhs_hint = false} : vector<1280x256xbf16>, vector<256x128xf32>, vector<1280x128xf32> -> vector<1280x128xf32>
    %get3A_12 = arith.constant 0 : index
    %get3A_13 = arith.constant 0 : index
    %get3A_14 = vector.load %arg5[%get3A_12, %get3A_13] : memref<1x128xf32, #tpu.memory_space<vmem>>, vector<1x128xf32>
    %add3A = vector.broadcast %get3A_14 : vector<1x128xf32> to vector<1280x128xf32>
    %add3A_15 = arith.addf %dot_general3A_11, %add3A : vector<1280x128xf32>
    %max3A = arith.constant 0.000000e+00 : f32
    %max3A_16 = vector.broadcast %max3A : f32 to vector<1280x128xf32>
    %max3A_17 = arith.maximumf %add3A_15, %max3A_16 : vector<1280x128xf32>
    %swap3A = arith.constant 0 : index
    %swap3A_18 = arith.constant 0 : index
    %swap3A_19 = vector.load %arg6[%swap3A, %swap3A_18] : memref<1280x128xf32, #tpu.memory_space<vmem>>, vector<1280x128xf32>
    tpu.vector_store %arg6[%swap3A, %swap3A_18], %max3A_17 {strides = array<i32>} : memref<1280x128xf32, #tpu.memory_space<vmem>>, vector<1280x128xf32>,
    return
  }
  func.func @transform_0(%arg0: i32) -> (i32, i32) {
    %c0_i32 = arith.constant 0 : i32
    %c0_i32_0 = arith.constant 0 : i32
    return %arg0, %c0_i32 : i32, i32
  }
  func.func @transform_1(%arg0: i32) -> (i32, i32) {
    %c0_i32 = arith.constant 0 : i32
    %c0_i32_0 = arith.constant 0 : i32
    return %arg0, %c0_i32 : i32, i32
  }
  func.func @transform_2(%arg0: i32) -> (i32, i32) {
    %add3A = arith.constant 8 : i32
    %add3A_0 = arith.addi %add3A, %arg0 : i32
    %c0_i32 = arith.constant 0 : i32
    %c0_i32_1 = arith.constant 0 : i32
    return %add3A_0, %c0_i32 : i32, i32
  }
  func.func @transform_3(%arg0: i32) -> (i32, i32) {
    %c0_i32 = arith.constant 0 : i32
    %c0_i32_0 = arith.constant 0 : i32
    %c0_i32_1 = arith.constant 0 : i32
    return %c0_i32, %c0_i32_0 : i32, i32
  }
  func.func @transform_4(%arg0: i32) -> (i32, i32) {
    %c0_i32 = arith.constant 0 : i32
    %c0_i32_0 = arith.constant 0 : i32
    %c0_i32_1 = arith.constant 0 : i32
    return %c0_i32, %c0_i32_0 : i32, i32
  }
  func.func @transform_5(%arg0: i32) -> (i32, i32) {
    %c0_i32 = arith.constant 0 : i32
    %c0_i32_0 = arith.constant 0 : i32
    return %arg0, %c0_i32 : i32, i32
  }
}

module attributes {stable_mosaic.version = 14 : i64} {
  func.func @_actor_mlp_kernel(%arg0: i32, %arg1: memref<2000x128xf32, #tpu.memory_space<vmem>>, %arg2: memref<2000x128xf32, #tpu.memory_space<vmem>>, %arg3: memref<2000x16xf32, #tpu.memory_space<vmem>>, %arg4: memref<256x128xf32, #tpu.memory_space<vmem>>, %arg5: memref<16x128xf32, #tpu.memory_space<vmem>>, %arg6: memref<1x128xf32, #tpu.memory_space<vmem>>, %arg7: memref<128x8xf32, #tpu.memory_space<vmem>>, %arg8: memref<1x8xf32, #tpu.memory_space<vmem>>, %arg9: memref<1000x2000xf32, #tpu.memory_space<vmem>>, %arg10: memref<1000x8xf32, #tpu.memory_space<vmem>>) attributes {dimension_semantics = [#tpu.dimension_semantics<arbitrary>], iteration_bounds = array<i64: 80>, scalar_prefetch = 0 : i64, scratch_operands = 0 : i64, tpu.core_type = #tpu.core_type<tc>, window_params = [{transform_indices = @transform_0, window_bounds = array<i64: 2000, 128>}, {transform_indices = @transform_1, window_bounds = array<i64: 2000, 128>}, {transform_indices = @transform_2, window_bounds = array<i64: 2000, 16>}, {pipeline_mode = #tpu.pipeline_mode<synchronous>, transform_indices = @transform_3, window_bounds = array<i64: 256, 128>}, {pipeline_mode = #tpu.pipeline_mode<synchronous>, transform_indices = @transform_4, window_bounds = array<i64: 16, 128>}, {pipeline_mode = #tpu.pipeline_mode<synchronous>, transform_indices = @transform_5, window_bounds = array<i64: 1, 128>}, {pipeline_mode = #tpu.pipeline_mode<synchronous>, transform_indices = @transform_6, window_bounds = array<i64: 128, 8>}, {pipeline_mode = #tpu.pipeline_mode<synchronous>, transform_indices = @transform_7, window_bounds = array<i64: 1, 8>}, {pipeline_mode = #tpu.pipeline_mode<synchronous>, transform_indices = @transform_8, window_bounds = array<i64: 1000, 2000>}, {transform_indices = @transform_9, window_bounds = array<i64: 1000, 8>}]} {
    %get3A = arith.constant 0 : index
    %get3A_0 = arith.constant 0 : index
    %get3A_1 = vector.load %arg1[%get3A, %get3A_0] : memref<2000x128xf32, #tpu.memory_space<vmem>>, vector<2000x128xf32>
    %get3A_2 = arith.constant 0 : index
    %get3A_3 = arith.constant 0 : index
    %get3A_4 = vector.load %arg2[%get3A_2, %get3A_3] : memref<2000x128xf32, #tpu.memory_space<vmem>>, vector<2000x128xf32>
    %concatenate3A = tpu.concatenate %get3A_1, %get3A_4 in 1 : vector<2000x128xf32>, vector<2000x128xf32> -> vector<2000x256xf32>
    %convert_element_type3A = arith.truncf %concatenate3A : vector<2000x256xf32> to vector<2000x256xbf16>
    %get3A_5 = arith.constant 0 : index
    %get3A_6 = arith.constant 0 : index
    %get3A_7 = vector.load %arg4[%get3A_5, %get3A_6] : memref<256x128xf32, #tpu.memory_space<vmem>>, vector<256x128xf32>
    %dot_general3A = arith.constant dense<0.000000e+00> : vector<2000x128xf32>
    %dot_general3A_8 = tpu.matmul %convert_element_type3A, %get3A_7, %dot_general3A {dimension_numbers = #tpu.dot_dimension_numbers<[1], [0], [0], [1], [0, 0, 1, 1], [], []>, transpose_lhs_hint = false} : vector<2000x256xbf16>, vector<256x128xf32>, vector<2000x128xf32> -> vector<2000x128xf32>
    %get3A_9 = arith.constant 0 : index
    %get3A_10 = arith.constant 0 : index
    %get3A_11 = vector.load %arg3[%get3A_9, %get3A_10] : memref<2000x16xf32, #tpu.memory_space<vmem>>, vector<2000x16xf32>
    %convert_element_type3A_12 = arith.truncf %get3A_11 : vector<2000x16xf32> to vector<2000x16xbf16>
    %get3A_13 = arith.constant 0 : index
    %get3A_14 = arith.constant 0 : index
    %get3A_15 = vector.load %arg5[%get3A_13, %get3A_14] : memref<16x128xf32, #tpu.memory_space<vmem>>, vector<16x128xf32>
    %dot_general3A_16 = arith.constant dense<0.000000e+00> : vector<2000x128xf32>
    %dot_general3A_17 = tpu.matmul %convert_element_type3A_12, %get3A_15, %dot_general3A_16 {dimension_numbers = #tpu.dot_dimension_numbers<[1], [0], [0], [1], [0, 0, 1, 1], [], []>, transpose_lhs_hint = false} : vector<2000x16xbf16>, vector<16x128xf32>, vector<2000x128xf32> -> vector<2000x128xf32>
    %add3A = arith.addf %dot_general3A_8, %dot_general3A_17 : vector<2000x128xf32>
    %get3A_18 = arith.constant 0 : index
    %get3A_19 = arith.constant 0 : index
    %get3A_20 = vector.load %arg6[%get3A_18, %get3A_19] : memref<1x128xf32, #tpu.memory_space<vmem>>, vector<1x128xf32>
    %add3A_21 = vector.broadcast %get3A_20 : vector<1x128xf32> to vector<2000x128xf32>
    %add3A_22 = arith.addf %add3A, %add3A_21 : vector<2000x128xf32>
    %max3A = arith.constant 0.000000e+00 : f32
    %max3A_23 = vector.broadcast %max3A : f32 to vector<2000x128xf32>
    %max3A_24 = arith.maximumf %add3A_22, %max3A_23 : vector<2000x128xf32>
    %convert_element_type3A_25 = arith.truncf %max3A_24 : vector<2000x128xf32> to vector<2000x128xbf16>
    %get3A_26 = arith.constant 0 : index
    %get3A_27 = arith.constant 0 : index
    %get3A_28 = vector.load %arg7[%get3A_26, %get3A_27] : memref<128x8xf32, #tpu.memory_space<vmem>>, vector<128x8xf32>
    %dot_general3A_29 = arith.constant dense<0.000000e+00> : vector<2000x8xf32>
    %dot_general3A_30 = tpu.matmul %convert_element_type3A_25, %get3A_28, %dot_general3A_29 {dimension_numbers = #tpu.dot_dimension_numbers<[1], [0], [0], [1], [0, 0, 1, 1], [], []>, transpose_lhs_hint = false} : vector<2000x128xbf16>, vector<128x8xf32>, vector<2000x8xf32> -> vector<2000x8xf32>
    %get3A_31 = arith.constant 0 : index
    %get3A_32 = arith.constant 0 : index
    %get3A_33 = vector.load %arg8[%get3A_31, %get3A_32] : memref<1x8xf32, #tpu.memory_space<vmem>>, vector<1x8xf32>
    %add3A_34 = vector.broadcast %get3A_33 : vector<1x8xf32> to vector<2000x8xf32>
    %add3A_35 = arith.addf %dot_general3A_30, %add3A_34 : vector<2000x8xf32>
    %get3A_36 = arith.constant 0 : index
    %get3A_37 = arith.constant 0 : index
    %get3A_38 = vector.load %arg9[%get3A_36, %get3A_37] : memref<1000x2000xf32, #tpu.memory_space<vmem>>, vector<1000x2000xf32>
    %dot_general3A_39 = arith.constant dense<0.000000e+00> : vector<1000x8xf32>
    %dot_general3A_40 = tpu.matmul %get3A_38, %add3A_35, %dot_general3A_39 {dimension_numbers = #tpu.dot_dimension_numbers<[1], [0], [0], [1], [0, 0, 1, 1], [], []>, precision = #tpu.contract_precision<fp32>, transpose_lhs_hint = false} : vector<1000x2000xf32>, vector<2000x8xf32>, vector<1000x8xf32> -> vector<1000x8xf32>
    %mul3A = arith.constant 5.000000e-01 : f32
    %mul3A_41 = vector.broadcast %mul3A : f32 to vector<1000x8xf32>
    %mul3A_42 = arith.mulf %mul3A_41, %dot_general3A_40 : vector<1000x8xf32>
    %slice3A = vector.extract_strided_slice %mul3A_42 {offsets = [0, 0], sizes = [1000, 1], strides = [1, 1]} : vector<1000x8xf32> to vector<1000x1xf32>
    %slice3A_43 = vector.extract_strided_slice %mul3A_42 {offsets = [0, 1], sizes = [1000, 1], strides = [1, 1]} : vector<1000x8xf32> to vector<1000x1xf32>
    %jit3A = arith.constant -2.000000e+01 : f32
    %jit3A_44 = arith.constant 2.000000e+00 : f32
    %max3A_45 = vector.broadcast %jit3A : f32 to vector<1000x1xf32>
    %max3A_46 = arith.maximumf %max3A_45, %slice3A_43 : vector<1000x1xf32>
    %min3A = vector.broadcast %jit3A_44 : f32 to vector<1000x1xf32>
    %min3A_47 = arith.minimumf %min3A, %max3A_46 : vector<1000x1xf32>
    %exp3A = math.exp %min3A_47 : vector<1000x1xf32>
    %slice3A_48 = vector.extract_strided_slice %mul3A_42 {offsets = [0, 2], sizes = [1000, 6], strides = [1, 1]} : vector<1000x8xf32> to vector<1000x6xf32>
    %concatenate3A_49 = tpu.concatenate %slice3A, %exp3A, %slice3A_48 in 1 : vector<1000x1xf32>, vector<1000x1xf32>, vector<1000x6xf32> -> vector<1000x8xf32>
    %swap3A = arith.constant 0 : index
    %swap3A_50 = arith.constant 0 : index
    %swap3A_51 = vector.load %arg10[%swap3A, %swap3A_50] : memref<1000x8xf32, #tpu.memory_space<vmem>>, vector<1000x8xf32>
    tpu.vector_store %arg10[%swap3A, %swap3A_50], %concatenate3A_49 {strides = array<i32>} : memref<1000x8xf32, #tpu.memory_space<vmem>>, vector<1000x8xf32>,
    return
  }
  func.func @transform_0(%arg0: i32) -> (i32, i32) {
    %c0_i32 = arith.constant 0 : i32
    %c0_i32_0 = arith.constant 0 : i32
    return %arg0, %c0_i32 : i32, i32
  }
  func.func @transform_1(%arg0: i32) -> (i32, i32) {
    %c0_i32 = arith.constant 0 : i32
    %c0_i32_0 = arith.constant 0 : i32
    return %arg0, %c0_i32 : i32, i32
  }
  func.func @transform_2(%arg0: i32) -> (i32, i32) {
    %c0_i32 = arith.constant 0 : i32
    %c0_i32_0 = arith.constant 0 : i32
    return %arg0, %c0_i32 : i32, i32
  }
  func.func @transform_3(%arg0: i32) -> (i32, i32) {
    %c0_i32 = arith.constant 0 : i32
    %c0_i32_0 = arith.constant 0 : i32
    %c0_i32_1 = arith.constant 0 : i32
    return %c0_i32, %c0_i32_0 : i32, i32
  }
  func.func @transform_4(%arg0: i32) -> (i32, i32) {
    %c0_i32 = arith.constant 0 : i32
    %c0_i32_0 = arith.constant 0 : i32
    %c0_i32_1 = arith.constant 0 : i32
    return %c0_i32, %c0_i32_0 : i32, i32
  }
  func.func @transform_5(%arg0: i32) -> (i32, i32) {
    %c0_i32 = arith.constant 0 : i32
    %c0_i32_0 = arith.constant 0 : i32
    %c0_i32_1 = arith.constant 0 : i32
    return %c0_i32, %c0_i32_0 : i32, i32
  }
  func.func @transform_6(%arg0: i32) -> (i32, i32) {
    %c0_i32 = arith.constant 0 : i32
    %c0_i32_0 = arith.constant 0 : i32
    %c0_i32_1 = arith.constant 0 : i32
    return %c0_i32, %c0_i32_0 : i32, i32
  }
  func.func @transform_7(%arg0: i32) -> (i32, i32) {
    %c0_i32 = arith.constant 0 : i32
    %c0_i32_0 = arith.constant 0 : i32
    %c0_i32_1 = arith.constant 0 : i32
    return %c0_i32, %c0_i32_0 : i32, i32
  }
  func.func @transform_8(%arg0: i32) -> (i32, i32) {
    %c0_i32 = arith.constant 0 : i32
    %c0_i32_0 = arith.constant 0 : i32
    %c0_i32_1 = arith.constant 0 : i32
    return %c0_i32, %c0_i32_0 : i32, i32
  }
  func.func @transform_9(%arg0: i32) -> (i32, i32) {
    %c0_i32 = arith.constant 0 : i32
    %c0_i32_0 = arith.constant 0 : i32
    return %arg0, %c0_i32 : i32, i32
  }
}

</mosaic_0001>

<sc_bundles>
// kernel: kernel.12.cloned.1.call-start
scs
__scs_entry_jumppad:
0x0: {  	(pc) =	sbr.rel $0x88, $3  }
0x1: {  	(tag) =	ssettag $0x0;
	lr =	simm.s32 $0x1  }
0x2: {  	[smem:$0x3F8D] =	sst lr;
	_ =	strace $0xD0000000  }
0x3: {  	_ = 	snop  }
0x4: {  	_ = 	snop  }
0x5: {  	_ = 	snop  }
0x6: {  	_ = 	snop  }
0x7: {  	_ = 	snop  }
__scs_overlays_trampoline_lowered:
0x8: {  	[smem:$0x3F9C] =	sst s0  }
0x9: {  	[smem:$0x3F9D] =	sst s1  }
0xa: {  	[smem:$0x3F9E] =	sst s2  }
0xb: {  	[smem:$0x3F9F] =	sst s3  }
0xc: {  	[smem:$0x3FA0] =	sst s4  }
0xd: {  	[smem:$0x3FA1] =	sst s5  }
0xe: {  	[smem:$0x3FA2] =	sst s6  }
0xf: {  	[smem:$0x3FA3] =	sst s7  }
0x10: {  	[smem:$0x3FA4] =	sst s8  }
0x11: {  	[smem:$0x3FA5] =	sst s9;
	s0 =	simm.s32 @!p0 $0x0  }
0x12: {  	s1 =	sld [smem:$0x3F8B];
	s0 =	simm.s32 @p0 $0x1  }
0x13: {  	[smem:$0x3FA6] =	sst s0;
	s0 =	simm.s32 @!p1 $0x0  }
0x14: {  	s2 =	sld [smem:$0x3F8A];
	s0 =	simm.s32 @p1 $0x1  }
0x15: {  	[smem:$0x3FA7] =	sst s0;
	s0 =	simm.s32 @!p2 $0x0  }
0x16: {  	s3 =	sld [smem:$0x3FDB];
	s0 =	simm.s32 @p2 $0x1  }
0x17: {  	s4 =	simm.s32 $0x1BF5;
	[smem:$0x3FA9] =	sst s0  }
0x18: {  	s0 =	sld [smem:$0x3F8C];
	_ =	swait.ge [sflag:s4], $0x0  }
0x19: {  	s7 =	sld [smem:$0x3F8D]  }
0x1a: {  	s8 =	sadd.s32 $0xFFFFE003, lr  }
0x1b: {  	s9 =	sadd.s32 $0xFFFFFEF7, lr;
	s5 =	simm.s32 $0xFFFFFFFF;
	p2 =	slt.u32 s8, $0xFFFFF086  }
0x1c: {  	p1 =	slt.u32 s9, $0xF7A;
	s5 =	simm.s32 @!p2 $0x0  }
0x1d: {  	s5 =	simm.s32 @p1 $0x1;
	p0 =	seq.s32 s7, s2  }
0x1e: {  	s7 =	smul.u32 @!p0 $0xF7A, s2;
	p2 =	seq.s32 @!p0 s5, $0x0  }
0x1f: {  	s9 =	smul.u32 $0xF7A, s1;
	s8 =	simm.s32 @!p0 $0x1BF5;
	p2 =	por !p2, p0  }
0x20: {  	[sflag:s8] =	ssyncset.s32 @!p0 $0xFFFFF086;
	s6 =	sadd.s32 @!p0 s3, s7;
	s7 =	simm.s32 @!p0 $0x108  }
0x21: {  	s3 =	sadd.s32 s3, s9;
	s6 =	sadd.s32 @!p0 $0x88, s6;
	s7 =	simm.s32 @p2 $0x1082  }
0x22: {  	[simem:s7], [sflag:s8] =	dma.local @!p0 [hbm:s6], $0xF7A  }
0x23: {  	s9 =	sor.u32 $0xD0000000, s2;
	s6 =	simm.s32 $0x108;
	_ =	swait.ge @!p0 [sflag:s8], $0x0  }
0x24: {  	s3 =	sadd.s32 $0x88, s3;
	s6 =	simm.s32 @!p1 $0x1082;
	[sflag:s4] =	ssyncset.s32 $0xFFFFF086  }
0x25: {  	[simem:s6], [sflag:s4] =	dma.local [hbm:s3], $0xF7A  }
0x26: {  	[smem:$0x3F8D] =	sst s1;
	(tag) =	ssettag s2;
	_ =	strace s9  }
0x27: {  	s1 =	sld [smem:$0x3F9D]  }
0x28: {  	s2 =	sld [smem:$0x3F9E]  }
0x29: {  	s4 =	sld [smem:$0x3FA0]  }
0x2a: {  	p0 =	seq.s32 s5, $0x0;
	s5 =	sld [smem:$0x3FA1]  }
0x2b: {  	s6 =	sld [smem:$0x3FA2]  }
0x2c: {  	s7 =	sld [smem:$0x3FA3]  }
0x2d: {  	s3 =	simm.s32 $0x108;
	s8 =	sld [smem:$0x3FA4]  }
0x2e: {  	s3 =	simm.s32 @!p0 $0x1082;
	s9 =	sld [smem:$0x3FA5]  }
0x2f: {  	lr =	sadd.s32 s0, s3;
	s0 =	sld [smem:$0x3F9C]  }
0x30: {  	s3 =	sld [smem:$0x3F9F]  }
0x31: {  	[smem:$0x3FA8] =	sst s10  }
0x32: {  	s10 =	sld [smem:$0x3FA6];
	_ =	sdelay $0x3  }
0x33: {  	p0 =	seq.s32 s10, $0x1;
	s10 =	sld [smem:$0x3FA8];
	_ =	sdelay $0x3  }
0x34: {  	[smem:$0x3FA8] =	sst s10  }
0x35: {  	s10 =	sld [smem:$0x3FA7];
	_ =	sdelay $0x3  }
0x36: {  	p1 =	seq.s32 s10, $0x1;
	s10 =	sld [smem:$0x3FA8];
	_ =	sdelay $0x3  }
0x37: {  	[smem:$0x3FA8] =	sst s10  }
0x38: {  	s10 =	sld [smem:$0x3FA9]  }
0x39: {  	_ = 	snop;
	(pc) =	sbr.ind lr, $3  }
0x3a: {  	_ = 	snop  }
0x3b: {  	_ = 	snop  }
0x3c: {  	p2 =	seq.s32 s10, $0x1;
	s10 =	sld [smem:$0x3FA8]  }
0x3d: {  	_ =	shalt  }
0x3e: {  	_ =	shalt  }
0x3f: {  	_ =	shalt  }
0x40: {  	_ =	shalt  }
0x41: {  	_ =	shalt  }
0x42: {  	_ =	shalt  }
0x43: {  	_ =	shalt  }
0x44: {  	_ =	shalt  }
0x45: {  	_ =	shalt  }
0x46: {  	_ =	shalt  }
0x47: {  	_ =	shalt  }
0x48: {  	_ =	shalt  }
0x49: {  	_ =	shalt  }
0x4a: {  	_ =	shalt  }
0x4b: {  	_ =	shalt  }
0x4c: {  	_ =	shalt  }
0x4d: {  	_ =	shalt  }
0x4e: {  	_ =	shalt  }
0x4f: {  	_ =	shalt  }
0x50: {  	_ =	shalt  }
0x51: {  	_ =	shalt  }
0x52: {  	_ =	shalt  }
0x53: {  	_ =	shalt  }
0x54: {  	_ =	shalt  }
0x55: {  	_ =	shalt  }
0x56: {  	_ =	shalt  }
0x57: {  	_ =	shalt  }
0x58: {  	_ =	shalt  }
0x59: {  	_ =	shalt  }
0x5a: {  	_ =	shalt  }
0x5b: {  	_ =	shalt  }
0x5c: {  	_ =	shalt  }
0x5d: {  	_ =	shalt  }
0x5e: {  	_ =	shalt  }
0x5f: {  	_ =	shalt  }
0x60: {  	_ =	shalt  }
0x61: {  	_ =	shalt  }
0x62: {  	_ =	shalt  }
0x63: {  	_ =	shalt  }
0x64: {  	_ =	shalt  }
0x65: {  	_ =	shalt  }
0x66: {  	_ =	shalt  }
0x67: {  	_ =	shalt  }
0x68: {  	_ =	shalt  }
0x69: {  	_ =	shalt  }
0x6a: {  	_ =	shalt  }
0x6b: {  	_ =	shalt  }
0x6c: {  	_ =	shalt  }
0x6d: {  	_ =	shalt  }
0x6e: {  	_ =	shalt  }
0x6f: {  	_ =	shalt  }
0x70: {  	_ =	shalt  }
0x71: {  	_ =	shalt  }
0x72: {  	_ =	shalt  }
0x73: {  	_ =	shalt  }
0x74: {  	_ =	shalt  }
0x75: {  	_ =	shalt  }
0x76: {  	_ =	shalt  }
0x77: {  	_ =	shalt  }
0x78: {  	_ =	shalt  }
0x79: {  	_ =	shalt  }
0x7a: {  	_ =	shalt  }
0x7b: {  	_ =	shalt  }
0x7c: {  	_ =	shalt  }
0x7d: {  	_ =	shalt  }
0x7e: {  	_ =	shalt  }
0x7f: {  	_ =	shalt  }
0x80: {  	_ =	shalt  }
0x81: {  	_ =	shalt  }
0x82: {  	_ =	shalt  }
0x83: {  	_ =	shalt  }
0x84: {  	_ =	shalt  }
0x85: {  	_ =	shalt  }
0x86: {  	_ =	shalt  }
0x87: {  	_ =	shalt  }
.Lfunc_end0:
.L_simem_size_0:
called_computation_lowered:
.L_overlay_start_0:
0x88: {  	s2 =	sld [smem:$0x3FD9]  }
0x89: {  	s3 =	sld [smem:$0x3FFE];
	_ =	sdelay $0x1  }
0x8a: {  	s1 =	srdreg.scid  }
0x8b: {  	s0 =	sand.u32 $0x1, s1  }
0x8c: {  	s16 =	sshll.u32 s0, $0xA;
	s2 =	sadd.s32 s3, s2  }
0x8d: {  	s2 =	sadd.s32 s2, s16  }
0x8e: {  	[smem:$0x3FB4] =	sst s2  }
0x8f: {  	_ = 	snop  }
0x90: {  	(tm) =	ssettm $0x1  }
0x91: {  	s17 =	sld [smem:$0x3FFB];
	_ =	sdelay $0x3  }
0x92: {  	_ =	strace s17  }
0x93: {  	s2 =	sld [smem:$0x3FFC];
	_ =	sdelay $0x3  }
0x94: {  	_ =	strace s2  }
0x95: {  	s2 =	sld [smem:$0x3FFD];
	_ =	sdelay $0x3  }
0x96: {  	_ =	strace s2  }
0x97: {  	_ =	strace $0x8FFFFFFF  }
0x98: {  	s18 =	sld [smem:$0x3FDB];
	_ =	sdelay $0x1  }
0x99: {  	s19 =	simm.s32 $_scs_section_size  }
0x9a: {  	s4 =	simm.s32 $_size__tile_overlayer_lowered;
	s5 =	simm.s32 $_tile_overlayer_lowered  }
0x9b: {  	s22 =	simm.s32 $0x1BFF;
	s21 =	sshll.u32 s5, $0x1;
	s2 =	sadd.s32 s19, s18  }
0x9c: {  	s6 =	simm.s32 $0x0;
	s20 =	sshll.u32 s4, $0x1;
	s4 =	sadd.s32 s21, s2  }
0x9d: {  	[timem:s6], [sflag:s22] =	dma.local [hbm:s4], s20  }
0x9e: {  	_ =	swait.ge [sflag:s22], s20  }
0x9f: {  	s3 =	ssub.s32 $0x0, s20;
	[sflag:s22] =	ssyncset.done $0x0  }
0xa0: {  	[sflag:s22] =	ssyncadd.s32 s3;
	_ =	sdelay $0x1  }
0xa1: {  	s23 =	simm.s32 $0x1B8B  }
0xa2: {  	_ =	swait.ge [sflag:s23], $0x1  }
0xa3: {  	[sflag:s23] =	ssyncset.done $0x0  }
0xa4: {  	s25 =	simm.s32 $0x1B8E;
	s24 =	sld [smem:$0x3FFE];
	[sflag:s23] =	ssyncadd.s32 $0xFFFFFFFF  }
0xa5: {  	s26 =	simm.s32 $execute0_lowered;
	[smem:$0x3FD2] =	sst s25  }
0xa6: {  	s4 =	sshll.u32 s26, $0x1;
	_ =	strace $0x80000046;
	[dreg:$0x1] =	wrdreg $0xFFFFFFFF  }
0xa7: {  	s28 =	simm.s32 $_size_execute0_lowered;
	s2 =	sadd.s32 s2, s4;
	[dreg:$0x0] =	wrdreg $0x0  }
0xa8: {  	s4 =	sshll.u32 s28, $0x1;
	[dreg:$0x2] =	wrdreg s2  }
0xa9: {  	[dreg:$0x3] =	wrdreg s4  }
0xaa: {  	[dreg:$0x4] =	wrdreg $0xC0  }
0xab: {  	_ =	task [dreg:s6], $0x5FFFF  }
0xac: {  	[dreg:$0x1] =	wrdreg $0xFFFFFFFF  }
0xad: {  	[dreg:$0x0] =	wrdreg $0x60  }
0xae: {  	[dreg:$0x2] =	wrdreg s24  }
0xaf: {  	[dreg:$0x3] =	wrdreg $0x9  }
0xb0: {  	_ =	task.clear_ibuf [dreg:s6], $0x4FFFF;
	_ =	strace $0x90000046  }
0xb1: {  	s29 =	simm.s32 $0x9;
	_ =	strace $0x80000048  }
0xb2: {  	_ =	swait.ge [sflag:s29], $0x1  }
0xb3: {  	[sflag:s29] =	ssyncadd.s32 $0xFFFFFFFF  }
0xb4: {  	_ =	strace $0x90000048  }
0xb5: {  	_ =	sfence  }
0xb6: {  	s30 =	sld [smem:$0x0];
	_ =	sdelay $0x2  }
0xb7: {  	s31 =	sshll.u32 s1, $0xD;
	s1 =	sshrl.u32 s1, $0x2  }
0xb8: {  	s3 =	sand.u32 $0x4000, s31;
	s1 =	sadd.s32 s1, s30  }
0xb9: {  	s0 =	sor.u32 s3, s0;
	s1 =	sshll.u32 s1, $0x11  }
0xba: {  	s0 =	sor.u32 s1, s0  }
0xbb: {  	s0 =	sadd.s32 $0x8F2B, s0  }
0xbc: {  	[sflag:s0] =	ssyncadd.remote.s32 $0x1  }
0xbd: {  	_ =	sfence.sel $0xFFFF  }
0xbe: {  	[dreg:$0x0] =	wrdreg $0xFFFFFFFF;
	(pc) =	sbr.abs _section_cstart, $3  }
0xbf: {  	[dreg:$0x1] =	wrdreg $0xFFFFFFFF  }
0xc0: {  	_ =	task.clear_ibuf [dreg:s6], $0x2FFFF;
	_ =	strace $0x9FFFFFFF  }
0xc1: {  	(tm) =	ssettm $0x7FFFFFFF  }
tec
execute0_lowered:
.L_overlay_start_1:
0x0: {  	(tag) =	ssettag $0x1  }
0x1: {  	s3 =	rddreg [dreg:$0x0]  }
0x2: {  	s0 =	rddreg [dreg:$0x1];
	s1 =	simm.s32 $0x0;
	s5 =	srdreg.scid  }
0x3: {  	s30 =	simm.s32 $0x2B20;
	s9 =	simm.s32 $0x1E0;
	s10 =	simm.s32 $0xF320  }
0x4: {  	s31 =	simm.s32 $0xA0;
	s11 =	simm.s32 $0x230;
	s12 =	simm.s32 $0x11B20  }
0x5: {  	s13 =	simm.s32 $0xF0;
	s14 =	simm.s32 $0x7B20;
	s15 =	simm.s32 $0x280  }
0x6: {  	s16 =	simm.s32 $0x14320;
	s17 =	simm.s32 $0x140;
	s18 =	simm.s32 $0xA320  }
0x7: {  	s19 =	simm.s32 $0x2D0;
	s20 =	simm.s32 $0x16B20;
	s21 =	simm.s32 $0x1  }
0x8: {  	s22 =	simm.s32 $0x2;
	[smem:$0x7FF] =	sst s1;
	s2 =	sadd.s32 $0xEA00, s3  }
0x9: {  	s4 =	sadd.s32 $0x4C00, s3;
	_ =	strace $0x80000047;
	[dreg:$0x2] =	wrdreg s2  }
0xa: {  	s23 =	simm.s32 $0x0;
	s6 =	sadd.s32 $0x40800, s3;
	[dreg:$0x3] =	wrdreg s4  }
0xb: {  	s25 =	sand.u32 $0x1, s5;
	s28 =	sadd.s32 $0x522800, s3;
	[dreg:$0x4] =	wrdreg s6  }
0xc: {  	s3 =	sadd.s32 $0x18800, s3;
	s2 =	stileid.u32;
	[dreg:$0x5] =	wrdreg s28  }
0xd: {  	s7 =	ssub.s32 $0x2, s25;
	s4 =	smul.u32 $0x2710, s25;
	[dreg:$0x7] =	wrdreg s30  }
0xe: {  	s6 =	simm.s32 $0x190;
	[dreg:$0x8] =	wrdreg s9;
	s9 =	simm.s32 $0xCB20  }
0xf: {  	[dreg:$0x9] =	wrdreg s10;
	s26 =	smul.u32 $0x4E20, s2;
	s8 =	sshrl.u32 s7, $0x1  }
0x10: {  	[dreg:$0xa] =	wrdreg s31;
	s10 =	simm.s32 $0x5320;
	s29 =	ssub.s32 s7, s8  }
0x11: {  	s7 =	simm.s32 $0x50;
	s8 =	simm.s32 $0x320;
	s5 =	sadd.s32 s4, s26  }
0x12: {  	s4 =	smax.u32 s29, $0x1;
	[dreg:$0x6] =	wrdreg s5;
	s5 =	simm.s32 $0x3  }
.LBB2_1:
0x13: {  	s24 =	rddreg [dreg:$0x6]  }
0x14: {  	s24 =	sadd.s32 $0x0, s24  }
0x15: {  	s25 =	smulhi.u32 $0xCCCCCCCD, s24;
	_ =	sdelay $0x1  }
0x16: {  	s25 =	sshrl.u32 s25, $0x6  }
0x17: {  	s25 =	smul.u32 $0x50, s25;
	_ =	sdelay $0x1  }
0x18: {  	s26 =	rddreg [dreg:$0x2];
	s25 =	sshrl.u32 s25, $0x3  }
0x19: {  	s26 =	sadd.s32 s26, s25  }
0x1a: {  	[tilespmem:s1], [sflag:$0x3] =	stream.linear.gather [hbm4b:s26+s1], $0x190, $0x38;
	[tilespmem:$0x19320] =	vst v63  }
0x1b: {  	_ =	swait.ge [sflag:s5], $0x190  }
0x1c: {  	s29 =	rddreg [dreg:$0x3];
	[sflag:s5] =	ssyncset.done $0x0  }
0x1d: {  	[sflag:s5] =	ssyncadd.s32 $0xFFFFFE70;
	s25 =	sadd.s32 s29, s25  }
0x1e: {  	[tilespmem:s6], [sflag:$0x3] =	stream.linear.gather [hbm4b:s25+s1], $0x190, $0x38;
	[tilespmem:$0x19320] =	vst v63  }
0x1f: {  	_ =	swait.ge [sflag:s5], $0x190  }
0x20: {  	[sflag:s5] =	ssyncset.done $0x0  }
0x21: {  	[sflag:s5] =	ssyncadd.s32 $0xFFFFFE70  }
0x22: {  	[tilespmem:s8], [sflag:$0x1] =	stream.indirect.gather [hbm4b:s3+s7], $0x80, s1, s7, $0xb8;
	[tilespmem:$0x19320] =	vst v63  }
0x23: {  	s30 =	rddreg [dreg:$0x9]  }
0x24: {  	[tilespmem:s9], [sflag:$0x2] =	stream.indirect.gather [hbm4b:s3+s7], $0x80, s6, s7, $0xb8;
	[tilespmem:$0x19320] =	vst v63  }
0x25: {  	s31 =	rddreg [dreg:$0x7]  }
0x26: {  	[tilespmem:s31], [sflag:$0x1] =	stream.indirect.gather [hbm4b:s3+s7], $0x80, s7, s7, $0xb8;
	[tilespmem:$0x19320] =	vst v63  }
0x27: {  	s28 =	rddreg [dreg:$0x8]  }
0x28: {  	[tilespmem:s30], [sflag:$0x2] =	stream.indirect.gather [hbm4b:s3+s7], $0x80, s28, s7, $0xb8;
	[tilespmem:$0x19320] =	vst v63  }
0x29: {  	s29 =	rddreg [dreg:$0xa]  }
0x2a: {  	[tilespmem:s10], [sflag:$0x1] =	stream.indirect.gather [hbm4b:s3+s7], $0x80, s29, s7, $0xb8;
	[tilespmem:$0x19320] =	vst v63  }
0x2b: {  	_ = 	snop  }
0x2c: {  	[tilespmem:s12], [sflag:$0x2] =	stream.indirect.gather [hbm4b:s3+s7], $0x80, s11, s7, $0xb8;
	[tilespmem:$0x19320] =	vst v63  }
0x2d: {  	_ = 	snop  }
0x2e: {  	[tilespmem:s14], [sflag:$0x1] =	stream.indirect.gather [hbm4b:s3+s7], $0x80, s13, s7, $0xb8;
	[tilespmem:$0x19320] =	vst v63  }
0x2f: {  	_ = 	snop  }
0x30: {  	[tilespmem:s16], [sflag:$0x2] =	stream.indirect.gather [hbm4b:s3+s7], $0x80, s15, s7, $0xb8;
	[tilespmem:$0x19320] =	vst v63  }
0x31: {  	_ = 	snop  }
0x32: {  	[tilespmem:s18], [sflag:$0x1] =	stream.indirect.gather [hbm4b:s3+s7], $0x80, s17, s7, $0xb8;
	[tilespmem:$0x19320] =	vst v63  }
0x33: {  	_ = 	snop  }
0x34: {  	[tilespmem:s20], [sflag:$0x2] =	stream.indirect.gather [hbm4b:s3+s7], $0x80, s19, s7, $0xb8;
	[tilespmem:$0x19320] =	vst v63  }
0x35: {  	_ =	swait.ge [sflag:s21], $0x2800  }
0x36: {  	[sflag:s21] =	ssyncset.done $0x0  }
0x37: {  	[sflag:s21] =	ssyncadd.s32 $0xFFFFD800  }
0x38: {  	_ =	swait.ge [sflag:s22], $0x2800  }
0x39: {  	[sflag:s22] =	ssyncset.done $0x0  }
0x3a: {  	[sflag:s22] =	ssyncadd.s32 $0xFFFFD800  }
0x3b: {  	_ =	swait.ge [sflag:s21], $0x2800  }
0x3c: {  	[sflag:s21] =	ssyncset.done $0x0  }
0x3d: {  	[sflag:s21] =	ssyncadd.s32 $0xFFFFD800  }
0x3e: {  	_ =	swait.ge [sflag:s22], $0x2800  }
0x3f: {  	[sflag:s22] =	ssyncset.done $0x0  }
0x40: {  	[sflag:s22] =	ssyncadd.s32 $0xFFFFD800  }
0x41: {  	_ =	swait.ge [sflag:s21], $0x2800  }
0x42: {  	[sflag:s21] =	ssyncset.done $0x0  }
0x43: {  	[sflag:s21] =	ssyncadd.s32 $0xFFFFD800  }
0x44: {  	_ =	swait.ge [sflag:s22], $0x2800  }
0x45: {  	[sflag:s22] =	ssyncset.done $0x0  }
0x46: {  	[sflag:s22] =	ssyncadd.s32 $0xFFFFD800  }
0x47: {  	_ =	swait.ge [sflag:s21], $0x2800  }
0x48: {  	[sflag:s21] =	ssyncset.done $0x0  }
0x49: {  	[sflag:s21] =	ssyncadd.s32 $0xFFFFD800  }
0x4a: {  	_ =	swait.ge [sflag:s22], $0x2800  }
0x4b: {  	[sflag:s22] =	ssyncset.done $0x0  }
0x4c: {  	[sflag:s22] =	ssyncadd.s32 $0xFFFFD800  }
0x4d: {  	_ =	swait.ge [sflag:s21], $0x2800  }
0x4e: {  	[sflag:s21] =	ssyncset.done $0x0  }
0x4f: {  	[sflag:s21] =	ssyncadd.s32 $0xFFFFD800  }
0x50: {  	s24 =	sshll.u32 s24, $0x4;
	_ =	swait.ge [sflag:s22], $0x2800  }
0x51: {  	s24 =	sand.u32 $0x1FFFFF00, s24;
	s30 =	rddreg [dreg:$0x4];
	[sflag:s22] =	ssyncset.done $0x0  }
0x52: {  	[sflag:s22] =	ssyncadd.s32 $0xFFFFD800;
	s25 =	sadd.s32 s30, s24  }
0x53: {  	[hbm4b:s25+s1] =	stream.linear.scatter [tilespmem:s8], [sflag:$0x3], $0xC800, $0x38;
	[tilespmem:$0x19320] =	vst v63  }
0x54: {  	_ =	swait.ge [sflag:s5], $0xC800  }
0x55: {  	s31 =	rddreg [dreg:$0x5];
	[sflag:s5] =	ssyncset.done $0x0  }
0x56: {  	[sflag:s5] =	ssyncadd.s32 $0xFFFF3800;
	s24 =	sadd.s32 s31, s24  }
0x57: {  	[hbm4b:s24+s1] =	stream.linear.scatter [tilespmem:s9], [sflag:$0x3], $0xC800, $0x38;
	[tilespmem:$0x19320] =	vst v63  }
0x58: {  	s25 =	simm.s32 $0x320;
	_ =	swait.ge [sflag:s5], $0xC800  }
0x59: {  	s24 =	simm.s32 $0x190;
	s26 =	rddreg [dreg:$0x6];
	[sflag:s5] =	ssyncset.done $0x0  }
.LBB2_2:
0x5a: {  	s26 =	sadd.s32 s24, s26  }
0x5b: {  	s29 =	smulhi.u32 $0xCCCCCCCD, s26  }
0x5c: {  	s28 =	smov.u32 s25  }
0x5d: {  	s24 =	smov.u32 s28;
	s28 =	sshrl.u32 s29, $0x6  }
0x5e: {  	s28 =	smul.u32 $0x50, s28;
	_ =	sdelay $0x1  }
0x5f: {  	s29 =	rddreg [dreg:$0x2];
	s28 =	sshrl.u32 s28, $0x3  }
0x60: {  	[sflag:s5] =	ssyncadd.s32 $0xFFFF3800;
	s29 =	sadd.s32 s29, s28  }
0x61: {  	[tilespmem:s1], [sflag:$0x3] =	stream.linear.gather [hbm4b:s29+s1], $0x190, $0x38;
	[tilespmem:$0x19320] =	vst v63  }
0x62: {  	_ =	swait.ge [sflag:s5], $0x190  }
0x63: {  	s30 =	rddreg [dreg:$0x3];
	[sflag:s5] =	ssyncset.done $0x0  }
0x64: {  	[sflag:s5] =	ssyncadd.s32 $0xFFFFFE70;
	s28 =	sadd.s32 s30, s28  }
0x65: {  	[tilespmem:s6], [sflag:$0x3] =	stream.linear.gather [hbm4b:s28+s1], $0x190, $0x38;
	[tilespmem:$0x19320] =	vst v63  }
0x66: {  	_ =	swait.ge [sflag:s5], $0x190  }
0x67: {  	[sflag:s5] =	ssyncset.done $0x0  }
0x68: {  	[sflag:s5] =	ssyncadd.s32 $0xFFFFFE70  }
0x69: {  	[tilespmem:s8], [sflag:$0x1] =	stream.indirect.gather [hbm4b:s3+s7], $0x80, s1, s7, $0xb8;
	[tilespmem:$0x19320] =	vst v63  }
0x6a: {  	s28 =	rddreg [dreg:$0x9]  }
0x6b: {  	[tilespmem:s9], [sflag:$0x2] =	stream.indirect.gather [hbm4b:s3+s7], $0x80, s6, s7, $0xb8;
	[tilespmem:$0x19320] =	vst v63  }
0x6c: {  	s31 =	rddreg [dreg:$0x7]  }
0x6d: {  	[tilespmem:s31], [sflag:$0x1] =	stream.indirect.gather [hbm4b:s3+s7], $0x80, s7, s7, $0xb8;
	[tilespmem:$0x19320] =	vst v63  }
0x6e: {  	s30 =	rddreg [dreg:$0x8]  }
0x6f: {  	[tilespmem:s28], [sflag:$0x2] =	stream.indirect.gather [hbm4b:s3+s7], $0x80, s30, s7, $0xb8;
	[tilespmem:$0x19320] =	vst v63  }
0x70: {  	s31 =	rddreg [dreg:$0xa]  }
0x71: {  	[tilespmem:s10], [sflag:$0x1] =	stream.indirect.gather [hbm4b:s3+s7], $0x80, s31, s7, $0xb8;
	[tilespmem:$0x19320] =	vst v63  }
0x72: {  	_ = 	snop  }
0x73: {  	[tilespmem:s12], [sflag:$0x2] =	stream.indirect.gather [hbm4b:s3+s7], $0x80, s11, s7, $0xb8;
	[tilespmem:$0x19320] =	vst v63  }
0x74: {  	_ = 	snop  }
0x75: {  	[tilespmem:s14], [sflag:$0x1] =	stream.indirect.gather [hbm4b:s3+s7], $0x80, s13, s7, $0xb8;
	[tilespmem:$0x19320] =	vst v63  }
0x76: {  	_ = 	snop  }
0x77: {  	[tilespmem:s16], [sflag:$0x2] =	stream.indirect.gather [hbm4b:s3+s7], $0x80, s15, s7, $0xb8;
	[tilespmem:$0x19320] =	vst v63  }
0x78: {  	_ = 	snop  }
0x79: {  	[tilespmem:s18], [sflag:$0x1] =	stream.indirect.gather [hbm4b:s3+s7], $0x80, s17, s7, $0xb8;
	[tilespmem:$0x19320] =	vst v63  }
0x7a: {  	_ = 	snop  }
0x7b: {  	[tilespmem:s20], [sflag:$0x2] =	stream.indirect.gather [hbm4b:s3+s7], $0x80, s19, s7, $0xb8;
	[tilespmem:$0x19320] =	vst v63  }
0x7c: {  	_ =	swait.ge [sflag:s21], $0x2800  }
0x7d: {  	[sflag:s21] =	ssyncset.done $0x0  }
0x7e: {  	[sflag:s21] =	ssyncadd.s32 $0xFFFFD800  }
0x7f: {  	_ =	swait.ge [sflag:s22], $0x2800  }
0x80: {  	[sflag:s22] =	ssyncset.done $0x0  }
0x81: {  	[sflag:s22] =	ssyncadd.s32 $0xFFFFD800  }
0x82: {  	_ =	swait.ge [sflag:s21], $0x2800  }
0x83: {  	[sflag:s21] =	ssyncset.done $0x0  }
0x84: {  	[sflag:s21] =	ssyncadd.s32 $0xFFFFD800  }
0x85: {  	_ =	swait.ge [sflag:s22], $0x2800  }
0x86: {  	[sflag:s22] =	ssyncset.done $0x0  }
0x87: {  	[sflag:s22] =	ssyncadd.s32 $0xFFFFD800  }
0x88: {  	_ =	swait.ge [sflag:s21], $0x2800  }
0x89: {  	[sflag:s21] =	ssyncset.done $0x0  }
0x8a: {  	[sflag:s21] =	ssyncadd.s32 $0xFFFFD800  }
0x8b: {  	_ =	swait.ge [sflag:s22], $0x2800  }
0x8c: {  	[sflag:s22] =	ssyncset.done $0x0  }
0x8d: {  	[sflag:s22] =	ssyncadd.s32 $0xFFFFD800  }
0x8e: {  	_ =	swait.ge [sflag:s21], $0x2800  }
0x8f: {  	[sflag:s21] =	ssyncset.done $0x0  }
0x90: {  	[sflag:s21] =	ssyncadd.s32 $0xFFFFD800  }
0x91: {  	_ =	swait.ge [sflag:s22], $0x2800  }
0x92: {  	[sflag:s22] =	ssyncset.done $0x0  }
0x93: {  	[sflag:s22] =	ssyncadd.s32 $0xFFFFD800  }
0x94: {  	_ =	swait.ge [sflag:s21], $0x2800  }
0x95: {  	[sflag:s21] =	ssyncset.done $0x0  }
0x96: {  	[sflag:s21] =	ssyncadd.s32 $0xFFFFD800  }
0x97: {  	s26 =	sshll.u32 s26, $0x4;
	_ =	swait.ge [sflag:s22], $0x2800  }
0x98: {  	s26 =	sand.u32 $0x1FFFFF00, s26;
	s30 =	rddreg [dreg:$0x4];
	[sflag:s22] =	ssyncset.done $0x0  }
0x99: {  	[sflag:s22] =	ssyncadd.s32 $0xFFFFD800;
	s28 =	sadd.s32 s30, s26  }
0x9a: {  	[hbm4b:s28+s1] =	stream.linear.scatter [tilespmem:s8], [sflag:$0x3], $0xC800, $0x38;
	[tilespmem:$0x19320] =	vst v63  }
0x9b: {  	p0 =	sne.s32 s25, $0x2580;
	_ =	swait.ge [sflag:s5], $0xC800  }
.Ltmp0:
0x9c: {  	s31 =	rddreg [dreg:$0x5];
	[sflag:s5] =	ssyncset.done $0x0;
	(pc) =	sbr.rel @p0 .LBB2_2-.Ltmp0, $4  }
0x9d: {  	[sflag:s5] =	ssyncadd.s32 $0xFFFF3800;
	s26 =	sadd.s32 s31, s26  }
0x9e: {  	[hbm4b:s26+s1] =	stream.linear.scatter [tilespmem:s9], [sflag:$0x3], $0xC800, $0x38;
	[tilespmem:$0x19320] =	vst v63  }
0x9f: {  	_ =	swait.ge [sflag:s5], $0xC800  }
0xa0: {  	s25 =	sadd.s32 $0x190, s25;
	s26 =	rddreg [dreg:$0x6];
	[sflag:s5] =	ssyncset.done $0x0  }
0xa1: {  	s24 =	sadd.s32 s24, s26  }
0xa2: {  	s25 =	smulhi.u32 $0xCCCCCCCD, s24;
	_ =	sdelay $0x1  }
0xa3: {  	s25 =	sshrl.u32 s25, $0x6  }
0xa4: {  	s25 =	smul.u32 $0x50, s25;
	_ =	sdelay $0x1  }
0xa5: {  	s28 =	rddreg [dreg:$0x2];
	s25 =	sshrl.u32 s25, $0x3  }
0xa6: {  	[sflag:s5] =	ssyncadd.s32 $0xFFFF3800;
	s26 =	sadd.s32 s28, s25  }
0xa7: {  	[tilespmem:s1], [sflag:$0x3] =	stream.linear.gather [hbm4b:s26+s1], $0x190, $0x38;
	[tilespmem:$0x19320] =	vst v63  }
0xa8: {  	_ =	swait.ge [sflag:s5], $0x190  }
0xa9: {  	s29 =	rddreg [dreg:$0x3];
	[sflag:s5] =	ssyncset.done $0x0  }
0xaa: {  	[sflag:s5] =	ssyncadd.s32 $0xFFFFFE70;
	s25 =	sadd.s32 s29, s25  }
0xab: {  	[tilespmem:s6], [sflag:$0x3] =	stream.linear.gather [hbm4b:s25+s1], $0x190, $0x38;
	[tilespmem:$0x19320] =	vst v63  }
0xac: {  	_ =	swait.ge [sflag:s5], $0x190  }
0xad: {  	[sflag:s5] =	ssyncset.done $0x0  }
0xae: {  	[sflag:s5] =	ssyncadd.s32 $0xFFFFFE70  }
0xaf: {  	[tilespmem:s8], [sflag:$0x1] =	stream.indirect.gather [hbm4b:s3+s7], $0x80, s1, s7, $0xb8;
	[tilespmem:$0x19320] =	vst v63  }
0xb0: {  	s30 =	rddreg [dreg:$0x9]  }
0xb1: {  	[tilespmem:s9], [sflag:$0x2] =	stream.indirect.gather [hbm4b:s3+s7], $0x80, s6, s7, $0xb8;
	[tilespmem:$0x19320] =	vst v63  }
0xb2: {  	s31 =	rddreg [dreg:$0x7]  }
0xb3: {  	[tilespmem:s31], [sflag:$0x1] =	stream.indirect.gather [hbm4b:s3+s7], $0x80, s7, s7, $0xb8;
	[tilespmem:$0x19320] =	vst v63  }
0xb4: {  	s28 =	rddreg [dreg:$0x8]  }
0xb5: {  	[tilespmem:s30], [sflag:$0x2] =	stream.indirect.gather [hbm4b:s3+s7], $0x80, s28, s7, $0xb8;
	[tilespmem:$0x19320] =	vst v63  }
0xb6: {  	s29 =	rddreg [dreg:$0xa]  }
0xb7: {  	[tilespmem:s10], [sflag:$0x1] =	stream.indirect.gather [hbm4b:s3+s7], $0x80, s29, s7, $0xb8;
	[tilespmem:$0x19320] =	vst v63  }
0xb8: {  	_ = 	snop  }
0xb9: {  	[tilespmem:s12], [sflag:$0x2] =	stream.indirect.gather [hbm4b:s3+s7], $0x80, s11, s7, $0xb8;
	[tilespmem:$0x19320] =	vst v63  }
0xba: {  	_ = 	snop  }
0xbb: {  	[tilespmem:s14], [sflag:$0x1] =	stream.indirect.gather [hbm4b:s3+s7], $0x80, s13, s7, $0xb8;
	[tilespmem:$0x19320] =	vst v63  }
0xbc: {  	_ = 	snop  }
0xbd: {  	[tilespmem:s16], [sflag:$0x2] =	stream.indirect.gather [hbm4b:s3+s7], $0x80, s15, s7, $0xb8;
	[tilespmem:$0x19320] =	vst v63  }
0xbe: {  	_ = 	snop  }
0xbf: {  	[tilespmem:s18], [sflag:$0x1] =	stream.indirect.gather [hbm4b:s3+s7], $0x80, s17, s7, $0xb8;
	[tilespmem:$0x19320] =	vst v63  }
0xc0: {  	_ = 	snop  }
0xc1: {  	[tilespmem:s20], [sflag:$0x2] =	stream.indirect.gather [hbm4b:s3+s7], $0x80, s19, s7, $0xb8;
	[tilespmem:$0x19320] =	vst v63  }
0xc2: {  	_ =	swait.ge [sflag:s21], $0x2800  }
0xc3: {  	[sflag:s21] =	ssyncset.done $0x0  }
0xc4: {  	[sflag:s21] =	ssyncadd.s32 $0xFFFFD800  }
0xc5: {  	_ =	swait.ge [sflag:s22], $0x2800  }
0xc6: {  	[sflag:s22] =	ssyncset.done $0x0  }
0xc7: {  	[sflag:s22] =	ssyncadd.s32 $0xFFFFD800  }
0xc8: {  	_ =	swait.ge [sflag:s21], $0x2800  }
0xc9: {  	[sflag:s21] =	ssyncset.done $0x0  }
0xca: {  	[sflag:s21] =	ssyncadd.s32 $0xFFFFD800  }
0xcb: {  	_ =	swait.ge [sflag:s22], $0x2800  }
0xcc: {  	[sflag:s22] =	ssyncset.done $0x0  }
0xcd: {  	[sflag:s22] =	ssyncadd.s32 $0xFFFFD800  }
0xce: {  	_ =	swait.ge [sflag:s21], $0x2800  }
0xcf: {  	[sflag:s21] =	ssyncset.done $0x0  }
0xd0: {  	[sflag:s21] =	ssyncadd.s32 $0xFFFFD800  }
0xd1: {  	_ =	swait.ge [sflag:s22], $0x2800  }
0xd2: {  	[sflag:s22] =	ssyncset.done $0x0  }
0xd3: {  	[sflag:s22] =	ssyncadd.s32 $0xFFFFD800  }
0xd4: {  	_ =	swait.ge [sflag:s21], $0x2800  }
0xd5: {  	[sflag:s21] =	ssyncset.done $0x0  }
0xd6: {  	[sflag:s21] =	ssyncadd.s32 $0xFFFFD800  }
0xd7: {  	_ =	swait.ge [sflag:s22], $0x2800  }
0xd8: {  	[sflag:s22] =	ssyncset.done $0x0  }
0xd9: {  	[sflag:s22] =	ssyncadd.s32 $0xFFFFD800  }
0xda: {  	_ =	swait.ge [sflag:s21], $0x2800  }
0xdb: {  	[sflag:s21] =	ssyncset.done $0x0  }
0xdc: {  	[sflag:s21] =	ssyncadd.s32 $0xFFFFD800  }
0xdd: {  	s24 =	sshll.u32 s24, $0x4;
	_ =	swait.ge [sflag:s22], $0x2800  }
0xde: {  	s24 =	sand.u32 $0x1FFFFF00, s24;
	s30 =	rddreg [dreg:$0x4];
	[sflag:s22] =	ssyncset.done $0x0  }
0xdf: {  	[sflag:s22] =	ssyncadd.s32 $0xFFFFD800;
	s25 =	sadd.s32 s30, s24  }
0xe0: {  	[hbm4b:s25+s1] =	stream.linear.scatter [tilespmem:s8], [sflag:$0x3], $0xC800, $0x38;
	[tilespmem:$0x19320] =	vst v63  }
0xe1: {  	s23 =	sadd.s32 $0x1, s23;
	_ =	swait.ge [sflag:s5], $0xC800  }
0xe2: {  	p0 =	sne.s32 s23, s4;
	s31 =	rddreg [dreg:$0x5];
	[sflag:s5] =	ssyncset.done $0x0  }
.Ltmp1:
0xe3: {  	[sflag:s5] =	ssyncadd.s32 $0xFFFF3800;
	s24 =	sadd.s32 s31, s24;
	(pc) =	sbr.rel @p0 .LBB2_1-.Ltmp1, $4  }
0xe4: {  	[hbm4b:s24+s1] =	stream.linear.scatter [tilespmem:s9], [sflag:$0x3], $0xC800, $0x38;
	[tilespmem:$0x19320] =	vst v63  }
0xe5: {  	_ =	swait.ge [sflag:s5], $0xC800  }
0xe6: {  	[sflag:s5] =	ssyncset.done $0x0  }
0xe7: {  	[sflag:s5] =	ssyncadd.s32 $0xFFFF3800  }
0xe8: {  	_ =	sfence.sel $0x180000  }
0xe9: {  	[bflag:$0x0] =	sbarrier.arrive $0xFFFF  }
0xea: {  	p0 =	sne.s32 s2, $0x0;
	_ =	strace $0x90000047  }
0xeb: {  	s0 =	sadd.s32 @!p0 $0x100000, s0;
	[bflag:$0x2] =	sbarrier.arrive $0xFFFF  }
0xec: {  	[sflag:s0] =	ssyncadd.tile.s32 @!p0 $0x1;
	_ =	shalt  }
.Lfunc_end2:
_tile_overlayer_lowered:
.L_overlay_start_2:
0xed: {  	(tag) =	ssettag $0x2  }
0xee: {  	s0 =	rddreg [dreg:$0x0];
	s2 =	stileid.u32  }
0xef: {  	s1 =	rddreg [dreg:$0x1];
	p0 =	sne.s32 s2, $0x0  }
0xf0: {  	s3 =	rddreg [dreg:$0x2];
	[bflag:$0x3] =	sbarrier.arrive $0xFFFF;
	s2 =	simm.s32 @!p0 $0x1C03  }
0xf1: {  	[timem:s3], [sflag:s2] =	dma.local @!p0 [hbm:s0], s1  }
0xf2: {  	s0 =	simm.s32 @!p0 $0x3  }
0xf3: {  	_ =	swait.ge @!p0 [sflag:s0], s1  }
0xf4: {  	s1 =	ssub.s32 @!p0 $0x0, s1;
	[sflag:s0] =	ssyncset.done @!p0 $0x0  }
0xf5: {  	[sflag:s0] =	ssyncadd.s32 @!p0 s1  }
0xf6: {  	[bflag:$0x3] =	sbarrier.arrive $0xFFFF  }
0xf7: {  	_ =	shalt  }

// kernel: kernel.15.cloned.1.call-start
scs
__scs_entry_jumppad:
0x0: {  	(pc) =	sbr.rel $0x88, $3  }
0x1: {  	(tag) =	ssettag $0x0;
	lr =	simm.s32 $0x1  }
0x2: {  	[smem:$0x3F8D] =	sst lr;
	_ =	strace $0xD0000000  }
0x3: {  	_ = 	snop  }
0x4: {  	_ = 	snop  }
0x5: {  	_ = 	snop  }
0x6: {  	_ = 	snop  }
0x7: {  	_ = 	snop  }
__scs_overlays_trampoline_lowered:
0x8: {  	[smem:$0x3F9C] =	sst s0  }
0x9: {  	[smem:$0x3F9D] =	sst s1  }
0xa: {  	[smem:$0x3F9E] =	sst s2  }
0xb: {  	[smem:$0x3F9F] =	sst s3  }
0xc: {  	[smem:$0x3FA0] =	sst s4  }
0xd: {  	[smem:$0x3FA1] =	sst s5  }
0xe: {  	[smem:$0x3FA2] =	sst s6  }
0xf: {  	[smem:$0x3FA3] =	sst s7  }
0x10: {  	[smem:$0x3FA4] =	sst s8  }
0x11: {  	[smem:$0x3FA5] =	sst s9;
	s0 =	simm.s32 @!p0 $0x0  }
0x12: {  	s1 =	sld [smem:$0x3F8B];
	s0 =	simm.s32 @p0 $0x1  }
0x13: {  	[smem:$0x3FA6] =	sst s0;
	s0 =	simm.s32 @!p1 $0x0  }
0x14: {  	s2 =	sld [smem:$0x3F8A];
	s0 =	simm.s32 @p1 $0x1  }
0x15: {  	[smem:$0x3FA7] =	sst s0;
	s0 =	simm.s32 @!p2 $0x0  }
0x16: {  	s3 =	sld [smem:$0x3FDB];
	s0 =	simm.s32 @p2 $0x1  }
0x17: {  	s4 =	simm.s32 $0x1BF5;
	[smem:$0x3FA9] =	sst s0  }
0x18: {  	s0 =	sld [smem:$0x3F8C];
	_ =	swait.ge [sflag:s4], $0x0  }
0x19: {  	s7 =	sld [smem:$0x3F8D]  }
0x1a: {  	s8 =	sadd.s32 $0xFFFFE003, lr  }
0x1b: {  	s9 =	sadd.s32 $0xFFFFFEF7, lr;
	s5 =	simm.s32 $0xFFFFFFFF;
	p2 =	slt.u32 s8, $0xFFFFF086  }
0x1c: {  	p1 =	slt.u32 s9, $0xF7A;
	s5 =	simm.s32 @!p2 $0x0  }
0x1d: {  	s5 =	simm.s32 @p1 $0x1;
	p0 =	seq.s32 s7, s2  }
0x1e: {  	s7 =	smul.u32 @!p0 $0xF7A, s2;
	p2 =	seq.s32 @!p0 s5, $0x0  }
0x1f: {  	s9 =	smul.u32 $0xF7A, s1;
	s8 =	simm.s32 @!p0 $0x1BF5;
	p2 =	por !p2, p0  }
0x20: {  	[sflag:s8] =	ssyncset.s32 @!p0 $0xFFFFF086;
	s6 =	sadd.s32 @!p0 s3, s7;
	s7 =	simm.s32 @!p0 $0x108  }
0x21: {  	s3 =	sadd.s32 s3, s9;
	s6 =	sadd.s32 @!p0 $0x88, s6;
	s7 =	simm.s32 @p2 $0x1082  }
0x22: {  	[simem:s7], [sflag:s8] =	dma.local @!p0 [hbm:s6], $0xF7A  }
0x23: {  	s9 =	sor.u32 $0xD0000000, s2;
	s6 =	simm.s32 $0x108;
	_ =	swait.ge @!p0 [sflag:s8], $0x0  }
0x24: {  	s3 =	sadd.s32 $0x88, s3;
	s6 =	simm.s32 @!p1 $0x1082;
	[sflag:s4] =	ssyncset.s32 $0xFFFFF086  }
0x25: {  	[simem:s6], [sflag:s4] =	dma.local [hbm:s3], $0xF7A  }
0x26: {  	[smem:$0x3F8D] =	sst s1;
	(tag) =	ssettag s2;
	_ =	strace s9  }
0x27: {  	s1 =	sld [smem:$0x3F9D]  }
0x28: {  	s2 =	sld [smem:$0x3F9E]  }
0x29: {  	s4 =	sld [smem:$0x3FA0]  }
0x2a: {  	p0 =	seq.s32 s5, $0x0;
	s5 =	sld [smem:$0x3FA1]  }
0x2b: {  	s6 =	sld [smem:$0x3FA2]  }
0x2c: {  	s7 =	sld [smem:$0x3FA3]  }
0x2d: {  	s3 =	simm.s32 $0x108;
	s8 =	sld [smem:$0x3FA4]  }
0x2e: {  	s3 =	simm.s32 @!p0 $0x1082;
	s9 =	sld [smem:$0x3FA5]  }
0x2f: {  	lr =	sadd.s32 s0, s3;
	s0 =	sld [smem:$0x3F9C]  }
0x30: {  	s3 =	sld [smem:$0x3F9F]  }
0x31: {  	[smem:$0x3FA8] =	sst s10  }
0x32: {  	s10 =	sld [smem:$0x3FA6];
	_ =	sdelay $0x3  }
0x33: {  	p0 =	seq.s32 s10, $0x1;
	s10 =	sld [smem:$0x3FA8];
	_ =	sdelay $0x3  }
0x34: {  	[smem:$0x3FA8] =	sst s10  }
0x35: {  	s10 =	sld [smem:$0x3FA7];
	_ =	sdelay $0x3  }
0x36: {  	p1 =	seq.s32 s10, $0x1;
	s10 =	sld [smem:$0x3FA8];
	_ =	sdelay $0x3  }
0x37: {  	[smem:$0x3FA8] =	sst s10  }
0x38: {  	s10 =	sld [smem:$0x3FA9]  }
0x39: {  	_ = 	snop;
	(pc) =	sbr.ind lr, $3  }
0x3a: {  	_ = 	snop  }
0x3b: {  	_ = 	snop  }
0x3c: {  	p2 =	seq.s32 s10, $0x1;
	s10 =	sld [smem:$0x3FA8]  }
0x3d: {  	_ =	shalt  }
0x3e: {  	_ =	shalt  }
0x3f: {  	_ =	shalt  }
0x40: {  	_ =	shalt  }
0x41: {  	_ =	shalt  }
0x42: {  	_ =	shalt  }
0x43: {  	_ =	shalt  }
0x44: {  	_ =	shalt  }
0x45: {  	_ =	shalt  }
0x46: {  	_ =	shalt  }
0x47: {  	_ =	shalt  }
0x48: {  	_ =	shalt  }
0x49: {  	_ =	shalt  }
0x4a: {  	_ =	shalt  }
0x4b: {  	_ =	shalt  }
0x4c: {  	_ =	shalt  }
0x4d: {  	_ =	shalt  }
0x4e: {  	_ =	shalt  }
0x4f: {  	_ =	shalt  }
0x50: {  	_ =	shalt  }
0x51: {  	_ =	shalt  }
0x52: {  	_ =	shalt  }
0x53: {  	_ =	shalt  }
0x54: {  	_ =	shalt  }
0x55: {  	_ =	shalt  }
0x56: {  	_ =	shalt  }
0x57: {  	_ =	shalt  }
0x58: {  	_ =	shalt  }
0x59: {  	_ =	shalt  }
0x5a: {  	_ =	shalt  }
0x5b: {  	_ =	shalt  }
0x5c: {  	_ =	shalt  }
0x5d: {  	_ =	shalt  }
0x5e: {  	_ =	shalt  }
0x5f: {  	_ =	shalt  }
0x60: {  	_ =	shalt  }
0x61: {  	_ =	shalt  }
0x62: {  	_ =	shalt  }
0x63: {  	_ =	shalt  }
0x64: {  	_ =	shalt  }
0x65: {  	_ =	shalt  }
0x66: {  	_ =	shalt  }
0x67: {  	_ =	shalt  }
0x68: {  	_ =	shalt  }
0x69: {  	_ =	shalt  }
0x6a: {  	_ =	shalt  }
0x6b: {  	_ =	shalt  }
0x6c: {  	_ =	shalt  }
0x6d: {  	_ =	shalt  }
0x6e: {  	_ =	shalt  }
0x6f: {  	_ =	shalt  }
0x70: {  	_ =	shalt  }
0x71: {  	_ =	shalt  }
0x72: {  	_ =	shalt  }
0x73: {  	_ =	shalt  }
0x74: {  	_ =	shalt  }
0x75: {  	_ =	shalt  }
0x76: {  	_ =	shalt  }
0x77: {  	_ =	shalt  }
0x78: {  	_ =	shalt  }
0x79: {  	_ =	shalt  }
0x7a: {  	_ =	shalt  }
0x7b: {  	_ =	shalt  }
0x7c: {  	_ =	shalt  }
0x7d: {  	_ =	shalt  }
0x7e: {  	_ =	shalt  }
0x7f: {  	_ =	shalt  }
0x80: {  	_ =	shalt  }
0x81: {  	_ =	shalt  }
0x82: {  	_ =	shalt  }
0x83: {  	_ =	shalt  }
0x84: {  	_ =	shalt  }
0x85: {  	_ =	shalt  }
0x86: {  	_ =	shalt  }
0x87: {  	_ =	shalt  }
.Lfunc_end0:
.L_simem_size_0:
called_computation.1_lowered:
.L_overlay_start_0:
0x88: {  	s2 =	sld [smem:$0x3FD9]  }
0x89: {  	s3 =	sld [smem:$0x3FFE];
	_ =	sdelay $0x1  }
0x8a: {  	s1 =	srdreg.scid  }
0x8b: {  	s0 =	sand.u32 $0x1, s1  }
0x8c: {  	s14 =	sshll.u32 s0, $0xA;
	s2 =	sadd.s32 s3, s2  }
0x8d: {  	s2 =	sadd.s32 s2, s14  }
0x8e: {  	[smem:$0x3FB4] =	sst s2  }
0x8f: {  	_ = 	snop  }
0x90: {  	s2 =	sld [smem:$0x3FD0];
	_ =	sdelay $0x2  }
0x91: {  	s15 =	simm.s32 $0xA;
	s4 =	simm.s32 $0x10  }
0x92: {  	[smem:s4], [sflag:s15] =	dma.local [hbm:s2], $0x1  }
0x93: {  	_ =	swait.eq [sflag:s15], $0x1  }
0x94: {  	[sflag:s15] =	ssyncset.done $0x0  }
0x95: {  	[sflag:s15] =	ssyncadd.s32 $0xFFFFFFFF  }
0x96: {  	s16 =	sld [smem:$0x11];
	(tm) =	ssettm $0x1  }
0x97: {  	s17 =	sld [smem:$0x3FFB];
	_ =	sdelay $0x3  }
0x98: {  	_ =	strace s17  }
0x99: {  	s3 =	sld [smem:$0x3FFC];
	_ =	sdelay $0x3  }
0x9a: {  	_ =	strace s3  }
0x9b: {  	s3 =	sld [smem:$0x3FFD];
	_ =	sdelay $0x3  }
0x9c: {  	_ =	strace s3  }
0x9d: {  	_ =	strace $0x8FFFFFFF  }
0x9e: {  	s18 =	sld [smem:$0x3FDB];
	_ =	sdelay $0x1  }
0x9f: {  	s19 =	simm.s32 $_scs_section_size  }
0xa0: {  	s5 =	simm.s32 $_size__tile_overlayer_lowered;
	s6 =	simm.s32 $_tile_overlayer_lowered  }
0xa1: {  	s22 =	simm.s32 $0x1BFF;
	s21 =	sshll.u32 s6, $0x1;
	s3 =	sadd.s32 s19, s18  }
0xa2: {  	s7 =	simm.s32 $0x0;
	s20 =	sshll.u32 s5, $0x1;
	s5 =	sadd.s32 s21, s3  }
0xa3: {  	[timem:s7], [sflag:s22] =	dma.local [hbm:s5], s20  }
0xa4: {  	_ =	swait.ge [sflag:s22], s20  }
0xa5: {  	s4 =	ssub.s32 $0x0, s20;
	[sflag:s22] =	ssyncset.done $0x0  }
0xa6: {  	[sflag:s22] =	ssyncadd.s32 s4;
	_ =	sdelay $0x1  }
0xa7: {  	s23 =	simm.s32 $0x1B8B  }
0xa8: {  	_ =	swait.ge [sflag:s23], $0x1  }
0xa9: {  	[sflag:s23] =	ssyncset.done $0x0  }
0xaa: {  	s25 =	simm.s32 $0x1B8E;
	s24 =	sld [smem:$0x3FFE];
	[sflag:s23] =	ssyncadd.s32 $0xFFFFFFFF  }
0xab: {  	s26 =	simm.s32 $execute0_lowered;
	[smem:$0x3FD2] =	sst s25  }
0xac: {  	s5 =	sshll.u32 s26, $0x1;
	_ =	strace $0x80000049;
	[dreg:$0x1] =	wrdreg $0xFFFFFFFF  }
0xad: {  	s28 =	simm.s32 $_size_execute0_lowered;
	s3 =	sadd.s32 s3, s5;
	[dreg:$0x0] =	wrdreg $0x0  }
0xae: {  	s5 =	sshll.u32 s28, $0x1;
	[dreg:$0x2] =	wrdreg s3  }
0xaf: {  	[dreg:$0x3] =	wrdreg s5  }
0xb0: {  	[dreg:$0x4] =	wrdreg $0xC0  }
0xb1: {  	_ =	task [dreg:s7], $0x5FFFF  }
0xb2: {  	[dreg:$0x1] =	wrdreg $0xFFFFFFFF  }
0xb3: {  	[dreg:$0x0] =	wrdreg $0x60  }
0xb4: {  	[dreg:$0x2] =	wrdreg s24  }
0xb5: {  	[dreg:$0x3] =	wrdreg s16  }
0xb6: {  	[dreg:$0x4] =	wrdreg $0x65900  }
0xb7: {  	[dreg:$0x5] =	wrdreg $0x9  }
0xb8: {  	_ =	task.clear_ibuf [dreg:s7], $0x6FFFF;
	_ =	strace $0x90000049  }
0xb9: {  	s29 =	simm.s32 $0x9;
	_ =	strace $0x8000004B  }
0xba: {  	_ =	swait.ge [sflag:s29], $0x1  }
0xbb: {  	[sflag:s29] =	ssyncadd.s32 $0xFFFFFFFF  }
0xbc: {  	_ =	strace $0x9000004B  }
0xbd: {  	_ =	sfence  }
0xbe: {  	s30 =	sld [smem:$0x0];
	_ =	sdelay $0x2  }
0xbf: {  	s31 =	sshll.u32 s1, $0xD;
	s1 =	sshrl.u32 s1, $0x2  }
0xc0: {  	s3 =	sand.u32 $0x4000, s31;
	s1 =	sadd.s32 s1, s30  }
0xc1: {  	s0 =	sor.u32 s3, s0;
	s1 =	sshll.u32 s1, $0x11  }
0xc2: {  	s0 =	sor.u32 s1, s0  }
0xc3: {  	s0 =	sadd.s32 $0x8F2B, s0  }
0xc4: {  	[sflag:s0] =	ssyncadd.remote.s32 $0x1  }
0xc5: {  	_ =	sfence.sel $0xFFFF  }
0xc6: {  	[dreg:$0x0] =	wrdreg $0xFFFFFFFF;
	(pc) =	sbr.abs _section_cstart, $3  }
0xc7: {  	[dreg:$0x1] =	wrdreg $0xFFFFFFFF  }
0xc8: {  	_ =	task.clear_ibuf [dreg:s7], $0x2FFFF;
	_ =	strace $0x9FFFFFFF  }
0xc9: {  	(tm) =	ssettm $0x7FFFFFFF  }
tec
execute0_lowered:
.L_overlay_start_1:
0x0: {  	(tag) =	ssettag $0x1  }
0x1: {  	s12 =	rddreg [dreg:$0x0]  }
0x2: {  	s2 =	rddreg [dreg:$0x1];
	s1 =	srdreg.scid  }
0x3: {  	s0 =	stileid.u32;
	s3 =	rddreg [dreg:$0x2];
	s4 =	simm.s32 $0x0  }
0x4: {  	s13 =	simm.s32 $0x40800;
	s14 =	simm.s32 $0x1;
	s15 =	simm.s32 $0x50  }
0x5: {  	s16 =	simm.s32 $0x1590;
	s17 =	simm.s32 $0xA0;
	s18 =	simm.s32 $0x2990  }
0x6: {  	s19 =	simm.s32 $0xF0;
	s20 =	simm.s32 $0x3D90;
	s21 =	simm.s32 $0x140  }
0x7: {  	s22 =	simm.s32 $0x5190;
	s23 =	simm.s32 $0x0;
	s6 =	smul.u32 $0x280, s0  }
0x8: {  	s9 =	sand.u32 $0x1, s1;
	s1 =	rddreg [dreg:$0x3];
	s8 =	smul.u32 $0x28000, s0  }
0x9: {  	[smem:$0x7FF] =	sst s4;
	s5 =	sadd.s32 $0xEA00, s12;
	s7 =	smul.u32 $0x2800, s9  }
0xa: {  	_ =	strace $0x8000004A;
	s31 =	ssub.s32 $0x2, s9;
	p0 =	seq.s32 s9, $0x1  }
0xb: {  	s8 =	sshrl.u32 s8, $0x2;
	s11 =	sshrl.u32 s31, $0x1;
	s6 =	sadd.s32 s6, s7  }
0xc: {  	s13 =	simm.s32 @!p0 $0xEE6800;
	s11 =	ssub.s32 s31, s11;
	s6 =	sshll.u32 s6, $0x3  }
0xd: {  	s10 =	sadd.s32 s6, s12;
	s6 =	sadd.s32 s8, s3;
	s8 =	smul.u32 $0x4E20, s0  }
0xe: {  	s12 =	sadd.s32 s13, s12;
	s13 =	simm.s32 $0x190;
	s7 =	sadd.s32 $0x6400, s6  }
0xf: {  	s11 =	smax.u32 s11, $0x1;
	s9 =	sadd.s32 $0x2B1800, s10;
	s10 =	sadd.s32 $0x2B2480, s10  }
.LBB2_1:
0x10: {  	[tilespmem:s13], [sflag:$0x1] =	stream.linear.gather [hbm4b:s2+s4], $0x6400, $0x38;
	[tilespmem:$0x10590] =	vst v63  }
0x11: {  	_ =	swait.ge [sflag:s14], $0x6400  }
0x12: {  	[sflag:s14] =	ssyncset.done $0x0  }
0x13: {  	s24 =	sadd.s32 $0x0, s8;
	[sflag:s14] =	ssyncadd.s32 $0xFFFF9C00  }
0x14: {  	[spmem:s6] =	stream.linear.scatter [tilespmem:s13], [sflag:$0x1], $0x6400, $0x38;
	[tilespmem:$0x10590] =	vst v63  }
0x15: {  	s25 =	smulhi.u32 $0xCCCCCCCD, s24;
	_ =	swait.ge [sflag:s14], $0x6400  }
0x16: {  	[sflag:s14] =	ssyncset.done $0x0  }
0x17: {  	s25 =	sshrl.u32 s25, $0x6;
	[sflag:s14] =	ssyncadd.s32 $0xFFFF9C00  }
0x18: {  	[spmem:s7] =	stream.linear.scatter [tilespmem:s13], [sflag:$0x1], $0x3C00, $0x38;
	[tilespmem:$0x10590] =	vst v63  }
0x19: {  	s25 =	smul.u32 $0x50, s25;
	_ =	swait.ge [sflag:s14], $0x3C00  }
0x1a: {  	[sflag:s14] =	ssyncset.done $0x0  }
0x1b: {  	s25 =	sshrl.u32 s25, $0x3;
	[sflag:s14] =	ssyncadd.s32 $0xFFFFC400  }
0x1c: {  	s25 =	sadd.s32 s5, s25;
	[bflag:$0x0] =	sbarrier.arrive $0xFFFF  }
0x1d: {  	[tilespmem:s4], [sflag:$0x1] =	stream.linear.gather [hbm4b:s25+s4], $0x190, $0x38;
	[tilespmem:$0x10590] =	vst v63  }
0x1e: {  	s24 =	sshll.u32 s24, $0x3;
	_ =	swait.ge [sflag:s14], $0x190  }
0x1f: {  	s24 =	sand.u32 $0x1FFFFF80, s24;
	[sflag:s14] =	ssyncset.done $0x0  }
0x20: {  	s24 =	sadd.s32 s12, s24;
	[sflag:s14] =	ssyncadd.s32 $0xFFFFFE70  }
0x21: {  	[tilespmem:s13], [sflag:$0x1] =	stream.linear.gather [hbm4b:s24+s4], $0x6400, $0x38;
	[tilespmem:$0x10590] =	vst v63  }
0x22: {  	_ =	swait.ge [sflag:s14], $0x6400  }
0x23: {  	[sflag:s14] =	ssyncset.done $0x0  }
0x24: {  	[sflag:s14] =	ssyncadd.s32 $0xFFFF9C00  }
0x25: {  	[spmem:s3] =	stream.indirect.scatter.add.f32 [tilespmem:s13], [sflag:$0x1], $0x40, s4, s15, $0xb8;
	[tilespmem:$0x10590] =	vst v63  }
0x26: {  	_ =	swait.ge [sflag:s14], $0x1400  }
0x27: {  	[sflag:s14] =	ssyncset.done $0x0  }
0x28: {  	[sflag:s14] =	ssyncadd.s32 $0xFFFFEC00  }
0x29: {  	[spmem:s3] =	stream.indirect.scatter.add.f32 [tilespmem:s16], [sflag:$0x1], $0x40, s15, s15, $0xb8;
	[tilespmem:$0x10590] =	vst v63  }
0x2a: {  	_ =	swait.ge [sflag:s14], $0x1400  }
0x2b: {  	[sflag:s14] =	ssyncset.done $0x0  }
0x2c: {  	[sflag:s14] =	ssyncadd.s32 $0xFFFFEC00  }
0x2d: {  	[spmem:s3] =	stream.indirect.scatter.add.f32 [tilespmem:s18], [sflag:$0x1], $0x40, s17, s15, $0xb8;
	[tilespmem:$0x10590] =	vst v63  }
0x2e: {  	_ =	swait.ge [sflag:s14], $0x1400  }
0x2f: {  	s30 =	sadd.s32 $0x190, s8;
	[sflag:s14] =	ssyncset.done $0x0  }
0x30: {  	s31 =	smulhi.u32 $0xCCCCCCCD, s30;
	[sflag:s14] =	ssyncadd.s32 $0xFFFFEC00  }
0x31: {  	[spmem:s3] =	stream.indirect.scatter.add.f32 [tilespmem:s20], [sflag:$0x1], $0x40, s19, s15, $0xb8;
	[tilespmem:$0x10590] =	vst v63  }
0x32: {  	s26 =	simm.s32 $0x320;
	_ =	swait.ge [sflag:s14], $0x1400  }
0x33: {  	s28 =	sshrl.u32 s31, $0x6;
	s24 =	sshll.u32 s30, $0x3;
	[sflag:s14] =	ssyncset.done $0x0  }
0x34: {  	s28 =	smul.u32 $0x50, s28;
	s25 =	sand.u32 $0x1FFFFF80, s24;
	[sflag:s14] =	ssyncadd.s32 $0xFFFFEC00  }
0x35: {  	[spmem:s3] =	stream.indirect.scatter.add.f32 [tilespmem:s22], [sflag:$0x1], $0x40, s21, s15, $0xb8;
	[tilespmem:$0x10590] =	vst v63  }
.LBB2_2:
0x36: {  	s28 =	sshrl.u32 s28, $0x3  }
0x37: {  	_ =	swait.ge [sflag:s14], $0x1400;
	s29 =	smov.u32 s26;
	s24 =	sadd.s32 $0x190, s26  }
0x38: {  	p0 =	sne.s32 s26, $0x4C90;
	s26 =	sadd.s32 s5, s28;
	[sflag:s14] =	ssyncset.done $0x0  }
0x39: {  	[sflag:s14] =	ssyncadd.s32 $0xFFFFEC00  }
0x3a: {  	[tilespmem:s4], [sflag:$0x1] =	stream.linear.gather [hbm4b:s26+s4], $0x190, $0x38;
	[tilespmem:$0x10590] =	vst v63  }
0x3b: {  	_ =	swait.ge [sflag:s14], $0x190  }
0x3c: {  	[sflag:s14] =	ssyncset.done $0x0  }
0x3d: {  	s25 =	sadd.s32 s12, s25;
	[sflag:s14] =	ssyncadd.s32 $0xFFFFFE70  }
0x3e: {  	[tilespmem:s13], [sflag:$0x1] =	stream.linear.gather [hbm4b:s25+s4], $0x6400, $0x38;
	[tilespmem:$0x10590] =	vst v63  }
0x3f: {  	_ =	swait.ge [sflag:s14], $0x6400  }
0x40: {  	[sflag:s14] =	ssyncset.done $0x0  }
0x41: {  	[sflag:s14] =	ssyncadd.s32 $0xFFFF9C00  }
0x42: {  	[spmem:s3] =	stream.indirect.scatter.add.f32 [tilespmem:s13], [sflag:$0x1], $0x40, s4, s15, $0xb8;
	[tilespmem:$0x10590] =	vst v63  }
0x43: {  	_ =	swait.ge [sflag:s14], $0x1400  }
0x44: {  	[sflag:s14] =	ssyncset.done $0x0  }
0x45: {  	[sflag:s14] =	ssyncadd.s32 $0xFFFFEC00  }
0x46: {  	[spmem:s3] =	stream.indirect.scatter.add.f32 [tilespmem:s16], [sflag:$0x1], $0x40, s15, s15, $0xb8;
	[tilespmem:$0x10590] =	vst v63  }
0x47: {  	_ =	swait.ge [sflag:s14], $0x1400  }
0x48: {  	[sflag:s14] =	ssyncset.done $0x0  }
0x49: {  	[sflag:s14] =	ssyncadd.s32 $0xFFFFEC00  }
0x4a: {  	[spmem:s3] =	stream.indirect.scatter.add.f32 [tilespmem:s18], [sflag:$0x1], $0x40, s17, s15, $0xb8;
	[tilespmem:$0x10590] =	vst v63  }
0x4b: {  	_ =	swait.ge [sflag:s14], $0x1400  }
0x4c: {  	s25 =	sadd.s32 s29, s8;
	[sflag:s14] =	ssyncset.done $0x0  }
0x4d: {  	s26 =	smulhi.u32 $0xCCCCCCCD, s25;
	[sflag:s14] =	ssyncadd.s32 $0xFFFFEC00  }
0x4e: {  	[spmem:s3] =	stream.indirect.scatter.add.f32 [tilespmem:s20], [sflag:$0x1], $0x40, s19, s15, $0xb8;
	[tilespmem:$0x10590] =	vst v63  }
.Ltmp0:
0x4f: {  	s25 =	sshll.u32 s25, $0x3;
	_ =	swait.ge [sflag:s14], $0x1400;
	(pc) =	sbr.rel @p0 .LBB2_2-.Ltmp0, $4  }
0x50: {  	s25 =	sand.u32 $0x1FFFFF80, s25;
	[sflag:s14] =	ssyncset.done $0x0  }
0x51: {  	s26 =	sshrl.u32 s26, $0x6;
	[sflag:s14] =	ssyncadd.s32 $0xFFFFEC00  }
0x52: {  	s28 =	smul.u32 $0x50, s26;
	s26 =	smov.u32 s24  }
0x53: {  	[spmem:s3] =	stream.indirect.scatter.add.f32 [tilespmem:s22], [sflag:$0x1], $0x40, s21, s15, $0xb8;
	[tilespmem:$0x10590] =	vst v63  }
0x54: {  	_ =	swait.ge [sflag:s14], $0x1400  }
0x55: {  	s24 =	sshrl.u32 s28, $0x3;
	[sflag:s14] =	ssyncset.done $0x0  }
0x56: {  	s24 =	sadd.s32 s5, s24;
	[sflag:s14] =	ssyncadd.s32 $0xFFFFEC00  }
0x57: {  	[tilespmem:s4], [sflag:$0x1] =	stream.linear.gather [hbm4b:s24+s4], $0x190, $0x38;
	[tilespmem:$0x10590] =	vst v63  }
0x58: {  	_ =	swait.ge [sflag:s14], $0x190  }
0x59: {  	[sflag:s14] =	ssyncset.done $0x0  }
0x5a: {  	s31 =	sadd.s32 s12, s25;
	[sflag:s14] =	ssyncadd.s32 $0xFFFFFE70  }
0x5b: {  	[tilespmem:s13], [sflag:$0x1] =	stream.linear.gather [hbm4b:s31+s4], $0x6400, $0x38;
	[tilespmem:$0x10590] =	vst v63  }
0x5c: {  	_ =	swait.ge [sflag:s14], $0x6400  }
0x5d: {  	[sflag:s14] =	ssyncset.done $0x0  }
0x5e: {  	[sflag:s14] =	ssyncadd.s32 $0xFFFF9C00  }
0x5f: {  	[spmem:s3] =	stream.indirect.scatter.add.f32 [tilespmem:s13], [sflag:$0x1], $0x40, s4, s15, $0xb8;
	[tilespmem:$0x10590] =	vst v63  }
0x60: {  	_ =	swait.ge [sflag:s14], $0x1400  }
0x61: {  	[sflag:s14] =	ssyncset.done $0x0  }
0x62: {  	[sflag:s14] =	ssyncadd.s32 $0xFFFFEC00  }
0x63: {  	[spmem:s3] =	stream.indirect.scatter.add.f32 [tilespmem:s16], [sflag:$0x1], $0x40, s15, s15, $0xb8;
	[tilespmem:$0x10590] =	vst v63  }
0x64: {  	_ =	swait.ge [sflag:s14], $0x1400  }
0x65: {  	[sflag:s14] =	ssyncset.done $0x0  }
0x66: {  	[sflag:s14] =	ssyncadd.s32 $0xFFFFEC00  }
0x67: {  	[spmem:s3] =	stream.indirect.scatter.add.f32 [tilespmem:s18], [sflag:$0x1], $0x40, s17, s15, $0xb8;
	[tilespmem:$0x10590] =	vst v63  }
0x68: {  	_ =	swait.ge [sflag:s14], $0x1400  }
0x69: {  	[sflag:s14] =	ssyncset.done $0x0  }
0x6a: {  	[sflag:s14] =	ssyncadd.s32 $0xFFFFEC00  }
0x6b: {  	[spmem:s3] =	stream.indirect.scatter.add.f32 [tilespmem:s20], [sflag:$0x1], $0x40, s19, s15, $0xb8;
	[tilespmem:$0x10590] =	vst v63  }
0x6c: {  	_ =	swait.ge [sflag:s14], $0x1400  }
0x6d: {  	[sflag:s14] =	ssyncset.done $0x0  }
0x6e: {  	[sflag:s14] =	ssyncadd.s32 $0xFFFFEC00  }
0x6f: {  	[spmem:s3] =	stream.indirect.scatter.add.f32 [tilespmem:s22], [sflag:$0x1], $0x40, s21, s15, $0xb8;
	[tilespmem:$0x10590] =	vst v63  }
0x70: {  	_ =	swait.ge [sflag:s14], $0x1400  }
0x71: {  	[sflag:s14] =	ssyncset.done $0x0  }
0x72: {  	[sflag:s14] =	ssyncadd.s32 $0xFFFFEC00  }
0x73: {  	[bflag:$0x0] =	sbarrier.arrive $0xFFFF  }
0x74: {  	[tilespmem:s13], [sflag:$0x1] =	stream.linear.gather [spmem:s6], $0x6400, $0x38;
	[tilespmem:$0x10590] =	vst v63  }
0x75: {  	_ =	swait.ge [sflag:s14], $0x6400  }
0x76: {  	[sflag:s14] =	ssyncset.done $0x0  }
0x77: {  	[sflag:s14] =	ssyncadd.s32 $0xFFFF9C00  }
0x78: {  	[hbm4b:s9+s4] =	stream.linear.scatter [tilespmem:s13], [sflag:$0x1], $0x6400, $0x38;
	[tilespmem:$0x10590] =	vst v63  }
0x79: {  	_ =	swait.ge [sflag:s14], $0x6400  }
0x7a: {  	[sflag:s14] =	ssyncset.done $0x0  }
0x7b: {  	[sflag:s14] =	ssyncadd.s32 $0xFFFF9C00  }
0x7c: {  	[tilespmem:s13], [sflag:$0x1] =	stream.linear.gather [spmem:s7], $0x3C00, $0x38;
	[tilespmem:$0x10590] =	vst v63  }
0x7d: {  	s23 =	sadd.s32 $0x1, s23;
	_ =	swait.ge [sflag:s14], $0x3C00  }
0x7e: {  	p0 =	sne.s32 s23, s11;
	[sflag:s14] =	ssyncset.done $0x0  }
.Ltmp1:
0x7f: {  	[sflag:s14] =	ssyncadd.s32 $0xFFFFC400;
	(pc) =	sbr.rel @p0 .LBB2_1-.Ltmp1, $4  }
0x80: {  	[hbm4b:s10+s4] =	stream.linear.scatter [tilespmem:s13], [sflag:$0x1], $0x3C00, $0x38;
	[tilespmem:$0x10590] =	vst v63  }
0x81: {  	_ =	swait.ge [sflag:s14], $0x3C00  }
0x82: {  	[sflag:s14] =	ssyncset.done $0x0  }
0x83: {  	[sflag:s14] =	ssyncadd.s32 $0xFFFFC400  }
0x84: {  	_ =	sfence.sel $0x180000  }
0x85: {  	[bflag:$0x0] =	sbarrier.arrive $0xFFFF  }
0x86: {  	p0 =	sne.s32 s0, $0x0;
	_ =	strace $0x9000004A  }
0x87: {  	s0 =	sadd.s32 @!p0 $0x100000, s1;
	[bflag:$0x2] =	sbarrier.arrive $0xFFFF  }
0x88: {  	[sflag:s0] =	ssyncadd.tile.s32 @!p0 $0x1;
	_ =	shalt  }
.Lfunc_end2:
_tile_overlayer_lowered:
.L_overlay_start_2:
0x89: {  	(tag) =	ssettag $0x2  }
0x8a: {  	s0 =	rddreg [dreg:$0x0];
	s2 =	stileid.u32  }
0x8b: {  	s1 =	rddreg [dreg:$0x1];
	p0 =	sne.s32 s2, $0x0  }
0x8c: {  	s3 =	rddreg [dreg:$0x2];
	[bflag:$0x3] =	sbarrier.arrive $0xFFFF;
	s2 =	simm.s32 @!p0 $0x1C01  }
0x8d: {  	[timem:s3], [sflag:s2] =	dma.local @!p0 [hbm:s0], s1  }
0x8e: {  	s0 =	simm.s32 @!p0 $0x1  }
0x8f: {  	_ =	swait.ge @!p0 [sflag:s0], s1  }
0x90: {  	s1 =	ssub.s32 @!p0 $0x0, s1;
	[sflag:s0] =	ssyncset.done @!p0 $0x0  }
0x91: {  	[sflag:s0] =	ssyncadd.s32 @!p0 s1  }
0x92: {  	[bflag:$0x3] =	sbarrier.arrive $0xFFFF  }
0x93: {  	_ =	shalt  }

// kernel: kernel.18.cloned.1.call-start
scs
__scs_entry_jumppad:
0x0: {  	(pc) =	sbr.rel $0x88, $3  }
0x1: {  	(tag) =	ssettag $0x0;
	lr =	simm.s32 $0x1  }
0x2: {  	[smem:$0x3F8D] =	sst lr;
	_ =	strace $0xD0000000  }
0x3: {  	_ = 	snop  }
0x4: {  	_ = 	snop  }
0x5: {  	_ = 	snop  }
0x6: {  	_ = 	snop  }
0x7: {  	_ = 	snop  }
__scs_overlays_trampoline_lowered:
0x8: {  	[smem:$0x3F9C] =	sst s0  }
0x9: {  	[smem:$0x3F9D] =	sst s1  }
0xa: {  	[smem:$0x3F9E] =	sst s2  }
0xb: {  	[smem:$0x3F9F] =	sst s3  }
0xc: {  	[smem:$0x3FA0] =	sst s4  }
0xd: {  	[smem:$0x3FA1] =	sst s5  }
0xe: {  	[smem:$0x3FA2] =	sst s6  }
0xf: {  	[smem:$0x3FA3] =	sst s7  }
0x10: {  	[smem:$0x3FA4] =	sst s8  }
0x11: {  	[smem:$0x3FA5] =	sst s9;
	s0 =	simm.s32 @!p0 $0x0  }
0x12: {  	s1 =	sld [smem:$0x3F8B];
	s0 =	simm.s32 @p0 $0x1  }
0x13: {  	[smem:$0x3FA6] =	sst s0;
	s0 =	simm.s32 @!p1 $0x0  }
0x14: {  	s2 =	sld [smem:$0x3F8A];
	s0 =	simm.s32 @p1 $0x1  }
0x15: {  	[smem:$0x3FA7] =	sst s0;
	s0 =	simm.s32 @!p2 $0x0  }
0x16: {  	s3 =	sld [smem:$0x3FDB];
	s0 =	simm.s32 @p2 $0x1  }
0x17: {  	s4 =	simm.s32 $0x1BF5;
	[smem:$0x3FA9] =	sst s0  }
0x18: {  	s0 =	sld [smem:$0x3F8C];
	_ =	swait.ge [sflag:s4], $0x0  }
0x19: {  	s7 =	sld [smem:$0x3F8D]  }
0x1a: {  	s8 =	sadd.s32 $0xFFFFE003, lr  }
0x1b: {  	s9 =	sadd.s32 $0xFFFFFEF7, lr;
	s5 =	simm.s32 $0xFFFFFFFF;
	p2 =	slt.u32 s8, $0xFFFFF086  }
0x1c: {  	p1 =	slt.u32 s9, $0xF7A;
	s5 =	simm.s32 @!p2 $0x0  }
0x1d: {  	s5 =	simm.s32 @p1 $0x1;
	p0 =	seq.s32 s7, s2  }
0x1e: {  	s7 =	smul.u32 @!p0 $0xF7A, s2;
	p2 =	seq.s32 @!p0 s5, $0x0  }
0x1f: {  	s9 =	smul.u32 $0xF7A, s1;
	s8 =	simm.s32 @!p0 $0x1BF5;
	p2 =	por !p2, p0  }
0x20: {  	[sflag:s8] =	ssyncset.s32 @!p0 $0xFFFFF086;
	s6 =	sadd.s32 @!p0 s3, s7;
	s7 =	simm.s32 @!p0 $0x108  }
0x21: {  	s3 =	sadd.s32 s3, s9;
	s6 =	sadd.s32 @!p0 $0x88, s6;
	s7 =	simm.s32 @p2 $0x1082  }
0x22: {  	[simem:s7], [sflag:s8] =	dma.local @!p0 [hbm:s6], $0xF7A  }
0x23: {  	s9 =	sor.u32 $0xD0000000, s2;
	s6 =	simm.s32 $0x108;
	_ =	swait.ge @!p0 [sflag:s8], $0x0  }
0x24: {  	s3 =	sadd.s32 $0x88, s3;
	s6 =	simm.s32 @!p1 $0x1082;
	[sflag:s4] =	ssyncset.s32 $0xFFFFF086  }
0x25: {  	[simem:s6], [sflag:s4] =	dma.local [hbm:s3], $0xF7A  }
0x26: {  	[smem:$0x3F8D] =	sst s1;
	(tag) =	ssettag s2;
	_ =	strace s9  }
0x27: {  	s1 =	sld [smem:$0x3F9D]  }
0x28: {  	s2 =	sld [smem:$0x3F9E]  }
0x29: {  	s4 =	sld [smem:$0x3FA0]  }
0x2a: {  	p0 =	seq.s32 s5, $0x0;
	s5 =	sld [smem:$0x3FA1]  }
0x2b: {  	s6 =	sld [smem:$0x3FA2]  }
0x2c: {  	s7 =	sld [smem:$0x3FA3]  }
0x2d: {  	s3 =	simm.s32 $0x108;
	s8 =	sld [smem:$0x3FA4]  }
0x2e: {  	s3 =	simm.s32 @!p0 $0x1082;
	s9 =	sld [smem:$0x3FA5]  }
0x2f: {  	lr =	sadd.s32 s0, s3;
	s0 =	sld [smem:$0x3F9C]  }
0x30: {  	s3 =	sld [smem:$0x3F9F]  }
0x31: {  	[smem:$0x3FA8] =	sst s10  }
0x32: {  	s10 =	sld [smem:$0x3FA6];
	_ =	sdelay $0x3  }
0x33: {  	p0 =	seq.s32 s10, $0x1;
	s10 =	sld [smem:$0x3FA8];
	_ =	sdelay $0x3  }
0x34: {  	[smem:$0x3FA8] =	sst s10  }
0x35: {  	s10 =	sld [smem:$0x3FA7];
	_ =	sdelay $0x3  }
0x36: {  	p1 =	seq.s32 s10, $0x1;
	s10 =	sld [smem:$0x3FA8];
	_ =	sdelay $0x3  }
0x37: {  	[smem:$0x3FA8] =	sst s10  }
0x38: {  	s10 =	sld [smem:$0x3FA9]  }
0x39: {  	_ = 	snop;
	(pc) =	sbr.ind lr, $3  }
0x3a: {  	_ = 	snop  }
0x3b: {  	_ = 	snop  }
0x3c: {  	p2 =	seq.s32 s10, $0x1;
	s10 =	sld [smem:$0x3FA8]  }
0x3d: {  	_ =	shalt  }
0x3e: {  	_ =	shalt  }
0x3f: {  	_ =	shalt  }
0x40: {  	_ =	shalt  }
0x41: {  	_ =	shalt  }
0x42: {  	_ =	shalt  }
0x43: {  	_ =	shalt  }
0x44: {  	_ =	shalt  }
0x45: {  	_ =	shalt  }
0x46: {  	_ =	shalt  }
0x47: {  	_ =	shalt  }
0x48: {  	_ =	shalt  }
0x49: {  	_ =	shalt  }
0x4a: {  	_ =	shalt  }
0x4b: {  	_ =	shalt  }
0x4c: {  	_ =	shalt  }
0x4d: {  	_ =	shalt  }
0x4e: {  	_ =	shalt  }
0x4f: {  	_ =	shalt  }
0x50: {  	_ =	shalt  }
0x51: {  	_ =	shalt  }
0x52: {  	_ =	shalt  }
0x53: {  	_ =	shalt  }
0x54: {  	_ =	shalt  }
0x55: {  	_ =	shalt  }
0x56: {  	_ =	shalt  }
0x57: {  	_ =	shalt  }
0x58: {  	_ =	shalt  }
0x59: {  	_ =	shalt  }
0x5a: {  	_ =	shalt  }
0x5b: {  	_ =	shalt  }
0x5c: {  	_ =	shalt  }
0x5d: {  	_ =	shalt  }
0x5e: {  	_ =	shalt  }
0x5f: {  	_ =	shalt  }
0x60: {  	_ =	shalt  }
0x61: {  	_ =	shalt  }
0x62: {  	_ =	shalt  }
0x63: {  	_ =	shalt  }
0x64: {  	_ =	shalt  }
0x65: {  	_ =	shalt  }
0x66: {  	_ =	shalt  }
0x67: {  	_ =	shalt  }
0x68: {  	_ =	shalt  }
0x69: {  	_ =	shalt  }
0x6a: {  	_ =	shalt  }
0x6b: {  	_ =	shalt  }
0x6c: {  	_ =	shalt  }
0x6d: {  	_ =	shalt  }
0x6e: {  	_ =	shalt  }
0x6f: {  	_ =	shalt  }
0x70: {  	_ =	shalt  }
0x71: {  	_ =	shalt  }
0x72: {  	_ =	shalt  }
0x73: {  	_ =	shalt  }
0x74: {  	_ =	shalt  }
0x75: {  	_ =	shalt  }
0x76: {  	_ =	shalt  }
0x77: {  	_ =	shalt  }
0x78: {  	_ =	shalt  }
0x79: {  	_ =	shalt  }
0x7a: {  	_ =	shalt  }
0x7b: {  	_ =	shalt  }
0x7c: {  	_ =	shalt  }
0x7d: {  	_ =	shalt  }
0x7e: {  	_ =	shalt  }
0x7f: {  	_ =	shalt  }
0x80: {  	_ =	shalt  }
0x81: {  	_ =	shalt  }
0x82: {  	_ =	shalt  }
0x83: {  	_ =	shalt  }
0x84: {  	_ =	shalt  }
0x85: {  	_ =	shalt  }
0x86: {  	_ =	shalt  }
0x87: {  	_ =	shalt  }
.Lfunc_end0:
.L_simem_size_0:
called_computation.2_lowered:
.L_overlay_start_0:
0x88: {  	s2 =	sld [smem:$0x3FD9]  }
0x89: {  	s3 =	sld [smem:$0x3FFE];
	_ =	sdelay $0x1  }
0x8a: {  	s1 =	srdreg.scid  }
0x8b: {  	s0 =	sand.u32 $0x1, s1  }
0x8c: {  	s16 =	sshll.u32 s0, $0xA;
	s2 =	sadd.s32 s3, s2  }
0x8d: {  	s2 =	sadd.s32 s2, s16  }
0x8e: {  	[smem:$0x3FB4] =	sst s2  }
0x8f: {  	_ = 	snop  }
0x90: {  	(tm) =	ssettm $0x1  }
0x91: {  	s17 =	sld [smem:$0x3FFB];
	_ =	sdelay $0x3  }
0x92: {  	_ =	strace s17  }
0x93: {  	s2 =	sld [smem:$0x3FFC];
	_ =	sdelay $0x3  }
0x94: {  	_ =	strace s2  }
0x95: {  	s2 =	sld [smem:$0x3FFD];
	_ =	sdelay $0x3  }
0x96: {  	_ =	strace s2  }
0x97: {  	_ =	strace $0x8FFFFFFF  }
0x98: {  	s18 =	sld [smem:$0x3FDB];
	_ =	sdelay $0x1  }
0x99: {  	s19 =	simm.s32 $_scs_section_size  }
0x9a: {  	s4 =	simm.s32 $_size__tile_overlayer_lowered;
	s5 =	simm.s32 $_tile_overlayer_lowered  }
0x9b: {  	s22 =	simm.s32 $0x1BFF;
	s21 =	sshll.u32 s5, $0x1;
	s2 =	sadd.s32 s19, s18  }
0x9c: {  	s6 =	simm.s32 $0x0;
	s20 =	sshll.u32 s4, $0x1;
	s4 =	sadd.s32 s21, s2  }
0x9d: {  	[timem:s6], [sflag:s22] =	dma.local [hbm:s4], s20  }
0x9e: {  	_ =	swait.ge [sflag:s22], s20  }
0x9f: {  	s3 =	ssub.s32 $0x0, s20;
	[sflag:s22] =	ssyncset.done $0x0  }
0xa0: {  	[sflag:s22] =	ssyncadd.s32 s3;
	_ =	sdelay $0x1  }
0xa1: {  	s23 =	simm.s32 $0x1B8B  }
0xa2: {  	_ =	swait.ge [sflag:s23], $0x1  }
0xa3: {  	[sflag:s23] =	ssyncset.done $0x0  }
0xa4: {  	s25 =	simm.s32 $0x1B8E;
	s24 =	sld [smem:$0x3FFE];
	[sflag:s23] =	ssyncadd.s32 $0xFFFFFFFF  }
0xa5: {  	s26 =	simm.s32 $execute0_lowered;
	[smem:$0x3FD2] =	sst s25  }
0xa6: {  	s4 =	sshll.u32 s26, $0x1;
	_ =	strace $0x8000004C;
	[dreg:$0x1] =	wrdreg $0xFFFFFFFF  }
0xa7: {  	s28 =	simm.s32 $_size_execute0_lowered;
	s2 =	sadd.s32 s2, s4;
	[dreg:$0x0] =	wrdreg $0x0  }
0xa8: {  	s4 =	sshll.u32 s28, $0x1;
	[dreg:$0x2] =	wrdreg s2  }
0xa9: {  	[dreg:$0x3] =	wrdreg s4  }
0xaa: {  	[dreg:$0x4] =	wrdreg $0xC0  }
0xab: {  	_ =	task [dreg:s6], $0x5FFFF  }
0xac: {  	[dreg:$0x1] =	wrdreg $0xFFFFFFFF  }
0xad: {  	[dreg:$0x0] =	wrdreg $0x60  }
0xae: {  	[dreg:$0x2] =	wrdreg s24  }
0xaf: {  	[dreg:$0x3] =	wrdreg $0x9  }
0xb0: {  	_ =	task.clear_ibuf [dreg:s6], $0x4FFFF;
	_ =	strace $0x9000004C  }
0xb1: {  	s29 =	simm.s32 $0x9;
	_ =	strace $0x8000004E  }
0xb2: {  	_ =	swait.ge [sflag:s29], $0x1  }
0xb3: {  	[sflag:s29] =	ssyncadd.s32 $0xFFFFFFFF  }
0xb4: {  	_ =	strace $0x9000004E  }
0xb5: {  	_ =	sfence  }
0xb6: {  	s30 =	sld [smem:$0x0];
	_ =	sdelay $0x2  }
0xb7: {  	s31 =	sshll.u32 s1, $0xD;
	s1 =	sshrl.u32 s1, $0x2  }
0xb8: {  	s3 =	sand.u32 $0x4000, s31;
	s1 =	sadd.s32 s1, s30  }
0xb9: {  	s0 =	sor.u32 s3, s0;
	s1 =	sshll.u32 s1, $0x11  }
0xba: {  	s0 =	sor.u32 s1, s0  }
0xbb: {  	s0 =	sadd.s32 $0x8F2B, s0  }
0xbc: {  	[sflag:s0] =	ssyncadd.remote.s32 $0x1  }
0xbd: {  	_ =	sfence.sel $0xFFFF  }
0xbe: {  	[dreg:$0x0] =	wrdreg $0xFFFFFFFF;
	(pc) =	sbr.abs _section_cstart, $3  }
0xbf: {  	[dreg:$0x1] =	wrdreg $0xFFFFFFFF  }
0xc0: {  	_ =	task.clear_ibuf [dreg:s6], $0x2FFFF;
	_ =	strace $0x9FFFFFFF  }
0xc1: {  	(tm) =	ssettm $0x7FFFFFFF  }
tec
execute0_lowered:
.L_overlay_start_1:
0x0: {  	(tag) =	ssettag $0x1  }
0x1: {  	s3 =	rddreg [dreg:$0x0]  }
0x2: {  	s0 =	rddreg [dreg:$0x1];
	s1 =	simm.s32 $0x0;
	s5 =	srdreg.scid  }
0x3: {  	s30 =	simm.s32 $0x2B20;
	s9 =	simm.s32 $0x1E0;
	s10 =	simm.s32 $0xF320  }
0x4: {  	s31 =	simm.s32 $0xA0;
	s11 =	simm.s32 $0x230;
	s12 =	simm.s32 $0x11B20  }
0x5: {  	s13 =	simm.s32 $0xF0;
	s14 =	simm.s32 $0x7B20;
	s15 =	simm.s32 $0x280  }
0x6: {  	s16 =	simm.s32 $0x14320;
	s17 =	simm.s32 $0x140;
	s18 =	simm.s32 $0xA320  }
0x7: {  	s19 =	simm.s32 $0x2D0;
	s20 =	simm.s32 $0x16B20;
	s21 =	simm.s32 $0x1  }
0x8: {  	s22 =	simm.s32 $0x2;
	[smem:$0x7FF] =	sst s1;
	s2 =	sadd.s32 $0xEA00, s3  }
0x9: {  	s4 =	sadd.s32 $0x4C00, s3;
	_ =	strace $0x8000004D;
	[dreg:$0x2] =	wrdreg s2  }
0xa: {  	s23 =	simm.s32 $0x0;
	s6 =	sadd.s32 $0x40800, s3;
	[dreg:$0x3] =	wrdreg s4  }
0xb: {  	s25 =	sand.u32 $0x1, s5;
	s28 =	sadd.s32 $0x522800, s3;
	[dreg:$0x4] =	wrdreg s6  }
0xc: {  	s3 =	sadd.s32 $0x18800, s3;
	s2 =	stileid.u32;
	[dreg:$0x5] =	wrdreg s28  }
0xd: {  	s7 =	ssub.s32 $0x2, s25;
	s4 =	smul.u32 $0x2710, s25;
	[dreg:$0x7] =	wrdreg s30  }
0xe: {  	s6 =	simm.s32 $0x190;
	[dreg:$0x8] =	wrdreg s9;
	s9 =	simm.s32 $0xCB20  }
0xf: {  	[dreg:$0x9] =	wrdreg s10;
	s26 =	smul.u32 $0x4E20, s2;
	s8 =	sshrl.u32 s7, $0x1  }
0x10: {  	[dreg:$0xa] =	wrdreg s31;
	s10 =	simm.s32 $0x5320;
	s29 =	ssub.s32 s7, s8  }
0x11: {  	s7 =	simm.s32 $0x50;
	s8 =	simm.s32 $0x320;
	s5 =	sadd.s32 s4, s26  }
0x12: {  	s4 =	smax.u32 s29, $0x1;
	[dreg:$0x6] =	wrdreg s5;
	s5 =	simm.s32 $0x3  }
.LBB2_1:
0x13: {  	s24 =	rddreg [dreg:$0x6]  }
0x14: {  	s24 =	sadd.s32 $0x0, s24  }
0x15: {  	s25 =	smulhi.u32 $0xCCCCCCCD, s24;
	_ =	sdelay $0x1  }
0x16: {  	s25 =	sshrl.u32 s25, $0x6  }
0x17: {  	s25 =	smul.u32 $0x50, s25;
	_ =	sdelay $0x1  }
0x18: {  	s26 =	rddreg [dreg:$0x2];
	s25 =	sshrl.u32 s25, $0x3  }
0x19: {  	s26 =	sadd.s32 s26, s25  }
0x1a: {  	[tilespmem:s1], [sflag:$0x3] =	stream.linear.gather [hbm4b:s26+s1], $0x190, $0x38;
	[tilespmem:$0x19320] =	vst v63  }
0x1b: {  	_ =	swait.ge [sflag:s5], $0x190  }
0x1c: {  	s29 =	rddreg [dreg:$0x3];
	[sflag:s5] =	ssyncset.done $0x0  }
0x1d: {  	[sflag:s5] =	ssyncadd.s32 $0xFFFFFE70;
	s25 =	sadd.s32 s29, s25  }
0x1e: {  	[tilespmem:s6], [sflag:$0x3] =	stream.linear.gather [hbm4b:s25+s1], $0x190, $0x38;
	[tilespmem:$0x19320] =	vst v63  }
0x1f: {  	_ =	swait.ge [sflag:s5], $0x190  }
0x20: {  	[sflag:s5] =	ssyncset.done $0x0  }
0x21: {  	[sflag:s5] =	ssyncadd.s32 $0xFFFFFE70  }
0x22: {  	[tilespmem:s8], [sflag:$0x1] =	stream.indirect.gather [hbm4b:s3+s7], $0x80, s1, s7, $0xb8;
	[tilespmem:$0x19320] =	vst v63  }
0x23: {  	s30 =	rddreg [dreg:$0x9]  }
0x24: {  	[tilespmem:s9], [sflag:$0x2] =	stream.indirect.gather [hbm4b:s3+s7], $0x80, s6, s7, $0xb8;
	[tilespmem:$0x19320] =	vst v63  }
0x25: {  	s31 =	rddreg [dreg:$0x7]  }
0x26: {  	[tilespmem:s31], [sflag:$0x1] =	stream.indirect.gather [hbm4b:s3+s7], $0x80, s7, s7, $0xb8;
	[tilespmem:$0x19320] =	vst v63  }
0x27: {  	s28 =	rddreg [dreg:$0x8]  }
0x28: {  	[tilespmem:s30], [sflag:$0x2] =	stream.indirect.gather [hbm4b:s3+s7], $0x80, s28, s7, $0xb8;
	[tilespmem:$0x19320] =	vst v63  }
0x29: {  	s29 =	rddreg [dreg:$0xa]  }
0x2a: {  	[tilespmem:s10], [sflag:$0x1] =	stream.indirect.gather [hbm4b:s3+s7], $0x80, s29, s7, $0xb8;
	[tilespmem:$0x19320] =	vst v63  }
0x2b: {  	_ = 	snop  }
0x2c: {  	[tilespmem:s12], [sflag:$0x2] =	stream.indirect.gather [hbm4b:s3+s7], $0x80, s11, s7, $0xb8;
	[tilespmem:$0x19320] =	vst v63  }
0x2d: {  	_ = 	snop  }
0x2e: {  	[tilespmem:s14], [sflag:$0x1] =	stream.indirect.gather [hbm4b:s3+s7], $0x80, s13, s7, $0xb8;
	[tilespmem:$0x19320] =	vst v63  }
0x2f: {  	_ = 	snop  }
0x30: {  	[tilespmem:s16], [sflag:$0x2] =	stream.indirect.gather [hbm4b:s3+s7], $0x80, s15, s7, $0xb8;
	[tilespmem:$0x19320] =	vst v63  }
0x31: {  	_ = 	snop  }
0x32: {  	[tilespmem:s18], [sflag:$0x1] =	stream.indirect.gather [hbm4b:s3+s7], $0x80, s17, s7, $0xb8;
	[tilespmem:$0x19320] =	vst v63  }
0x33: {  	_ = 	snop  }
0x34: {  	[tilespmem:s20], [sflag:$0x2] =	stream.indirect.gather [hbm4b:s3+s7], $0x80, s19, s7, $0xb8;
	[tilespmem:$0x19320] =	vst v63  }
0x35: {  	_ =	swait.ge [sflag:s21], $0x2800  }
0x36: {  	[sflag:s21] =	ssyncset.done $0x0  }
0x37: {  	[sflag:s21] =	ssyncadd.s32 $0xFFFFD800  }
0x38: {  	_ =	swait.ge [sflag:s22], $0x2800  }
0x39: {  	[sflag:s22] =	ssyncset.done $0x0  }
0x3a: {  	[sflag:s22] =	ssyncadd.s32 $0xFFFFD800  }
0x3b: {  	_ =	swait.ge [sflag:s21], $0x2800  }
0x3c: {  	[sflag:s21] =	ssyncset.done $0x0  }
0x3d: {  	[sflag:s21] =	ssyncadd.s32 $0xFFFFD800  }
0x3e: {  	_ =	swait.ge [sflag:s22], $0x2800  }
0x3f: {  	[sflag:s22] =	ssyncset.done $0x0  }
0x40: {  	[sflag:s22] =	ssyncadd.s32 $0xFFFFD800  }
0x41: {  	_ =	swait.ge [sflag:s21], $0x2800  }
0x42: {  	[sflag:s21] =	ssyncset.done $0x0  }
0x43: {  	[sflag:s21] =	ssyncadd.s32 $0xFFFFD800  }
0x44: {  	_ =	swait.ge [sflag:s22], $0x2800  }
0x45: {  	[sflag:s22] =	ssyncset.done $0x0  }
0x46: {  	[sflag:s22] =	ssyncadd.s32 $0xFFFFD800  }
0x47: {  	_ =	swait.ge [sflag:s21], $0x2800  }
0x48: {  	[sflag:s21] =	ssyncset.done $0x0  }
0x49: {  	[sflag:s21] =	ssyncadd.s32 $0xFFFFD800  }
0x4a: {  	_ =	swait.ge [sflag:s22], $0x2800  }
0x4b: {  	[sflag:s22] =	ssyncset.done $0x0  }
0x4c: {  	[sflag:s22] =	ssyncadd.s32 $0xFFFFD800  }
0x4d: {  	_ =	swait.ge [sflag:s21], $0x2800  }
0x4e: {  	[sflag:s21] =	ssyncset.done $0x0  }
0x4f: {  	[sflag:s21] =	ssyncadd.s32 $0xFFFFD800  }
0x50: {  	s24 =	sshll.u32 s24, $0x4;
	_ =	swait.ge [sflag:s22], $0x2800  }
0x51: {  	s24 =	sand.u32 $0x1FFFFF00, s24;
	s30 =	rddreg [dreg:$0x4];
	[sflag:s22] =	ssyncset.done $0x0  }
0x52: {  	[sflag:s22] =	ssyncadd.s32 $0xFFFFD800;
	s25 =	sadd.s32 s30, s24  }
0x53: {  	[hbm4b:s25+s1] =	stream.linear.scatter [tilespmem:s8], [sflag:$0x3], $0xC800, $0x38;
	[tilespmem:$0x19320] =	vst v63  }
0x54: {  	_ =	swait.ge [sflag:s5], $0xC800  }
0x55: {  	s31 =	rddreg [dreg:$0x5];
	[sflag:s5] =	ssyncset.done $0x0  }
0x56: {  	[sflag:s5] =	ssyncadd.s32 $0xFFFF3800;
	s24 =	sadd.s32 s31, s24  }
0x57: {  	[hbm4b:s24+s1] =	stream.linear.scatter [tilespmem:s9], [sflag:$0x3], $0xC800, $0x38;
	[tilespmem:$0x19320] =	vst v63  }
0x58: {  	s25 =	simm.s32 $0x320;
	_ =	swait.ge [sflag:s5], $0xC800  }
0x59: {  	s24 =	simm.s32 $0x190;
	s26 =	rddreg [dreg:$0x6];
	[sflag:s5] =	ssyncset.done $0x0  }
.LBB2_2:
0x5a: {  	s26 =	sadd.s32 s24, s26  }
0x5b: {  	s29 =	smulhi.u32 $0xCCCCCCCD, s26  }
0x5c: {  	s28 =	smov.u32 s25  }
0x5d: {  	s24 =	smov.u32 s28;
	s28 =	sshrl.u32 s29, $0x6  }
0x5e: {  	s28 =	smul.u32 $0x50, s28;
	_ =	sdelay $0x1  }
0x5f: {  	s29 =	rddreg [dreg:$0x2];
	s28 =	sshrl.u32 s28, $0x3  }
0x60: {  	[sflag:s5] =	ssyncadd.s32 $0xFFFF3800;
	s29 =	sadd.s32 s29, s28  }
0x61: {  	[tilespmem:s1], [sflag:$0x3] =	stream.linear.gather [hbm4b:s29+s1], $0x190, $0x38;
	[tilespmem:$0x19320] =	vst v63  }
0x62: {  	_ =	swait.ge [sflag:s5], $0x190  }
0x63: {  	s30 =	rddreg [dreg:$0x3];
	[sflag:s5] =	ssyncset.done $0x0  }
0x64: {  	[sflag:s5] =	ssyncadd.s32 $0xFFFFFE70;
	s28 =	sadd.s32 s30, s28  }
0x65: {  	[tilespmem:s6], [sflag:$0x3] =	stream.linear.gather [hbm4b:s28+s1], $0x190, $0x38;
	[tilespmem:$0x19320] =	vst v63  }
0x66: {  	_ =	swait.ge [sflag:s5], $0x190  }
0x67: {  	[sflag:s5] =	ssyncset.done $0x0  }
0x68: {  	[sflag:s5] =	ssyncadd.s32 $0xFFFFFE70  }
0x69: {  	[tilespmem:s8], [sflag:$0x1] =	stream.indirect.gather [hbm4b:s3+s7], $0x80, s1, s7, $0xb8;
	[tilespmem:$0x19320] =	vst v63  }
0x6a: {  	s28 =	rddreg [dreg:$0x9]  }
0x6b: {  	[tilespmem:s9], [sflag:$0x2] =	stream.indirect.gather [hbm4b:s3+s7], $0x80, s6, s7, $0xb8;
	[tilespmem:$0x19320] =	vst v63  }
0x6c: {  	s31 =	rddreg [dreg:$0x7]  }
0x6d: {  	[tilespmem:s31], [sflag:$0x1] =	stream.indirect.gather [hbm4b:s3+s7], $0x80, s7, s7, $0xb8;
	[tilespmem:$0x19320] =	vst v63  }
0x6e: {  	s30 =	rddreg [dreg:$0x8]  }
0x6f: {  	[tilespmem:s28], [sflag:$0x2] =	stream.indirect.gather [hbm4b:s3+s7], $0x80, s30, s7, $0xb8;
	[tilespmem:$0x19320] =	vst v63  }
0x70: {  	s31 =	rddreg [dreg:$0xa]  }
0x71: {  	[tilespmem:s10], [sflag:$0x1] =	stream.indirect.gather [hbm4b:s3+s7], $0x80, s31, s7, $0xb8;
	[tilespmem:$0x19320] =	vst v63  }
0x72: {  	_ = 	snop  }
0x73: {  	[tilespmem:s12], [sflag:$0x2] =	stream.indirect.gather [hbm4b:s3+s7], $0x80, s11, s7, $0xb8;
	[tilespmem:$0x19320] =	vst v63  }
0x74: {  	_ = 	snop  }
0x75: {  	[tilespmem:s14], [sflag:$0x1] =	stream.indirect.gather [hbm4b:s3+s7], $0x80, s13, s7, $0xb8;
	[tilespmem:$0x19320] =	vst v63  }
0x76: {  	_ = 	snop  }
0x77: {  	[tilespmem:s16], [sflag:$0x2] =	stream.indirect.gather [hbm4b:s3+s7], $0x80, s15, s7, $0xb8;
	[tilespmem:$0x19320] =	vst v63  }
0x78: {  	_ = 	snop  }
0x79: {  	[tilespmem:s18], [sflag:$0x1] =	stream.indirect.gather [hbm4b:s3+s7], $0x80, s17, s7, $0xb8;
	[tilespmem:$0x19320] =	vst v63  }
0x7a: {  	_ = 	snop  }
0x7b: {  	[tilespmem:s20], [sflag:$0x2] =	stream.indirect.gather [hbm4b:s3+s7], $0x80, s19, s7, $0xb8;
	[tilespmem:$0x19320] =	vst v63  }
0x7c: {  	_ =	swait.ge [sflag:s21], $0x2800  }
0x7d: {  	[sflag:s21] =	ssyncset.done $0x0  }
0x7e: {  	[sflag:s21] =	ssyncadd.s32 $0xFFFFD800  }
0x7f: {  	_ =	swait.ge [sflag:s22], $0x2800  }
0x80: {  	[sflag:s22] =	ssyncset.done $0x0  }
0x81: {  	[sflag:s22] =	ssyncadd.s32 $0xFFFFD800  }
0x82: {  	_ =	swait.ge [sflag:s21], $0x2800  }
0x83: {  	[sflag:s21] =	ssyncset.done $0x0  }
0x84: {  	[sflag:s21] =	ssyncadd.s32 $0xFFFFD800  }
0x85: {  	_ =	swait.ge [sflag:s22], $0x2800  }
0x86: {  	[sflag:s22] =	ssyncset.done $0x0  }
0x87: {  	[sflag:s22] =	ssyncadd.s32 $0xFFFFD800  }
0x88: {  	_ =	swait.ge [sflag:s21], $0x2800  }
0x89: {  	[sflag:s21] =	ssyncset.done $0x0  }
0x8a: {  	[sflag:s21] =	ssyncadd.s32 $0xFFFFD800  }
0x8b: {  	_ =	swait.ge [sflag:s22], $0x2800  }
0x8c: {  	[sflag:s22] =	ssyncset.done $0x0  }
0x8d: {  	[sflag:s22] =	ssyncadd.s32 $0xFFFFD800  }
0x8e: {  	_ =	swait.ge [sflag:s21], $0x2800  }
0x8f: {  	[sflag:s21] =	ssyncset.done $0x0  }
0x90: {  	[sflag:s21] =	ssyncadd.s32 $0xFFFFD800  }
0x91: {  	_ =	swait.ge [sflag:s22], $0x2800  }
0x92: {  	[sflag:s22] =	ssyncset.done $0x0  }
0x93: {  	[sflag:s22] =	ssyncadd.s32 $0xFFFFD800  }
0x94: {  	_ =	swait.ge [sflag:s21], $0x2800  }
0x95: {  	[sflag:s21] =	ssyncset.done $0x0  }
0x96: {  	[sflag:s21] =	ssyncadd.s32 $0xFFFFD800  }
0x97: {  	s26 =	sshll.u32 s26, $0x4;
	_ =	swait.ge [sflag:s22], $0x2800  }
0x98: {  	s26 =	sand.u32 $0x1FFFFF00, s26;
	s30 =	rddreg [dreg:$0x4];
	[sflag:s22] =	ssyncset.done $0x0  }
0x99: {  	[sflag:s22] =	ssyncadd.s32 $0xFFFFD800;
	s28 =	sadd.s32 s30, s26  }
0x9a: {  	[hbm4b:s28+s1] =	stream.linear.scatter [tilespmem:s8], [sflag:$0x3], $0xC800, $0x38;
	[tilespmem:$0x19320] =	vst v63  }
0x9b: {  	p0 =	sne.s32 s25, $0x2580;
	_ =	swait.ge [sflag:s5], $0xC800  }
.Ltmp0:
0x9c: {  	s31 =	rddreg [dreg:$0x5];
	[sflag:s5] =	ssyncset.done $0x0;
	(pc) =	sbr.rel @p0 .LBB2_2-.Ltmp0, $4  }
0x9d: {  	[sflag:s5] =	ssyncadd.s32 $0xFFFF3800;
	s26 =	sadd.s32 s31, s26  }
0x9e: {  	[hbm4b:s26+s1] =	stream.linear.scatter [tilespmem:s9], [sflag:$0x3], $0xC800, $0x38;
	[tilespmem:$0x19320] =	vst v63  }
0x9f: {  	_ =	swait.ge [sflag:s5], $0xC800  }
0xa0: {  	s25 =	sadd.s32 $0x190, s25;
	s26 =	rddreg [dreg:$0x6];
	[sflag:s5] =	ssyncset.done $0x0  }
0xa1: {  	s24 =	sadd.s32 s24, s26  }
0xa2: {  	s25 =	smulhi.u32 $0xCCCCCCCD, s24;
	_ =	sdelay $0x1  }
0xa3: {  	s25 =	sshrl.u32 s25, $0x6  }
0xa4: {  	s25 =	smul.u32 $0x50, s25;
	_ =	sdelay $0x1  }
0xa5: {  	s28 =	rddreg [dreg:$0x2];
	s25 =	sshrl.u32 s25, $0x3  }
0xa6: {  	[sflag:s5] =	ssyncadd.s32 $0xFFFF3800;
	s26 =	sadd.s32 s28, s25  }
0xa7: {  	[tilespmem:s1], [sflag:$0x3] =	stream.linear.gather [hbm4b:s26+s1], $0x190, $0x38;
	[tilespmem:$0x19320] =	vst v63  }
0xa8: {  	_ =	swait.ge [sflag:s5], $0x190  }
0xa9: {  	s29 =	rddreg [dreg:$0x3];
	[sflag:s5] =	ssyncset.done $0x0  }
0xaa: {  	[sflag:s5] =	ssyncadd.s32 $0xFFFFFE70;
	s25 =	sadd.s32 s29, s25  }
0xab: {  	[tilespmem:s6], [sflag:$0x3] =	stream.linear.gather [hbm4b:s25+s1], $0x190, $0x38;
	[tilespmem:$0x19320] =	vst v63  }
0xac: {  	_ =	swait.ge [sflag:s5], $0x190  }
0xad: {  	[sflag:s5] =	ssyncset.done $0x0  }
0xae: {  	[sflag:s5] =	ssyncadd.s32 $0xFFFFFE70  }
0xaf: {  	[tilespmem:s8], [sflag:$0x1] =	stream.indirect.gather [hbm4b:s3+s7], $0x80, s1, s7, $0xb8;
	[tilespmem:$0x19320] =	vst v63  }
0xb0: {  	s30 =	rddreg [dreg:$0x9]  }
0xb1: {  	[tilespmem:s9], [sflag:$0x2] =	stream.indirect.gather [hbm4b:s3+s7], $0x80, s6, s7, $0xb8;
	[tilespmem:$0x19320] =	vst v63  }
0xb2: {  	s31 =	rddreg [dreg:$0x7]  }
0xb3: {  	[tilespmem:s31], [sflag:$0x1] =	stream.indirect.gather [hbm4b:s3+s7], $0x80, s7, s7, $0xb8;
	[tilespmem:$0x19320] =	vst v63  }
0xb4: {  	s28 =	rddreg [dreg:$0x8]  }
0xb5: {  	[tilespmem:s30], [sflag:$0x2] =	stream.indirect.gather [hbm4b:s3+s7], $0x80, s28, s7, $0xb8;
	[tilespmem:$0x19320] =	vst v63  }
0xb6: {  	s29 =	rddreg [dreg:$0xa]  }
0xb7: {  	[tilespmem:s10], [sflag:$0x1] =	stream.indirect.gather [hbm4b:s3+s7], $0x80, s29, s7, $0xb8;
	[tilespmem:$0x19320] =	vst v63  }
0xb8: {  	_ = 	snop  }
0xb9: {  	[tilespmem:s12], [sflag:$0x2] =	stream.indirect.gather [hbm4b:s3+s7], $0x80, s11, s7, $0xb8;
	[tilespmem:$0x19320] =	vst v63  }
0xba: {  	_ = 	snop  }
0xbb: {  	[tilespmem:s14], [sflag:$0x1] =	stream.indirect.gather [hbm4b:s3+s7], $0x80, s13, s7, $0xb8;
	[tilespmem:$0x19320] =	vst v63  }
0xbc: {  	_ = 	snop  }
0xbd: {  	[tilespmem:s16], [sflag:$0x2] =	stream.indirect.gather [hbm4b:s3+s7], $0x80, s15, s7, $0xb8;
	[tilespmem:$0x19320] =	vst v63  }
0xbe: {  	_ = 	snop  }
0xbf: {  	[tilespmem:s18], [sflag:$0x1] =	stream.indirect.gather [hbm4b:s3+s7], $0x80, s17, s7, $0xb8;
	[tilespmem:$0x19320] =	vst v63  }
0xc0: {  	_ = 	snop  }
0xc1: {  	[tilespmem:s20], [sflag:$0x2] =	stream.indirect.gather [hbm4b:s3+s7], $0x80, s19, s7, $0xb8;
	[tilespmem:$0x19320] =	vst v63  }
0xc2: {  	_ =	swait.ge [sflag:s21], $0x2800  }
0xc3: {  	[sflag:s21] =	ssyncset.done $0x0  }
0xc4: {  	[sflag:s21] =	ssyncadd.s32 $0xFFFFD800  }
0xc5: {  	_ =	swait.ge [sflag:s22], $0x2800  }
0xc6: {  	[sflag:s22] =	ssyncset.done $0x0  }
0xc7: {  	[sflag:s22] =	ssyncadd.s32 $0xFFFFD800  }
0xc8: {  	_ =	swait.ge [sflag:s21], $0x2800  }
0xc9: {  	[sflag:s21] =	ssyncset.done $0x0  }
0xca: {  	[sflag:s21] =	ssyncadd.s32 $0xFFFFD800  }
0xcb: {  	_ =	swait.ge [sflag:s22], $0x2800  }
0xcc: {  	[sflag:s22] =	ssyncset.done $0x0  }
0xcd: {  	[sflag:s22] =	ssyncadd.s32 $0xFFFFD800  }
0xce: {  	_ =	swait.ge [sflag:s21], $0x2800  }
0xcf: {  	[sflag:s21] =	ssyncset.done $0x0  }
0xd0: {  	[sflag:s21] =	ssyncadd.s32 $0xFFFFD800  }
0xd1: {  	_ =	swait.ge [sflag:s22], $0x2800  }
0xd2: {  	[sflag:s22] =	ssyncset.done $0x0  }
0xd3: {  	[sflag:s22] =	ssyncadd.s32 $0xFFFFD800  }
0xd4: {  	_ =	swait.ge [sflag:s21], $0x2800  }
0xd5: {  	[sflag:s21] =	ssyncset.done $0x0  }
0xd6: {  	[sflag:s21] =	ssyncadd.s32 $0xFFFFD800  }
0xd7: {  	_ =	swait.ge [sflag:s22], $0x2800  }
0xd8: {  	[sflag:s22] =	ssyncset.done $0x0  }
0xd9: {  	[sflag:s22] =	ssyncadd.s32 $0xFFFFD800  }
0xda: {  	_ =	swait.ge [sflag:s21], $0x2800  }
0xdb: {  	[sflag:s21] =	ssyncset.done $0x0  }
0xdc: {  	[sflag:s21] =	ssyncadd.s32 $0xFFFFD800  }
0xdd: {  	s24 =	sshll.u32 s24, $0x4;
	_ =	swait.ge [sflag:s22], $0x2800  }
0xde: {  	s24 =	sand.u32 $0x1FFFFF00, s24;
	s30 =	rddreg [dreg:$0x4];
	[sflag:s22] =	ssyncset.done $0x0  }
0xdf: {  	[sflag:s22] =	ssyncadd.s32 $0xFFFFD800;
	s25 =	sadd.s32 s30, s24  }
0xe0: {  	[hbm4b:s25+s1] =	stream.linear.scatter [tilespmem:s8], [sflag:$0x3], $0xC800, $0x38;
	[tilespmem:$0x19320] =	vst v63  }
0xe1: {  	s23 =	sadd.s32 $0x1, s23;
	_ =	swait.ge [sflag:s5], $0xC800  }
0xe2: {  	p0 =	sne.s32 s23, s4;
	s31 =	rddreg [dreg:$0x5];
	[sflag:s5] =	ssyncset.done $0x0  }
.Ltmp1:
0xe3: {  	[sflag:s5] =	ssyncadd.s32 $0xFFFF3800;
	s24 =	sadd.s32 s31, s24;
	(pc) =	sbr.rel @p0 .LBB2_1-.Ltmp1, $4  }
0xe4: {  	[hbm4b:s24+s1] =	stream.linear.scatter [tilespmem:s9], [sflag:$0x3], $0xC800, $0x38;
	[tilespmem:$0x19320] =	vst v63  }
0xe5: {  	_ =	swait.ge [sflag:s5], $0xC800  }
0xe6: {  	[sflag:s5] =	ssyncset.done $0x0  }
0xe7: {  	[sflag:s5] =	ssyncadd.s32 $0xFFFF3800  }
0xe8: {  	_ =	sfence.sel $0x180000  }
0xe9: {  	[bflag:$0x0] =	sbarrier.arrive $0xFFFF  }
0xea: {  	p0 =	sne.s32 s2, $0x0;
	_ =	strace $0x9000004D  }
0xeb: {  	s0 =	sadd.s32 @!p0 $0x100000, s0;
	[bflag:$0x2] =	sbarrier.arrive $0xFFFF  }
0xec: {  	[sflag:s0] =	ssyncadd.tile.s32 @!p0 $0x1;
	_ =	shalt  }
.Lfunc_end2:
_tile_overlayer_lowered:
.L_overlay_start_2:
0xed: {  	(tag) =	ssettag $0x2  }
0xee: {  	s0 =	rddreg [dreg:$0x0];
	s2 =	stileid.u32  }
0xef: {  	s1 =	rddreg [dreg:$0x1];
	p0 =	sne.s32 s2, $0x0  }
0xf0: {  	s3 =	rddreg [dreg:$0x2];
	[bflag:$0x3] =	sbarrier.arrive $0xFFFF;
	s2 =	simm.s32 @!p0 $0x1C03  }
0xf1: {  	[timem:s3], [sflag:s2] =	dma.local @!p0 [hbm:s0], s1  }
0xf2: {  	s0 =	simm.s32 @!p0 $0x3  }
0xf3: {  	_ =	swait.ge @!p0 [sflag:s0], s1  }
0xf4: {  	s1 =	ssub.s32 @!p0 $0x0, s1;
	[sflag:s0] =	ssyncset.done @!p0 $0x0  }
0xf5: {  	[sflag:s0] =	ssyncadd.s32 @!p0 s1  }
0xf6: {  	[bflag:$0x3] =	sbarrier.arrive $0xFFFF  }
0xf7: {  	_ =	shalt  }

// kernel: kernel.21.cloned.1.call-start
scs
__scs_entry_jumppad:
0x0: {  	(pc) =	sbr.rel $0x88, $3  }
0x1: {  	(tag) =	ssettag $0x0;
	lr =	simm.s32 $0x1  }
0x2: {  	[smem:$0x3F8D] =	sst lr;
	_ =	strace $0xD0000000  }
0x3: {  	_ = 	snop  }
0x4: {  	_ = 	snop  }
0x5: {  	_ = 	snop  }
0x6: {  	_ = 	snop  }
0x7: {  	_ = 	snop  }
__scs_overlays_trampoline_lowered:
0x8: {  	[smem:$0x3F9C] =	sst s0  }
0x9: {  	[smem:$0x3F9D] =	sst s1  }
0xa: {  	[smem:$0x3F9E] =	sst s2  }
0xb: {  	[smem:$0x3F9F] =	sst s3  }
0xc: {  	[smem:$0x3FA0] =	sst s4  }
0xd: {  	[smem:$0x3FA1] =	sst s5  }
0xe: {  	[smem:$0x3FA2] =	sst s6  }
0xf: {  	[smem:$0x3FA3] =	sst s7  }
0x10: {  	[smem:$0x3FA4] =	sst s8  }
0x11: {  	[smem:$0x3FA5] =	sst s9;
	s0 =	simm.s32 @!p0 $0x0  }
0x12: {  	s1 =	sld [smem:$0x3F8B];
	s0 =	simm.s32 @p0 $0x1  }
0x13: {  	[smem:$0x3FA6] =	sst s0;
	s0 =	simm.s32 @!p1 $0x0  }
0x14: {  	s2 =	sld [smem:$0x3F8A];
	s0 =	simm.s32 @p1 $0x1  }
0x15: {  	[smem:$0x3FA7] =	sst s0;
	s0 =	simm.s32 @!p2 $0x0  }
0x16: {  	s3 =	sld [smem:$0x3FDB];
	s0 =	simm.s32 @p2 $0x1  }
0x17: {  	s4 =	simm.s32 $0x1BF5;
	[smem:$0x3FA9] =	sst s0  }
0x18: {  	s0 =	sld [smem:$0x3F8C];
	_ =	swait.ge [sflag:s4], $0x0  }
0x19: {  	s7 =	sld [smem:$0x3F8D]  }
0x1a: {  	s8 =	sadd.s32 $0xFFFFE003, lr  }
0x1b: {  	s9 =	sadd.s32 $0xFFFFFEF7, lr;
	s5 =	simm.s32 $0xFFFFFFFF;
	p2 =	slt.u32 s8, $0xFFFFF086  }
0x1c: {  	p1 =	slt.u32 s9, $0xF7A;
	s5 =	simm.s32 @!p2 $0x0  }
0x1d: {  	s5 =	simm.s32 @p1 $0x1;
	p0 =	seq.s32 s7, s2  }
0x1e: {  	s7 =	smul.u32 @!p0 $0xF7A, s2;
	p2 =	seq.s32 @!p0 s5, $0x0  }
0x1f: {  	s9 =	smul.u32 $0xF7A, s1;
	s8 =	simm.s32 @!p0 $0x1BF5;
	p2 =	por !p2, p0  }
0x20: {  	[sflag:s8] =	ssyncset.s32 @!p0 $0xFFFFF086;
	s6 =	sadd.s32 @!p0 s3, s7;
	s7 =	simm.s32 @!p0 $0x108  }
0x21: {  	s3 =	sadd.s32 s3, s9;
	s6 =	sadd.s32 @!p0 $0x88, s6;
	s7 =	simm.s32 @p2 $0x1082  }
0x22: {  	[simem:s7], [sflag:s8] =	dma.local @!p0 [hbm:s6], $0xF7A  }
0x23: {  	s9 =	sor.u32 $0xD0000000, s2;
	s6 =	simm.s32 $0x108;
	_ =	swait.ge @!p0 [sflag:s8], $0x0  }
0x24: {  	s3 =	sadd.s32 $0x88, s3;
	s6 =	simm.s32 @!p1 $0x1082;
	[sflag:s4] =	ssyncset.s32 $0xFFFFF086  }
0x25: {  	[simem:s6], [sflag:s4] =	dma.local [hbm:s3], $0xF7A  }
0x26: {  	[smem:$0x3F8D] =	sst s1;
	(tag) =	ssettag s2;
	_ =	strace s9  }
0x27: {  	s1 =	sld [smem:$0x3F9D]  }
0x28: {  	s2 =	sld [smem:$0x3F9E]  }
0x29: {  	s4 =	sld [smem:$0x3FA0]  }
0x2a: {  	p0 =	seq.s32 s5, $0x0;
	s5 =	sld [smem:$0x3FA1]  }
0x2b: {  	s6 =	sld [smem:$0x3FA2]  }
0x2c: {  	s7 =	sld [smem:$0x3FA3]  }
0x2d: {  	s3 =	simm.s32 $0x108;
	s8 =	sld [smem:$0x3FA4]  }
0x2e: {  	s3 =	simm.s32 @!p0 $0x1082;
	s9 =	sld [smem:$0x3FA5]  }
0x2f: {  	lr =	sadd.s32 s0, s3;
	s0 =	sld [smem:$0x3F9C]  }
0x30: {  	s3 =	sld [smem:$0x3F9F]  }
0x31: {  	[smem:$0x3FA8] =	sst s10  }
0x32: {  	s10 =	sld [smem:$0x3FA6];
	_ =	sdelay $0x3  }
0x33: {  	p0 =	seq.s32 s10, $0x1;
	s10 =	sld [smem:$0x3FA8];
	_ =	sdelay $0x3  }
0x34: {  	[smem:$0x3FA8] =	sst s10  }
0x35: {  	s10 =	sld [smem:$0x3FA7];
	_ =	sdelay $0x3  }
0x36: {  	p1 =	seq.s32 s10, $0x1;
	s10 =	sld [smem:$0x3FA8];
	_ =	sdelay $0x3  }
0x37: {  	[smem:$0x3FA8] =	sst s10  }
0x38: {  	s10 =	sld [smem:$0x3FA9]  }
0x39: {  	_ = 	snop;
	(pc) =	sbr.ind lr, $3  }
0x3a: {  	_ = 	snop  }
0x3b: {  	_ = 	snop  }
0x3c: {  	p2 =	seq.s32 s10, $0x1;
	s10 =	sld [smem:$0x3FA8]  }
0x3d: {  	_ =	shalt  }
0x3e: {  	_ =	shalt  }
0x3f: {  	_ =	shalt  }
0x40: {  	_ =	shalt  }
0x41: {  	_ =	shalt  }
0x42: {  	_ =	shalt  }
0x43: {  	_ =	shalt  }
0x44: {  	_ =	shalt  }
0x45: {  	_ =	shalt  }
0x46: {  	_ =	shalt  }
0x47: {  	_ =	shalt  }
0x48: {  	_ =	shalt  }
0x49: {  	_ =	shalt  }
0x4a: {  	_ =	shalt  }
0x4b: {  	_ =	shalt  }
0x4c: {  	_ =	shalt  }
0x4d: {  	_ =	shalt  }
0x4e: {  	_ =	shalt  }
0x4f: {  	_ =	shalt  }
0x50: {  	_ =	shalt  }
0x51: {  	_ =	shalt  }
0x52: {  	_ =	shalt  }
0x53: {  	_ =	shalt  }
0x54: {  	_ =	shalt  }
0x55: {  	_ =	shalt  }
0x56: {  	_ =	shalt  }
0x57: {  	_ =	shalt  }
0x58: {  	_ =	shalt  }
0x59: {  	_ =	shalt  }
0x5a: {  	_ =	shalt  }
0x5b: {  	_ =	shalt  }
0x5c: {  	_ =	shalt  }
0x5d: {  	_ =	shalt  }
0x5e: {  	_ =	shalt  }
0x5f: {  	_ =	shalt  }
0x60: {  	_ =	shalt  }
0x61: {  	_ =	shalt  }
0x62: {  	_ =	shalt  }
0x63: {  	_ =	shalt  }
0x64: {  	_ =	shalt  }
0x65: {  	_ =	shalt  }
0x66: {  	_ =	shalt  }
0x67: {  	_ =	shalt  }
0x68: {  	_ =	shalt  }
0x69: {  	_ =	shalt  }
0x6a: {  	_ =	shalt  }
0x6b: {  	_ =	shalt  }
0x6c: {  	_ =	shalt  }
0x6d: {  	_ =	shalt  }
0x6e: {  	_ =	shalt  }
0x6f: {  	_ =	shalt  }
0x70: {  	_ =	shalt  }
0x71: {  	_ =	shalt  }
0x72: {  	_ =	shalt  }
0x73: {  	_ =	shalt  }
0x74: {  	_ =	shalt  }
0x75: {  	_ =	shalt  }
0x76: {  	_ =	shalt  }
0x77: {  	_ =	shalt  }
0x78: {  	_ =	shalt  }
0x79: {  	_ =	shalt  }
0x7a: {  	_ =	shalt  }
0x7b: {  	_ =	shalt  }
0x7c: {  	_ =	shalt  }
0x7d: {  	_ =	shalt  }
0x7e: {  	_ =	shalt  }
0x7f: {  	_ =	shalt  }
0x80: {  	_ =	shalt  }
0x81: {  	_ =	shalt  }
0x82: {  	_ =	shalt  }
0x83: {  	_ =	shalt  }
0x84: {  	_ =	shalt  }
0x85: {  	_ =	shalt  }
0x86: {  	_ =	shalt  }
0x87: {  	_ =	shalt  }
.Lfunc_end0:
.L_simem_size_0:
called_computation.3_lowered:
.L_overlay_start_0:
0x88: {  	s2 =	sld [smem:$0x3FD9]  }
0x89: {  	s3 =	sld [smem:$0x3FFE];
	_ =	sdelay $0x1  }
0x8a: {  	s1 =	srdreg.scid  }
0x8b: {  	s0 =	sand.u32 $0x1, s1  }
0x8c: {  	s14 =	sshll.u32 s0, $0xA;
	s2 =	sadd.s32 s3, s2  }
0x8d: {  	s2 =	sadd.s32 s2, s14  }
0x8e: {  	[smem:$0x3FB4] =	sst s2  }
0x8f: {  	_ = 	snop  }
0x90: {  	s2 =	sld [smem:$0x3FD0];
	_ =	sdelay $0x2  }
0x91: {  	s15 =	simm.s32 $0xA;
	s4 =	simm.s32 $0x10  }
0x92: {  	[smem:s4], [sflag:s15] =	dma.local [hbm:s2], $0x1  }
0x93: {  	_ =	swait.eq [sflag:s15], $0x1  }
0x94: {  	[sflag:s15] =	ssyncset.done $0x0  }
0x95: {  	[sflag:s15] =	ssyncadd.s32 $0xFFFFFFFF  }
0x96: {  	s16 =	sld [smem:$0x11];
	(tm) =	ssettm $0x1  }
0x97: {  	s17 =	sld [smem:$0x3FFB];
	_ =	sdelay $0x3  }
0x98: {  	_ =	strace s17  }
0x99: {  	s3 =	sld [smem:$0x3FFC];
	_ =	sdelay $0x3  }
0x9a: {  	_ =	strace s3  }
0x9b: {  	s3 =	sld [smem:$0x3FFD];
	_ =	sdelay $0x3  }
0x9c: {  	_ =	strace s3  }
0x9d: {  	_ =	strace $0x8FFFFFFF  }
0x9e: {  	s18 =	sld [smem:$0x3FDB];
	_ =	sdelay $0x1  }
0x9f: {  	s19 =	simm.s32 $_scs_section_size  }
0xa0: {  	s5 =	simm.s32 $_size__tile_overlayer_lowered;
	s6 =	simm.s32 $_tile_overlayer_lowered  }
0xa1: {  	s22 =	simm.s32 $0x1BFF;
	s21 =	sshll.u32 s6, $0x1;
	s3 =	sadd.s32 s19, s18  }
0xa2: {  	s7 =	simm.s32 $0x0;
	s20 =	sshll.u32 s5, $0x1;
	s5 =	sadd.s32 s21, s3  }
0xa3: {  	[timem:s7], [sflag:s22] =	dma.local [hbm:s5], s20  }
0xa4: {  	_ =	swait.ge [sflag:s22], s20  }
0xa5: {  	s4 =	ssub.s32 $0x0, s20;
	[sflag:s22] =	ssyncset.done $0x0  }
0xa6: {  	[sflag:s22] =	ssyncadd.s32 s4;
	_ =	sdelay $0x1  }
0xa7: {  	s23 =	simm.s32 $0x1B8B  }
0xa8: {  	_ =	swait.ge [sflag:s23], $0x1  }
0xa9: {  	[sflag:s23] =	ssyncset.done $0x0  }
0xaa: {  	s25 =	simm.s32 $0x1B8E;
	s24 =	sld [smem:$0x3FFE];
	[sflag:s23] =	ssyncadd.s32 $0xFFFFFFFF  }
0xab: {  	s26 =	simm.s32 $execute0_lowered;
	[smem:$0x3FD2] =	sst s25  }
0xac: {  	s5 =	sshll.u32 s26, $0x1;
	_ =	strace $0x8000004F;
	[dreg:$0x1] =	wrdreg $0xFFFFFFFF  }
0xad: {  	s28 =	simm.s32 $_size_execute0_lowered;
	s3 =	sadd.s32 s3, s5;
	[dreg:$0x0] =	wrdreg $0x0  }
0xae: {  	s5 =	sshll.u32 s28, $0x1;
	[dreg:$0x2] =	wrdreg s3  }
0xaf: {  	[dreg:$0x3] =	wrdreg s5  }
0xb0: {  	[dreg:$0x4] =	wrdreg $0xC0  }
0xb1: {  	_ =	task [dreg:s7], $0x5FFFF  }
0xb2: {  	[dreg:$0x1] =	wrdreg $0xFFFFFFFF  }
0xb3: {  	[dreg:$0x0] =	wrdreg $0x60  }
0xb4: {  	[dreg:$0x2] =	wrdreg s24  }
0xb5: {  	[dreg:$0x3] =	wrdreg s16  }
0xb6: {  	[dreg:$0x4] =	wrdreg $0x65900  }
0xb7: {  	[dreg:$0x5] =	wrdreg $0x9  }
0xb8: {  	_ =	task.clear_ibuf [dreg:s7], $0x6FFFF;
	_ =	strace $0x9000004F  }
0xb9: {  	s29 =	simm.s32 $0x9;
	_ =	strace $0x80000051  }
0xba: {  	_ =	swait.ge [sflag:s29], $0x1  }
0xbb: {  	[sflag:s29] =	ssyncadd.s32 $0xFFFFFFFF  }
0xbc: {  	_ =	strace $0x90000051  }
0xbd: {  	_ =	sfence  }
0xbe: {  	s30 =	sld [smem:$0x0];
	_ =	sdelay $0x2  }
0xbf: {  	s31 =	sshll.u32 s1, $0xD;
	s1 =	sshrl.u32 s1, $0x2  }
0xc0: {  	s3 =	sand.u32 $0x4000, s31;
	s1 =	sadd.s32 s1, s30  }
0xc1: {  	s0 =	sor.u32 s3, s0;
	s1 =	sshll.u32 s1, $0x11  }
0xc2: {  	s0 =	sor.u32 s1, s0  }
0xc3: {  	s0 =	sadd.s32 $0x8F2B, s0  }
0xc4: {  	[sflag:s0] =	ssyncadd.remote.s32 $0x1  }
0xc5: {  	_ =	sfence.sel $0xFFFF  }
0xc6: {  	[dreg:$0x0] =	wrdreg $0xFFFFFFFF;
	(pc) =	sbr.abs _section_cstart, $3  }
0xc7: {  	[dreg:$0x1] =	wrdreg $0xFFFFFFFF  }
0xc8: {  	_ =	task.clear_ibuf [dreg:s7], $0x2FFFF;
	_ =	strace $0x9FFFFFFF  }
0xc9: {  	(tm) =	ssettm $0x7FFFFFFF  }
tec
execute0_lowered:
.L_overlay_start_1:
0x0: {  	(tag) =	ssettag $0x1  }
0x1: {  	s12 =	rddreg [dreg:$0x0]  }
0x2: {  	s2 =	rddreg [dreg:$0x1];
	s1 =	srdreg.scid  }
0x3: {  	s0 =	stileid.u32;
	s3 =	rddreg [dreg:$0x2];
	s4 =	simm.s32 $0x0  }
0x4: {  	s13 =	simm.s32 $0x40800;
	s14 =	simm.s32 $0x1;
	s15 =	simm.s32 $0x50  }
0x5: {  	s16 =	simm.s32 $0x1590;
	s17 =	simm.s32 $0xA0;
	s18 =	simm.s32 $0x2990  }
0x6: {  	s19 =	simm.s32 $0xF0;
	s20 =	simm.s32 $0x3D90;
	s21 =	simm.s32 $0x140  }
0x7: {  	s22 =	simm.s32 $0x5190;
	s23 =	simm.s32 $0x0;
	s6 =	smul.u32 $0x280, s0  }
0x8: {  	s9 =	sand.u32 $0x1, s1;
	s1 =	rddreg [dreg:$0x3];
	s8 =	smul.u32 $0x28000, s0  }
0x9: {  	[smem:$0x7FF] =	sst s4;
	s5 =	sadd.s32 $0xEA00, s12;
	s7 =	smul.u32 $0x2800, s9  }
0xa: {  	_ =	strace $0x80000050;
	s31 =	ssub.s32 $0x2, s9;
	p0 =	seq.s32 s9, $0x1  }
0xb: {  	s8 =	sshrl.u32 s8, $0x2;
	s11 =	sshrl.u32 s31, $0x1;
	s6 =	sadd.s32 s6, s7  }
0xc: {  	s13 =	simm.s32 @!p0 $0xEE6800;
	s11 =	ssub.s32 s31, s11;
	s6 =	sshll.u32 s6, $0x3  }
0xd: {  	s10 =	sadd.s32 s6, s12;
	s6 =	sadd.s32 s8, s3;
	s8 =	smul.u32 $0x4E20, s0  }
0xe: {  	s12 =	sadd.s32 s13, s12;
	s13 =	simm.s32 $0x190;
	s7 =	sadd.s32 $0x6400, s6  }
0xf: {  	s11 =	smax.u32 s11, $0x1;
	s9 =	sadd.s32 $0x2B1800, s10;
	s10 =	sadd.s32 $0x2B2480, s10  }
.LBB2_1:
0x10: {  	[tilespmem:s13], [sflag:$0x1] =	stream.linear.gather [hbm4b:s2+s4], $0x6400, $0x38;
	[tilespmem:$0x10590] =	vst v63  }
0x11: {  	_ =	swait.ge [sflag:s14], $0x6400  }
0x12: {  	[sflag:s14] =	ssyncset.done $0x0  }
0x13: {  	s24 =	sadd.s32 $0x0, s8;
	[sflag:s14] =	ssyncadd.s32 $0xFFFF9C00  }
0x14: {  	[spmem:s6] =	stream.linear.scatter [tilespmem:s13], [sflag:$0x1], $0x6400, $0x38;
	[tilespmem:$0x10590] =	vst v63  }
0x15: {  	s25 =	smulhi.u32 $0xCCCCCCCD, s24;
	_ =	swait.ge [sflag:s14], $0x6400  }
0x16: {  	[sflag:s14] =	ssyncset.done $0x0  }
0x17: {  	s25 =	sshrl.u32 s25, $0x6;
	[sflag:s14] =	ssyncadd.s32 $0xFFFF9C00  }
0x18: {  	[spmem:s7] =	stream.linear.scatter [tilespmem:s13], [sflag:$0x1], $0x3C00, $0x38;
	[tilespmem:$0x10590] =	vst v63  }
0x19: {  	s25 =	smul.u32 $0x50, s25;
	_ =	swait.ge [sflag:s14], $0x3C00  }
0x1a: {  	[sflag:s14] =	ssyncset.done $0x0  }
0x1b: {  	s25 =	sshrl.u32 s25, $0x3;
	[sflag:s14] =	ssyncadd.s32 $0xFFFFC400  }
0x1c: {  	s25 =	sadd.s32 s5, s25;
	[bflag:$0x0] =	sbarrier.arrive $0xFFFF  }
0x1d: {  	[tilespmem:s4], [sflag:$0x1] =	stream.linear.gather [hbm4b:s25+s4], $0x190, $0x38;
	[tilespmem:$0x10590] =	vst v63  }
0x1e: {  	s24 =	sshll.u32 s24, $0x3;
	_ =	swait.ge [sflag:s14], $0x190  }
0x1f: {  	s24 =	sand.u32 $0x1FFFFF80, s24;
	[sflag:s14] =	ssyncset.done $0x0  }
0x20: {  	s24 =	sadd.s32 s12, s24;
	[sflag:s14] =	ssyncadd.s32 $0xFFFFFE70  }
0x21: {  	[tilespmem:s13], [sflag:$0x1] =	stream.linear.gather [hbm4b:s24+s4], $0x6400, $0x38;
	[tilespmem:$0x10590] =	vst v63  }
0x22: {  	_ =	swait.ge [sflag:s14], $0x6400  }
0x23: {  	[sflag:s14] =	ssyncset.done $0x0  }
0x24: {  	[sflag:s14] =	ssyncadd.s32 $0xFFFF9C00  }
0x25: {  	[spmem:s3] =	stream.indirect.scatter.add.f32 [tilespmem:s13], [sflag:$0x1], $0x40, s4, s15, $0xb8;
	[tilespmem:$0x10590] =	vst v63  }
0x26: {  	_ =	swait.ge [sflag:s14], $0x1400  }
0x27: {  	[sflag:s14] =	ssyncset.done $0x0  }
0x28: {  	[sflag:s14] =	ssyncadd.s32 $0xFFFFEC00  }
0x29: {  	[spmem:s3] =	stream.indirect.scatter.add.f32 [tilespmem:s16], [sflag:$0x1], $0x40, s15, s15, $0xb8;
	[tilespmem:$0x10590] =	vst v63  }
0x2a: {  	_ =	swait.ge [sflag:s14], $0x1400  }
0x2b: {  	[sflag:s14] =	ssyncset.done $0x0  }
0x2c: {  	[sflag:s14] =	ssyncadd.s32 $0xFFFFEC00  }
0x2d: {  	[spmem:s3] =	stream.indirect.scatter.add.f32 [tilespmem:s18], [sflag:$0x1], $0x40, s17, s15, $0xb8;
	[tilespmem:$0x10590] =	vst v63  }
0x2e: {  	_ =	swait.ge [sflag:s14], $0x1400  }
0x2f: {  	s30 =	sadd.s32 $0x190, s8;
	[sflag:s14] =	ssyncset.done $0x0  }
0x30: {  	s31 =	smulhi.u32 $0xCCCCCCCD, s30;
	[sflag:s14] =	ssyncadd.s32 $0xFFFFEC00  }
0x31: {  	[spmem:s3] =	stream.indirect.scatter.add.f32 [tilespmem:s20], [sflag:$0x1], $0x40, s19, s15, $0xb8;
	[tilespmem:$0x10590] =	vst v63  }
0x32: {  	s26 =	simm.s32 $0x320;
	_ =	swait.ge [sflag:s14], $0x1400  }
0x33: {  	s28 =	sshrl.u32 s31, $0x6;
	s24 =	sshll.u32 s30, $0x3;
	[sflag:s14] =	ssyncset.done $0x0  }
0x34: {  	s28 =	smul.u32 $0x50, s28;
	s25 =	sand.u32 $0x1FFFFF80, s24;
	[sflag:s14] =	ssyncadd.s32 $0xFFFFEC00  }
0x35: {  	[spmem:s3] =	stream.indirect.scatter.add.f32 [tilespmem:s22], [sflag:$0x1], $0x40, s21, s15, $0xb8;
	[tilespmem:$0x10590] =	vst v63  }
.LBB2_2:
0x36: {  	s28 =	sshrl.u32 s28, $0x3  }
0x37: {  	_ =	swait.ge [sflag:s14], $0x1400;
	s29 =	smov.u32 s26;
	s24 =	sadd.s32 $0x190, s26  }
0x38: {  	p0 =	sne.s32 s26, $0x4C90;
	s26 =	sadd.s32 s5, s28;
	[sflag:s14] =	ssyncset.done $0x0  }
0x39: {  	[sflag:s14] =	ssyncadd.s32 $0xFFFFEC00  }
0x3a: {  	[tilespmem:s4], [sflag:$0x1] =	stream.linear.gather [hbm4b:s26+s4], $0x190, $0x38;
	[tilespmem:$0x10590] =	vst v63  }
0x3b: {  	_ =	swait.ge [sflag:s14], $0x190  }
0x3c: {  	[sflag:s14] =	ssyncset.done $0x0  }
0x3d: {  	s25 =	sadd.s32 s12, s25;
	[sflag:s14] =	ssyncadd.s32 $0xFFFFFE70  }
0x3e: {  	[tilespmem:s13], [sflag:$0x1] =	stream.linear.gather [hbm4b:s25+s4], $0x6400, $0x38;
	[tilespmem:$0x10590] =	vst v63  }
0x3f: {  	_ =	swait.ge [sflag:s14], $0x6400  }
0x40: {  	[sflag:s14] =	ssyncset.done $0x0  }
0x41: {  	[sflag:s14] =	ssyncadd.s32 $0xFFFF9C00  }
0x42: {  	[spmem:s3] =	stream.indirect.scatter.add.f32 [tilespmem:s13], [sflag:$0x1], $0x40, s4, s15, $0xb8;
	[tilespmem:$0x10590] =	vst v63  }
0x43: {  	_ =	swait.ge [sflag:s14], $0x1400  }
0x44: {  	[sflag:s14] =	ssyncset.done $0x0  }
0x45: {  	[sflag:s14] =	ssyncadd.s32 $0xFFFFEC00  }
0x46: {  	[spmem:s3] =	stream.indirect.scatter.add.f32 [tilespmem:s16], [sflag:$0x1], $0x40, s15, s15, $0xb8;
	[tilespmem:$0x10590] =	vst v63  }
0x47: {  	_ =	swait.ge [sflag:s14], $0x1400  }
0x48: {  	[sflag:s14] =	ssyncset.done $0x0  }
0x49: {  	[sflag:s14] =	ssyncadd.s32 $0xFFFFEC00  }
0x4a: {  	[spmem:s3] =	stream.indirect.scatter.add.f32 [tilespmem:s18], [sflag:$0x1], $0x40, s17, s15, $0xb8;
	[tilespmem:$0x10590] =	vst v63  }
0x4b: {  	_ =	swait.ge [sflag:s14], $0x1400  }
0x4c: {  	s25 =	sadd.s32 s29, s8;
	[sflag:s14] =	ssyncset.done $0x0  }
0x4d: {  	s26 =	smulhi.u32 $0xCCCCCCCD, s25;
	[sflag:s14] =	ssyncadd.s32 $0xFFFFEC00  }
0x4e: {  	[spmem:s3] =	stream.indirect.scatter.add.f32 [tilespmem:s20], [sflag:$0x1], $0x40, s19, s15, $0xb8;
	[tilespmem:$0x10590] =	vst v63  }
.Ltmp0:
0x4f: {  	s25 =	sshll.u32 s25, $0x3;
	_ =	swait.ge [sflag:s14], $0x1400;
	(pc) =	sbr.rel @p0 .LBB2_2-.Ltmp0, $4  }
0x50: {  	s25 =	sand.u32 $0x1FFFFF80, s25;
	[sflag:s14] =	ssyncset.done $0x0  }
0x51: {  	s26 =	sshrl.u32 s26, $0x6;
	[sflag:s14] =	ssyncadd.s32 $0xFFFFEC00  }
0x52: {  	s28 =	smul.u32 $0x50, s26;
	s26 =	smov.u32 s24  }
0x53: {  	[spmem:s3] =	stream.indirect.scatter.add.f32 [tilespmem:s22], [sflag:$0x1], $0x40, s21, s15, $0xb8;
	[tilespmem:$0x10590] =	vst v63  }
0x54: {  	_ =	swait.ge [sflag:s14], $0x1400  }
0x55: {  	s24 =	sshrl.u32 s28, $0x3;
	[sflag:s14] =	ssyncset.done $0x0  }
0x56: {  	s24 =	sadd.s32 s5, s24;
	[sflag:s14] =	ssyncadd.s32 $0xFFFFEC00  }
0x57: {  	[tilespmem:s4], [sflag:$0x1] =	stream.linear.gather [hbm4b:s24+s4], $0x190, $0x38;
	[tilespmem:$0x10590] =	vst v63  }
0x58: {  	_ =	swait.ge [sflag:s14], $0x190  }
0x59: {  	[sflag:s14] =	ssyncset.done $0x0  }
0x5a: {  	s31 =	sadd.s32 s12, s25;
	[sflag:s14] =	ssyncadd.s32 $0xFFFFFE70  }
0x5b: {  	[tilespmem:s13], [sflag:$0x1] =	stream.linear.gather [hbm4b:s31+s4], $0x6400, $0x38;
	[tilespmem:$0x10590] =	vst v63  }
0x5c: {  	_ =	swait.ge [sflag:s14], $0x6400  }
0x5d: {  	[sflag:s14] =	ssyncset.done $0x0  }
0x5e: {  	[sflag:s14] =	ssyncadd.s32 $0xFFFF9C00  }
0x5f: {  	[spmem:s3] =	stream.indirect.scatter.add.f32 [tilespmem:s13], [sflag:$0x1], $0x40, s4, s15, $0xb8;
	[tilespmem:$0x10590] =	vst v63  }
0x60: {  	_ =	swait.ge [sflag:s14], $0x1400  }
0x61: {  	[sflag:s14] =	ssyncset.done $0x0  }
0x62: {  	[sflag:s14] =	ssyncadd.s32 $0xFFFFEC00  }
0x63: {  	[spmem:s3] =	stream.indirect.scatter.add.f32 [tilespmem:s16], [sflag:$0x1], $0x40, s15, s15, $0xb8;
	[tilespmem:$0x10590] =	vst v63  }
0x64: {  	_ =	swait.ge [sflag:s14], $0x1400  }
0x65: {  	[sflag:s14] =	ssyncset.done $0x0  }
0x66: {  	[sflag:s14] =	ssyncadd.s32 $0xFFFFEC00  }
0x67: {  	[spmem:s3] =	stream.indirect.scatter.add.f32 [tilespmem:s18], [sflag:$0x1], $0x40, s17, s15, $0xb8;
	[tilespmem:$0x10590] =	vst v63  }
0x68: {  	_ =	swait.ge [sflag:s14], $0x1400  }
0x69: {  	[sflag:s14] =	ssyncset.done $0x0  }
0x6a: {  	[sflag:s14] =	ssyncadd.s32 $0xFFFFEC00  }
0x6b: {  	[spmem:s3] =	stream.indirect.scatter.add.f32 [tilespmem:s20], [sflag:$0x1], $0x40, s19, s15, $0xb8;
	[tilespmem:$0x10590] =	vst v63  }
0x6c: {  	_ =	swait.ge [sflag:s14], $0x1400  }
0x6d: {  	[sflag:s14] =	ssyncset.done $0x0  }
0x6e: {  	[sflag:s14] =	ssyncadd.s32 $0xFFFFEC00  }
0x6f: {  	[spmem:s3] =	stream.indirect.scatter.add.f32 [tilespmem:s22], [sflag:$0x1], $0x40, s21, s15, $0xb8;
	[tilespmem:$0x10590] =	vst v63  }
0x70: {  	_ =	swait.ge [sflag:s14], $0x1400  }
0x71: {  	[sflag:s14] =	ssyncset.done $0x0  }
0x72: {  	[sflag:s14] =	ssyncadd.s32 $0xFFFFEC00  }
0x73: {  	[bflag:$0x0] =	sbarrier.arrive $0xFFFF  }
0x74: {  	[tilespmem:s13], [sflag:$0x1] =	stream.linear.gather [spmem:s6], $0x6400, $0x38;
	[tilespmem:$0x10590] =	vst v63  }
0x75: {  	_ =	swait.ge [sflag:s14], $0x6400  }
0x76: {  	[sflag:s14] =	ssyncset.done $0x0  }
0x77: {  	[sflag:s14] =	ssyncadd.s32 $0xFFFF9C00  }
0x78: {  	[hbm4b:s9+s4] =	stream.linear.scatter [tilespmem:s13], [sflag:$0x1], $0x6400, $0x38;
	[tilespmem:$0x10590] =	vst v63  }
0x79: {  	_ =	swait.ge [sflag:s14], $0x6400  }
0x7a: {  	[sflag:s14] =	ssyncset.done $0x0  }
0x7b: {  	[sflag:s14] =	ssyncadd.s32 $0xFFFF9C00  }
0x7c: {  	[tilespmem:s13], [sflag:$0x1] =	stream.linear.gather [spmem:s7], $0x3C00, $0x38;
	[tilespmem:$0x10590] =	vst v63  }
0x7d: {  	s23 =	sadd.s32 $0x1, s23;
	_ =	swait.ge [sflag:s14], $0x3C00  }
0x7e: {  	p0 =	sne.s32 s23, s11;
	[sflag:s14] =	ssyncset.done $0x0  }
.Ltmp1:
0x7f: {  	[sflag:s14] =	ssyncadd.s32 $0xFFFFC400;
	(pc) =	sbr.rel @p0 .LBB2_1-.Ltmp1, $4  }
0x80: {  	[hbm4b:s10+s4] =	stream.linear.scatter [tilespmem:s13], [sflag:$0x1], $0x3C00, $0x38;
	[tilespmem:$0x10590] =	vst v63  }
0x81: {  	_ =	swait.ge [sflag:s14], $0x3C00  }
0x82: {  	[sflag:s14] =	ssyncset.done $0x0  }
0x83: {  	[sflag:s14] =	ssyncadd.s32 $0xFFFFC400  }
0x84: {  	_ =	sfence.sel $0x180000  }
0x85: {  	[bflag:$0x0] =	sbarrier.arrive $0xFFFF  }
0x86: {  	p0 =	sne.s32 s0, $0x0;
	_ =	strace $0x90000050  }
0x87: {  	s0 =	sadd.s32 @!p0 $0x100000, s1;
	[bflag:$0x2] =	sbarrier.arrive $0xFFFF  }
0x88: {  	[sflag:s0] =	ssyncadd.tile.s32 @!p0 $0x1;
	_ =	shalt  }
.Lfunc_end2:
_tile_overlayer_lowered:
.L_overlay_start_2:
0x89: {  	(tag) =	ssettag $0x2  }
0x8a: {  	s0 =	rddreg [dreg:$0x0];
	s2 =	stileid.u32  }
0x8b: {  	s1 =	rddreg [dreg:$0x1];
	p0 =	sne.s32 s2, $0x0  }
0x8c: {  	s3 =	rddreg [dreg:$0x2];
	[bflag:$0x3] =	sbarrier.arrive $0xFFFF;
	s2 =	simm.s32 @!p0 $0x1C01  }
0x8d: {  	[timem:s3], [sflag:s2] =	dma.local @!p0 [hbm:s0], s1  }
0x8e: {  	s0 =	simm.s32 @!p0 $0x1  }
0x8f: {  	_ =	swait.ge @!p0 [sflag:s0], s1  }
0x90: {  	s1 =	ssub.s32 @!p0 $0x0, s1;
	[sflag:s0] =	ssyncset.done @!p0 $0x0  }
0x91: {  	[sflag:s0] =	ssyncadd.s32 @!p0 s1  }
0x92: {  	[bflag:$0x3] =	sbarrier.arrive $0xFFFF  }
0x93: {  	_ =	shalt  }

// kernel: kernel.24.cloned.1.call-start
scs
__scs_entry_jumppad:
0x0: {  	(pc) =	sbr.rel $0x88, $3  }
0x1: {  	(tag) =	ssettag $0x0;
	lr =	simm.s32 $0x1  }
0x2: {  	[smem:$0x3F8D] =	sst lr;
	_ =	strace $0xD0000000  }
0x3: {  	_ = 	snop  }
0x4: {  	_ = 	snop  }
0x5: {  	_ = 	snop  }
0x6: {  	_ = 	snop  }
0x7: {  	_ = 	snop  }
__scs_overlays_trampoline_lowered:
0x8: {  	[smem:$0x3F9C] =	sst s0  }
0x9: {  	[smem:$0x3F9D] =	sst s1  }
0xa: {  	[smem:$0x3F9E] =	sst s2  }
0xb: {  	[smem:$0x3F9F] =	sst s3  }
0xc: {  	[smem:$0x3FA0] =	sst s4  }
0xd: {  	[smem:$0x3FA1] =	sst s5  }
0xe: {  	[smem:$0x3FA2] =	sst s6  }
0xf: {  	[smem:$0x3FA3] =	sst s7  }
0x10: {  	[smem:$0x3FA4] =	sst s8  }
0x11: {  	[smem:$0x3FA5] =	sst s9;
	s0 =	simm.s32 @!p0 $0x0  }
0x12: {  	s1 =	sld [smem:$0x3F8B];
	s0 =	simm.s32 @p0 $0x1  }
0x13: {  	[smem:$0x3FA6] =	sst s0;
	s0 =	simm.s32 @!p1 $0x0  }
0x14: {  	s2 =	sld [smem:$0x3F8A];
	s0 =	simm.s32 @p1 $0x1  }
0x15: {  	[smem:$0x3FA7] =	sst s0;
	s0 =	simm.s32 @!p2 $0x0  }
0x16: {  	s3 =	sld [smem:$0x3FDB];
	s0 =	simm.s32 @p2 $0x1  }
0x17: {  	s4 =	simm.s32 $0x1BF5;
	[smem:$0x3FA9] =	sst s0  }
0x18: {  	s0 =	sld [smem:$0x3F8C];
	_ =	swait.ge [sflag:s4], $0x0  }
0x19: {  	s7 =	sld [smem:$0x3F8D]  }
0x1a: {  	s8 =	sadd.s32 $0xFFFFE003, lr  }
0x1b: {  	s9 =	sadd.s32 $0xFFFFFEF7, lr;
	s5 =	simm.s32 $0xFFFFFFFF;
	p2 =	slt.u32 s8, $0xFFFFF086  }
0x1c: {  	p1 =	slt.u32 s9, $0xF7A;
	s5 =	simm.s32 @!p2 $0x0  }
0x1d: {  	s5 =	simm.s32 @p1 $0x1;
	p0 =	seq.s32 s7, s2  }
0x1e: {  	s7 =	smul.u32 @!p0 $0xF7A, s2;
	p2 =	seq.s32 @!p0 s5, $0x0  }
0x1f: {  	s9 =	smul.u32 $0xF7A, s1;
	s8 =	simm.s32 @!p0 $0x1BF5;
	p2 =	por !p2, p0  }
0x20: {  	[sflag:s8] =	ssyncset.s32 @!p0 $0xFFFFF086;
	s6 =	sadd.s32 @!p0 s3, s7;
	s7 =	simm.s32 @!p0 $0x108  }
0x21: {  	s3 =	sadd.s32 s3, s9;
	s6 =	sadd.s32 @!p0 $0x88, s6;
	s7 =	simm.s32 @p2 $0x1082  }
0x22: {  	[simem:s7], [sflag:s8] =	dma.local @!p0 [hbm:s6], $0xF7A  }
0x23: {  	s9 =	sor.u32 $0xD0000000, s2;
	s6 =	simm.s32 $0x108;
	_ =	swait.ge @!p0 [sflag:s8], $0x0  }
0x24: {  	s3 =	sadd.s32 $0x88, s3;
	s6 =	simm.s32 @!p1 $0x1082;
	[sflag:s4] =	ssyncset.s32 $0xFFFFF086  }
0x25: {  	[simem:s6], [sflag:s4] =	dma.local [hbm:s3], $0xF7A  }
0x26: {  	[smem:$0x3F8D] =	sst s1;
	(tag) =	ssettag s2;
	_ =	strace s9  }
0x27: {  	s1 =	sld [smem:$0x3F9D]  }
0x28: {  	s2 =	sld [smem:$0x3F9E]  }
0x29: {  	s4 =	sld [smem:$0x3FA0]  }
0x2a: {  	p0 =	seq.s32 s5, $0x0;
	s5 =	sld [smem:$0x3FA1]  }
0x2b: {  	s6 =	sld [smem:$0x3FA2]  }
0x2c: {  	s7 =	sld [smem:$0x3FA3]  }
0x2d: {  	s3 =	simm.s32 $0x108;
	s8 =	sld [smem:$0x3FA4]  }
0x2e: {  	s3 =	simm.s32 @!p0 $0x1082;
	s9 =	sld [smem:$0x3FA5]  }
0x2f: {  	lr =	sadd.s32 s0, s3;
	s0 =	sld [smem:$0x3F9C]  }
0x30: {  	s3 =	sld [smem:$0x3F9F]  }
0x31: {  	[smem:$0x3FA8] =	sst s10  }
0x32: {  	s10 =	sld [smem:$0x3FA6];
	_ =	sdelay $0x3  }
0x33: {  	p0 =	seq.s32 s10, $0x1;
	s10 =	sld [smem:$0x3FA8];
	_ =	sdelay $0x3  }
0x34: {  	[smem:$0x3FA8] =	sst s10  }
0x35: {  	s10 =	sld [smem:$0x3FA7];
	_ =	sdelay $0x3  }
0x36: {  	p1 =	seq.s32 s10, $0x1;
	s10 =	sld [smem:$0x3FA8];
	_ =	sdelay $0x3  }
0x37: {  	[smem:$0x3FA8] =	sst s10  }
0x38: {  	s10 =	sld [smem:$0x3FA9]  }
0x39: {  	_ = 	snop;
	(pc) =	sbr.ind lr, $3  }
0x3a: {  	_ = 	snop  }
0x3b: {  	_ = 	snop  }
0x3c: {  	p2 =	seq.s32 s10, $0x1;
	s10 =	sld [smem:$0x3FA8]  }
0x3d: {  	_ =	shalt  }
0x3e: {  	_ =	shalt  }
0x3f: {  	_ =	shalt  }
0x40: {  	_ =	shalt  }
0x41: {  	_ =	shalt  }
0x42: {  	_ =	shalt  }
0x43: {  	_ =	shalt  }
0x44: {  	_ =	shalt  }
0x45: {  	_ =	shalt  }
0x46: {  	_ =	shalt  }
0x47: {  	_ =	shalt  }
0x48: {  	_ =	shalt  }
0x49: {  	_ =	shalt  }
0x4a: {  	_ =	shalt  }
0x4b: {  	_ =	shalt  }
0x4c: {  	_ =	shalt  }
0x4d: {  	_ =	shalt  }
0x4e: {  	_ =	shalt  }
0x4f: {  	_ =	shalt  }
0x50: {  	_ =	shalt  }
0x51: {  	_ =	shalt  }
0x52: {  	_ =	shalt  }
0x53: {  	_ =	shalt  }
0x54: {  	_ =	shalt  }
0x55: {  	_ =	shalt  }
0x56: {  	_ =	shalt  }
0x57: {  	_ =	shalt  }
0x58: {  	_ =	shalt  }
0x59: {  	_ =	shalt  }
0x5a: {  	_ =	shalt  }
0x5b: {  	_ =	shalt  }
0x5c: {  	_ =	shalt  }
0x5d: {  	_ =	shalt  }
0x5e: {  	_ =	shalt  }
0x5f: {  	_ =	shalt  }
0x60: {  	_ =	shalt  }
0x61: {  	_ =	shalt  }
0x62: {  	_ =	shalt  }
0x63: {  	_ =	shalt  }
0x64: {  	_ =	shalt  }
0x65: {  	_ =	shalt  }
0x66: {  	_ =	shalt  }
0x67: {  	_ =	shalt  }
0x68: {  	_ =	shalt  }
0x69: {  	_ =	shalt  }
0x6a: {  	_ =	shalt  }
0x6b: {  	_ =	shalt  }
0x6c: {  	_ =	shalt  }
0x6d: {  	_ =	shalt  }
0x6e: {  	_ =	shalt  }
0x6f: {  	_ =	shalt  }
0x70: {  	_ =	shalt  }
0x71: {  	_ =	shalt  }
0x72: {  	_ =	shalt  }
0x73: {  	_ =	shalt  }
0x74: {  	_ =	shalt  }
0x75: {  	_ =	shalt  }
0x76: {  	_ =	shalt  }
0x77: {  	_ =	shalt  }
0x78: {  	_ =	shalt  }
0x79: {  	_ =	shalt  }
0x7a: {  	_ =	shalt  }
0x7b: {  	_ =	shalt  }
0x7c: {  	_ =	shalt  }
0x7d: {  	_ =	shalt  }
0x7e: {  	_ =	shalt  }
0x7f: {  	_ =	shalt  }
0x80: {  	_ =	shalt  }
0x81: {  	_ =	shalt  }
0x82: {  	_ =	shalt  }
0x83: {  	_ =	shalt  }
0x84: {  	_ =	shalt  }
0x85: {  	_ =	shalt  }
0x86: {  	_ =	shalt  }
0x87: {  	_ =	shalt  }
.Lfunc_end0:
.L_simem_size_0:
called_computation.4_lowered:
.L_overlay_start_0:
0x88: {  	s2 =	sld [smem:$0x3FD9]  }
0x89: {  	s3 =	sld [smem:$0x3FFE];
	_ =	sdelay $0x1  }
0x8a: {  	s1 =	srdreg.scid  }
0x8b: {  	s0 =	sand.u32 $0x1, s1  }
0x8c: {  	s17 =	sshll.u32 s0, $0xA;
	s2 =	sadd.s32 s3, s2  }
0x8d: {  	s2 =	sadd.s32 s2, s17  }
0x8e: {  	[smem:$0x3FB4] =	sst s2  }
0x8f: {  	_ = 	snop  }
0x90: {  	s2 =	sld [smem:$0x3FC6];
	(tm) =	ssettm $0x1  }
0x91: {  	s18 =	sld [smem:$0x3FFB];
	_ =	sdelay $0x3  }
0x92: {  	_ =	strace s18  }
0x93: {  	s3 =	sld [smem:$0x3FFC];
	_ =	sdelay $0x3  }
0x94: {  	_ =	strace s3  }
0x95: {  	s3 =	sld [smem:$0x3FFD];
	_ =	sdelay $0x3  }
0x96: {  	_ =	strace s3  }
0x97: {  	_ =	strace $0x8FFFFFFF  }
0x98: {  	s19 =	sld [smem:$0x3FDB];
	_ =	sdelay $0x1  }
0x99: {  	s4 =	simm.s32 $_scs_section_size  }
0x9a: {  	s5 =	simm.s32 $_size__tile_overlayer_lowered;
	s6 =	simm.s32 $_tile_overlayer_lowered  }
0x9b: {  	s22 =	simm.s32 $0x1BFF;
	s21 =	sshll.u32 s6, $0x1;
	s3 =	sadd.s32 s4, s19  }
0x9c: {  	s7 =	simm.s32 $0x0;
	s20 =	sshll.u32 s5, $0x1;
	s5 =	sadd.s32 s21, s3  }
0x9d: {  	[timem:s7], [sflag:s22] =	dma.local [hbm:s5], s20  }
0x9e: {  	_ =	swait.ge [sflag:s22], s20  }
0x9f: {  	s4 =	ssub.s32 $0x0, s20;
	[sflag:s22] =	ssyncset.done $0x0  }
0xa0: {  	[sflag:s22] =	ssyncadd.s32 s4;
	_ =	sdelay $0x1  }
0xa1: {  	s23 =	simm.s32 $0x1B8B  }
0xa2: {  	_ =	swait.ge [sflag:s23], $0x1  }
0xa3: {  	[sflag:s23] =	ssyncset.done $0x0  }
0xa4: {  	s25 =	simm.s32 $0x1B8E;
	s24 =	sld [smem:$0x3FFE];
	[sflag:s23] =	ssyncadd.s32 $0xFFFFFFFF  }
0xa5: {  	s26 =	simm.s32 $execute0_lowered;
	[smem:$0x3FD2] =	sst s25  }
0xa6: {  	s5 =	sshll.u32 s26, $0x1;
	_ =	strace $0x80000052;
	[dreg:$0x1] =	wrdreg $0xFFFFFFFF  }
0xa7: {  	s28 =	simm.s32 $_size_execute0_lowered;
	s3 =	sadd.s32 s3, s5;
	[dreg:$0x0] =	wrdreg $0x0  }
0xa8: {  	s5 =	sshll.u32 s28, $0x1;
	[dreg:$0x2] =	wrdreg s3  }
0xa9: {  	[dreg:$0x3] =	wrdreg s5  }
0xaa: {  	[dreg:$0x4] =	wrdreg $0xC0  }
0xab: {  	_ =	task [dreg:s7], $0x5FFFF  }
0xac: {  	[dreg:$0x1] =	wrdreg $0xFFFFFFFF  }
0xad: {  	[dreg:$0x0] =	wrdreg $0x60  }
0xae: {  	[dreg:$0x2] =	wrdreg s24  }
0xaf: {  	[dreg:$0x3] =	wrdreg s2  }
0xb0: {  	[dreg:$0x4] =	wrdreg $0x9  }
0xb1: {  	_ =	task.clear_ibuf [dreg:s7], $0x5FFFF;
	_ =	strace $0x90000052  }
0xb2: {  	s29 =	simm.s32 $0x9;
	_ =	strace $0x80000054  }
0xb3: {  	_ =	swait.ge [sflag:s29], $0x1  }
0xb4: {  	[sflag:s29] =	ssyncadd.s32 $0xFFFFFFFF  }
0xb5: {  	_ =	strace $0x90000054  }
0xb6: {  	_ =	sfence  }
0xb7: {  	s30 =	sld [smem:$0x0];
	_ =	sdelay $0x2  }
0xb8: {  	s31 =	sshll.u32 s1, $0xD;
	s1 =	sshrl.u32 s1, $0x2  }
0xb9: {  	s3 =	sand.u32 $0x4000, s31;
	s1 =	sadd.s32 s1, s30  }
0xba: {  	s0 =	sor.u32 s3, s0;
	s1 =	sshll.u32 s1, $0x11  }
0xbb: {  	s0 =	sor.u32 s1, s0  }
0xbc: {  	s0 =	sadd.s32 $0x8F2B, s0  }
0xbd: {  	[sflag:s0] =	ssyncadd.remote.s32 $0x1  }
0xbe: {  	_ =	sfence.sel $0xFFFF  }
0xbf: {  	[dreg:$0x0] =	wrdreg $0xFFFFFFFF;
	(pc) =	sbr.abs _section_cstart, $3  }
0xc0: {  	[dreg:$0x1] =	wrdreg $0xFFFFFFFF  }
0xc1: {  	_ =	task.clear_ibuf [dreg:s7], $0x2FFFF;
	_ =	strace $0x9FFFFFFF  }
0xc2: {  	(tm) =	ssettm $0x7FFFFFFF  }
0xc3: {  	_ =	shalt  }
tec
execute0_lowered:
.L_overlay_start_1:
0x0: {  	(tag) =	ssettag $0x1  }
0x1: {  	s0 =	rddreg [dreg:$0x0]  }
0x2: {  	s1 =	rddreg [dreg:$0x1]  }
0x3: {  	[dreg:$0x3] =	wrdreg s1  }
0x4: {  	s1 =	simm.s32 $0x0;
	s3 =	sadd.s32 $0x375C00, s0;
	s2 =	sadd.s32 $0x18800, s0  }
0x5: {  	s4 =	sadd.s32 $0x2D9800, s0;
	s5 =	sadd.s32 $0xEA00, s0;
	[smem:$0x7FF] =	sst s1  }
0x6: {  	s7 =	sadd.s32 $0x5E6C00, s0;
	_ =	strace $0x80000053;
	[dreg:$0x4] =	wrdreg s3  }
0x7: {  	s6 =	sadd.s32 $0x4C00, s0;
	s0 =	sadd.s32 $0x40800, s0;
	[dreg:$0x5] =	wrdreg s7  }
0x8: {  	s19 =	simm.s32 $0x2CB0;
	[dreg:$0x6] =	wrdreg s0  }
0x9: {  	s30 =	srdreg.scid;
	s20 =	simm.s32 $0xF4B0;
	[dreg:$0x7] =	wrdreg s19  }
0xa: {  	s14 =	stileid.u32;
	s21 =	simm.s32 $0x199B0;
	[dreg:$0x8] =	wrdreg s20  }
0xb: {  	s22 =	simm.s32 $0x54B0;
	s23 =	simm.s32 $0x11CB0;
	[dreg:$0x9] =	wrdreg s21  }
0xc: {  	s24 =	simm.s32 $0x19EB0;
	s25 =	simm.s32 $0x7CB0;
	[dreg:$0xa] =	wrdreg s22  }
0xd: {  	s26 =	simm.s32 $0x144B0;
	s28 =	simm.s32 $0x1A3B0;
	[dreg:$0xb] =	wrdreg s23  }
0xe: {  	s29 =	simm.s32 $0xA4B0;
	s8 =	smul.u32 $0x320, s14;
	[dreg:$0xc] =	wrdreg s24  }
0xf: {  	s9 =	sshll.u32 s14, $0x1;
	s10 =	smul.u32 $0x19000, s14;
	[dreg:$0xd] =	wrdreg s25  }
0x10: {  	s14 =	smul.u32 $0x3200, s14;
	s3 =	sand.u32 $0x1, s30;
	[dreg:$0xe] =	wrdreg s26  }
0x11: {  	s20 =	simm.s32 $0x140;
	s22 =	simm.s32 $0x4;
	[dreg:$0xf] =	wrdreg s28  }
0x12: {  	s23 =	simm.s32 $0x5;
	[dreg:$0x10] =	wrdreg s29;
	s31 =	smul.u32 $0x190, s3  }
0x13: {  	s30 =	simm.s32 $0x16CB0;
	s7 =	simm.s32 $0x2;
	s12 =	smul.u32 $0xC800, s3  }
0x14: {  	s11 =	ssub.s32 $0x2, s3;
	s9 =	sor.u32 s9, s3;
	s3 =	smul.u32 $0x1900, s3  }
0x15: {  	[dreg:$0x11] =	wrdreg s30;
	s13 =	sshrl.u32 s11, $0x1;
	s9 =	ssub.s32 $0x18F, s9  }
0x16: {  	s11 =	ssub.s32 s11, s13;
	s9 =	sshrl.u32 s9, $0x5;
	s16 =	sadd.s32 s31, s8  }
0x17: {  	s17 =	sadd.s32 s12, s10;
	s18 =	sadd.s32 s3, s14;
	[dreg:$0x15] =	wrdreg s16  }
0x18: {  	s12 =	simm.s32 $0x6;
	s31 =	simm.s32 $0x1A8B0;
	[dreg:$0x16] =	wrdreg s17  }
0x19: {  	s3 =	simm.s32 $0x1;
	s8 =	simm.s32 $0x3;
	[dreg:$0x17] =	wrdreg s18  }
0x1a: {  	s13 =	smax.u32 s11, $0x1;
	s15 =	sxor.u32 $0xFFFFFFFF, s9;
	[dreg:$0x12] =	wrdreg s31  }
0x1b: {  	s18 =	simm.s32 $0xF0;
	s11 =	simm.s32 $0x194B0;
	[dreg:$0x13] =	wrdreg s13  }
0x1c: {  	s17 =	simm.s32 $0x0;
	[dreg:$0x14] =	wrdreg s15;
	s13 =	simm.s32 $0x50  }
.LBB2_1:
0x1d: {  	s9 =	rddreg [dreg:$0x14]  }
0x1e: {  	s9 =	sadd.s32 $0x1, s9  }
0x1f: {  	p1 =	seq.s32 s9, $0x0  }
.Ltmp0:
0x20: {  	_ = 	snop;
	(pc) =	sbr.rel @p1 .LBB2_2-.Ltmp0, $3  }
0x21: {  	_ =	sdelay $0x1  }
0x22: {  	[dreg:$0x18] =	wrdreg s17  }
0x23: {  	s15 =	rddreg [dreg:$0x3];
	p0 =	por $0x0, $0x0  }
0x24: {  	s29 =	rddreg [dreg:$0x15]  }
0x25: {  	s10 =	sshrl.u32 s29, $0x3  }
0x26: {  	s10 =	sadd.s32 s15, s10  }
0x27: {  	[tilespmem:s1], [sflag:$0x6] =	stream.linear.gather [hbm4b:s10+s1], $0x190, $0x38;
	[tilespmem:$0x1ADB0] =	vst v63  }
0x28: {  	_ =	swait.ge [sflag:s12], $0x190  }
0x29: {  	[sflag:s12] =	ssyncset.done $0x0  }
0x2a: {  	s19 =	simm.s32 $0x190;
	[sflag:s12] =	ssyncadd.s32 $0xFFFFFE70  }
0x2b: {  	[tilespmem:s19], [sflag:$0x4] =	stream.indirect.gather [hbm4b:s5+s13], $0x1, s1, s13, $0xb8;
	[tilespmem:$0x1ADB0] =	vst v63  }
0x2c: {  	s14 =	simm.s32 $0x1E0  }
0x2d: {  	[tilespmem:s14], [sflag:$0x5] =	stream.indirect.gather [hbm4b:s5+s13], $0x1, s13, s13, $0xb8;
	[tilespmem:$0x1ADB0] =	vst v63  }
0x2e: {  	s24 =	simm.s32 $0x230;
	s30 =	simm.s32 $0xA0  }
0x2f: {  	[tilespmem:s24], [sflag:$0x4] =	stream.indirect.gather [hbm4b:s5+s13], $0x1, s30, s13, $0xb8;
	[tilespmem:$0x1ADB0] =	vst v63  }
0x30: {  	s15 =	simm.s32 $0x280  }
0x31: {  	[tilespmem:s15], [sflag:$0x5] =	stream.indirect.gather [hbm4b:s5+s13], $0x1, s18, s13, $0xb8;
	[tilespmem:$0x1ADB0] =	vst v63  }
0x32: {  	s17 =	simm.s32 $0x2D0  }
0x33: {  	[tilespmem:s17], [sflag:$0x4] =	stream.indirect.gather [hbm4b:s5+s13], $0x1, s20, s13, $0xb8;
	[tilespmem:$0x1ADB0] =	vst v63  }
0x34: {  	_ =	swait.ge [sflag:s22], $0x50  }
0x35: {  	[sflag:s22] =	ssyncset.done $0x0  }
0x36: {  	[sflag:s22] =	ssyncadd.s32 $0xFFFFFFB0  }
0x37: {  	_ =	swait.ge [sflag:s23], $0x50  }
0x38: {  	[sflag:s23] =	ssyncset.done $0x0  }
0x39: {  	[sflag:s23] =	ssyncadd.s32 $0xFFFFFFB0  }
0x3a: {  	_ =	swait.ge [sflag:s22], $0x50  }
0x3b: {  	[sflag:s22] =	ssyncset.done $0x0  }
0x3c: {  	[sflag:s22] =	ssyncadd.s32 $0xFFFFFFB0  }
0x3d: {  	_ =	swait.ge [sflag:s23], $0x50  }
0x3e: {  	[sflag:s23] =	ssyncset.done $0x0  }
0x3f: {  	[sflag:s23] =	ssyncadd.s32 $0xFFFFFFB0  }
0x40: {  	_ =	swait.ge [sflag:s22], $0x50  }
0x41: {  	[sflag:s22] =	ssyncset.done $0x0  }
0x42: {  	s31 =	simm.s32 $0x320;
	[sflag:s22] =	ssyncadd.s32 $0xFFFFFFB0  }
0x43: {  	[tilespmem:s31], [sflag:$0x4] =	stream.indirect.gather [hbm4b:s6+s13], $0x1, s1, s13, $0xb8;
	[tilespmem:$0x1ADB0] =	vst v63  }
0x44: {  	s26 =	simm.s32 $0x370  }
0x45: {  	[tilespmem:s26], [sflag:$0x5] =	stream.indirect.gather [hbm4b:s6+s13], $0x1, s13, s13, $0xb8;
	[tilespmem:$0x1ADB0] =	vst v63  }
0x46: {  	s28 =	simm.s32 $0x3C0  }
0x47: {  	[tilespmem:s28], [sflag:$0x4] =	stream.indirect.gather [hbm4b:s6+s13], $0x1, s30, s13, $0xb8;
	[tilespmem:$0x1ADB0] =	vst v63  }
0x48: {  	s0 =	simm.s32 $0x410  }
0x49: {  	[tilespmem:s0], [sflag:$0x5] =	stream.indirect.gather [hbm4b:s6+s13], $0x1, s18, s13, $0xb8;
	[tilespmem:$0x1ADB0] =	vst v63  }
0x4a: {  	s21 =	simm.s32 $0x460  }
0x4b: {  	[tilespmem:s21], [sflag:$0x4] =	stream.indirect.gather [hbm4b:s6+s13], $0x1, s20, s13, $0xb8;
	[tilespmem:$0x1ADB0] =	vst v63  }
0x4c: {  	_ =	swait.ge [sflag:s22], $0x50  }
0x4d: {  	[sflag:s22] =	ssyncset.done $0x0  }
0x4e: {  	[sflag:s22] =	ssyncadd.s32 $0xFFFFFFB0  }
0x4f: {  	_ =	swait.ge [sflag:s23], $0x50  }
0x50: {  	[sflag:s23] =	ssyncset.done $0x0  }
0x51: {  	[sflag:s23] =	ssyncadd.s32 $0xFFFFFFB0  }
0x52: {  	_ =	swait.ge [sflag:s22], $0x50  }
0x53: {  	[sflag:s22] =	ssyncset.done $0x0  }
0x54: {  	[sflag:s22] =	ssyncadd.s32 $0xFFFFFFB0  }
0x55: {  	_ =	swait.ge [sflag:s23], $0x50  }
0x56: {  	[sflag:s23] =	ssyncset.done $0x0  }
0x57: {  	[sflag:s23] =	ssyncadd.s32 $0xFFFFFFB0  }
0x58: {  	_ =	swait.ge [sflag:s22], $0x50  }
0x59: {  	[sflag:s22] =	ssyncset.done $0x0  }
0x5a: {  	s16 =	simm.s32 $0x4B0;
	[sflag:s22] =	ssyncadd.s32 $0xFFFFFFB0  }
0x5b: {  	[tilespmem:s16], [sflag:$0x1] =	stream.indirect.gather [hbm4b:s2+s13], $0x80, s19, s13, $0xb8;
	[tilespmem:$0x1ADB0] =	vst v63  }
0x5c: {  	s25 =	simm.s32 $0xCCB0  }
0x5d: {  	[tilespmem:s25], [sflag:$0x2] =	stream.indirect.gather [hbm4b:s2+s13], $0x80, s31, s13, $0xb8;
	[tilespmem:$0x1ADB0] =	vst v63  }
0x5e: {  	_ = 	snop  }
0x5f: {  	[tilespmem:s11], [sflag:$0x3] =	stream.indirect.gather [hbm4b:s4+s13], $0x10, s1, s13, $0xb8;
	[tilespmem:$0x1ADB0] =	vst v63  }
0x60: {  	s10 =	rddreg [dreg:$0x7]  }
0x61: {  	[tilespmem:s10], [sflag:$0x1] =	stream.indirect.gather [hbm4b:s2+s13], $0x80, s14, s13, $0xb8;
	[tilespmem:$0x1ADB0] =	vst v63  }
0x62: {  	s31 =	rddreg [dreg:$0x8]  }
0x63: {  	[tilespmem:s31], [sflag:$0x2] =	stream.indirect.gather [hbm4b:s2+s13], $0x80, s26, s13, $0xb8;
	[tilespmem:$0x1ADB0] =	vst v63  }
0x64: {  	s14 =	rddreg [dreg:$0x9]  }
0x65: {  	[tilespmem:s14], [sflag:$0x3] =	stream.indirect.gather [hbm4b:s4+s13], $0x10, s13, s13, $0xb8;
	[tilespmem:$0x1ADB0] =	vst v63  }
0x66: {  	s26 =	rddreg [dreg:$0xa]  }
0x67: {  	[tilespmem:s26], [sflag:$0x1] =	stream.indirect.gather [hbm4b:s2+s13], $0x80, s24, s13, $0xb8;
	[tilespmem:$0x1ADB0] =	vst v63  }
0x68: {  	s31 =	rddreg [dreg:$0xb]  }
0x69: {  	[tilespmem:s31], [sflag:$0x2] =	stream.indirect.gather [hbm4b:s2+s13], $0x80, s28, s13, $0xb8;
	[tilespmem:$0x1ADB0] =	vst v63  }
0x6a: {  	s14 =	rddreg [dreg:$0xc]  }
0x6b: {  	[tilespmem:s14], [sflag:$0x3] =	stream.indirect.gather [hbm4b:s4+s13], $0x10, s30, s13, $0xb8;
	[tilespmem:$0x1ADB0] =	vst v63  }
0x6c: {  	s24 =	rddreg [dreg:$0xd]  }
0x6d: {  	[tilespmem:s24], [sflag:$0x1] =	stream.indirect.gather [hbm4b:s2+s13], $0x80, s15, s13, $0xb8;
	[tilespmem:$0x1ADB0] =	vst v63  }
0x6e: {  	s26 =	rddreg [dreg:$0xe]  }
0x6f: {  	[tilespmem:s26], [sflag:$0x2] =	stream.indirect.gather [hbm4b:s2+s13], $0x80, s0, s13, $0xb8;
	[tilespmem:$0x1ADB0] =	vst v63  }
0x70: {  	s28 =	rddreg [dreg:$0xf]  }
0x71: {  	[tilespmem:s28], [sflag:$0x3] =	stream.indirect.gather [hbm4b:s4+s13], $0x10, s18, s13, $0xb8;
	[tilespmem:$0x1ADB0] =	vst v63  }
0x72: {  	s31 =	rddreg [dreg:$0x10]  }
0x73: {  	[tilespmem:s31], [sflag:$0x1] =	stream.indirect.gather [hbm4b:s2+s13], $0x80, s17, s13, $0xb8;
	[tilespmem:$0x1ADB0] =	vst v63  }
0x74: {  	s0 =	rddreg [dreg:$0x11]  }
0x75: {  	[tilespmem:s0], [sflag:$0x2] =	stream.indirect.gather [hbm4b:s2+s13], $0x80, s21, s13, $0xb8;
	[tilespmem:$0x1ADB0] =	vst v63  }
0x76: {  	s14 =	rddreg [dreg:$0x12]  }
0x77: {  	[tilespmem:s14], [sflag:$0x3] =	stream.indirect.gather [hbm4b:s4+s13], $0x10, s20, s13, $0xb8;
	[tilespmem:$0x1ADB0] =	vst v63  }
0x78: {  	_ =	swait.ge [sflag:s3], $0x2800  }
0x79: {  	[sflag:s3] =	ssyncset.done $0x0  }
0x7a: {  	[sflag:s3] =	ssyncadd.s32 $0xFFFFD800  }
0x7b: {  	_ =	swait.ge [sflag:s7], $0x2800  }
0x7c: {  	[sflag:s7] =	ssyncset.done $0x0  }
0x7d: {  	[sflag:s7] =	ssyncadd.s32 $0xFFFFD800  }
0x7e: {  	_ =	swait.ge [sflag:s8], $0x500  }
0x7f: {  	[sflag:s8] =	ssyncset.done $0x0  }
0x80: {  	[sflag:s8] =	ssyncadd.s32 $0xFFFFFB00  }
0x81: {  	_ =	swait.ge [sflag:s3], $0x2800  }
0x82: {  	[sflag:s3] =	ssyncset.done $0x0  }
0x83: {  	[sflag:s3] =	ssyncadd.s32 $0xFFFFD800  }
0x84: {  	_ =	swait.ge [sflag:s7], $0x2800  }
0x85: {  	[sflag:s7] =	ssyncset.done $0x0  }
0x86: {  	[sflag:s7] =	ssyncadd.s32 $0xFFFFD800  }
0x87: {  	_ =	swait.ge [sflag:s8], $0x500  }
0x88: {  	[sflag:s8] =	ssyncset.done $0x0  }
0x89: {  	[sflag:s8] =	ssyncadd.s32 $0xFFFFFB00  }
0x8a: {  	_ =	swait.ge [sflag:s3], $0x2800  }
0x8b: {  	[sflag:s3] =	ssyncset.done $0x0  }
0x8c: {  	[sflag:s3] =	ssyncadd.s32 $0xFFFFD800  }
0x8d: {  	_ =	swait.ge [sflag:s7], $0x2800  }
0x8e: {  	[sflag:s7] =	ssyncset.done $0x0  }
0x8f: {  	[sflag:s7] =	ssyncadd.s32 $0xFFFFD800  }
0x90: {  	_ =	swait.ge [sflag:s8], $0x500  }
0x91: {  	[sflag:s8] =	ssyncset.done $0x0  }
0x92: {  	[sflag:s8] =	ssyncadd.s32 $0xFFFFFB00  }
0x93: {  	_ =	swait.ge [sflag:s3], $0x2800  }
0x94: {  	[sflag:s3] =	ssyncset.done $0x0  }
0x95: {  	[sflag:s3] =	ssyncadd.s32 $0xFFFFD800  }
0x96: {  	_ =	swait.ge [sflag:s7], $0x2800  }
0x97: {  	[sflag:s7] =	ssyncset.done $0x0  }
0x98: {  	[sflag:s7] =	ssyncadd.s32 $0xFFFFD800  }
0x99: {  	_ =	swait.ge [sflag:s8], $0x500  }
0x9a: {  	[sflag:s8] =	ssyncset.done $0x0  }
0x9b: {  	[sflag:s8] =	ssyncadd.s32 $0xFFFFFB00  }
0x9c: {  	_ =	swait.ge [sflag:s3], $0x2800  }
0x9d: {  	[sflag:s3] =	ssyncset.done $0x0  }
0x9e: {  	[sflag:s3] =	ssyncadd.s32 $0xFFFFD800  }
0x9f: {  	_ =	swait.ge [sflag:s7], $0x2800  }
0xa0: {  	[sflag:s7] =	ssyncset.done $0x0  }
0xa1: {  	[sflag:s7] =	ssyncadd.s32 $0xFFFFD800  }
0xa2: {  	_ =	swait.ge [sflag:s8], $0x500  }
0xa3: {  	s17 =	rddreg [dreg:$0x16]  }
0xa4: {  	s15 =	rddreg [dreg:$0x4];
	[sflag:s8] =	ssyncset.done $0x0;
	s21 =	sshrl.u32 s17, $0x3  }
0xa5: {  	[sflag:s8] =	ssyncadd.s32 $0xFFFFFB00;
	s10 =	sadd.s32 s15, s21  }
0xa6: {  	[hbm4b:s10+s1] =	stream.linear.scatter [tilespmem:s16], [sflag:$0x6], $0xC800, $0x38;
	[tilespmem:$0x1ADB0] =	vst v63  }
0xa7: {  	_ =	swait.ge [sflag:s12], $0xC800  }
0xa8: {  	s24 =	rddreg [dreg:$0x5];
	[sflag:s12] =	ssyncset.done $0x0  }
0xa9: {  	[sflag:s12] =	ssyncadd.s32 $0xFFFF3800;
	s10 =	sadd.s32 s24, s21  }
0xaa: {  	[hbm4b:s10+s1] =	stream.linear.scatter [tilespmem:s25], [sflag:$0x6], $0xC800, $0x38;
	[tilespmem:$0x1ADB0] =	vst v63  }
0xab: {  	_ =	swait.ge [sflag:s12], $0xC800  }
0xac: {  	s28 =	rddreg [dreg:$0x17]  }
0xad: {  	s26 =	rddreg [dreg:$0x6];
	[sflag:s12] =	ssyncset.done $0x0;
	s31 =	sshrl.u32 s28, $0x3  }
0xae: {  	s19 =	simm.s32 $0x194B0;
	[sflag:s12] =	ssyncadd.s32 $0xFFFF3800;
	s10 =	sadd.s32 s26, s31  }
0xaf: {  	[hbm4b:s10+s1] =	stream.linear.scatter [tilespmem:s19], [sflag:$0x6], $0x1900, $0x38;
	[tilespmem:$0x1ADB0] =	vst v63  }
0xb0: {  	s10 =	sadd.s32 $0x1, s9  }
0xb1: {  	p1 =	seq.s32 s10, $0x0  }
.Ltmp1:
0xb2: {  	_ = 	snop;
	(pc) =	sbr.rel @p1 .LBB2_4-.Ltmp1, $4  }
0xb3: {  	_ = 	snop  }
0xb4: {  	p0 =	por $0x1, $0x1  }
0xb5: {  	s14 =	smov.u32 s29;
	s11 =	sadd.s32 $0x32000, s28;
	_ =	swait.ge [sflag:s12], $0x1900  }
0xb6: {  	s9 =	sadd.s32 $0x190000, s17;
	s15 =	rddreg [dreg:$0x3];
	[sflag:s12] =	ssyncset.done $0x0  }
.LBB2_5:
0xb7: {  	s14 =	sadd.s32 $0x3200, s14  }
0xb8: {  	s17 =	sshrl.u32 s14, $0x3  }
0xb9: {  	[sflag:s12] =	ssyncadd.s32 $0xFFFFE700;
	s15 =	sadd.s32 s15, s17  }
0xba: {  	[tilespmem:s1], [sflag:$0x6] =	stream.linear.gather [hbm4b:s15+s1], $0x190, $0x38;
	[tilespmem:$0x1ADB0] =	vst v63  }
0xbb: {  	_ =	swait.ge [sflag:s12], $0x190  }
0xbc: {  	[sflag:s12] =	ssyncset.done $0x0  }
0xbd: {  	s17 =	simm.s32 $0x190;
	[sflag:s12] =	ssyncadd.s32 $0xFFFFFE70  }
0xbe: {  	[tilespmem:s17], [sflag:$0x4] =	stream.indirect.gather [hbm4b:s5+s13], $0x1, s1, s13, $0xb8;
	[tilespmem:$0x1ADB0] =	vst v63  }
0xbf: {  	s24 =	simm.s32 $0x1E0  }
0xc0: {  	[tilespmem:s24], [sflag:$0x5] =	stream.indirect.gather [hbm4b:s5+s13], $0x1, s13, s13, $0xb8;
	[tilespmem:$0x1ADB0] =	vst v63  }
0xc1: {  	s29 =	simm.s32 $0x230  }
0xc2: {  	[tilespmem:s29], [sflag:$0x4] =	stream.indirect.gather [hbm4b:s5+s13], $0x1, s30, s13, $0xb8;
	[tilespmem:$0x1ADB0] =	vst v63  }
0xc3: {  	s26 =	simm.s32 $0x280  }
0xc4: {  	[tilespmem:s26], [sflag:$0x5] =	stream.indirect.gather [hbm4b:s5+s13], $0x1, s18, s13, $0xb8;
	[tilespmem:$0x1ADB0] =	vst v63  }
0xc5: {  	s28 =	simm.s32 $0x2D0  }
0xc6: {  	[tilespmem:s28], [sflag:$0x4] =	stream.indirect.gather [hbm4b:s5+s13], $0x1, s20, s13, $0xb8;
	[tilespmem:$0x1ADB0] =	vst v63  }
0xc7: {  	_ =	swait.ge [sflag:s22], $0x50  }
0xc8: {  	[sflag:s22] =	ssyncset.done $0x0  }
0xc9: {  	[sflag:s22] =	ssyncadd.s32 $0xFFFFFFB0  }
0xca: {  	_ =	swait.ge [sflag:s23], $0x50  }
0xcb: {  	[sflag:s23] =	ssyncset.done $0x0  }
0xcc: {  	[sflag:s23] =	ssyncadd.s32 $0xFFFFFFB0  }
0xcd: {  	_ =	swait.ge [sflag:s22], $0x50  }
0xce: {  	[sflag:s22] =	ssyncset.done $0x0  }
0xcf: {  	[sflag:s22] =	ssyncadd.s32 $0xFFFFFFB0  }
0xd0: {  	_ =	swait.ge [sflag:s23], $0x50  }
0xd1: {  	[sflag:s23] =	ssyncset.done $0x0  }
0xd2: {  	[sflag:s23] =	ssyncadd.s32 $0xFFFFFFB0  }
0xd3: {  	_ =	swait.ge [sflag:s22], $0x50  }
0xd4: {  	[sflag:s22] =	ssyncset.done $0x0  }
0xd5: {  	s15 =	simm.s32 $0x320;
	[sflag:s22] =	ssyncadd.s32 $0xFFFFFFB0  }
0xd6: {  	[tilespmem:s15], [sflag:$0x4] =	stream.indirect.gather [hbm4b:s6+s13], $0x1, s1, s13, $0xb8;
	[tilespmem:$0x1ADB0] =	vst v63  }
0xd7: {  	s30 =	simm.s32 $0x370  }
0xd8: {  	[tilespmem:s30], [sflag:$0x5] =	stream.indirect.gather [hbm4b:s6+s13], $0x1, s13, s13, $0xb8;
	[tilespmem:$0x1ADB0] =	vst v63  }
0xd9: {  	s0 =	simm.s32 $0xA0;
	s31 =	simm.s32 $0x3C0  }
0xda: {  	[tilespmem:s31], [sflag:$0x4] =	stream.indirect.gather [hbm4b:s6+s13], $0x1, s0, s13, $0xb8;
	[tilespmem:$0x1ADB0] =	vst v63  }
0xdb: {  	s0 =	simm.s32 $0x410  }
0xdc: {  	[tilespmem:s0], [sflag:$0x5] =	stream.indirect.gather [hbm4b:s6+s13], $0x1, s18, s13, $0xb8;
	[tilespmem:$0x1ADB0] =	vst v63  }
0xdd: {  	s21 =	simm.s32 $0x460  }
0xde: {  	[tilespmem:s21], [sflag:$0x4] =	stream.indirect.gather [hbm4b:s6+s13], $0x1, s20, s13, $0xb8;
	[tilespmem:$0x1ADB0] =	vst v63  }
0xdf: {  	_ =	swait.ge [sflag:s22], $0x50  }
0xe0: {  	[sflag:s22] =	ssyncset.done $0x0  }
0xe1: {  	[sflag:s22] =	ssyncadd.s32 $0xFFFFFFB0  }
0xe2: {  	_ =	swait.ge [sflag:s23], $0x50  }
0xe3: {  	[sflag:s23] =	ssyncset.done $0x0  }
0xe4: {  	[sflag:s23] =	ssyncadd.s32 $0xFFFFFFB0  }
0xe5: {  	_ =	swait.ge [sflag:s22], $0x50  }
0xe6: {  	[sflag:s22] =	ssyncset.done $0x0  }
0xe7: {  	[sflag:s22] =	ssyncadd.s32 $0xFFFFFFB0  }
0xe8: {  	_ =	swait.ge [sflag:s23], $0x50  }
0xe9: {  	[sflag:s23] =	ssyncset.done $0x0  }
0xea: {  	[sflag:s23] =	ssyncadd.s32 $0xFFFFFFB0  }
0xeb: {  	_ =	swait.ge [sflag:s22], $0x50  }
0xec: {  	[sflag:s22] =	ssyncset.done $0x0  }
0xed: {  	s16 =	simm.s32 $0x4B0;
	[sflag:s22] =	ssyncadd.s32 $0xFFFFFFB0  }
0xee: {  	[tilespmem:s16], [sflag:$0x1] =	stream.indirect.gather [hbm4b:s2+s13], $0x80, s17, s13, $0xb8;
	[tilespmem:$0x1ADB0] =	vst v63  }
0xef: {  	_ = 	snop  }
0xf0: {  	[tilespmem:s25], [sflag:$0x2] =	stream.indirect.gather [hbm4b:s2+s13], $0x80, s15, s13, $0xb8;
	[tilespmem:$0x1ADB0] =	vst v63  }
0xf1: {  	_ = 	snop  }
0xf2: {  	[tilespmem:s19], [sflag:$0x3] =	stream.indirect.gather [hbm4b:s4+s13], $0x10, s1, s13, $0xb8;
	[tilespmem:$0x1ADB0] =	vst v63  }
0xf3: {  	s15 =	rddreg [dreg:$0x7]  }
0xf4: {  	[tilespmem:s15], [sflag:$0x1] =	stream.indirect.gather [hbm4b:s2+s13], $0x80, s24, s13, $0xb8;
	[tilespmem:$0x1ADB0] =	vst v63  }
0xf5: {  	s17 =	rddreg [dreg:$0x8]  }
0xf6: {  	[tilespmem:s17], [sflag:$0x2] =	stream.indirect.gather [hbm4b:s2+s13], $0x80, s30, s13, $0xb8;
	[tilespmem:$0x1ADB0] =	vst v63  }
0xf7: {  	s24 =	rddreg [dreg:$0x9]  }
0xf8: {  	[tilespmem:s24], [sflag:$0x3] =	stream.indirect.gather [hbm4b:s4+s13], $0x10, s13, s13, $0xb8;
	[tilespmem:$0x1ADB0] =	vst v63  }
0xf9: {  	s17 =	rddreg [dreg:$0xa]  }
0xfa: {  	[tilespmem:s17], [sflag:$0x1] =	stream.indirect.gather [hbm4b:s2+s13], $0x80, s29, s13, $0xb8;
	[tilespmem:$0x1ADB0] =	vst v63  }
0xfb: {  	s24 =	rddreg [dreg:$0xb]  }
0xfc: {  	[tilespmem:s24], [sflag:$0x2] =	stream.indirect.gather [hbm4b:s2+s13], $0x80, s31, s13, $0xb8;
	[tilespmem:$0x1ADB0] =	vst v63  }
0xfd: {  	s30 =	simm.s32 $0xA0;
	s29 =	rddreg [dreg:$0xc]  }
0xfe: {  	[tilespmem:s29], [sflag:$0x3] =	stream.indirect.gather [hbm4b:s4+s13], $0x10, s30, s13, $0xb8;
	[tilespmem:$0x1ADB0] =	vst v63  }
0xff: {  	s31 =	rddreg [dreg:$0xd]  }
0x100: {  	[tilespmem:s31], [sflag:$0x1] =	stream.indirect.gather [hbm4b:s2+s13], $0x80, s26, s13, $0xb8;
	[tilespmem:$0x1ADB0] =	vst v63  }
0x101: {  	s24 =	rddreg [dreg:$0xe]  }
0x102: {  	[tilespmem:s24], [sflag:$0x2] =	stream.indirect.gather [hbm4b:s2+s13], $0x80, s0, s13, $0xb8;
	[tilespmem:$0x1ADB0] =	vst v63  }
0x103: {  	s26 =	rddreg [dreg:$0xf]  }
0x104: {  	[tilespmem:s26], [sflag:$0x3] =	stream.indirect.gather [hbm4b:s4+s13], $0x10, s18, s13, $0xb8;
	[tilespmem:$0x1ADB0] =	vst v63  }
0x105: {  	s29 =	rddreg [dreg:$0x10]  }
0x106: {  	[tilespmem:s29], [sflag:$0x1] =	stream.indirect.gather [hbm4b:s2+s13], $0x80, s28, s13, $0xb8;
	[tilespmem:$0x1ADB0] =	vst v63  }
0x107: {  	s31 =	rddreg [dreg:$0x11]  }
0x108: {  	[tilespmem:s31], [sflag:$0x2] =	stream.indirect.gather [hbm4b:s2+s13], $0x80, s21, s13, $0xb8;
	[tilespmem:$0x1ADB0] =	vst v63  }
0x109: {  	s0 =	rddreg [dreg:$0x12]  }
0x10a: {  	[tilespmem:s0], [sflag:$0x3] =	stream.indirect.gather [hbm4b:s4+s13], $0x10, s20, s13, $0xb8;
	[tilespmem:$0x1ADB0] =	vst v63  }
0x10b: {  	_ =	swait.ge [sflag:s3], $0x2800  }
0x10c: {  	[sflag:s3] =	ssyncset.done $0x0  }
0x10d: {  	[sflag:s3] =	ssyncadd.s32 $0xFFFFD800  }
0x10e: {  	_ =	swait.ge [sflag:s7], $0x2800  }
0x10f: {  	[sflag:s7] =	ssyncset.done $0x0  }
0x110: {  	[sflag:s7] =	ssyncadd.s32 $0xFFFFD800  }
0x111: {  	_ =	swait.ge [sflag:s8], $0x500  }
0x112: {  	[sflag:s8] =	ssyncset.done $0x0  }
0x113: {  	[sflag:s8] =	ssyncadd.s32 $0xFFFFFB00  }
0x114: {  	_ =	swait.ge [sflag:s3], $0x2800  }
0x115: {  	[sflag:s3] =	ssyncset.done $0x0  }
0x116: {  	[sflag:s3] =	ssyncadd.s32 $0xFFFFD800  }
0x117: {  	_ =	swait.ge [sflag:s7], $0x2800  }
0x118: {  	[sflag:s7] =	ssyncset.done $0x0  }
0x119: {  	[sflag:s7] =	ssyncadd.s32 $0xFFFFD800  }
0x11a: {  	_ =	swait.ge [sflag:s8], $0x500  }
0x11b: {  	[sflag:s8] =	ssyncset.done $0x0  }
0x11c: {  	[sflag:s8] =	ssyncadd.s32 $0xFFFFFB00  }
0x11d: {  	_ =	swait.ge [sflag:s3], $0x2800  }
0x11e: {  	[sflag:s3] =	ssyncset.done $0x0  }
0x11f: {  	[sflag:s3] =	ssyncadd.s32 $0xFFFFD800  }
0x120: {  	_ =	swait.ge [sflag:s7], $0x2800  }
0x121: {  	[sflag:s7] =	ssyncset.done $0x0  }
0x122: {  	[sflag:s7] =	ssyncadd.s32 $0xFFFFD800  }
0x123: {  	_ =	swait.ge [sflag:s8], $0x500  }
0x124: {  	[sflag:s8] =	ssyncset.done $0x0  }
0x125: {  	[sflag:s8] =	ssyncadd.s32 $0xFFFFFB00  }
0x126: {  	_ =	swait.ge [sflag:s3], $0x2800  }
0x127: {  	[sflag:s3] =	ssyncset.done $0x0  }
0x128: {  	[sflag:s3] =	ssyncadd.s32 $0xFFFFD800  }
0x129: {  	_ =	swait.ge [sflag:s7], $0x2800  }
0x12a: {  	[sflag:s7] =	ssyncset.done $0x0  }
0x12b: {  	[sflag:s7] =	ssyncadd.s32 $0xFFFFD800  }
0x12c: {  	_ =	swait.ge [sflag:s8], $0x500  }
0x12d: {  	[sflag:s8] =	ssyncset.done $0x0  }
0x12e: {  	[sflag:s8] =	ssyncadd.s32 $0xFFFFFB00  }
0x12f: {  	_ =	swait.ge [sflag:s3], $0x2800  }
0x130: {  	[sflag:s3] =	ssyncset.done $0x0  }
0x131: {  	[sflag:s3] =	ssyncadd.s32 $0xFFFFD800  }
0x132: {  	_ =	swait.ge [sflag:s7], $0x2800  }
0x133: {  	[sflag:s7] =	ssyncset.done $0x0  }
0x134: {  	[sflag:s7] =	ssyncadd.s32 $0xFFFFD800  }
0x135: {  	_ =	swait.ge [sflag:s8], $0x500  }
0x136: {  	s26 =	sshrl.u32 s9, $0x3;
	s24 =	rddreg [dreg:$0x4];
	[sflag:s8] =	ssyncset.done $0x0  }
0x137: {  	[sflag:s8] =	ssyncadd.s32 $0xFFFFFB00;
	s15 =	sadd.s32 s24, s26  }
0x138: {  	[hbm4b:s15+s1] =	stream.linear.scatter [tilespmem:s16], [sflag:$0x6], $0xC800, $0x38;
	[tilespmem:$0x1ADB0] =	vst v63  }
0x139: {  	_ =	swait.ge [sflag:s12], $0xC800  }
0x13a: {  	s28 =	rddreg [dreg:$0x5];
	[sflag:s12] =	ssyncset.done $0x0  }
0x13b: {  	s10 =	sadd.s32 $0x1, s10;
	[sflag:s12] =	ssyncadd.s32 $0xFFFF3800;
	s15 =	sadd.s32 s28, s26  }
0x13c: {  	[hbm4b:s15+s1] =	stream.linear.scatter [tilespmem:s25], [sflag:$0x6], $0xC800, $0x38;
	[tilespmem:$0x1ADB0] =	vst v63  }
0x13d: {  	p1 =	seq.s32 s10, $0x0;
	s31 =	sshrl.u32 s11, $0x3;
	_ =	swait.ge [sflag:s12], $0xC800  }
.Ltmp2:
0x13e: {  	s29 =	rddreg [dreg:$0x6];
	[sflag:s12] =	ssyncset.done $0x0;
	(pc) =	sbr.rel @!p1 .LBB2_5-.Ltmp2, $4  }
0x13f: {  	[sflag:s12] =	ssyncadd.s32 $0xFFFF3800;
	s15 =	sadd.s32 s29, s31  }
0x140: {  	[hbm4b:s15+s1] =	stream.linear.scatter [tilespmem:s19], [sflag:$0x6], $0x1900, $0x38;
	[tilespmem:$0x1ADB0] =	vst v63  }
0x141: {  	s9 =	sadd.s32 $0x190000, s9;
	_ =	swait.ge [sflag:s12], $0x1900  }
0x142: {  	s11 =	sadd.s32 $0x32000, s11;
	s15 =	rddreg [dreg:$0x3];
	[sflag:s12] =	ssyncset.done $0x0  }
0x143: {  	s16 =	rddreg [dreg:$0x15];
	s21 =	simm.s32 $0x1E0;
	s24 =	simm.s32 $0x230  }
0x144: {  	s25 =	simm.s32 $0x280;
	s26 =	simm.s32 $0x2D0;
	s28 =	simm.s32 $0x320  }
0x145: {  	s19 =	simm.s32 $0x370;
	s30 =	simm.s32 $0x3C0;
	s0 =	simm.s32 $0x410  }
0x146: {  	s31 =	simm.s32 $0x460;
	s29 =	simm.s32 $0x4B0;
	s17 =	rddreg [dreg:$0x18]  }
.LBB2_7:
0x147: {  	s10 =	sadd.s32 @p0 $0x3200, s14;
	s14 =	smov.u32 s16  }
0x148: {  	s14 =	smov.u32 @p0 s10  }
0x149: {  	s10 =	sshrl.u32 s14, $0x3  }
0x14a: {  	[sflag:s12] =	ssyncadd.s32 @p0 $0xFFFFE700;
	s10 =	sadd.s32 s15, s10  }
0x14b: {  	[tilespmem:s1], [sflag:$0x6] =	stream.linear.gather [hbm4b:s10+s1], $0x190, $0x38;
	[tilespmem:$0x1ADB0] =	vst v63  }
0x14c: {  	_ =	swait.ge [sflag:s12], $0x190  }
0x14d: {  	[sflag:s12] =	ssyncset.done $0x0  }
0x14e: {  	s15 =	simm.s32 $0x190;
	[sflag:s12] =	ssyncadd.s32 $0xFFFFFE70  }
0x14f: {  	[tilespmem:s15], [sflag:$0x4] =	stream.indirect.gather [hbm4b:s5+s13], $0x1, s1, s13, $0xb8;
	[tilespmem:$0x1ADB0] =	vst v63  }
0x150: {  	_ = 	snop  }
0x151: {  	[tilespmem:s21], [sflag:$0x5] =	stream.indirect.gather [hbm4b:s5+s13], $0x1, s13, s13, $0xb8;
	[tilespmem:$0x1ADB0] =	vst v63  }
0x152: {  	s16 =	simm.s32 $0xA0  }
0x153: {  	[tilespmem:s24], [sflag:$0x4] =	stream.indirect.gather [hbm4b:s5+s13], $0x1, s16, s13, $0xb8;
	[tilespmem:$0x1ADB0] =	vst v63  }
0x154: {  	_ = 	snop  }
0x155: {  	[tilespmem:s25], [sflag:$0x5] =	stream.indirect.gather [hbm4b:s5+s13], $0x1, s18, s13, $0xb8;
	[tilespmem:$0x1ADB0] =	vst v63  }
0x156: {  	_ = 	snop  }
0x157: {  	[tilespmem:s26], [sflag:$0x4] =	stream.indirect.gather [hbm4b:s5+s13], $0x1, s20, s13, $0xb8;
	[tilespmem:$0x1ADB0] =	vst v63  }
0x158: {  	_ =	swait.ge [sflag:s22], $0x50  }
0x159: {  	[sflag:s22] =	ssyncset.done $0x0  }
0x15a: {  	[sflag:s22] =	ssyncadd.s32 $0xFFFFFFB0  }
0x15b: {  	_ =	swait.ge [sflag:s23], $0x50  }
0x15c: {  	[sflag:s23] =	ssyncset.done $0x0  }
0x15d: {  	[sflag:s23] =	ssyncadd.s32 $0xFFFFFFB0  }
0x15e: {  	_ =	swait.ge [sflag:s22], $0x50  }
0x15f: {  	[sflag:s22] =	ssyncset.done $0x0  }
0x160: {  	[sflag:s22] =	ssyncadd.s32 $0xFFFFFFB0  }
0x161: {  	_ =	swait.ge [sflag:s23], $0x50  }
0x162: {  	[sflag:s23] =	ssyncset.done $0x0  }
0x163: {  	[sflag:s23] =	ssyncadd.s32 $0xFFFFFFB0  }
0x164: {  	_ =	swait.ge [sflag:s22], $0x50  }
0x165: {  	[sflag:s22] =	ssyncset.done $0x0  }
0x166: {  	[sflag:s22] =	ssyncadd.s32 $0xFFFFFFB0  }
0x167: {  	[tilespmem:s28], [sflag:$0x4] =	stream.indirect.gather [hbm4b:s6+s13], $0x1, s1, s13, $0xb8;
	[tilespmem:$0x1ADB0] =	vst v63  }
0x168: {  	_ = 	snop  }
0x169: {  	[tilespmem:s19], [sflag:$0x5] =	stream.indirect.gather [hbm4b:s6+s13], $0x1, s13, s13, $0xb8;
	[tilespmem:$0x1ADB0] =	vst v63  }
0x16a: {  	_ = 	snop  }
0x16b: {  	[tilespmem:s30], [sflag:$0x4] =	stream.indirect.gather [hbm4b:s6+s13], $0x1, s16, s13, $0xb8;
	[tilespmem:$0x1ADB0] =	vst v63  }
0x16c: {  	_ = 	snop  }
0x16d: {  	[tilespmem:s0], [sflag:$0x5] =	stream.indirect.gather [hbm4b:s6+s13], $0x1, s18, s13, $0xb8;
	[tilespmem:$0x1ADB0] =	vst v63  }
0x16e: {  	_ = 	snop  }
0x16f: {  	[tilespmem:s31], [sflag:$0x4] =	stream.indirect.gather [hbm4b:s6+s13], $0x1, s20, s13, $0xb8;
	[tilespmem:$0x1ADB0] =	vst v63  }
0x170: {  	_ =	swait.ge [sflag:s22], $0x50  }
0x171: {  	[sflag:s22] =	ssyncset.done $0x0  }
0x172: {  	[sflag:s22] =	ssyncadd.s32 $0xFFFFFFB0  }
0x173: {  	_ =	swait.ge [sflag:s23], $0x50  }
0x174: {  	[sflag:s23] =	ssyncset.done $0x0  }
0x175: {  	[sflag:s23] =	ssyncadd.s32 $0xFFFFFFB0  }
0x176: {  	_ =	swait.ge [sflag:s22], $0x50  }
0x177: {  	[sflag:s22] =	ssyncset.done $0x0  }
0x178: {  	[sflag:s22] =	ssyncadd.s32 $0xFFFFFFB0  }
0x179: {  	_ =	swait.ge [sflag:s23], $0x50  }
0x17a: {  	[sflag:s23] =	ssyncset.done $0x0  }
0x17b: {  	[sflag:s23] =	ssyncadd.s32 $0xFFFFFFB0  }
0x17c: {  	_ =	swait.ge [sflag:s22], $0x50  }
0x17d: {  	[sflag:s22] =	ssyncset.done $0x0  }
0x17e: {  	[sflag:s22] =	ssyncadd.s32 $0xFFFFFFB0  }
0x17f: {  	[tilespmem:s29], [sflag:$0x1] =	stream.indirect.gather [hbm4b:s2+s13], $0x80, s15, s13, $0xb8;
	[tilespmem:$0x1ADB0] =	vst v63  }
0x180: {  	s15 =	simm.s32 $0xCCB0  }
0x181: {  	[tilespmem:s15], [sflag:$0x2] =	stream.indirect.gather [hbm4b:s2+s13], $0x80, s28, s13, $0xb8;
	[tilespmem:$0x1ADB0] =	vst v63  }
0x182: {  	s28 =	simm.s32 $0x194B0  }
0x183: {  	[tilespmem:s28], [sflag:$0x3] =	stream.indirect.gather [hbm4b:s4+s13], $0x10, s1, s13, $0xb8;
	[tilespmem:$0x1ADB0] =	vst v63  }
0x184: {  	s10 =	rddreg [dreg:$0x7]  }
0x185: {  	[tilespmem:s10], [sflag:$0x1] =	stream.indirect.gather [hbm4b:s2+s13], $0x80, s21, s13, $0xb8;
	[tilespmem:$0x1ADB0] =	vst v63  }
0x186: {  	s14 =	rddreg [dreg:$0x8]  }
0x187: {  	[tilespmem:s14], [sflag:$0x2] =	stream.indirect.gather [hbm4b:s2+s13], $0x80, s19, s13, $0xb8;
	[tilespmem:$0x1ADB0] =	vst v63  }
0x188: {  	s28 =	rddreg [dreg:$0x9]  }
0x189: {  	[tilespmem:s28], [sflag:$0x3] =	stream.indirect.gather [hbm4b:s4+s13], $0x10, s13, s13, $0xb8;
	[tilespmem:$0x1ADB0] =	vst v63  }
0x18a: {  	s19 =	rddreg [dreg:$0xa]  }
0x18b: {  	[tilespmem:s19], [sflag:$0x1] =	stream.indirect.gather [hbm4b:s2+s13], $0x80, s24, s13, $0xb8;
	[tilespmem:$0x1ADB0] =	vst v63  }
0x18c: {  	s21 =	rddreg [dreg:$0xb]  }
0x18d: {  	[tilespmem:s21], [sflag:$0x2] =	stream.indirect.gather [hbm4b:s2+s13], $0x80, s30, s13, $0xb8;
	[tilespmem:$0x1ADB0] =	vst v63  }
0x18e: {  	s28 =	rddreg [dreg:$0xc]  }
0x18f: {  	[tilespmem:s28], [sflag:$0x3] =	stream.indirect.gather [hbm4b:s4+s13], $0x10, s16, s13, $0xb8;
	[tilespmem:$0x1ADB0] =	vst v63  }
0x190: {  	s30 =	rddreg [dreg:$0xd]  }
0x191: {  	[tilespmem:s30], [sflag:$0x1] =	stream.indirect.gather [hbm4b:s2+s13], $0x80, s25, s13, $0xb8;
	[tilespmem:$0x1ADB0] =	vst v63  }
0x192: {  	s16 =	rddreg [dreg:$0xe]  }
0x193: {  	[tilespmem:s16], [sflag:$0x2] =	stream.indirect.gather [hbm4b:s2+s13], $0x80, s0, s13, $0xb8;
	[tilespmem:$0x1ADB0] =	vst v63  }
0x194: {  	s19 =	rddreg [dreg:$0xf]  }
0x195: {  	[tilespmem:s19], [sflag:$0x3] =	stream.indirect.gather [hbm4b:s4+s13], $0x10, s18, s13, $0xb8;
	[tilespmem:$0x1ADB0] =	vst v63  }
0x196: {  	s21 =	rddreg [dreg:$0x10]  }
0x197: {  	[tilespmem:s21], [sflag:$0x1] =	stream.indirect.gather [hbm4b:s2+s13], $0x80, s26, s13, $0xb8;
	[tilespmem:$0x1ADB0] =	vst v63  }
0x198: {  	s24 =	rddreg [dreg:$0x11]  }
0x199: {  	[tilespmem:s24], [sflag:$0x2] =	stream.indirect.gather [hbm4b:s2+s13], $0x80, s31, s13, $0xb8;
	[tilespmem:$0x1ADB0] =	vst v63  }
0x19a: {  	s25 =	rddreg [dreg:$0x12]  }
0x19b: {  	[tilespmem:s25], [sflag:$0x3] =	stream.indirect.gather [hbm4b:s4+s13], $0x10, s20, s13, $0xb8;
	[tilespmem:$0x1ADB0] =	vst v63  }
0x19c: {  	_ =	swait.ge [sflag:s3], $0x2800  }
0x19d: {  	[sflag:s3] =	ssyncset.done $0x0  }
0x19e: {  	[sflag:s3] =	ssyncadd.s32 $0xFFFFD800  }
0x19f: {  	_ =	swait.ge [sflag:s7], $0x2800  }
0x1a0: {  	[sflag:s7] =	ssyncset.done $0x0  }
0x1a1: {  	[sflag:s7] =	ssyncadd.s32 $0xFFFFD800  }
0x1a2: {  	_ =	swait.ge [sflag:s8], $0x500  }
0x1a3: {  	[sflag:s8] =	ssyncset.done $0x0  }
0x1a4: {  	[sflag:s8] =	ssyncadd.s32 $0xFFFFFB00  }
0x1a5: {  	_ =	swait.ge [sflag:s3], $0x2800  }
0x1a6: {  	[sflag:s3] =	ssyncset.done $0x0  }
0x1a7: {  	[sflag:s3] =	ssyncadd.s32 $0xFFFFD800  }
0x1a8: {  	_ =	swait.ge [sflag:s7], $0x2800  }
0x1a9: {  	[sflag:s7] =	ssyncset.done $0x0  }
0x1aa: {  	[sflag:s7] =	ssyncadd.s32 $0xFFFFD800  }
0x1ab: {  	_ =	swait.ge [sflag:s8], $0x500  }
0x1ac: {  	[sflag:s8] =	ssyncset.done $0x0  }
0x1ad: {  	[sflag:s8] =	ssyncadd.s32 $0xFFFFFB00  }
0x1ae: {  	_ =	swait.ge [sflag:s3], $0x2800  }
0x1af: {  	[sflag:s3] =	ssyncset.done $0x0  }
0x1b0: {  	[sflag:s3] =	ssyncadd.s32 $0xFFFFD800  }
0x1b1: {  	_ =	swait.ge [sflag:s7], $0x2800  }
0x1b2: {  	[sflag:s7] =	ssyncset.done $0x0  }
0x1b3: {  	[sflag:s7] =	ssyncadd.s32 $0xFFFFD800  }
0x1b4: {  	_ =	swait.ge [sflag:s8], $0x500  }
0x1b5: {  	[sflag:s8] =	ssyncset.done $0x0  }
0x1b6: {  	[sflag:s8] =	ssyncadd.s32 $0xFFFFFB00  }
0x1b7: {  	_ =	swait.ge [sflag:s3], $0x2800  }
0x1b8: {  	[sflag:s3] =	ssyncset.done $0x0  }
0x1b9: {  	[sflag:s3] =	ssyncadd.s32 $0xFFFFD800  }
0x1ba: {  	_ =	swait.ge [sflag:s7], $0x2800  }
0x1bb: {  	[sflag:s7] =	ssyncset.done $0x0  }
0x1bc: {  	[sflag:s7] =	ssyncadd.s32 $0xFFFFD800  }
0x1bd: {  	_ =	swait.ge [sflag:s8], $0x500  }
0x1be: {  	[sflag:s8] =	ssyncset.done $0x0  }
0x1bf: {  	[sflag:s8] =	ssyncadd.s32 $0xFFFFFB00  }
0x1c0: {  	_ =	swait.ge [sflag:s3], $0x2800  }
0x1c1: {  	[sflag:s3] =	ssyncset.done $0x0  }
0x1c2: {  	[sflag:s3] =	ssyncadd.s32 $0xFFFFD800  }
0x1c3: {  	_ =	swait.ge [sflag:s7], $0x2800  }
0x1c4: {  	[sflag:s7] =	ssyncset.done $0x0  }
0x1c5: {  	[sflag:s7] =	ssyncadd.s32 $0xFFFFD800  }
0x1c6: {  	_ =	swait.ge [sflag:s8], $0x500  }
0x1c7: {  	s9 =	sshrl.u32 s9, $0x3;
	s26 =	rddreg [dreg:$0x4];
	[sflag:s8] =	ssyncset.done $0x0  }
0x1c8: {  	[sflag:s8] =	ssyncadd.s32 $0xFFFFFB00;
	s10 =	sadd.s32 s26, s9  }
0x1c9: {  	[hbm4b:s10+s1] =	stream.linear.scatter [tilespmem:s29], [sflag:$0x6], $0xC800, $0x38;
	[tilespmem:$0x1ADB0] =	vst v63  }
0x1ca: {  	_ =	swait.ge [sflag:s12], $0xC800  }
0x1cb: {  	s28 =	rddreg [dreg:$0x5];
	[sflag:s12] =	ssyncset.done $0x0  }
0x1cc: {  	s9 =	sadd.s32 s28, s9;
	[sflag:s12] =	ssyncadd.s32 $0xFFFF3800  }
0x1cd: {  	[hbm4b:s9+s1] =	stream.linear.scatter [tilespmem:s15], [sflag:$0x6], $0xC800, $0x38;
	[tilespmem:$0x1ADB0] =	vst v63  }
0x1ce: {  	_ =	swait.ge [sflag:s12], $0xC800  }
0x1cf: {  	s30 =	sshrl.u32 s11, $0x3;
	s29 =	rddreg [dreg:$0x6];
	[sflag:s12] =	ssyncset.done $0x0  }
0x1d0: {  	s11 =	simm.s32 $0x194B0;
	s9 =	sadd.s32 s29, s30;
	[sflag:s12] =	ssyncadd.s32 $0xFFFF3800  }
0x1d1: {  	[hbm4b:s9+s1] =	stream.linear.scatter [tilespmem:s11], [sflag:$0x6], $0x1900, $0x38;
	[tilespmem:$0x1ADB0] =	vst v63  }
0x1d2: {  	_ =	swait.ge [sflag:s12], $0x1900  }
0x1d3: {  	s17 =	sadd.s32 $0x1, s17;
	s31 =	rddreg [dreg:$0x13]  }
0x1d4: {  	p0 =	sne.s32 s17, s31  }
.Ltmp3:
0x1d5: {  	_ = 	snop;
	(pc) =	sbr.rel @p0 .LBB2_1-.Ltmp3, $4  }
.Ltmp4:
0x1d6: {  	_ = 	snop;
	(pc) =	sbr.rel @!p0 .LBB2_8-.Ltmp4, $4  }
0x1d7: {  	_ = 	snop  }
0x1d8: {  	[sflag:s12] =	ssyncset.done $0x0  }
0x1d9: {  	[sflag:s12] =	ssyncadd.s32 $0xFFFFE700  }
0x1da: {  	_ = 	snop  }
.LBB2_2:
0x1db: {  	s16 =	rddreg [dreg:$0x15]  }
.Ltmp5:
0x1dc: {  	s25 =	simm.s32 $0x280;
	s9 =	rddreg [dreg:$0x16];
	(pc) =	sbr.rel .LBB2_7-.Ltmp5, $4  }
0x1dd: {  	s26 =	simm.s32 $0x2D0;
	s31 =	simm.s32 $0x460;
	s11 =	rddreg [dreg:$0x17]  }
0x1de: {  	s29 =	simm.s32 $0x4B0;
	s0 =	simm.s32 $0x410;
	s17 =	rddreg [dreg:$0x18]  }
0x1df: {  	s24 =	simm.s32 $0x230;
	s30 =	simm.s32 $0x3C0;
	s19 =	simm.s32 $0x370  }
0x1e0: {  	s21 =	simm.s32 $0x1E0;
	s28 =	simm.s32 $0x320;
	s14 =	smov.u32 s16  }
.LBB2_4:
.Ltmp6:
0x1e1: {  	s16 =	rddreg [dreg:$0x15];
	(pc) =	sbr.rel .LBB2_7-.Ltmp6, $4  }
0x1e2: {  	s21 =	simm.s32 $0x1E0;
	s24 =	simm.s32 $0x230;
	s25 =	simm.s32 $0x280  }
0x1e3: {  	s26 =	simm.s32 $0x2D0;
	s28 =	simm.s32 $0x320;
	s19 =	simm.s32 $0x370  }
0x1e4: {  	s30 =	simm.s32 $0x3C0;
	s0 =	simm.s32 $0x410;
	s31 =	simm.s32 $0x460  }
0x1e5: {  	s29 =	simm.s32 $0x4B0;
	s17 =	rddreg [dreg:$0x18];
	s14 =	smov.u32 s16  }
.LBB2_8:
0x1e6: {  	_ =	sfence.sel $0x180000  }
0x1e7: {  	[bflag:$0x0] =	sbarrier.arrive $0xFFFF  }
0x1e8: {  	_ =	strace $0x90000053  }
0x1e9: {  	s0 =	stileid.u32;
	[bflag:$0x2] =	sbarrier.arrive $0xFFFF  }
0x1ea: {  	p0 =	sne.s32 s0, $0x0;
	s0 =	rddreg [dreg:$0x2]  }
0x1eb: {  	s0 =	sadd.s32 @!p0 $0x100000, s0  }
0x1ec: {  	[sflag:s0] =	ssyncadd.tile.s32 @!p0 $0x1;
	_ =	shalt  }
.Lfunc_end2:
_tile_overlayer_lowered:
.L_overlay_start_2:
0x1ed: {  	(tag) =	ssettag $0x2  }
0x1ee: {  	s0 =	rddreg [dreg:$0x0];
	s2 =	stileid.u32  }
0x1ef: {  	s1 =	rddreg [dreg:$0x1];
	p0 =	sne.s32 s2, $0x0  }
0x1f0: {  	s3 =	rddreg [dreg:$0x2];
	[bflag:$0x3] =	sbarrier.arrive $0xFFFF;
	s2 =	simm.s32 @!p0 $0x1C06  }
0x1f1: {  	[timem:s3], [sflag:s2] =	dma.local @!p0 [hbm:s0], s1  }
0x1f2: {  	s0 =	simm.s32 @!p0 $0x6  }
0x1f3: {  	_ =	swait.ge @!p0 [sflag:s0], s1  }
0x1f4: {  	s1 =	ssub.s32 @!p0 $0x0, s1;
	[sflag:s0] =	ssyncset.done @!p0 $0x0  }
0x1f5: {  	[sflag:s0] =	ssyncadd.s32 @!p0 s1  }
0x1f6: {  	[bflag:$0x3] =	sbarrier.arrive $0xFFFF  }
0x1f7: {  	_ =	shalt  }

</sc_bundles>
